<compile_context>
chip_gen: v7x
topology: tpu7x:2x2x1
jax: 0.10.2.dev20260603
libtpu: 0.0.44.dev20260713+nightly
codegen_flags: <defaults>
</compile_context>

<pallas_src>
import functools

import jax
import jax.numpy as jnp
import numpy as np
from jax import lax
from jax.experimental import pallas as pl
from jax.experimental.pallas import tpu as pltpu
from jax.experimental.pallas import tpu_sc as plsc

N = 10000
NP = 10240
D = 128
E = 320000
NG = 64
EPS = 1e-5
BNSCALE = float(1.0 / np.sqrt(1.0 + EPS))

NC = 2
NS = 16
NW = NC * NS
CH = 128
TCH = 80
EP = NW * CH * TCH
TCH0 = 120
TCH1 = 2 * TCH - TCH0
RPT = NP // NS

BR = 512
NBLK = NP // BR

def _deg_body(dst_hbm, out_hbm, didx_v, ones_v, zbuf_v, acc_sh):
    c = lax.axis_index("c")
    s = lax.axis_index("s")
    wid = s * NC + c

    pltpu.sync_copy(dst_hbm.at[pl.ds(wid * TCH, TCH)], didx_v)

    for i in range(CH // 16):
        ones_v[pl.ds(i * 16, 16)] = jnp.ones((16,), jnp.float32)

    def _z(i, carry):
        zbuf_v[pl.ds(i * 16, 16)] = jnp.zeros((16,), jnp.float32)
        return carry

    lax.fori_loop(0, RPT // 16, _z, 0)
    pltpu.sync_copy(zbuf_v, acc_sh.at[pl.ds(s * RPT, RPT)])
    plsc.subcore_barrier()

    def _body(j, carry):
        pltpu.sync_copy(ones_v, acc_sh.at[didx_v.at[j]], add=True)
        return carry

    lax.fori_loop(0, TCH, _body, 0)
    plsc.subcore_barrier()
    pltpu.sync_copy(acc_sh.at[pl.ds(s * RPT, RPT)],
                    out_hbm.at[pl.ds(c * NP + s * RPT, RPT)])


def _edge_body(table_hbm, src_hbm, dst_hbm, out_hbm,
               sidx_v, didx0_v, didx1_v, rows0_v, rows1_v, acc_sh,
               sem0, sem1, semd0, semd1):
    c = lax.axis_index("c")
    s = lax.axis_index("s")
    nch = jnp.where(c == 0, TCH0, TCH1)
    row0 = jnp.where(c == 0, s * TCH0, NS * TCH0 + s * TCH1)

    @pl.when(c == 0)
    def _():
        pltpu.sync_copy(src_hbm.at[pl.ds(row0, TCH0)], sidx_v)

    @pl.when(c != 0)
    def _():
        pltpu.sync_copy(src_hbm.at[pl.ds(row0, TCH1)],
                        sidx_v.at[pl.ds(0, TCH1)])

    def _z(r, carry):
        for k in range(D // 16):
            rows0_v[r, pl.ds(k * 16, 16)] = jnp.zeros((16,), jnp.float32)
        return carry

    lax.fori_loop(0, CH, _z, 0)
    for k in range(RPT // CH):
        pltpu.sync_copy(rows0_v, acc_sh.at[pl.ds(s * RPT + k * CH, CH)])
    plsc.subcore_barrier()

    pltpu.async_copy(dst_hbm.at[row0], didx0_v, semd0)
    pltpu.async_copy(table_hbm.at[sidx_v.at[0]], rows0_v, sem0)

    def _body(k, carry):
        j0 = 2 * k
        pltpu.async_copy(dst_hbm.at[row0 + j0 + 1], didx1_v, semd1)
        pltpu.async_copy(table_hbm.at[sidx_v.at[j0 + 1]], rows1_v, sem1)
        pltpu.make_async_copy(dst_hbm.at[row0 + j0], didx0_v, semd0).wait()
        pltpu.make_async_copy(table_hbm.at[sidx_v.at[j0]], rows0_v,
                              sem0).wait()
        pltpu.sync_copy(rows0_v, acc_sh.at[didx0_v], add=True)

        @pl.when(j0 + 2 < nch)
        def _():
            pltpu.async_copy(dst_hbm.at[row0 + j0 + 2], didx0_v, semd0)
            pltpu.async_copy(table_hbm.at[sidx_v.at[j0 + 2]], rows0_v, sem0)

        pltpu.make_async_copy(dst_hbm.at[row0 + j0 + 1], didx1_v,
                              semd1).wait()
        pltpu.make_async_copy(table_hbm.at[sidx_v.at[j0 + 1]], rows1_v,
                              sem1).wait()
        pltpu.sync_copy(rows1_v, acc_sh.at[didx1_v], add=True)
        return carry

    lax.fori_loop(0, nch // 2, _body, 0)
    plsc.subcore_barrier()
    pltpu.sync_copy(acc_sh.at[pl.ds(s * RPT, RPT)],
                    out_hbm.at[pl.ds(c * NP + s * RPT, RPT)])


@functools.cache
def _sc_kernels():
    mesh = plsc.VectorSubcoreMesh(core_axis_name="c", subcore_axis_name="s")
    deg = pl.kernel(
        _deg_body,
        mesh=mesh,
        out_type=jax.ShapeDtypeStruct((2 * NP,), jnp.float32),
        scratch_types=[
            pltpu.VMEM((TCH, CH), jnp.int32),
            pltpu.VMEM((CH,), jnp.float32),
            pltpu.VMEM((RPT,), jnp.float32),
            pltpu.VMEM_SHARED((NP,), jnp.float32),
        ],
    )
    edge = pl.kernel(
        _edge_body,
        mesh=mesh,
        out_type=jax.ShapeDtypeStruct((2 * NP, D), jnp.float32),
        scratch_types=[
            pltpu.VMEM((TCH0, CH), jnp.int32),
            pltpu.VMEM((CH,), jnp.int32),
            pltpu.VMEM((CH,), jnp.int32),
            pltpu.VMEM((CH, D), jnp.float32),
            pltpu.VMEM((CH, D), jnp.float32),
            pltpu.VMEM_SHARED((NP, D), jnp.float32),
            pltpu.SemaphoreType.DMA,
            pltpu.SemaphoreType.DMA,
            pltpu.SemaphoreType.DMA,
            pltpu.SemaphoreType.DMA,
        ],
    )
    return deg, edge


def _l0_body(deg_ref, x_ref, w_ref, t_ref, dinv_ref):
    deg = deg_ref[0] + deg_ref[1] + 2.0
    dinv = lax.rsqrt(deg)
    dinv_ref[...] = dinv
    t_ref[...] = dinv * jnp.dot(x_ref[...], w_ref[...],
                                preferred_element_type=jnp.float32)


_l0_call = pl.pallas_call(
    _l0_body,
    grid=(NBLK,),
    in_specs=[
        pl.BlockSpec((2, BR, 1), lambda i: (0, i, 0)),
        pl.BlockSpec((BR, D), lambda i: (i, 0)),
        pl.BlockSpec((D, D), lambda i: (0, 0)),
    ],
    out_specs=[
        pl.BlockSpec((BR, D), lambda i: (i, 0)),
        pl.BlockSpec((BR, 1), lambda i: (i, 0)),
    ],
    out_shape=[
        jax.ShapeDtypeStruct((NP, D), jnp.float32),
        jax.ShapeDtypeStruct((NP, 1), jnp.float32),
    ],
)


def _mid_body(p_ref, t_ref, dinv_ref, b_ref, w_ref, o_ref):
    i = pl.program_id(0)
    rows = lax.broadcasted_iota(jnp.int32, (BR, 1), 0) + i * BR
    agg = p_ref[0] + p_ref[1] + 2.0 * t_ref[...]
    h = jnp.maximum(dinv_ref[...] * agg + b_ref[...], 0.0)
    h = jnp.where(rows < N, h, 0.0)
    o_ref[...] = dinv_ref[...] * jnp.dot(h, w_ref[...],
                                         preferred_element_type=jnp.float32)


_mid_call = pl.pallas_call(
    _mid_body,
    grid=(NBLK,),
    in_specs=[
        pl.BlockSpec((2, BR, D), lambda i: (0, i, 0)),
        pl.BlockSpec((BR, D), lambda i: (i, 0)),
        pl.BlockSpec((BR, 1), lambda i: (i, 0)),
        pl.BlockSpec((1, D), lambda i: (0, 0)),
        pl.BlockSpec((D, D), lambda i: (0, 0)),
    ],
    out_specs=pl.BlockSpec((BR, D), lambda i: (i, 0)),
    out_shape=jax.ShapeDtypeStruct((NP, D), jnp.float32),
)


def _l4_body(p_ref, t_ref, dinv_ref, b_ref, batch_ref, g_ref,
             s_scr, m_scr, c_scr):
    i = pl.program_id(0)

    @pl.when(i == 0)
    def _init():
        s_scr[...] = jnp.zeros((NG, D), jnp.float32)
        c_scr[...] = jnp.zeros((NG, D), jnp.float32)
        m_scr[...] = jnp.full((NG, D), -3.4e38, jnp.float32)

    rows = lax.broadcasted_iota(jnp.int32, (BR, 1), 0) + i * BR
    agg = p_ref[0] + p_ref[1] + 2.0 * t_ref[...]
    h = jnp.maximum(dinv_ref[...] * agg + b_ref[...], 0.0)
    h = jnp.where(rows < N, h, 0.0)

    batch = batch_ref[...]
    gids = lax.broadcasted_iota(jnp.int32, (BR, NG), 1)
    onehot = jnp.where(batch == gids, 1.0, 0.0)
    s_scr[...] += lax.dot_general(onehot, h, (((0,), (0,)), ((), ())),
                                  preferred_element_type=jnp.float32)
    c_scr[...] += lax.dot_general(onehot, jnp.ones((BR, D), jnp.float32),
                                  (((0,), (0,)), ((), ())),
                                  preferred_element_type=jnp.float32)

    g_iota = lax.broadcasted_iota(jnp.int32, (NG, 1), 0)
    bmin = jnp.min(batch)
    bmax = jnp.max(batch)

    def _gbody(g, carry):
        mask = batch == g
        vals = jnp.where(mask, h, -3.4e38)
        mxrow = jnp.max(vals, axis=0)
        upd = jnp.maximum(m_scr[...], mxrow[None, :])
        m_scr[...] = jnp.where(g_iota == g, upd, m_scr[...])
        return carry

    lax.fori_loop(bmin, jnp.minimum(bmax, NG - 1) + 1, _gbody, 0)

    @pl.when(i == NBLK - 1)
    def _fin():
        cnt = c_scr[...]
        mean = s_scr[...] / jnp.maximum(cnt, 1.0)
        mx = jnp.where(cnt > 0, m_scr[...], 0.0)
        g_ref[:, pl.ds(0, D)] = mean
        g_ref[:, pl.ds(D, D)] = mx


_l4_call = pl.pallas_call(
    _l4_body,
    grid=(NBLK,),
    in_specs=[
        pl.BlockSpec((2, BR, D), lambda i: (0, i, 0)),
        pl.BlockSpec((BR, D), lambda i: (i, 0)),
        pl.BlockSpec((BR, 1), lambda i: (i, 0)),
        pl.BlockSpec((1, D), lambda i: (0, 0)),
        pl.BlockSpec((BR, 1), lambda i: (i, 0)),
    ],
    out_specs=pl.BlockSpec((NG, 2 * D), lambda i: (0, 0)),
    out_shape=jax.ShapeDtypeStruct((NG, 2 * D), jnp.float32),
    scratch_shapes=[
        pltpu.VMEM((NG, D), jnp.float32),
        pltpu.VMEM((NG, D), jnp.float32),
        pltpu.VMEM((NG, D), jnp.float32),
    ],
)


def _head_body(g_ref, w1_ref, b1_ref, g1_ref, e1_ref,
               w2_ref, b2_ref, g2_ref, e2_ref, w3_ref, b3_ref, o_ref):
    z = jnp.dot(g_ref[...], w1_ref[...], preferred_element_type=jnp.float32)
    z = (z + b1_ref[...]) * BNSCALE * g1_ref[...] + e1_ref[...]
    z = jnp.maximum(z, 0.0)
    z = jnp.dot(z, w2_ref[...], preferred_element_type=jnp.float32)
    z = (z + b2_ref[...]) * BNSCALE * g2_ref[...] + e2_ref[...]
    z = jnp.maximum(z, 0.0)
    z = jnp.dot(z, w3_ref[...], preferred_element_type=jnp.float32)
    z = z + b3_ref[...]
    o_ref[...] = 1.0 / (1.0 + jnp.exp(-z))


_head_call = pl.pallas_call(
    _head_body,
    out_shape=jax.ShapeDtypeStruct((NG, D), jnp.float32),
)


def _pad2(a, r, c):
    return jnp.zeros((r, c), jnp.float32).at[:a.shape[0], :a.shape[1]].set(a)


def _pad1(a, n):
    return jnp.zeros((1, n), jnp.float32).at[0, :a.shape[0]].set(a)


def kernel(x, edge_index, batch, W1, b1, W2, b2, W3, b3, W4, b4,
           Wf1, bf1, g1, be1, Wf2, bf2, g2, be2, Wf3, bf3):
    i32 = jnp.int32
    pad_e = jnp.full((EP - E,), N, i32)
    src_p = jnp.concatenate([edge_index[0].astype(i32), pad_e]).reshape(
        NW * TCH, CH)
    dst_p = jnp.concatenate([edge_index[1].astype(i32), pad_e]).reshape(
        NW * TCH, CH)
    x_p = jnp.pad(x, ((0, NP - N), (0, 0)))
    batch_p = jnp.concatenate([batch.astype(i32),
                               jnp.full((NP - N,), NG, i32)])[:, None]

    _deg_kernel, _edge_kernel = _sc_kernels()
    degs = _deg_kernel(dst_p).reshape(2, NP, 1)
    t, dinv = _l0_call(degs, x_p, W1)

    for b_k, W_next in ((b1, W2), (b2, W3), (b3, W4)):
        p = _edge_kernel(t, src_p, dst_p).reshape(2, NP, D)
        t = _mid_call(p, t, dinv, b_k.reshape(1, D), W_next)

    p = _edge_kernel(t, src_p, dst_p).reshape(2, NP, D)
    g_cat = _l4_call(p, t, dinv, b4.reshape(1, D), batch_p)

    out = _head_call(g_cat,
                     _pad2(Wf1, 2 * D, 256), _pad1(bf1, 256),
                     _pad1(g1, 256), _pad1(be1, 256),
                     _pad2(Wf2, 256, D), _pad1(bf2, D),
                     _pad1(g2, D), _pad1(be2, D),
                     _pad2(Wf3, D, D), _pad1(bf3, D))
    return out[:, :1]

# --- scband reference (transcript-rebuilt; emitter-appended) ---
"""Pipeline reference for scband-mpnnmodel-17858474017314 (READ-ONLY COPY).

The authoritative reference and input builder live on the scoring server;
editing this copy changes nothing except your own understanding.
"""

import jax, jax.numpy as jnp
import numpy as np

N_NODES = 10000
N_EDGES = 320000
D_IN = 128
D_H = 128
N_GRAPHS = 64
EPS = 1e-5


def _init_linear(key, fan_in, fan_out):
    k1, k2 = jax.random.split(key)
    s = 1.0 / np.sqrt(fan_in)
    W = jax.random.uniform(k1, (fan_in, fan_out), minval=-s, maxval=s, dtype=jnp.float32)
    b = jax.random.uniform(k2, (fan_out,), minval=-s, maxval=s, dtype=jnp.float32)
    return W, b


def setup_inputs(seed: int = 0) -> dict:
    key = jax.random.key(seed)
    ks = jax.random.split(key, 16)
    x = jax.random.normal(ks[0], (N_NODES, D_IN), dtype=jnp.float32)
    edge_index = jax.random.randint(ks[1], (2, N_EDGES), 0, N_NODES, dtype=jnp.int64 if jax.config.jax_enable_x64 else jnp.int32).astype(jnp.int32)
    batch = jnp.sort(jax.random.randint(ks[2], (N_NODES,), 0, N_GRAPHS)).astype(jnp.int32)
    W1, b1 = _init_linear(ks[3], D_IN, D_H)
    W2, b2 = _init_linear(ks[4], D_H, D_H)
    W3, b3 = _init_linear(ks[5], D_H, D_H)
    W4, b4 = _init_linear(ks[6], D_H, D_H)
    Wf1, bf1 = _init_linear(ks[7], 2 * D_H, 160)
    g1 = jnp.ones((160,), jnp.float32); be1 = jnp.zeros((160,), jnp.float32)
    Wf2, bf2 = _init_linear(ks[8], 160, 90)
    g2 = jnp.ones((90,), jnp.float32); be2 = jnp.zeros((90,), jnp.float32)
    Wf3, bf3 = _init_linear(ks[9], 90, 1)
    return {"x": x, "edge_index": edge_index, "batch": batch,
            "W1": W1, "b1": b1, "W2": W2, "b2": b2, "W3": W3, "b3": b3, "W4": W4, "b4": b4,
            "Wf1": Wf1, "bf1": bf1, "g1": g1, "be1": be1,
            "Wf2": Wf2, "bf2": bf2, "g2": g2, "be2": be2,
            "Wf3": Wf3, "bf3": bf3}


def _gcn_conv(h, ei, W, b):
    # GCNConv with symmetric normalization; adds its own self-loops (PyG default)
    n = h.shape[0]
    sl = jnp.arange(n, dtype=ei.dtype)
    src = jnp.concatenate([ei[0], sl])
    dst = jnp.concatenate([ei[1], sl])
    ew = jnp.ones(src.shape[0], jnp.float32)
    deg = jax.ops.segment_sum(ew, dst, num_segments=n)
    dinv = jnp.where(deg > 0, deg ** -0.5, 0.0)
    norm = dinv[src] * dinv[dst]
    hw = h @ W
    out = jax.ops.segment_sum(norm[:, None] * hw[src], dst, num_segments=n)
    return out + b


def _bn_eval(z, gamma, beta):
    # fresh BatchNorm1d in eval mode: running_mean=0, running_var=1
    return z / jnp.sqrt(1.0 + EPS) * gamma + beta


def reference(x, edge_index, batch, W1, b1, W2, b2, W3, b3, W4, b4,
              Wf1, bf1, g1, be1, Wf2, bf2, g2, be2, Wf3, bf3):
    n = x.shape[0]
    sl = jnp.arange(n, dtype=edge_index.dtype)
    # explicit add_self_loops in forward (then each GCNConv adds its own again)
    ei = jnp.concatenate([edge_index, jnp.stack([sl, sl])], axis=1)
    h = jax.nn.relu(_gcn_conv(x, ei, W1, b1))
    h = jax.nn.relu(_gcn_conv(h, ei, W2, b2))
    h = jax.nn.relu(_gcn_conv(h, ei, W3, b3))
    h = jax.nn.relu(_gcn_conv(h, ei, W4, b4))
    ones = jnp.ones((n,), jnp.float32)
    cnt = jax.ops.segment_sum(ones, batch, num_segments=N_GRAPHS)
    s = jax.ops.segment_sum(h, batch, num_segments=N_GRAPHS)
    mean = s / jnp.maximum(cnt, 1.0)[:, None]
    mx = jax.ops.segment_max(h, batch, num_segments=N_GRAPHS)
    mx = jnp.where(cnt[:, None] > 0, mx, 0.0)
    g = jnp.concatenate([mean, mx], axis=1)
    z = _bn_eval(g @ Wf1 + bf1, g1, be1)
    z = jax.nn.relu(z)
    # Dropout: identity in eval
    z = _bn_eval(z @ Wf2 + bf2, g2, be2)
    z = jax.nn.relu(z)
    z = z @ Wf3 + bf3
    return jax.nn.sigmoid(z)

if __name__ == "__main__":
    import jax
    _d = setup_inputs()
    print(jax.jit(kernel)(*tuple(_d.values())))

</pallas_src>

<mosaic_0001>
#map = affine_map<(d0, d1) -> (0, 0)>
#map1 = affine_map<(d0, d1) -> (0)>
module attributes {stable_mosaic.version = 14 : i64} {
  func.func @_deg_body(%arg0: i32, %arg1: i32, %arg2: memref<2560x128xi32, #tpu.memory_space<hbm>>, %arg3: memref<20480xf32, #tpu.memory_space<hbm>>, %arg4: memref<80x128xi32, #tpu.memory_space<vmem>>, %arg5: memref<128xf32, #tpu.memory_space<vmem>>, %arg6: memref<640xf32, #tpu.memory_space<vmem>>, %arg7: memref<10240xf32, #tpu.memory_space<vmem_shared>>) attributes {dimension_semantics = [#tpu.dimension_semantics<core_parallel>, #tpu.dimension_semantics<subcore_parallel>], iteration_bounds = array<i64: 2, 16>, scalar_prefetch = 0 : i64, scratch_operands = 4 : i64, tpu.core_type = #tpu.core_type<sc_vector_subcore>, window_params = [{transform_indices = #map}, {transform_indices = #map1}]} {
    %mul3A = arith.constant 2 : i32
    %mul3A_0 = arith.muli %arg1, %mul3A : i32
    %add3A = arith.addi %mul3A_0, %arg0 : i32
    %mul3A_1 = arith.constant 80 : i32
    %mul3A_2 = arith.muli %add3A, %mul3A_1 : i32
    "tpu.region"() ({
      %run_scoped3A = tpu.sem_alloc : memref<!tpu.dma_semaphore, #tpu.memory_space<semaphore_mem>>
      %dma_start3A = arith.constant 0 : i32
      %dma_start3A_70 = tpu.memref_slice %arg2[%mul3A_2, %dma_start3A] : memref<2560x128xi32, #tpu.memory_space<hbm>> -> memref<80x128xi32, #tpu.memory_space<hbm>>
      %dma_start3A_71 = arith.constant 0 : i32
      %dma_start3A_72 = tpu.memref_slice %arg2[%mul3A_2, %dma_start3A_71] : memref<2560x128xi32, #tpu.memory_space<hbm>> -> memref<80x128xi32, #tpu.memory_space<hbm>>
      tpu.enqueue_dma source(%dma_start3A_72 : memref<80x128xi32, #tpu.memory_space<hbm>>) target(%arg4 : memref<80x128xi32, #tpu.memory_space<vmem>>) target_semaphore(%run_scoped3A : memref<!tpu.dma_semaphore, #tpu.memory_space<semaphore_mem>>)
      %dma_wait3A = arith.constant 0 : i32
      %dma_wait3A_73 = tpu.memref_slice %arg2[%mul3A_2, %dma_wait3A] : memref<2560x128xi32, #tpu.memory_space<hbm>> -> memref<80x128xi32, #tpu.memory_space<hbm>>
      %dma_wait3A_74 = arith.constant 0 : i32
      %dma_wait3A_75 = tpu.memref_slice %arg2[%mul3A_2, %dma_wait3A_74] : memref<2560x128xi32, #tpu.memory_space<hbm>> -> memref<80x128xi32, #tpu.memory_space<hbm>>
      tpu.wait_dma2 semaphore(%run_scoped3A : memref<!tpu.dma_semaphore, #tpu.memory_space<semaphore_mem>>) src(%dma_wait3A_75 : memref<80x128xi32, #tpu.memory_space<hbm>>) dst(%arg4 : memref<80x128xi32, #tpu.memory_space<vmem>>)
      tpu.yield
    }) : () -> ()
    %broadcast_in_dim3A = arith.constant 1.000000e+00 : f32
    %broadcast_in_dim3A_3 = vector.broadcast %broadcast_in_dim3A : f32 to vector<16xf32>
    %swap3A = arith.constant 0 : index
    %swap3A_4 = tpu.vector_load %arg5[%swap3A] {strides = array<i32>} : memref<128xf32, #tpu.memory_space<vmem>>, vector<16xf32>,
    %swap3A_5 = vector.shape_cast %swap3A_4 : vector<16xf32> to vector<16xf32>
    %swap3A_6 = vector.shape_cast %broadcast_in_dim3A_3 : vector<16xf32> to vector<16xf32>
    tpu.vector_store %arg5[%swap3A], %swap3A_6 {strides = array<i32>} : memref<128xf32, #tpu.memory_space<vmem>>, vector<16xf32>,
    %broadcast_in_dim3A_7 = arith.constant 1.000000e+00 : f32
    %broadcast_in_dim3A_8 = vector.broadcast %broadcast_in_dim3A_7 : f32 to vector<16xf32>
    %swap3A_9 = arith.constant 16 : index
    %swap3A_10 = tpu.vector_load %arg5[%swap3A_9] {strides = array<i32>} : memref<128xf32, #tpu.memory_space<vmem>>, vector<16xf32>,
    %swap3A_11 = vector.shape_cast %swap3A_10 : vector<16xf32> to vector<16xf32>
    %swap3A_12 = vector.shape_cast %broadcast_in_dim3A_8 : vector<16xf32> to vector<16xf32>
    tpu.vector_store %arg5[%swap3A_9], %swap3A_12 {strides = array<i32>} : memref<128xf32, #tpu.memory_space<vmem>>, vector<16xf32>,
    %broadcast_in_dim3A_13 = arith.constant 1.000000e+00 : f32
    %broadcast_in_dim3A_14 = vector.broadcast %broadcast_in_dim3A_13 : f32 to vector<16xf32>
    %swap3A_15 = arith.constant 32 : index
    %swap3A_16 = tpu.vector_load %arg5[%swap3A_15] {strides = array<i32>} : memref<128xf32, #tpu.memory_space<vmem>>, vector<16xf32>,
    %swap3A_17 = vector.shape_cast %swap3A_16 : vector<16xf32> to vector<16xf32>
    %swap3A_18 = vector.shape_cast %broadcast_in_dim3A_14 : vector<16xf32> to vector<16xf32>
    tpu.vector_store %arg5[%swap3A_15], %swap3A_18 {strides = array<i32>} : memref<128xf32, #tpu.memory_space<vmem>>, vector<16xf32>,
    %broadcast_in_dim3A_19 = arith.constant 1.000000e+00 : f32
    %broadcast_in_dim3A_20 = vector.broadcast %broadcast_in_dim3A_19 : f32 to vector<16xf32>
    %swap3A_21 = arith.constant 48 : index
    %swap3A_22 = tpu.vector_load %arg5[%swap3A_21] {strides = array<i32>} : memref<128xf32, #tpu.memory_space<vmem>>, vector<16xf32>,
    %swap3A_23 = vector.shape_cast %swap3A_22 : vector<16xf32> to vector<16xf32>
    %swap3A_24 = vector.shape_cast %broadcast_in_dim3A_20 : vector<16xf32> to vector<16xf32>
    tpu.vector_store %arg5[%swap3A_21], %swap3A_24 {strides = array<i32>} : memref<128xf32, #tpu.memory_space<vmem>>, vector<16xf32>,
    %broadcast_in_dim3A_25 = arith.constant 1.000000e+00 : f32
    %broadcast_in_dim3A_26 = vector.broadcast %broadcast_in_dim3A_25 : f32 to vector<16xf32>
    %swap3A_27 = arith.constant 64 : index
    %swap3A_28 = tpu.vector_load %arg5[%swap3A_27] {strides = array<i32>} : memref<128xf32, #tpu.memory_space<vmem>>, vector<16xf32>,
    %swap3A_29 = vector.shape_cast %swap3A_28 : vector<16xf32> to vector<16xf32>
    %swap3A_30 = vector.shape_cast %broadcast_in_dim3A_26 : vector<16xf32> to vector<16xf32>
    tpu.vector_store %arg5[%swap3A_27], %swap3A_30 {strides = array<i32>} : memref<128xf32, #tpu.memory_space<vmem>>, vector<16xf32>,
    %broadcast_in_dim3A_31 = arith.constant 1.000000e+00 : f32
    %broadcast_in_dim3A_32 = vector.broadcast %broadcast_in_dim3A_31 : f32 to vector<16xf32>
    %swap3A_33 = arith.constant 80 : index
    %swap3A_34 = tpu.vector_load %arg5[%swap3A_33] {strides = array<i32>} : memref<128xf32, #tpu.memory_space<vmem>>, vector<16xf32>,
    %swap3A_35 = vector.shape_cast %swap3A_34 : vector<16xf32> to vector<16xf32>
    %swap3A_36 = vector.shape_cast %broadcast_in_dim3A_32 : vector<16xf32> to vector<16xf32>
    tpu.vector_store %arg5[%swap3A_33], %swap3A_36 {strides = array<i32>} : memref<128xf32, #tpu.memory_space<vmem>>, vector<16xf32>,
    %broadcast_in_dim3A_37 = arith.constant 1.000000e+00 : f32
    %broadcast_in_dim3A_38 = vector.broadcast %broadcast_in_dim3A_37 : f32 to vector<16xf32>
    %swap3A_39 = arith.constant 96 : index
    %swap3A_40 = tpu.vector_load %arg5[%swap3A_39] {strides = array<i32>} : memref<128xf32, #tpu.memory_space<vmem>>, vector<16xf32>,
    %swap3A_41 = vector.shape_cast %swap3A_40 : vector<16xf32> to vector<16xf32>
    %swap3A_42 = vector.shape_cast %broadcast_in_dim3A_38 : vector<16xf32> to vector<16xf32>
    tpu.vector_store %arg5[%swap3A_39], %swap3A_42 {strides = array<i32>} : memref<128xf32, #tpu.memory_space<vmem>>, vector<16xf32>,
    %broadcast_in_dim3A_43 = arith.constant 1.000000e+00 : f32
    %broadcast_in_dim3A_44 = vector.broadcast %broadcast_in_dim3A_43 : f32 to vector<16xf32>
    %swap3A_45 = arith.constant 112 : index
    %swap3A_46 = tpu.vector_load %arg5[%swap3A_45] {strides = array<i32>} : memref<128xf32, #tpu.memory_space<vmem>>, vector<16xf32>,
    %swap3A_47 = vector.shape_cast %swap3A_46 : vector<16xf32> to vector<16xf32>
    %swap3A_48 = vector.shape_cast %broadcast_in_dim3A_44 : vector<16xf32> to vector<16xf32>
    tpu.vector_store %arg5[%swap3A_45], %swap3A_48 {strides = array<i32>} : memref<128xf32, #tpu.memory_space<vmem>>, vector<16xf32>,
    %scan3A = arith.constant 0 : i32
    %scan3A_49 = arith.constant 0 : i32
    %scan3A_50 = arith.constant 40 : i32
    %scan3A_51 = arith.addi %scan3A_49, %scan3A_50 : i32
    %scan3A_52 = arith.constant 1 : i32
    scf.for %scan3A_70 = %scan3A_49 to %scan3A_51 step %scan3A_52  : i32 {
      %broadcast_in_dim3A_71 = arith.constant 0.000000e+00 : f32
      %broadcast_in_dim3A_72 = vector.broadcast %broadcast_in_dim3A_71 : f32 to vector<16xf32>
      %mul3A_73 = arith.constant 16 : i32
      %mul3A_74 = arith.muli %scan3A_70, %mul3A_73 : i32
      %swap3A_75 = arith.index_cast %mul3A_74 : i32 to index
      %swap3A_76 = tpu.vector_load %arg6[%swap3A_75] {strides = array<i32>} : memref<640xf32, #tpu.memory_space<vmem>>, vector<16xf32>,
      %swap3A_77 = vector.shape_cast %swap3A_76 : vector<16xf32> to vector<16xf32>
      %swap3A_78 = vector.shape_cast %broadcast_in_dim3A_72 : vector<16xf32> to vector<16xf32>
      tpu.vector_store %arg6[%swap3A_75], %swap3A_78 {strides = array<i32>} : memref<640xf32, #tpu.memory_space<vmem>>, vector<16xf32>,
    }
    %scan3A_53 = arith.constant 40 : i32
    %mul3A_54 = arith.constant 640 : i32
    %mul3A_55 = arith.muli %arg1, %mul3A_54 : i32
    "tpu.region"() ({
      %run_scoped3A = tpu.sem_alloc : memref<!tpu.dma_semaphore, #tpu.memory_space<semaphore_mem>>
      %dma_start3A = tpu.memref_slice %arg7[%mul3A_55] : memref<10240xf32, #tpu.memory_space<vmem_shared>> -> memref<640xf32, #tpu.memory_space<vmem_shared>>
      %dma_start3A_70 = tpu.memref_slice %arg7[%mul3A_55] : memref<10240xf32, #tpu.memory_space<vmem_shared>> -> memref<640xf32, #tpu.memory_space<vmem_shared>>
      tpu.enqueue_dma source(%arg6 : memref<640xf32, #tpu.memory_space<vmem>>) target(%dma_start3A_70 : memref<640xf32, #tpu.memory_space<vmem_shared>>) target_semaphore(%run_scoped3A : memref<!tpu.dma_semaphore, #tpu.memory_space<semaphore_mem>>)
      %dma_wait3A = tpu.memref_slice %arg7[%mul3A_55] : memref<10240xf32, #tpu.memory_space<vmem_shared>> -> memref<640xf32, #tpu.memory_space<vmem_shared>>
      %dma_wait3A_71 = tpu.memref_slice %arg7[%mul3A_55] : memref<10240xf32, #tpu.memory_space<vmem_shared>> -> memref<640xf32, #tpu.memory_space<vmem_shared>>
      tpu.wait_dma2 semaphore(%run_scoped3A : memref<!tpu.dma_semaphore, #tpu.memory_space<semaphore_mem>>) src(%arg6 : memref<640xf32, #tpu.memory_space<vmem>>) dst(%dma_wait3A_71 : memref<640xf32, #tpu.memory_space<vmem_shared>>)
      tpu.yield
    }) : () -> ()
    %barrier3A = arith.constant 0 : index
    tpu.barrier barrier_id(%barrier3A)
    %scan3A_56 = arith.constant 0 : i32
    %scan3A_57 = arith.constant 0 : i32
    %scan3A_58 = arith.constant 80 : i32
    %scan3A_59 = arith.addi %scan3A_57, %scan3A_58 : i32
    %scan3A_60 = arith.constant 1 : i32
    scf.for %scan3A_70 = %scan3A_57 to %scan3A_59 step %scan3A_60  : i32 {
      "tpu.region"() ({
        %run_scoped3A = tpu.sem_alloc : memref<!tpu.dma_semaphore, #tpu.memory_space<semaphore_mem>>
        %dma_start3A = arith.constant 0 : i32
        %dma_start3A_71 = tpu.memref_slice %arg4[%scan3A_70, %dma_start3A] : memref<80x128xi32, #tpu.memory_space<vmem>> -> memref<1x128xi32, #tpu.memory_space<vmem>>
        %dma_start3A_72 = tpu.memref_squeeze %dma_start3A_71 : memref<1x128xi32, #tpu.memory_space<vmem>> -> memref<128xi32, #tpu.memory_space<vmem>>
        %dma_start3A_73 = arith.constant 0 : i32
        %dma_start3A_74 = tpu.memref_slice %arg7[%dma_start3A_73] : memref<10240xf32, #tpu.memory_space<vmem_shared>> -> memref<10240xf32, #tpu.memory_space<vmem_shared>>
        tpu.enqueue_indirect_dma source(%arg5 : memref<128xf32, #tpu.memory_space<vmem>>) target(%dma_start3A_74 : memref<10240xf32, #tpu.memory_space<vmem_shared>>) offsets(%dma_start3A_72 : memref<128xi32, #tpu.memory_space<vmem>>) semaphore(%run_scoped3A : memref<!tpu.dma_semaphore, #tpu.memory_space<semaphore_mem>>) {add = true}
        %dma_wait3A = arith.constant 0 : i32
        %dma_wait3A_75 = tpu.memref_slice %arg4[%scan3A_70, %dma_wait3A] : memref<80x128xi32, #tpu.memory_space<vmem>> -> memref<1x128xi32, #tpu.memory_space<vmem>>
        %dma_wait3A_76 = tpu.memref_squeeze %dma_wait3A_75 : memref<1x128xi32, #tpu.memory_space<vmem>> -> memref<128xi32, #tpu.memory_space<vmem>>
        %dma_wait3A_77 = arith.constant 0 : i32
        %dma_wait3A_78 = tpu.memref_slice %arg7[%dma_wait3A_77] : memref<10240xf32, #tpu.memory_space<vmem_shared>> -> memref<10240xf32, #tpu.memory_space<vmem_shared>>
        tpu.wait_indirect_dma semaphore(%run_scoped3A : memref<!tpu.dma_semaphore, #tpu.memory_space<semaphore_mem>>) src(%arg5 : memref<128xf32, #tpu.memory_space<vmem>>) dst(%dma_wait3A_78 : memref<10240xf32, #tpu.memory_space<vmem_shared>>)
        tpu.yield
      }) : () -> ()
    }
    %scan3A_61 = arith.constant 80 : i32
    %barrier3A_62 = arith.constant 0 : index
    tpu.barrier barrier_id(%barrier3A_62)
    %mul3A_63 = arith.constant 640 : i32
    %mul3A_64 = arith.muli %arg1, %mul3A_63 : i32
    %mul3A_65 = arith.constant 10240 : i32
    %mul3A_66 = arith.muli %arg0, %mul3A_65 : i32
    %mul3A_67 = arith.constant 640 : i32
    %mul3A_68 = arith.muli %arg1, %mul3A_67 : i32
    %add3A_69 = arith.addi %mul3A_66, %mul3A_68 : i32
    "tpu.region"() ({
      %run_scoped3A = tpu.sem_alloc : memref<!tpu.dma_semaphore, #tpu.memory_space<semaphore_mem>>
      %dma_start3A = tpu.memref_slice %arg3[%add3A_69] : memref<20480xf32, #tpu.memory_space<hbm>> -> memref<640xf32, #tpu.memory_space<hbm>>
      %dma_start3A_70 = tpu.memref_slice %arg7[%mul3A_64] : memref<10240xf32, #tpu.memory_space<vmem_shared>> -> memref<640xf32, #tpu.memory_space<vmem_shared>>
      tpu.enqueue_dma source(%dma_start3A_70 : memref<640xf32, #tpu.memory_space<vmem_shared>>) target(%dma_start3A : memref<640xf32, #tpu.memory_space<hbm>>) target_semaphore(%run_scoped3A : memref<!tpu.dma_semaphore, #tpu.memory_space<semaphore_mem>>)
      %dma_wait3A = tpu.memref_slice %arg3[%add3A_69] : memref<20480xf32, #tpu.memory_space<hbm>> -> memref<640xf32, #tpu.memory_space<hbm>>
      %dma_wait3A_71 = tpu.memref_slice %arg7[%mul3A_64] : memref<10240xf32, #tpu.memory_space<vmem_shared>> -> memref<640xf32, #tpu.memory_space<vmem_shared>>
      tpu.wait_dma2 semaphore(%run_scoped3A : memref<!tpu.dma_semaphore, #tpu.memory_space<semaphore_mem>>) src(%dma_wait3A_71 : memref<640xf32, #tpu.memory_space<vmem_shared>>) dst(%dma_wait3A : memref<640xf32, #tpu.memory_space<hbm>>)
      tpu.yield
    }) : () -> ()
    return
  }
}

#map = affine_map<(d0, d1) -> (0, 0)>
module attributes {stable_mosaic.version = 14 : i64} {
  func.func @_edge_body(%arg0: i32, %arg1: i32, %arg2: memref<10240x128xf32, #tpu.memory_space<hbm>>, %arg3: memref<2560x128xi32, #tpu.memory_space<hbm>>, %arg4: memref<2560x128xi32, #tpu.memory_space<hbm>>, %arg5: memref<20480x128xf32, #tpu.memory_space<hbm>>, %arg6: memref<120x128xi32, #tpu.memory_space<vmem>>, %arg7: memref<128xi32, #tpu.memory_space<vmem>>, %arg8: memref<128xi32, #tpu.memory_space<vmem>>, %arg9: memref<128x128xf32, #tpu.memory_space<vmem>>, %arg10: memref<128x128xf32, #tpu.memory_space<vmem>>, %arg11: memref<10240x128xf32, #tpu.memory_space<vmem_shared>>, %arg12: memref<!tpu.dma_semaphore, #tpu.memory_space<semaphore_mem>>, %arg13: memref<!tpu.dma_semaphore, #tpu.memory_space<semaphore_mem>>, %arg14: memref<!tpu.dma_semaphore, #tpu.memory_space<semaphore_mem>>, %arg15: memref<!tpu.dma_semaphore, #tpu.memory_space<semaphore_mem>>) attributes {dimension_semantics = [#tpu.dimension_semantics<core_parallel>, #tpu.dimension_semantics<subcore_parallel>], iteration_bounds = array<i64: 2, 16>, scalar_prefetch = 0 : i64, scratch_operands = 10 : i64, tpu.core_type = #tpu.core_type<sc_vector_subcore>, window_params = [{transform_indices = #map}, {transform_indices = #map}, {transform_indices = #map}, {transform_indices = #map}]} {
    %eq3A = arith.constant 0 : i32
    %eq3A_0 = arith.cmpi eq, %arg0, %eq3A : i32
    %jit3A = arith.constant 120 : i32
    %jit3A_1 = arith.constant 40 : i32
    %select_n3A = arith.select %eq3A_0, %jit3A, %jit3A_1 : i32
    %eq3A_2 = arith.constant 0 : i32
    %eq3A_3 = arith.cmpi eq, %arg0, %eq3A_2 : i32
    %mul3A = arith.constant 120 : i32
    %mul3A_4 = arith.muli %arg1, %mul3A : i32
    %mul3A_5 = arith.constant 40 : i32
    %mul3A_6 = arith.muli %arg1, %mul3A_5 : i32
    %add3A = arith.constant 1920 : i32
    %add3A_7 = arith.addi %add3A, %mul3A_6 : i32
    %select_n3A_8 = arith.select %eq3A_3, %mul3A_4, %add3A_7 : i32
    %eq3A_9 = arith.constant 0 : i32
    %eq3A_10 = arith.cmpi eq, %arg0, %eq3A_9 : i32
    %convert_element_type3A = arith.extui %eq3A_10 : i1 to i32
    %cond3A = arith.constant 0 : i32
    %cond3A_11 = arith.cmpi ne, %convert_element_type3A, %cond3A : i32
    scf.if %cond3A_11 {
      "tpu.region"() ({
        %run_scoped3A = tpu.sem_alloc : memref<!tpu.dma_semaphore, #tpu.memory_space<semaphore_mem>>
        %dma_start3A_89 = arith.constant 0 : i32
        %dma_start3A_90 = tpu.memref_slice %arg3[%select_n3A_8, %dma_start3A_89] : memref<2560x128xi32, #tpu.memory_space<hbm>> -> memref<120x128xi32, #tpu.memory_space<hbm>>
        %dma_start3A_91 = arith.constant 0 : i32
        %dma_start3A_92 = tpu.memref_slice %arg3[%select_n3A_8, %dma_start3A_91] : memref<2560x128xi32, #tpu.memory_space<hbm>> -> memref<120x128xi32, #tpu.memory_space<hbm>>
        tpu.enqueue_dma source(%dma_start3A_92 : memref<120x128xi32, #tpu.memory_space<hbm>>) target(%arg6 : memref<120x128xi32, #tpu.memory_space<vmem>>) target_semaphore(%run_scoped3A : memref<!tpu.dma_semaphore, #tpu.memory_space<semaphore_mem>>)
        %dma_wait3A = arith.constant 0 : i32
        %dma_wait3A_93 = tpu.memref_slice %arg3[%select_n3A_8, %dma_wait3A] : memref<2560x128xi32, #tpu.memory_space<hbm>> -> memref<120x128xi32, #tpu.memory_space<hbm>>
        %dma_wait3A_94 = arith.constant 0 : i32
        %dma_wait3A_95 = tpu.memref_slice %arg3[%select_n3A_8, %dma_wait3A_94] : memref<2560x128xi32, #tpu.memory_space<hbm>> -> memref<120x128xi32, #tpu.memory_space<hbm>>
        tpu.wait_dma2 semaphore(%run_scoped3A : memref<!tpu.dma_semaphore, #tpu.memory_space<semaphore_mem>>) src(%dma_wait3A_95 : memref<120x128xi32, #tpu.memory_space<hbm>>) dst(%arg6 : memref<120x128xi32, #tpu.memory_space<vmem>>)
        tpu.yield
      }) : () -> ()
    } else {
    }
    %ne3A = arith.constant 0 : i32
    %ne3A_12 = arith.cmpi ne, %arg0, %ne3A : i32
    %convert_element_type3A_13 = arith.extui %ne3A_12 : i1 to i32
    %cond3A_14 = arith.constant 0 : i32
    %cond3A_15 = arith.cmpi ne, %convert_element_type3A_13, %cond3A_14 : i32
    scf.if %cond3A_15 {
      "tpu.region"() ({
        %run_scoped3A = tpu.sem_alloc : memref<!tpu.dma_semaphore, #tpu.memory_space<semaphore_mem>>
        %dma_start3A_89 = arith.constant 0 : i32
        %dma_start3A_90 = arith.constant 0 : i32
        %dma_start3A_91 = tpu.memref_slice %arg6[%dma_start3A_89, %dma_start3A_90] : memref<120x128xi32, #tpu.memory_space<vmem>> -> memref<40x128xi32, #tpu.memory_space<vmem>>
        %dma_start3A_92 = arith.constant 0 : i32
        %dma_start3A_93 = tpu.memref_slice %arg3[%select_n3A_8, %dma_start3A_92] : memref<2560x128xi32, #tpu.memory_space<hbm>> -> memref<40x128xi32, #tpu.memory_space<hbm>>
        %dma_start3A_94 = arith.constant 0 : i32
        %dma_start3A_95 = arith.constant 0 : i32
        %dma_start3A_96 = tpu.memref_slice %arg6[%dma_start3A_94, %dma_start3A_95] : memref<120x128xi32, #tpu.memory_space<vmem>> -> memref<40x128xi32, #tpu.memory_space<vmem>>
        %dma_start3A_97 = arith.constant 0 : i32
        %dma_start3A_98 = tpu.memref_slice %arg3[%select_n3A_8, %dma_start3A_97] : memref<2560x128xi32, #tpu.memory_space<hbm>> -> memref<40x128xi32, #tpu.memory_space<hbm>>
        tpu.enqueue_dma source(%dma_start3A_98 : memref<40x128xi32, #tpu.memory_space<hbm>>) target(%dma_start3A_96 : memref<40x128xi32, #tpu.memory_space<vmem>>) target_semaphore(%run_scoped3A : memref<!tpu.dma_semaphore, #tpu.memory_space<semaphore_mem>>)
        %dma_wait3A = arith.constant 0 : i32
        %dma_wait3A_99 = arith.constant 0 : i32
        %dma_wait3A_100 = tpu.memref_slice %arg6[%dma_wait3A, %dma_wait3A_99] : memref<120x128xi32, #tpu.memory_space<vmem>> -> memref<40x128xi32, #tpu.memory_space<vmem>>
        %dma_wait3A_101 = arith.constant 0 : i32
        %dma_wait3A_102 = tpu.memref_slice %arg3[%select_n3A_8, %dma_wait3A_101] : memref<2560x128xi32, #tpu.memory_space<hbm>> -> memref<40x128xi32, #tpu.memory_space<hbm>>
        %dma_wait3A_103 = arith.constant 0 : i32
        %dma_wait3A_104 = arith.constant 0 : i32
        %dma_wait3A_105 = tpu.memref_slice %arg6[%dma_wait3A_103, %dma_wait3A_104] : memref<120x128xi32, #tpu.memory_space<vmem>> -> memref<40x128xi32, #tpu.memory_space<vmem>>
        %dma_wait3A_106 = arith.constant 0 : i32
        %dma_wait3A_107 = tpu.memref_slice %arg3[%select_n3A_8, %dma_wait3A_106] : memref<2560x128xi32, #tpu.memory_space<hbm>> -> memref<40x128xi32, #tpu.memory_space<hbm>>
        tpu.wait_dma2 semaphore(%run_scoped3A : memref<!tpu.dma_semaphore, #tpu.memory_space<semaphore_mem>>) src(%dma_wait3A_107 : memref<40x128xi32, #tpu.memory_space<hbm>>) dst(%dma_wait3A_105 : memref<40x128xi32, #tpu.memory_space<vmem>>)
        tpu.yield
      }) : () -> ()
    } else {
    }
    %scan3A = arith.constant 0 : i32
    %scan3A_16 = arith.constant 0 : i32
    %scan3A_17 = arith.constant 128 : i32
    %scan3A_18 = arith.addi %scan3A_16, %scan3A_17 : i32
    %scan3A_19 = arith.constant 1 : i32
    scf.for %scan3A_89 = %scan3A_16 to %scan3A_18 step %scan3A_19  : i32 {
      %broadcast_in_dim3A = arith.constant 0.000000e+00 : f32
      %broadcast_in_dim3A_90 = vector.broadcast %broadcast_in_dim3A : f32 to vector<16xf32>
      %swap3A = arith.index_cast %scan3A_89 : i32 to index
      %swap3A_91 = arith.constant 0 : index
      %swap3A_92 = tpu.vector_load %arg9[%swap3A, %swap3A_91] {strides = array<i32>} : memref<128x128xf32, #tpu.memory_space<vmem>>, vector<1x16xf32>,
      %swap3A_93 = vector.shape_cast %swap3A_92 : vector<1x16xf32> to vector<16xf32>
      %swap3A_94 = vector.shape_cast %broadcast_in_dim3A_90 : vector<16xf32> to vector<1x16xf32>
      tpu.vector_store %arg9[%swap3A, %swap3A_91], %swap3A_94 {strides = array<i32>} : memref<128x128xf32, #tpu.memory_space<vmem>>, vector<1x16xf32>,
      %broadcast_in_dim3A_95 = arith.constant 0.000000e+00 : f32
      %broadcast_in_dim3A_96 = vector.broadcast %broadcast_in_dim3A_95 : f32 to vector<16xf32>
      %swap3A_97 = arith.index_cast %scan3A_89 : i32 to index
      %swap3A_98 = arith.constant 16 : index
      %swap3A_99 = tpu.vector_load %arg9[%swap3A_97, %swap3A_98] {strides = array<i32>} : memref<128x128xf32, #tpu.memory_space<vmem>>, vector<1x16xf32>,
      %swap3A_100 = vector.shape_cast %swap3A_99 : vector<1x16xf32> to vector<16xf32>
      %swap3A_101 = vector.shape_cast %broadcast_in_dim3A_96 : vector<16xf32> to vector<1x16xf32>
      tpu.vector_store %arg9[%swap3A_97, %swap3A_98], %swap3A_101 {strides = array<i32>} : memref<128x128xf32, #tpu.memory_space<vmem>>, vector<1x16xf32>,
      %broadcast_in_dim3A_102 = arith.constant 0.000000e+00 : f32
      %broadcast_in_dim3A_103 = vector.broadcast %broadcast_in_dim3A_102 : f32 to vector<16xf32>
      %swap3A_104 = arith.index_cast %scan3A_89 : i32 to index
      %swap3A_105 = arith.constant 32 : index
      %swap3A_106 = tpu.vector_load %arg9[%swap3A_104, %swap3A_105] {strides = array<i32>} : memref<128x128xf32, #tpu.memory_space<vmem>>, vector<1x16xf32>,
      %swap3A_107 = vector.shape_cast %swap3A_106 : vector<1x16xf32> to vector<16xf32>
      %swap3A_108 = vector.shape_cast %broadcast_in_dim3A_103 : vector<16xf32> to vector<1x16xf32>
      tpu.vector_store %arg9[%swap3A_104, %swap3A_105], %swap3A_108 {strides = array<i32>} : memref<128x128xf32, #tpu.memory_space<vmem>>, vector<1x16xf32>,
      %broadcast_in_dim3A_109 = arith.constant 0.000000e+00 : f32
      %broadcast_in_dim3A_110 = vector.broadcast %broadcast_in_dim3A_109 : f32 to vector<16xf32>
      %swap3A_111 = arith.index_cast %scan3A_89 : i32 to index
      %swap3A_112 = arith.constant 48 : index
      %swap3A_113 = tpu.vector_load %arg9[%swap3A_111, %swap3A_112] {strides = array<i32>} : memref<128x128xf32, #tpu.memory_space<vmem>>, vector<1x16xf32>,
      %swap3A_114 = vector.shape_cast %swap3A_113 : vector<1x16xf32> to vector<16xf32>
      %swap3A_115 = vector.shape_cast %broadcast_in_dim3A_110 : vector<16xf32> to vector<1x16xf32>
      tpu.vector_store %arg9[%swap3A_111, %swap3A_112], %swap3A_115 {strides = array<i32>} : memref<128x128xf32, #tpu.memory_space<vmem>>, vector<1x16xf32>,
      %broadcast_in_dim3A_116 = arith.constant 0.000000e+00 : f32
      %broadcast_in_dim3A_117 = vector.broadcast %broadcast_in_dim3A_116 : f32 to vector<16xf32>
      %swap3A_118 = arith.index_cast %scan3A_89 : i32 to index
      %swap3A_119 = arith.constant 64 : index
      %swap3A_120 = tpu.vector_load %arg9[%swap3A_118, %swap3A_119] {strides = array<i32>} : memref<128x128xf32, #tpu.memory_space<vmem>>, vector<1x16xf32>,
      %swap3A_121 = vector.shape_cast %swap3A_120 : vector<1x16xf32> to vector<16xf32>
      %swap3A_122 = vector.shape_cast %broadcast_in_dim3A_117 : vector<16xf32> to vector<1x16xf32>
      tpu.vector_store %arg9[%swap3A_118, %swap3A_119], %swap3A_122 {strides = array<i32>} : memref<128x128xf32, #tpu.memory_space<vmem>>, vector<1x16xf32>,
      %broadcast_in_dim3A_123 = arith.constant 0.000000e+00 : f32
      %broadcast_in_dim3A_124 = vector.broadcast %broadcast_in_dim3A_123 : f32 to vector<16xf32>
      %swap3A_125 = arith.index_cast %scan3A_89 : i32 to index
      %swap3A_126 = arith.constant 80 : index
      %swap3A_127 = tpu.vector_load %arg9[%swap3A_125, %swap3A_126] {strides = array<i32>} : memref<128x128xf32, #tpu.memory_space<vmem>>, vector<1x16xf32>,
      %swap3A_128 = vector.shape_cast %swap3A_127 : vector<1x16xf32> to vector<16xf32>
      %swap3A_129 = vector.shape_cast %broadcast_in_dim3A_124 : vector<16xf32> to vector<1x16xf32>
      tpu.vector_store %arg9[%swap3A_125, %swap3A_126], %swap3A_129 {strides = array<i32>} : memref<128x128xf32, #tpu.memory_space<vmem>>, vector<1x16xf32>,
      %broadcast_in_dim3A_130 = arith.constant 0.000000e+00 : f32
      %broadcast_in_dim3A_131 = vector.broadcast %broadcast_in_dim3A_130 : f32 to vector<16xf32>
      %swap3A_132 = arith.index_cast %scan3A_89 : i32 to index
      %swap3A_133 = arith.constant 96 : index
      %swap3A_134 = tpu.vector_load %arg9[%swap3A_132, %swap3A_133] {strides = array<i32>} : memref<128x128xf32, #tpu.memory_space<vmem>>, vector<1x16xf32>,
      %swap3A_135 = vector.shape_cast %swap3A_134 : vector<1x16xf32> to vector<16xf32>
      %swap3A_136 = vector.shape_cast %broadcast_in_dim3A_131 : vector<16xf32> to vector<1x16xf32>
      tpu.vector_store %arg9[%swap3A_132, %swap3A_133], %swap3A_136 {strides = array<i32>} : memref<128x128xf32, #tpu.memory_space<vmem>>, vector<1x16xf32>,
      %broadcast_in_dim3A_137 = arith.constant 0.000000e+00 : f32
      %broadcast_in_dim3A_138 = vector.broadcast %broadcast_in_dim3A_137 : f32 to vector<16xf32>
      %swap3A_139 = arith.index_cast %scan3A_89 : i32 to index
      %swap3A_140 = arith.constant 112 : index
      %swap3A_141 = tpu.vector_load %arg9[%swap3A_139, %swap3A_140] {strides = array<i32>} : memref<128x128xf32, #tpu.memory_space<vmem>>, vector<1x16xf32>,
      %swap3A_142 = vector.shape_cast %swap3A_141 : vector<1x16xf32> to vector<16xf32>
      %swap3A_143 = vector.shape_cast %broadcast_in_dim3A_138 : vector<16xf32> to vector<1x16xf32>
      tpu.vector_store %arg9[%swap3A_139, %swap3A_140], %swap3A_143 {strides = array<i32>} : memref<128x128xf32, #tpu.memory_space<vmem>>, vector<1x16xf32>,
    }
    %scan3A_20 = arith.constant 128 : i32
    %mul3A_21 = arith.constant 640 : i32
    %mul3A_22 = arith.muli %arg1, %mul3A_21 : i32
    %add3A_23 = arith.constant 0 : i32
    %add3A_24 = arith.addi %mul3A_22, %add3A_23 : i32
    "tpu.region"() ({
      %run_scoped3A = tpu.sem_alloc : memref<!tpu.dma_semaphore, #tpu.memory_space<semaphore_mem>>
      %dma_start3A_89 = arith.constant 0 : i32
      %dma_start3A_90 = tpu.memref_slice %arg11[%add3A_24, %dma_start3A_89] : memref<10240x128xf32, #tpu.memory_space<vmem_shared>> -> memref<128x128xf32, #tpu.memory_space<vmem_shared>>
      %dma_start3A_91 = arith.constant 0 : i32
      %dma_start3A_92 = tpu.memref_slice %arg11[%add3A_24, %dma_start3A_91] : memref<10240x128xf32, #tpu.memory_space<vmem_shared>> -> memref<128x128xf32, #tpu.memory_space<vmem_shared>>
      tpu.enqueue_dma source(%arg9 : memref<128x128xf32, #tpu.memory_space<vmem>>) target(%dma_start3A_92 : memref<128x128xf32, #tpu.memory_space<vmem_shared>>) target_semaphore(%run_scoped3A : memref<!tpu.dma_semaphore, #tpu.memory_space<semaphore_mem>>)
      %dma_wait3A = arith.constant 0 : i32
      %dma_wait3A_93 = tpu.memref_slice %arg11[%add3A_24, %dma_wait3A] : memref<10240x128xf32, #tpu.memory_space<vmem_shared>> -> memref<128x128xf32, #tpu.memory_space<vmem_shared>>
      %dma_wait3A_94 = arith.constant 0 : i32
      %dma_wait3A_95 = tpu.memref_slice %arg11[%add3A_24, %dma_wait3A_94] : memref<10240x128xf32, #tpu.memory_space<vmem_shared>> -> memref<128x128xf32, #tpu.memory_space<vmem_shared>>
      tpu.wait_dma2 semaphore(%run_scoped3A : memref<!tpu.dma_semaphore, #tpu.memory_space<semaphore_mem>>) src(%arg9 : memref<128x128xf32, #tpu.memory_space<vmem>>) dst(%dma_wait3A_95 : memref<128x128xf32, #tpu.memory_space<vmem_shared>>)
      tpu.yield
    }) : () -> ()
    %mul3A_25 = arith.constant 640 : i32
    %mul3A_26 = arith.muli %arg1, %mul3A_25 : i32
    %add3A_27 = arith.constant 128 : i32
    %add3A_28 = arith.addi %mul3A_26, %add3A_27 : i32
    "tpu.region"() ({
      %run_scoped3A = tpu.sem_alloc : memref<!tpu.dma_semaphore, #tpu.memory_space<semaphore_mem>>
      %dma_start3A_89 = arith.constant 0 : i32
      %dma_start3A_90 = tpu.memref_slice %arg11[%add3A_28, %dma_start3A_89] : memref<10240x128xf32, #tpu.memory_space<vmem_shared>> -> memref<128x128xf32, #tpu.memory_space<vmem_shared>>
      %dma_start3A_91 = arith.constant 0 : i32
      %dma_start3A_92 = tpu.memref_slice %arg11[%add3A_28, %dma_start3A_91] : memref<10240x128xf32, #tpu.memory_space<vmem_shared>> -> memref<128x128xf32, #tpu.memory_space<vmem_shared>>
      tpu.enqueue_dma source(%arg9 : memref<128x128xf32, #tpu.memory_space<vmem>>) target(%dma_start3A_92 : memref<128x128xf32, #tpu.memory_space<vmem_shared>>) target_semaphore(%run_scoped3A : memref<!tpu.dma_semaphore, #tpu.memory_space<semaphore_mem>>)
      %dma_wait3A = arith.constant 0 : i32
      %dma_wait3A_93 = tpu.memref_slice %arg11[%add3A_28, %dma_wait3A] : memref<10240x128xf32, #tpu.memory_space<vmem_shared>> -> memref<128x128xf32, #tpu.memory_space<vmem_shared>>
      %dma_wait3A_94 = arith.constant 0 : i32
      %dma_wait3A_95 = tpu.memref_slice %arg11[%add3A_28, %dma_wait3A_94] : memref<10240x128xf32, #tpu.memory_space<vmem_shared>> -> memref<128x128xf32, #tpu.memory_space<vmem_shared>>
      tpu.wait_dma2 semaphore(%run_scoped3A : memref<!tpu.dma_semaphore, #tpu.memory_space<semaphore_mem>>) src(%arg9 : memref<128x128xf32, #tpu.memory_space<vmem>>) dst(%dma_wait3A_95 : memref<128x128xf32, #tpu.memory_space<vmem_shared>>)
      tpu.yield
    }) : () -> ()
    %mul3A_29 = arith.constant 640 : i32
    %mul3A_30 = arith.muli %arg1, %mul3A_29 : i32
    %add3A_31 = arith.constant 256 : i32
    %add3A_32 = arith.addi %mul3A_30, %add3A_31 : i32
    "tpu.region"() ({
      %run_scoped3A = tpu.sem_alloc : memref<!tpu.dma_semaphore, #tpu.memory_space<semaphore_mem>>
      %dma_start3A_89 = arith.constant 0 : i32
      %dma_start3A_90 = tpu.memref_slice %arg11[%add3A_32, %dma_start3A_89] : memref<10240x128xf32, #tpu.memory_space<vmem_shared>> -> memref<128x128xf32, #tpu.memory_space<vmem_shared>>
      %dma_start3A_91 = arith.constant 0 : i32
      %dma_start3A_92 = tpu.memref_slice %arg11[%add3A_32, %dma_start3A_91] : memref<10240x128xf32, #tpu.memory_space<vmem_shared>> -> memref<128x128xf32, #tpu.memory_space<vmem_shared>>
      tpu.enqueue_dma source(%arg9 : memref<128x128xf32, #tpu.memory_space<vmem>>) target(%dma_start3A_92 : memref<128x128xf32, #tpu.memory_space<vmem_shared>>) target_semaphore(%run_scoped3A : memref<!tpu.dma_semaphore, #tpu.memory_space<semaphore_mem>>)
      %dma_wait3A = arith.constant 0 : i32
      %dma_wait3A_93 = tpu.memref_slice %arg11[%add3A_32, %dma_wait3A] : memref<10240x128xf32, #tpu.memory_space<vmem_shared>> -> memref<128x128xf32, #tpu.memory_space<vmem_shared>>
      %dma_wait3A_94 = arith.constant 0 : i32
      %dma_wait3A_95 = tpu.memref_slice %arg11[%add3A_32, %dma_wait3A_94] : memref<10240x128xf32, #tpu.memory_space<vmem_shared>> -> memref<128x128xf32, #tpu.memory_space<vmem_shared>>
      tpu.wait_dma2 semaphore(%run_scoped3A : memref<!tpu.dma_semaphore, #tpu.memory_space<semaphore_mem>>) src(%arg9 : memref<128x128xf32, #tpu.memory_space<vmem>>) dst(%dma_wait3A_95 : memref<128x128xf32, #tpu.memory_space<vmem_shared>>)
      tpu.yield
    }) : () -> ()
    %mul3A_33 = arith.constant 640 : i32
    %mul3A_34 = arith.muli %arg1, %mul3A_33 : i32
    %add3A_35 = arith.constant 384 : i32
    %add3A_36 = arith.addi %mul3A_34, %add3A_35 : i32
    "tpu.region"() ({
      %run_scoped3A = tpu.sem_alloc : memref<!tpu.dma_semaphore, #tpu.memory_space<semaphore_mem>>
      %dma_start3A_89 = arith.constant 0 : i32
      %dma_start3A_90 = tpu.memref_slice %arg11[%add3A_36, %dma_start3A_89] : memref<10240x128xf32, #tpu.memory_space<vmem_shared>> -> memref<128x128xf32, #tpu.memory_space<vmem_shared>>
      %dma_start3A_91 = arith.constant 0 : i32
      %dma_start3A_92 = tpu.memref_slice %arg11[%add3A_36, %dma_start3A_91] : memref<10240x128xf32, #tpu.memory_space<vmem_shared>> -> memref<128x128xf32, #tpu.memory_space<vmem_shared>>
      tpu.enqueue_dma source(%arg9 : memref<128x128xf32, #tpu.memory_space<vmem>>) target(%dma_start3A_92 : memref<128x128xf32, #tpu.memory_space<vmem_shared>>) target_semaphore(%run_scoped3A : memref<!tpu.dma_semaphore, #tpu.memory_space<semaphore_mem>>)
      %dma_wait3A = arith.constant 0 : i32
      %dma_wait3A_93 = tpu.memref_slice %arg11[%add3A_36, %dma_wait3A] : memref<10240x128xf32, #tpu.memory_space<vmem_shared>> -> memref<128x128xf32, #tpu.memory_space<vmem_shared>>
      %dma_wait3A_94 = arith.constant 0 : i32
      %dma_wait3A_95 = tpu.memref_slice %arg11[%add3A_36, %dma_wait3A_94] : memref<10240x128xf32, #tpu.memory_space<vmem_shared>> -> memref<128x128xf32, #tpu.memory_space<vmem_shared>>
      tpu.wait_dma2 semaphore(%run_scoped3A : memref<!tpu.dma_semaphore, #tpu.memory_space<semaphore_mem>>) src(%arg9 : memref<128x128xf32, #tpu.memory_space<vmem>>) dst(%dma_wait3A_95 : memref<128x128xf32, #tpu.memory_space<vmem_shared>>)
      tpu.yield
    }) : () -> ()
    %mul3A_37 = arith.constant 640 : i32
    %mul3A_38 = arith.muli %arg1, %mul3A_37 : i32
    %add3A_39 = arith.constant 512 : i32
    %add3A_40 = arith.addi %mul3A_38, %add3A_39 : i32
    "tpu.region"() ({
      %run_scoped3A = tpu.sem_alloc : memref<!tpu.dma_semaphore, #tpu.memory_space<semaphore_mem>>
      %dma_start3A_89 = arith.constant 0 : i32
      %dma_start3A_90 = tpu.memref_slice %arg11[%add3A_40, %dma_start3A_89] : memref<10240x128xf32, #tpu.memory_space<vmem_shared>> -> memref<128x128xf32, #tpu.memory_space<vmem_shared>>
      %dma_start3A_91 = arith.constant 0 : i32
      %dma_start3A_92 = tpu.memref_slice %arg11[%add3A_40, %dma_start3A_91] : memref<10240x128xf32, #tpu.memory_space<vmem_shared>> -> memref<128x128xf32, #tpu.memory_space<vmem_shared>>
      tpu.enqueue_dma source(%arg9 : memref<128x128xf32, #tpu.memory_space<vmem>>) target(%dma_start3A_92 : memref<128x128xf32, #tpu.memory_space<vmem_shared>>) target_semaphore(%run_scoped3A : memref<!tpu.dma_semaphore, #tpu.memory_space<semaphore_mem>>)
      %dma_wait3A = arith.constant 0 : i32
      %dma_wait3A_93 = tpu.memref_slice %arg11[%add3A_40, %dma_wait3A] : memref<10240x128xf32, #tpu.memory_space<vmem_shared>> -> memref<128x128xf32, #tpu.memory_space<vmem_shared>>
      %dma_wait3A_94 = arith.constant 0 : i32
      %dma_wait3A_95 = tpu.memref_slice %arg11[%add3A_40, %dma_wait3A_94] : memref<10240x128xf32, #tpu.memory_space<vmem_shared>> -> memref<128x128xf32, #tpu.memory_space<vmem_shared>>
      tpu.wait_dma2 semaphore(%run_scoped3A : memref<!tpu.dma_semaphore, #tpu.memory_space<semaphore_mem>>) src(%arg9 : memref<128x128xf32, #tpu.memory_space<vmem>>) dst(%dma_wait3A_95 : memref<128x128xf32, #tpu.memory_space<vmem_shared>>)
      tpu.yield
    }) : () -> ()
    %barrier3A = arith.constant 0 : index
    tpu.barrier barrier_id(%barrier3A)
    %dma_start3A = arith.constant 0 : i32
    %dma_start3A_41 = tpu.memref_slice %arg4[%select_n3A_8, %dma_start3A] : memref<2560x128xi32, #tpu.memory_space<hbm>> -> memref<1x128xi32, #tpu.memory_space<hbm>>
    %dma_start3A_42 = tpu.memref_squeeze %dma_start3A_41 : memref<1x128xi32, #tpu.memory_space<hbm>> -> memref<128xi32, #tpu.memory_space<hbm>>
    %dma_start3A_43 = arith.constant 0 : i32
    %dma_start3A_44 = tpu.memref_slice %arg4[%select_n3A_8, %dma_start3A_43] : memref<2560x128xi32, #tpu.memory_space<hbm>> -> memref<1x128xi32, #tpu.memory_space<hbm>>
    %dma_start3A_45 = tpu.memref_squeeze %dma_start3A_44 : memref<1x128xi32, #tpu.memory_space<hbm>> -> memref<128xi32, #tpu.memory_space<hbm>>
    tpu.enqueue_dma source(%dma_start3A_45 : memref<128xi32, #tpu.memory_space<hbm>>) target(%arg7 : memref<128xi32, #tpu.memory_space<vmem>>) target_semaphore(%arg14 : memref<!tpu.dma_semaphore, #tpu.memory_space<semaphore_mem>>)
    %dma_start3A_46 = arith.constant 0 : i32
    %dma_start3A_47 = arith.constant 0 : i32
    %dma_start3A_48 = tpu.memref_slice %arg6[%dma_start3A_46, %dma_start3A_47] : memref<120x128xi32, #tpu.memory_space<vmem>> -> memref<1x128xi32, #tpu.memory_space<vmem>>
    %dma_start3A_49 = tpu.memref_squeeze %dma_start3A_48 : memref<1x128xi32, #tpu.memory_space<vmem>> -> memref<128xi32, #tpu.memory_space<vmem>>
    %dma_start3A_50 = arith.constant 0 : i32
    %dma_start3A_51 = arith.constant 0 : i32
    %dma_start3A_52 = tpu.memref_slice %arg2[%dma_start3A_50, %dma_start3A_51] : memref<10240x128xf32, #tpu.memory_space<hbm>> -> memref<10240x128xf32, #tpu.memory_space<hbm>>
    tpu.enqueue_indirect_dma source(%dma_start3A_52 : memref<10240x128xf32, #tpu.memory_space<hbm>>) target(%arg9 : memref<128x128xf32, #tpu.memory_space<vmem>>) offsets(%dma_start3A_49 : memref<128xi32, #tpu.memory_space<vmem>>) semaphore(%arg12 : memref<!tpu.dma_semaphore, #tpu.memory_space<semaphore_mem>>)
    %jit3A_53 = arith.constant 2 : i32
    %div3A = arith.divsi %select_n3A, %jit3A_53 : i32
    %sign3A = arith.constant 0 : i32
    %sign3A_54 = arith.cmpi sgt, %select_n3A, %sign3A : i32
    %sign3A_55 = arith.extui %sign3A_54 : i1 to i32
    %sign3A_56 = arith.constant 0 : i32
    %sign3A_57 = arith.cmpi slt, %select_n3A, %sign3A_56 : i32
    %sign3A_58 = arith.extui %sign3A_57 : i1 to i32
    %sign3A_59 = arith.subi %sign3A_55, %sign3A_58 : i32
    %sign3A_60 = arith.constant 0 : i32
    %sign3A_61 = arith.cmpi sgt, %jit3A_53, %sign3A_60 : i32
    %sign3A_62 = arith.extui %sign3A_61 : i1 to i32
    %sign3A_63 = arith.constant 0 : i32
    %sign3A_64 = arith.cmpi slt, %jit3A_53, %sign3A_63 : i32
    %sign3A_65 = arith.extui %sign3A_64 : i1 to i32
    %sign3A_66 = arith.subi %sign3A_62, %sign3A_65 : i32
    %ne3A_67 = arith.cmpi ne, %sign3A_59, %sign3A_66 : i32
    %rem3A = arith.remsi %select_n3A, %jit3A_53 : i32
    %ne3A_68 = arith.constant 0 : i32
    %ne3A_69 = arith.cmpi ne, %rem3A, %ne3A_68 : i32
    %and3A = arith.andi %ne3A_67, %ne3A_69 : i1
    %sub3A = arith.constant 1 : i32
    %sub3A_70 = arith.subi %div3A, %sub3A : i32
    %select_n3A_71 = arith.select %and3A, %sub3A_70, %div3A : i32
    %while3A = arith.constant 0 : i32
    %while3A_72 = arith.constant 0 : i32
    %while3A_73 = arith.subi %select_n3A_71, %while3A_72 : i32
    %while3A_74 = arith.addi %while3A_72, %while3A_73 : i32
    %while3A_75 = arith.constant 1 : i32
    %while3A_76 = arith.divsi %while3A_73, %while3A_75 : i32
    %while3A_77 = arith.muli %while3A_76, %while3A_75 : i32
    %while3A_78 = arith.addi %while3A_72, %while3A_77 : i32
    %while3A_79 = arith.constant 1 : i32
    scf.for %while3A_89 = %while3A_72 to %while3A_78 step %while3A_79  : i32 {
      %mul3A_90 = arith.constant 2 : i32
      %mul3A_91 = arith.muli %mul3A_90, %while3A_89 : i32
      %add3A_92 = arith.addi %select_n3A_8, %mul3A_91 : i32
      %add3A_93 = arith.constant 1 : i32
      %add3A_94 = arith.addi %add3A_92, %add3A_93 : i32
      %dma_start3A_95 = arith.constant 0 : i32
      %dma_start3A_96 = tpu.memref_slice %arg4[%add3A_94, %dma_start3A_95] : memref<2560x128xi32, #tpu.memory_space<hbm>> -> memref<1x128xi32, #tpu.memory_space<hbm>>
      %dma_start3A_97 = tpu.memref_squeeze %dma_start3A_96 : memref<1x128xi32, #tpu.memory_space<hbm>> -> memref<128xi32, #tpu.memory_space<hbm>>
      %dma_start3A_98 = arith.constant 0 : i32
      %dma_start3A_99 = tpu.memref_slice %arg4[%add3A_94, %dma_start3A_98] : memref<2560x128xi32, #tpu.memory_space<hbm>> -> memref<1x128xi32, #tpu.memory_space<hbm>>
      %dma_start3A_100 = tpu.memref_squeeze %dma_start3A_99 : memref<1x128xi32, #tpu.memory_space<hbm>> -> memref<128xi32, #tpu.memory_space<hbm>>
      tpu.enqueue_dma source(%dma_start3A_100 : memref<128xi32, #tpu.memory_space<hbm>>) target(%arg8 : memref<128xi32, #tpu.memory_space<vmem>>) target_semaphore(%arg15 : memref<!tpu.dma_semaphore, #tpu.memory_space<semaphore_mem>>)
      %add3A_101 = arith.constant 1 : i32
      %add3A_102 = arith.addi %mul3A_91, %add3A_101 : i32
      %dma_start3A_103 = arith.constant 0 : i32
      %dma_start3A_104 = tpu.memref_slice %arg6[%add3A_102, %dma_start3A_103] : memref<120x128xi32, #tpu.memory_space<vmem>> -> memref<1x128xi32, #tpu.memory_space<vmem>>
      %dma_start3A_105 = tpu.memref_squeeze %dma_start3A_104 : memref<1x128xi32, #tpu.memory_space<vmem>> -> memref<128xi32, #tpu.memory_space<vmem>>
      %dma_start3A_106 = arith.constant 0 : i32
      %dma_start3A_107 = arith.constant 0 : i32
      %dma_start3A_108 = tpu.memref_slice %arg2[%dma_start3A_106, %dma_start3A_107] : memref<10240x128xf32, #tpu.memory_space<hbm>> -> memref<10240x128xf32, #tpu.memory_space<hbm>>
      tpu.enqueue_indirect_dma source(%dma_start3A_108 : memref<10240x128xf32, #tpu.memory_space<hbm>>) target(%arg10 : memref<128x128xf32, #tpu.memory_space<vmem>>) offsets(%dma_start3A_105 : memref<128xi32, #tpu.memory_space<vmem>>) semaphore(%arg13 : memref<!tpu.dma_semaphore, #tpu.memory_space<semaphore_mem>>)
      %add3A_109 = arith.addi %select_n3A_8, %mul3A_91 : i32
      %dma_wait3A = arith.constant 0 : i32
      %dma_wait3A_110 = tpu.memref_slice %arg4[%add3A_109, %dma_wait3A] : memref<2560x128xi32, #tpu.memory_space<hbm>> -> memref<1x128xi32, #tpu.memory_space<hbm>>
      %dma_wait3A_111 = tpu.memref_squeeze %dma_wait3A_110 : memref<1x128xi32, #tpu.memory_space<hbm>> -> memref<128xi32, #tpu.memory_space<hbm>>
      %dma_wait3A_112 = arith.constant 0 : i32
      %dma_wait3A_113 = tpu.memref_slice %arg4[%add3A_109, %dma_wait3A_112] : memref<2560x128xi32, #tpu.memory_space<hbm>> -> memref<1x128xi32, #tpu.memory_space<hbm>>
      %dma_wait3A_114 = tpu.memref_squeeze %dma_wait3A_113 : memref<1x128xi32, #tpu.memory_space<hbm>> -> memref<128xi32, #tpu.memory_space<hbm>>
      tpu.wait_dma2 semaphore(%arg14 : memref<!tpu.dma_semaphore, #tpu.memory_space<semaphore_mem>>) src(%dma_wait3A_114 : memref<128xi32, #tpu.memory_space<hbm>>) dst(%arg7 : memref<128xi32, #tpu.memory_space<vmem>>)
      %dma_wait3A_115 = arith.constant 0 : i32
      %dma_wait3A_116 = tpu.memref_slice %arg6[%mul3A_91, %dma_wait3A_115] : memref<120x128xi32, #tpu.memory_space<vmem>> -> memref<1x128xi32, #tpu.memory_space<vmem>>
      %dma_wait3A_117 = tpu.memref_squeeze %dma_wait3A_116 : memref<1x128xi32, #tpu.memory_space<vmem>> -> memref<128xi32, #tpu.memory_space<vmem>>
      %dma_wait3A_118 = arith.constant 0 : i32
      %dma_wait3A_119 = arith.constant 0 : i32
      %dma_wait3A_120 = tpu.memref_slice %arg2[%dma_wait3A_118, %dma_wait3A_119] : memref<10240x128xf32, #tpu.memory_space<hbm>> -> memref<10240x128xf32, #tpu.memory_space<hbm>>
      tpu.wait_indirect_dma semaphore(%arg12 : memref<!tpu.dma_semaphore, #tpu.memory_space<semaphore_mem>>) src(%dma_wait3A_120 : memref<10240x128xf32, #tpu.memory_space<hbm>>) dst(%arg9 : memref<128x128xf32, #tpu.memory_space<vmem>>)
      "tpu.region"() ({
        %run_scoped3A = tpu.sem_alloc : memref<!tpu.dma_semaphore, #tpu.memory_space<semaphore_mem>>
        %dma_start3A_143 = arith.constant 0 : i32
        %dma_start3A_144 = arith.constant 0 : i32
        %dma_start3A_145 = tpu.memref_slice %arg11[%dma_start3A_143, %dma_start3A_144] : memref<10240x128xf32, #tpu.memory_space<vmem_shared>> -> memref<10240x128xf32, #tpu.memory_space<vmem_shared>>
        tpu.enqueue_indirect_dma source(%arg9 : memref<128x128xf32, #tpu.memory_space<vmem>>) target(%dma_start3A_145 : memref<10240x128xf32, #tpu.memory_space<vmem_shared>>) offsets(%arg7 : memref<128xi32, #tpu.memory_space<vmem>>) semaphore(%run_scoped3A : memref<!tpu.dma_semaphore, #tpu.memory_space<semaphore_mem>>) {add = true}
        %dma_wait3A_146 = arith.constant 0 : i32
        %dma_wait3A_147 = arith.constant 0 : i32
        %dma_wait3A_148 = tpu.memref_slice %arg11[%dma_wait3A_146, %dma_wait3A_147] : memref<10240x128xf32, #tpu.memory_space<vmem_shared>> -> memref<10240x128xf32, #tpu.memory_space<vmem_shared>>
        tpu.wait_indirect_dma semaphore(%run_scoped3A : memref<!tpu.dma_semaphore, #tpu.memory_space<semaphore_mem>>) src(%arg9 : memref<128x128xf32, #tpu.memory_space<vmem>>) dst(%dma_wait3A_148 : memref<10240x128xf32, #tpu.memory_space<vmem_shared>>)
        tpu.yield
      }) : () -> ()
      %add3A_121 = arith.constant 2 : i32
      %add3A_122 = arith.addi %mul3A_91, %add3A_121 : i32
      %lt3A = arith.cmpi slt, %add3A_122, %select_n3A : i32
      %convert_element_type3A_123 = arith.extui %lt3A : i1 to i32
      %cond3A_124 = arith.constant 0 : i32
      %cond3A_125 = arith.cmpi ne, %convert_element_type3A_123, %cond3A_124 : i32
      scf.if %cond3A_125 {
        %add3A_143 = arith.addi %select_n3A_8, %mul3A_91 : i32
        %add3A_144 = arith.constant 2 : i32
        %add3A_145 = arith.addi %add3A_143, %add3A_144 : i32
        %dma_start3A_146 = arith.constant 0 : i32
        %dma_start3A_147 = tpu.memref_slice %arg4[%add3A_145, %dma_start3A_146] : memref<2560x128xi32, #tpu.memory_space<hbm>> -> memref<1x128xi32, #tpu.memory_space<hbm>>
        %dma_start3A_148 = tpu.memref_squeeze %dma_start3A_147 : memref<1x128xi32, #tpu.memory_space<hbm>> -> memref<128xi32, #tpu.memory_space<hbm>>
        %dma_start3A_149 = arith.constant 0 : i32
        %dma_start3A_150 = tpu.memref_slice %arg4[%add3A_145, %dma_start3A_149] : memref<2560x128xi32, #tpu.memory_space<hbm>> -> memref<1x128xi32, #tpu.memory_space<hbm>>
        %dma_start3A_151 = tpu.memref_squeeze %dma_start3A_150 : memref<1x128xi32, #tpu.memory_space<hbm>> -> memref<128xi32, #tpu.memory_space<hbm>>
        tpu.enqueue_dma source(%dma_start3A_151 : memref<128xi32, #tpu.memory_space<hbm>>) target(%arg7 : memref<128xi32, #tpu.memory_space<vmem>>) target_semaphore(%arg14 : memref<!tpu.dma_semaphore, #tpu.memory_space<semaphore_mem>>)
        %add3A_152 = arith.constant 2 : i32
        %add3A_153 = arith.addi %mul3A_91, %add3A_152 : i32
        %dma_start3A_154 = arith.constant 0 : i32
        %dma_start3A_155 = tpu.memref_slice %arg6[%add3A_153, %dma_start3A_154] : memref<120x128xi32, #tpu.memory_space<vmem>> -> memref<1x128xi32, #tpu.memory_space<vmem>>
        %dma_start3A_156 = tpu.memref_squeeze %dma_start3A_155 : memref<1x128xi32, #tpu.memory_space<vmem>> -> memref<128xi32, #tpu.memory_space<vmem>>
        %dma_start3A_157 = arith.constant 0 : i32
        %dma_start3A_158 = arith.constant 0 : i32
        %dma_start3A_159 = tpu.memref_slice %arg2[%dma_start3A_157, %dma_start3A_158] : memref<10240x128xf32, #tpu.memory_space<hbm>> -> memref<10240x128xf32, #tpu.memory_space<hbm>>
        tpu.enqueue_indirect_dma source(%dma_start3A_159 : memref<10240x128xf32, #tpu.memory_space<hbm>>) target(%arg9 : memref<128x128xf32, #tpu.memory_space<vmem>>) offsets(%dma_start3A_156 : memref<128xi32, #tpu.memory_space<vmem>>) semaphore(%arg12 : memref<!tpu.dma_semaphore, #tpu.memory_space<semaphore_mem>>)
      } else {
      }
      %add3A_126 = arith.addi %select_n3A_8, %mul3A_91 : i32
      %add3A_127 = arith.constant 1 : i32
      %add3A_128 = arith.addi %add3A_126, %add3A_127 : i32
      %dma_wait3A_129 = arith.constant 0 : i32
      %dma_wait3A_130 = tpu.memref_slice %arg4[%add3A_128, %dma_wait3A_129] : memref<2560x128xi32, #tpu.memory_space<hbm>> -> memref<1x128xi32, #tpu.memory_space<hbm>>
      %dma_wait3A_131 = tpu.memref_squeeze %dma_wait3A_130 : memref<1x128xi32, #tpu.memory_space<hbm>> -> memref<128xi32, #tpu.memory_space<hbm>>
      %dma_wait3A_132 = arith.constant 0 : i32
      %dma_wait3A_133 = tpu.memref_slice %arg4[%add3A_128, %dma_wait3A_132] : memref<2560x128xi32, #tpu.memory_space<hbm>> -> memref<1x128xi32, #tpu.memory_space<hbm>>
      %dma_wait3A_134 = tpu.memref_squeeze %dma_wait3A_133 : memref<1x128xi32, #tpu.memory_space<hbm>> -> memref<128xi32, #tpu.memory_space<hbm>>
      tpu.wait_dma2 semaphore(%arg15 : memref<!tpu.dma_semaphore, #tpu.memory_space<semaphore_mem>>) src(%dma_wait3A_134 : memref<128xi32, #tpu.memory_space<hbm>>) dst(%arg8 : memref<128xi32, #tpu.memory_space<vmem>>)
      %add3A_135 = arith.constant 1 : i32
      %add3A_136 = arith.addi %mul3A_91, %add3A_135 : i32
      %dma_wait3A_137 = arith.constant 0 : i32
      %dma_wait3A_138 = tpu.memref_slice %arg6[%add3A_136, %dma_wait3A_137] : memref<120x128xi32, #tpu.memory_space<vmem>> -> memref<1x128xi32, #tpu.memory_space<vmem>>
      %dma_wait3A_139 = tpu.memref_squeeze %dma_wait3A_138 : memref<1x128xi32, #tpu.memory_space<vmem>> -> memref<128xi32, #tpu.memory_space<vmem>>
      %dma_wait3A_140 = arith.constant 0 : i32
      %dma_wait3A_141 = arith.constant 0 : i32
      %dma_wait3A_142 = tpu.memref_slice %arg2[%dma_wait3A_140, %dma_wait3A_141] : memref<10240x128xf32, #tpu.memory_space<hbm>> -> memref<10240x128xf32, #tpu.memory_space<hbm>>
      tpu.wait_indirect_dma semaphore(%arg13 : memref<!tpu.dma_semaphore, #tpu.memory_space<semaphore_mem>>) src(%dma_wait3A_142 : memref<10240x128xf32, #tpu.memory_space<hbm>>) dst(%arg10 : memref<128x128xf32, #tpu.memory_space<vmem>>)
      "tpu.region"() ({
        %run_scoped3A = tpu.sem_alloc : memref<!tpu.dma_semaphore, #tpu.memory_space<semaphore_mem>>
        %dma_start3A_143 = arith.constant 0 : i32
        %dma_start3A_144 = arith.constant 0 : i32
        %dma_start3A_145 = tpu.memref_slice %arg11[%dma_start3A_143, %dma_start3A_144] : memref<10240x128xf32, #tpu.memory_space<vmem_shared>> -> memref<10240x128xf32, #tpu.memory_space<vmem_shared>>
        tpu.enqueue_indirect_dma source(%arg10 : memref<128x128xf32, #tpu.memory_space<vmem>>) target(%dma_start3A_145 : memref<10240x128xf32, #tpu.memory_space<vmem_shared>>) offsets(%arg8 : memref<128xi32, #tpu.memory_space<vmem>>) semaphore(%run_scoped3A : memref<!tpu.dma_semaphore, #tpu.memory_space<semaphore_mem>>) {add = true}
        %dma_wait3A_146 = arith.constant 0 : i32
        %dma_wait3A_147 = arith.constant 0 : i32
        %dma_wait3A_148 = tpu.memref_slice %arg11[%dma_wait3A_146, %dma_wait3A_147] : memref<10240x128xf32, #tpu.memory_space<vmem_shared>> -> memref<10240x128xf32, #tpu.memory_space<vmem_shared>>
        tpu.wait_indirect_dma semaphore(%run_scoped3A : memref<!tpu.dma_semaphore, #tpu.memory_space<semaphore_mem>>) src(%arg10 : memref<128x128xf32, #tpu.memory_space<vmem>>) dst(%dma_wait3A_148 : memref<10240x128xf32, #tpu.memory_space<vmem_shared>>)
        tpu.yield
      }) : () -> ()
    }
    %while3A_80 = arith.constant 1 : i32
    scf.for %while3A_89 = %while3A_78 to %while3A_74 step %while3A_80  : i32 {
      %mul3A_90 = arith.constant 2 : i32
      %mul3A_91 = arith.muli %mul3A_90, %while3A_89 : i32
      %add3A_92 = arith.addi %select_n3A_8, %mul3A_91 : i32
      %add3A_93 = arith.constant 1 : i32
      %add3A_94 = arith.addi %add3A_92, %add3A_93 : i32
      %dma_start3A_95 = arith.constant 0 : i32
      %dma_start3A_96 = tpu.memref_slice %arg4[%add3A_94, %dma_start3A_95] : memref<2560x128xi32, #tpu.memory_space<hbm>> -> memref<1x128xi32, #tpu.memory_space<hbm>>
      %dma_start3A_97 = tpu.memref_squeeze %dma_start3A_96 : memref<1x128xi32, #tpu.memory_space<hbm>> -> memref<128xi32, #tpu.memory_space<hbm>>
      %dma_start3A_98 = arith.constant 0 : i32
      %dma_start3A_99 = tpu.memref_slice %arg4[%add3A_94, %dma_start3A_98] : memref<2560x128xi32, #tpu.memory_space<hbm>> -> memref<1x128xi32, #tpu.memory_space<hbm>>
      %dma_start3A_100 = tpu.memref_squeeze %dma_start3A_99 : memref<1x128xi32, #tpu.memory_space<hbm>> -> memref<128xi32, #tpu.memory_space<hbm>>
      tpu.enqueue_dma source(%dma_start3A_100 : memref<128xi32, #tpu.memory_space<hbm>>) target(%arg8 : memref<128xi32, #tpu.memory_space<vmem>>) target_semaphore(%arg15 : memref<!tpu.dma_semaphore, #tpu.memory_space<semaphore_mem>>)
      %add3A_101 = arith.constant 1 : i32
      %add3A_102 = arith.addi %mul3A_91, %add3A_101 : i32
      %dma_start3A_103 = arith.constant 0 : i32
      %dma_start3A_104 = tpu.memref_slice %arg6[%add3A_102, %dma_start3A_103] : memref<120x128xi32, #tpu.memory_space<vmem>> -> memref<1x128xi32, #tpu.memory_space<vmem>>
      %dma_start3A_105 = tpu.memref_squeeze %dma_start3A_104 : memref<1x128xi32, #tpu.memory_space<vmem>> -> memref<128xi32, #tpu.memory_space<vmem>>
      %dma_start3A_106 = arith.constant 0 : i32
      %dma_start3A_107 = arith.constant 0 : i32
      %dma_start3A_108 = tpu.memref_slice %arg2[%dma_start3A_106, %dma_start3A_107] : memref<10240x128xf32, #tpu.memory_space<hbm>> -> memref<10240x128xf32, #tpu.memory_space<hbm>>
      tpu.enqueue_indirect_dma source(%dma_start3A_108 : memref<10240x128xf32, #tpu.memory_space<hbm>>) target(%arg10 : memref<128x128xf32, #tpu.memory_space<vmem>>) offsets(%dma_start3A_105 : memref<128xi32, #tpu.memory_space<vmem>>) semaphore(%arg13 : memref<!tpu.dma_semaphore, #tpu.memory_space<semaphore_mem>>)
      %add3A_109 = arith.addi %select_n3A_8, %mul3A_91 : i32
      %dma_wait3A = arith.constant 0 : i32
      %dma_wait3A_110 = tpu.memref_slice %arg4[%add3A_109, %dma_wait3A] : memref<2560x128xi32, #tpu.memory_space<hbm>> -> memref<1x128xi32, #tpu.memory_space<hbm>>
      %dma_wait3A_111 = tpu.memref_squeeze %dma_wait3A_110 : memref<1x128xi32, #tpu.memory_space<hbm>> -> memref<128xi32, #tpu.memory_space<hbm>>
      %dma_wait3A_112 = arith.constant 0 : i32
      %dma_wait3A_113 = tpu.memref_slice %arg4[%add3A_109, %dma_wait3A_112] : memref<2560x128xi32, #tpu.memory_space<hbm>> -> memref<1x128xi32, #tpu.memory_space<hbm>>
      %dma_wait3A_114 = tpu.memref_squeeze %dma_wait3A_113 : memref<1x128xi32, #tpu.memory_space<hbm>> -> memref<128xi32, #tpu.memory_space<hbm>>
      tpu.wait_dma2 semaphore(%arg14 : memref<!tpu.dma_semaphore, #tpu.memory_space<semaphore_mem>>) src(%dma_wait3A_114 : memref<128xi32, #tpu.memory_space<hbm>>) dst(%arg7 : memref<128xi32, #tpu.memory_space<vmem>>)
      %dma_wait3A_115 = arith.constant 0 : i32
      %dma_wait3A_116 = tpu.memref_slice %arg6[%mul3A_91, %dma_wait3A_115] : memref<120x128xi32, #tpu.memory_space<vmem>> -> memref<1x128xi32, #tpu.memory_space<vmem>>
      %dma_wait3A_117 = tpu.memref_squeeze %dma_wait3A_116 : memref<1x128xi32, #tpu.memory_space<vmem>> -> memref<128xi32, #tpu.memory_space<vmem>>
      %dma_wait3A_118 = arith.constant 0 : i32
      %dma_wait3A_119 = arith.constant 0 : i32
      %dma_wait3A_120 = tpu.memref_slice %arg2[%dma_wait3A_118, %dma_wait3A_119] : memref<10240x128xf32, #tpu.memory_space<hbm>> -> memref<10240x128xf32, #tpu.memory_space<hbm>>
      tpu.wait_indirect_dma semaphore(%arg12 : memref<!tpu.dma_semaphore, #tpu.memory_space<semaphore_mem>>) src(%dma_wait3A_120 : memref<10240x128xf32, #tpu.memory_space<hbm>>) dst(%arg9 : memref<128x128xf32, #tpu.memory_space<vmem>>)
      "tpu.region"() ({
        %run_scoped3A = tpu.sem_alloc : memref<!tpu.dma_semaphore, #tpu.memory_space<semaphore_mem>>
        %dma_start3A_143 = arith.constant 0 : i32
        %dma_start3A_144 = arith.constant 0 : i32
        %dma_start3A_145 = tpu.memref_slice %arg11[%dma_start3A_143, %dma_start3A_144] : memref<10240x128xf32, #tpu.memory_space<vmem_shared>> -> memref<10240x128xf32, #tpu.memory_space<vmem_shared>>
        tpu.enqueue_indirect_dma source(%arg9 : memref<128x128xf32, #tpu.memory_space<vmem>>) target(%dma_start3A_145 : memref<10240x128xf32, #tpu.memory_space<vmem_shared>>) offsets(%arg7 : memref<128xi32, #tpu.memory_space<vmem>>) semaphore(%run_scoped3A : memref<!tpu.dma_semaphore, #tpu.memory_space<semaphore_mem>>) {add = true}
        %dma_wait3A_146 = arith.constant 0 : i32
        %dma_wait3A_147 = arith.constant 0 : i32
        %dma_wait3A_148 = tpu.memref_slice %arg11[%dma_wait3A_146, %dma_wait3A_147] : memref<10240x128xf32, #tpu.memory_space<vmem_shared>> -> memref<10240x128xf32, #tpu.memory_space<vmem_shared>>
        tpu.wait_indirect_dma semaphore(%run_scoped3A : memref<!tpu.dma_semaphore, #tpu.memory_space<semaphore_mem>>) src(%arg9 : memref<128x128xf32, #tpu.memory_space<vmem>>) dst(%dma_wait3A_148 : memref<10240x128xf32, #tpu.memory_space<vmem_shared>>)
        tpu.yield
      }) : () -> ()
      %add3A_121 = arith.constant 2 : i32
      %add3A_122 = arith.addi %mul3A_91, %add3A_121 : i32
      %lt3A = arith.cmpi slt, %add3A_122, %select_n3A : i32
      %convert_element_type3A_123 = arith.extui %lt3A : i1 to i32
      %cond3A_124 = arith.constant 0 : i32
      %cond3A_125 = arith.cmpi ne, %convert_element_type3A_123, %cond3A_124 : i32
      scf.if %cond3A_125 {
        %add3A_143 = arith.addi %select_n3A_8, %mul3A_91 : i32
        %add3A_144 = arith.constant 2 : i32
        %add3A_145 = arith.addi %add3A_143, %add3A_144 : i32
        %dma_start3A_146 = arith.constant 0 : i32
        %dma_start3A_147 = tpu.memref_slice %arg4[%add3A_145, %dma_start3A_146] : memref<2560x128xi32, #tpu.memory_space<hbm>> -> memref<1x128xi32, #tpu.memory_space<hbm>>
        %dma_start3A_148 = tpu.memref_squeeze %dma_start3A_147 : memref<1x128xi32, #tpu.memory_space<hbm>> -> memref<128xi32, #tpu.memory_space<hbm>>
        %dma_start3A_149 = arith.constant 0 : i32
        %dma_start3A_150 = tpu.memref_slice %arg4[%add3A_145, %dma_start3A_149] : memref<2560x128xi32, #tpu.memory_space<hbm>> -> memref<1x128xi32, #tpu.memory_space<hbm>>
        %dma_start3A_151 = tpu.memref_squeeze %dma_start3A_150 : memref<1x128xi32, #tpu.memory_space<hbm>> -> memref<128xi32, #tpu.memory_space<hbm>>
        tpu.enqueue_dma source(%dma_start3A_151 : memref<128xi32, #tpu.memory_space<hbm>>) target(%arg7 : memref<128xi32, #tpu.memory_space<vmem>>) target_semaphore(%arg14 : memref<!tpu.dma_semaphore, #tpu.memory_space<semaphore_mem>>)
        %add3A_152 = arith.constant 2 : i32
        %add3A_153 = arith.addi %mul3A_91, %add3A_152 : i32
        %dma_start3A_154 = arith.constant 0 : i32
        %dma_start3A_155 = tpu.memref_slice %arg6[%add3A_153, %dma_start3A_154] : memref<120x128xi32, #tpu.memory_space<vmem>> -> memref<1x128xi32, #tpu.memory_space<vmem>>
        %dma_start3A_156 = tpu.memref_squeeze %dma_start3A_155 : memref<1x128xi32, #tpu.memory_space<vmem>> -> memref<128xi32, #tpu.memory_space<vmem>>
        %dma_start3A_157 = arith.constant 0 : i32
        %dma_start3A_158 = arith.constant 0 : i32
        %dma_start3A_159 = tpu.memref_slice %arg2[%dma_start3A_157, %dma_start3A_158] : memref<10240x128xf32, #tpu.memory_space<hbm>> -> memref<10240x128xf32, #tpu.memory_space<hbm>>
        tpu.enqueue_indirect_dma source(%dma_start3A_159 : memref<10240x128xf32, #tpu.memory_space<hbm>>) target(%arg9 : memref<128x128xf32, #tpu.memory_space<vmem>>) offsets(%dma_start3A_156 : memref<128xi32, #tpu.memory_space<vmem>>) semaphore(%arg12 : memref<!tpu.dma_semaphore, #tpu.memory_space<semaphore_mem>>)
      } else {
      }
      %add3A_126 = arith.addi %select_n3A_8, %mul3A_91 : i32
      %add3A_127 = arith.constant 1 : i32
      %add3A_128 = arith.addi %add3A_126, %add3A_127 : i32
      %dma_wait3A_129 = arith.constant 0 : i32
      %dma_wait3A_130 = tpu.memref_slice %arg4[%add3A_128, %dma_wait3A_129] : memref<2560x128xi32, #tpu.memory_space<hbm>> -> memref<1x128xi32, #tpu.memory_space<hbm>>
      %dma_wait3A_131 = tpu.memref_squeeze %dma_wait3A_130 : memref<1x128xi32, #tpu.memory_space<hbm>> -> memref<128xi32, #tpu.memory_space<hbm>>
      %dma_wait3A_132 = arith.constant 0 : i32
      %dma_wait3A_133 = tpu.memref_slice %arg4[%add3A_128, %dma_wait3A_132] : memref<2560x128xi32, #tpu.memory_space<hbm>> -> memref<1x128xi32, #tpu.memory_space<hbm>>
      %dma_wait3A_134 = tpu.memref_squeeze %dma_wait3A_133 : memref<1x128xi32, #tpu.memory_space<hbm>> -> memref<128xi32, #tpu.memory_space<hbm>>
      tpu.wait_dma2 semaphore(%arg15 : memref<!tpu.dma_semaphore, #tpu.memory_space<semaphore_mem>>) src(%dma_wait3A_134 : memref<128xi32, #tpu.memory_space<hbm>>) dst(%arg8 : memref<128xi32, #tpu.memory_space<vmem>>)
      %add3A_135 = arith.constant 1 : i32
      %add3A_136 = arith.addi %mul3A_91, %add3A_135 : i32
      %dma_wait3A_137 = arith.constant 0 : i32
      %dma_wait3A_138 = tpu.memref_slice %arg6[%add3A_136, %dma_wait3A_137] : memref<120x128xi32, #tpu.memory_space<vmem>> -> memref<1x128xi32, #tpu.memory_space<vmem>>
      %dma_wait3A_139 = tpu.memref_squeeze %dma_wait3A_138 : memref<1x128xi32, #tpu.memory_space<vmem>> -> memref<128xi32, #tpu.memory_space<vmem>>
      %dma_wait3A_140 = arith.constant 0 : i32
      %dma_wait3A_141 = arith.constant 0 : i32
      %dma_wait3A_142 = tpu.memref_slice %arg2[%dma_wait3A_140, %dma_wait3A_141] : memref<10240x128xf32, #tpu.memory_space<hbm>> -> memref<10240x128xf32, #tpu.memory_space<hbm>>
      tpu.wait_indirect_dma semaphore(%arg13 : memref<!tpu.dma_semaphore, #tpu.memory_space<semaphore_mem>>) src(%dma_wait3A_142 : memref<10240x128xf32, #tpu.memory_space<hbm>>) dst(%arg10 : memref<128x128xf32, #tpu.memory_space<vmem>>)
      "tpu.region"() ({
        %run_scoped3A = tpu.sem_alloc : memref<!tpu.dma_semaphore, #tpu.memory_space<semaphore_mem>>
        %dma_start3A_143 = arith.constant 0 : i32
        %dma_start3A_144 = arith.constant 0 : i32
        %dma_start3A_145 = tpu.memref_slice %arg11[%dma_start3A_143, %dma_start3A_144] : memref<10240x128xf32, #tpu.memory_space<vmem_shared>> -> memref<10240x128xf32, #tpu.memory_space<vmem_shared>>
        tpu.enqueue_indirect_dma source(%arg10 : memref<128x128xf32, #tpu.memory_space<vmem>>) target(%dma_start3A_145 : memref<10240x128xf32, #tpu.memory_space<vmem_shared>>) offsets(%arg8 : memref<128xi32, #tpu.memory_space<vmem>>) semaphore(%run_scoped3A : memref<!tpu.dma_semaphore, #tpu.memory_space<semaphore_mem>>) {add = true}
        %dma_wait3A_146 = arith.constant 0 : i32
        %dma_wait3A_147 = arith.constant 0 : i32
        %dma_wait3A_148 = tpu.memref_slice %arg11[%dma_wait3A_146, %dma_wait3A_147] : memref<10240x128xf32, #tpu.memory_space<vmem_shared>> -> memref<10240x128xf32, #tpu.memory_space<vmem_shared>>
        tpu.wait_indirect_dma semaphore(%run_scoped3A : memref<!tpu.dma_semaphore, #tpu.memory_space<semaphore_mem>>) src(%arg10 : memref<128x128xf32, #tpu.memory_space<vmem>>) dst(%dma_wait3A_148 : memref<10240x128xf32, #tpu.memory_space<vmem_shared>>)
        tpu.yield
      }) : () -> ()
    }
    %barrier3A_81 = arith.constant 0 : index
    tpu.barrier barrier_id(%barrier3A_81)
    %mul3A_82 = arith.constant 640 : i32
    %mul3A_83 = arith.muli %arg1, %mul3A_82 : i32
    %mul3A_84 = arith.constant 10240 : i32
    %mul3A_85 = arith.muli %arg0, %mul3A_84 : i32
    %mul3A_86 = arith.constant 640 : i32
    %mul3A_87 = arith.muli %arg1, %mul3A_86 : i32
    %add3A_88 = arith.addi %mul3A_85, %mul3A_87 : i32
    "tpu.region"() ({
      %run_scoped3A = tpu.sem_alloc : memref<!tpu.dma_semaphore, #tpu.memory_space<semaphore_mem>>
      %dma_start3A_89 = arith.constant 0 : i32
      %dma_start3A_90 = tpu.memref_slice %arg5[%add3A_88, %dma_start3A_89] : memref<20480x128xf32, #tpu.memory_space<hbm>> -> memref<640x128xf32, #tpu.memory_space<hbm>>
      %dma_start3A_91 = arith.constant 0 : i32
      %dma_start3A_92 = tpu.memref_slice %arg11[%mul3A_83, %dma_start3A_91] : memref<10240x128xf32, #tpu.memory_space<vmem_shared>> -> memref<640x128xf32, #tpu.memory_space<vmem_shared>>
      tpu.enqueue_dma source(%dma_start3A_92 : memref<640x128xf32, #tpu.memory_space<vmem_shared>>) target(%dma_start3A_90 : memref<640x128xf32, #tpu.memory_space<hbm>>) target_semaphore(%run_scoped3A : memref<!tpu.dma_semaphore, #tpu.memory_space<semaphore_mem>>)
      %dma_wait3A = arith.constant 0 : i32
      %dma_wait3A_93 = tpu.memref_slice %arg5[%add3A_88, %dma_wait3A] : memref<20480x128xf32, #tpu.memory_space<hbm>> -> memref<640x128xf32, #tpu.memory_space<hbm>>
      %dma_wait3A_94 = arith.constant 0 : i32
      %dma_wait3A_95 = tpu.memref_slice %arg11[%mul3A_83, %dma_wait3A_94] : memref<10240x128xf32, #tpu.memory_space<vmem_shared>> -> memref<640x128xf32, #tpu.memory_space<vmem_shared>>
      tpu.wait_dma2 semaphore(%run_scoped3A : memref<!tpu.dma_semaphore, #tpu.memory_space<semaphore_mem>>) src(%dma_wait3A_95 : memref<640x128xf32, #tpu.memory_space<vmem_shared>>) dst(%dma_wait3A_93 : memref<640x128xf32, #tpu.memory_space<hbm>>)
      tpu.yield
    }) : () -> ()
    return
  }
}

#map = affine_map<(d0, d1) -> (0, 0)>
module attributes {stable_mosaic.version = 14 : i64} {
  func.func @_edge_body(%arg0: i32, %arg1: i32, %arg2: memref<10240x128xf32, #tpu.memory_space<hbm>>, %arg3: memref<2560x128xi32, #tpu.memory_space<hbm>>, %arg4: memref<2560x128xi32, #tpu.memory_space<hbm>>, %arg5: memref<20480x128xf32, #tpu.memory_space<hbm>>, %arg6: memref<120x128xi32, #tpu.memory_space<vmem>>, %arg7: memref<128xi32, #tpu.memory_space<vmem>>, %arg8: memref<128xi32, #tpu.memory_space<vmem>>, %arg9: memref<128x128xf32, #tpu.memory_space<vmem>>, %arg10: memref<128x128xf32, #tpu.memory_space<vmem>>, %arg11: memref<10240x128xf32, #tpu.memory_space<vmem_shared>>, %arg12: memref<!tpu.dma_semaphore, #tpu.memory_space<semaphore_mem>>, %arg13: memref<!tpu.dma_semaphore, #tpu.memory_space<semaphore_mem>>, %arg14: memref<!tpu.dma_semaphore, #tpu.memory_space<semaphore_mem>>, %arg15: memref<!tpu.dma_semaphore, #tpu.memory_space<semaphore_mem>>) attributes {dimension_semantics = [#tpu.dimension_semantics<core_parallel>, #tpu.dimension_semantics<subcore_parallel>], iteration_bounds = array<i64: 2, 16>, scalar_prefetch = 0 : i64, scratch_operands = 10 : i64, tpu.core_type = #tpu.core_type<sc_vector_subcore>, window_params = [{transform_indices = #map}, {transform_indices = #map}, {transform_indices = #map}, {transform_indices = #map}]} {
    %eq3A = arith.constant 0 : i32
    %eq3A_0 = arith.cmpi eq, %arg0, %eq3A : i32
    %jit3A = arith.constant 120 : i32
    %jit3A_1 = arith.constant 40 : i32
    %select_n3A = arith.select %eq3A_0, %jit3A, %jit3A_1 : i32
    %eq3A_2 = arith.constant 0 : i32
    %eq3A_3 = arith.cmpi eq, %arg0, %eq3A_2 : i32
    %mul3A = arith.constant 120 : i32
    %mul3A_4 = arith.muli %arg1, %mul3A : i32
    %mul3A_5 = arith.constant 40 : i32
    %mul3A_6 = arith.muli %arg1, %mul3A_5 : i32
    %add3A = arith.constant 1920 : i32
    %add3A_7 = arith.addi %add3A, %mul3A_6 : i32
    %select_n3A_8 = arith.select %eq3A_3, %mul3A_4, %add3A_7 : i32
    %eq3A_9 = arith.constant 0 : i32
    %eq3A_10 = arith.cmpi eq, %arg0, %eq3A_9 : i32
    %convert_element_type3A = arith.extui %eq3A_10 : i1 to i32
    %cond3A = arith.constant 0 : i32
    %cond3A_11 = arith.cmpi ne, %convert_element_type3A, %cond3A : i32
    scf.if %cond3A_11 {
      "tpu.region"() ({
        %run_scoped3A = tpu.sem_alloc : memref<!tpu.dma_semaphore, #tpu.memory_space<semaphore_mem>>
        %dma_start3A_89 = arith.constant 0 : i32
        %dma_start3A_90 = tpu.memref_slice %arg3[%select_n3A_8, %dma_start3A_89] : memref<2560x128xi32, #tpu.memory_space<hbm>> -> memref<120x128xi32, #tpu.memory_space<hbm>>
        %dma_start3A_91 = arith.constant 0 : i32
        %dma_start3A_92 = tpu.memref_slice %arg3[%select_n3A_8, %dma_start3A_91] : memref<2560x128xi32, #tpu.memory_space<hbm>> -> memref<120x128xi32, #tpu.memory_space<hbm>>
        tpu.enqueue_dma source(%dma_start3A_92 : memref<120x128xi32, #tpu.memory_space<hbm>>) target(%arg6 : memref<120x128xi32, #tpu.memory_space<vmem>>) target_semaphore(%run_scoped3A : memref<!tpu.dma_semaphore, #tpu.memory_space<semaphore_mem>>)
        %dma_wait3A = arith.constant 0 : i32
        %dma_wait3A_93 = tpu.memref_slice %arg3[%select_n3A_8, %dma_wait3A] : memref<2560x128xi32, #tpu.memory_space<hbm>> -> memref<120x128xi32, #tpu.memory_space<hbm>>
        %dma_wait3A_94 = arith.constant 0 : i32
        %dma_wait3A_95 = tpu.memref_slice %arg3[%select_n3A_8, %dma_wait3A_94] : memref<2560x128xi32, #tpu.memory_space<hbm>> -> memref<120x128xi32, #tpu.memory_space<hbm>>
        tpu.wait_dma2 semaphore(%run_scoped3A : memref<!tpu.dma_semaphore, #tpu.memory_space<semaphore_mem>>) src(%dma_wait3A_95 : memref<120x128xi32, #tpu.memory_space<hbm>>) dst(%arg6 : memref<120x128xi32, #tpu.memory_space<vmem>>)
        tpu.yield
      }) : () -> ()
    } else {
    }
    %ne3A = arith.constant 0 : i32
    %ne3A_12 = arith.cmpi ne, %arg0, %ne3A : i32
    %convert_element_type3A_13 = arith.extui %ne3A_12 : i1 to i32
    %cond3A_14 = arith.constant 0 : i32
    %cond3A_15 = arith.cmpi ne, %convert_element_type3A_13, %cond3A_14 : i32
    scf.if %cond3A_15 {
      "tpu.region"() ({
        %run_scoped3A = tpu.sem_alloc : memref<!tpu.dma_semaphore, #tpu.memory_space<semaphore_mem>>
        %dma_start3A_89 = arith.constant 0 : i32
        %dma_start3A_90 = arith.constant 0 : i32
        %dma_start3A_91 = tpu.memref_slice %arg6[%dma_start3A_89, %dma_start3A_90] : memref<120x128xi32, #tpu.memory_space<vmem>> -> memref<40x128xi32, #tpu.memory_space<vmem>>
        %dma_start3A_92 = arith.constant 0 : i32
        %dma_start3A_93 = tpu.memref_slice %arg3[%select_n3A_8, %dma_start3A_92] : memref<2560x128xi32, #tpu.memory_space<hbm>> -> memref<40x128xi32, #tpu.memory_space<hbm>>
        %dma_start3A_94 = arith.constant 0 : i32
        %dma_start3A_95 = arith.constant 0 : i32
        %dma_start3A_96 = tpu.memref_slice %arg6[%dma_start3A_94, %dma_start3A_95] : memref<120x128xi32, #tpu.memory_space<vmem>> -> memref<40x128xi32, #tpu.memory_space<vmem>>
        %dma_start3A_97 = arith.constant 0 : i32
        %dma_start3A_98 = tpu.memref_slice %arg3[%select_n3A_8, %dma_start3A_97] : memref<2560x128xi32, #tpu.memory_space<hbm>> -> memref<40x128xi32, #tpu.memory_space<hbm>>
        tpu.enqueue_dma source(%dma_start3A_98 : memref<40x128xi32, #tpu.memory_space<hbm>>) target(%dma_start3A_96 : memref<40x128xi32, #tpu.memory_space<vmem>>) target_semaphore(%run_scoped3A : memref<!tpu.dma_semaphore, #tpu.memory_space<semaphore_mem>>)
        %dma_wait3A = arith.constant 0 : i32
        %dma_wait3A_99 = arith.constant 0 : i32
        %dma_wait3A_100 = tpu.memref_slice %arg6[%dma_wait3A, %dma_wait3A_99] : memref<120x128xi32, #tpu.memory_space<vmem>> -> memref<40x128xi32, #tpu.memory_space<vmem>>
        %dma_wait3A_101 = arith.constant 0 : i32
        %dma_wait3A_102 = tpu.memref_slice %arg3[%select_n3A_8, %dma_wait3A_101] : memref<2560x128xi32, #tpu.memory_space<hbm>> -> memref<40x128xi32, #tpu.memory_space<hbm>>
        %dma_wait3A_103 = arith.constant 0 : i32
        %dma_wait3A_104 = arith.constant 0 : i32
        %dma_wait3A_105 = tpu.memref_slice %arg6[%dma_wait3A_103, %dma_wait3A_104] : memref<120x128xi32, #tpu.memory_space<vmem>> -> memref<40x128xi32, #tpu.memory_space<vmem>>
        %dma_wait3A_106 = arith.constant 0 : i32
        %dma_wait3A_107 = tpu.memref_slice %arg3[%select_n3A_8, %dma_wait3A_106] : memref<2560x128xi32, #tpu.memory_space<hbm>> -> memref<40x128xi32, #tpu.memory_space<hbm>>
        tpu.wait_dma2 semaphore(%run_scoped3A : memref<!tpu.dma_semaphore, #tpu.memory_space<semaphore_mem>>) src(%dma_wait3A_107 : memref<40x128xi32, #tpu.memory_space<hbm>>) dst(%dma_wait3A_105 : memref<40x128xi32, #tpu.memory_space<vmem>>)
        tpu.yield
      }) : () -> ()
    } else {
    }
    %scan3A = arith.constant 0 : i32
    %scan3A_16 = arith.constant 0 : i32
    %scan3A_17 = arith.constant 128 : i32
    %scan3A_18 = arith.addi %scan3A_16, %scan3A_17 : i32
    %scan3A_19 = arith.constant 1 : i32
    scf.for %scan3A_89 = %scan3A_16 to %scan3A_18 step %scan3A_19  : i32 {
      %broadcast_in_dim3A = arith.constant 0.000000e+00 : f32
      %broadcast_in_dim3A_90 = vector.broadcast %broadcast_in_dim3A : f32 to vector<16xf32>
      %swap3A = arith.index_cast %scan3A_89 : i32 to index
      %swap3A_91 = arith.constant 0 : index
      %swap3A_92 = tpu.vector_load %arg9[%swap3A, %swap3A_91] {strides = array<i32>} : memref<128x128xf32, #tpu.memory_space<vmem>>, vector<1x16xf32>,
      %swap3A_93 = vector.shape_cast %swap3A_92 : vector<1x16xf32> to vector<16xf32>
      %swap3A_94 = vector.shape_cast %broadcast_in_dim3A_90 : vector<16xf32> to vector<1x16xf32>
      tpu.vector_store %arg9[%swap3A, %swap3A_91], %swap3A_94 {strides = array<i32>} : memref<128x128xf32, #tpu.memory_space<vmem>>, vector<1x16xf32>,
      %broadcast_in_dim3A_95 = arith.constant 0.000000e+00 : f32
      %broadcast_in_dim3A_96 = vector.broadcast %broadcast_in_dim3A_95 : f32 to vector<16xf32>
      %swap3A_97 = arith.index_cast %scan3A_89 : i32 to index
      %swap3A_98 = arith.constant 16 : index
      %swap3A_99 = tpu.vector_load %arg9[%swap3A_97, %swap3A_98] {strides = array<i32>} : memref<128x128xf32, #tpu.memory_space<vmem>>, vector<1x16xf32>,
      %swap3A_100 = vector.shape_cast %swap3A_99 : vector<1x16xf32> to vector<16xf32>
      %swap3A_101 = vector.shape_cast %broadcast_in_dim3A_96 : vector<16xf32> to vector<1x16xf32>
      tpu.vector_store %arg9[%swap3A_97, %swap3A_98], %swap3A_101 {strides = array<i32>} : memref<128x128xf32, #tpu.memory_space<vmem>>, vector<1x16xf32>,
      %broadcast_in_dim3A_102 = arith.constant 0.000000e+00 : f32
      %broadcast_in_dim3A_103 = vector.broadcast %broadcast_in_dim3A_102 : f32 to vector<16xf32>
      %swap3A_104 = arith.index_cast %scan3A_89 : i32 to index
      %swap3A_105 = arith.constant 32 : index
      %swap3A_106 = tpu.vector_load %arg9[%swap3A_104, %swap3A_105] {strides = array<i32>} : memref<128x128xf32, #tpu.memory_space<vmem>>, vector<1x16xf32>,
      %swap3A_107 = vector.shape_cast %swap3A_106 : vector<1x16xf32> to vector<16xf32>
      %swap3A_108 = vector.shape_cast %broadcast_in_dim3A_103 : vector<16xf32> to vector<1x16xf32>
      tpu.vector_store %arg9[%swap3A_104, %swap3A_105], %swap3A_108 {strides = array<i32>} : memref<128x128xf32, #tpu.memory_space<vmem>>, vector<1x16xf32>,
      %broadcast_in_dim3A_109 = arith.constant 0.000000e+00 : f32
      %broadcast_in_dim3A_110 = vector.broadcast %broadcast_in_dim3A_109 : f32 to vector<16xf32>
      %swap3A_111 = arith.index_cast %scan3A_89 : i32 to index
      %swap3A_112 = arith.constant 48 : index
      %swap3A_113 = tpu.vector_load %arg9[%swap3A_111, %swap3A_112] {strides = array<i32>} : memref<128x128xf32, #tpu.memory_space<vmem>>, vector<1x16xf32>,
      %swap3A_114 = vector.shape_cast %swap3A_113 : vector<1x16xf32> to vector<16xf32>
      %swap3A_115 = vector.shape_cast %broadcast_in_dim3A_110 : vector<16xf32> to vector<1x16xf32>
      tpu.vector_store %arg9[%swap3A_111, %swap3A_112], %swap3A_115 {strides = array<i32>} : memref<128x128xf32, #tpu.memory_space<vmem>>, vector<1x16xf32>,
      %broadcast_in_dim3A_116 = arith.constant 0.000000e+00 : f32
      %broadcast_in_dim3A_117 = vector.broadcast %broadcast_in_dim3A_116 : f32 to vector<16xf32>
      %swap3A_118 = arith.index_cast %scan3A_89 : i32 to index
      %swap3A_119 = arith.constant 64 : index
      %swap3A_120 = tpu.vector_load %arg9[%swap3A_118, %swap3A_119] {strides = array<i32>} : memref<128x128xf32, #tpu.memory_space<vmem>>, vector<1x16xf32>,
      %swap3A_121 = vector.shape_cast %swap3A_120 : vector<1x16xf32> to vector<16xf32>
      %swap3A_122 = vector.shape_cast %broadcast_in_dim3A_117 : vector<16xf32> to vector<1x16xf32>
      tpu.vector_store %arg9[%swap3A_118, %swap3A_119], %swap3A_122 {strides = array<i32>} : memref<128x128xf32, #tpu.memory_space<vmem>>, vector<1x16xf32>,
      %broadcast_in_dim3A_123 = arith.constant 0.000000e+00 : f32
      %broadcast_in_dim3A_124 = vector.broadcast %broadcast_in_dim3A_123 : f32 to vector<16xf32>
      %swap3A_125 = arith.index_cast %scan3A_89 : i32 to index
      %swap3A_126 = arith.constant 80 : index
      %swap3A_127 = tpu.vector_load %arg9[%swap3A_125, %swap3A_126] {strides = array<i32>} : memref<128x128xf32, #tpu.memory_space<vmem>>, vector<1x16xf32>,
      %swap3A_128 = vector.shape_cast %swap3A_127 : vector<1x16xf32> to vector<16xf32>
      %swap3A_129 = vector.shape_cast %broadcast_in_dim3A_124 : vector<16xf32> to vector<1x16xf32>
      tpu.vector_store %arg9[%swap3A_125, %swap3A_126], %swap3A_129 {strides = array<i32>} : memref<128x128xf32, #tpu.memory_space<vmem>>, vector<1x16xf32>,
      %broadcast_in_dim3A_130 = arith.constant 0.000000e+00 : f32
      %broadcast_in_dim3A_131 = vector.broadcast %broadcast_in_dim3A_130 : f32 to vector<16xf32>
      %swap3A_132 = arith.index_cast %scan3A_89 : i32 to index
      %swap3A_133 = arith.constant 96 : index
      %swap3A_134 = tpu.vector_load %arg9[%swap3A_132, %swap3A_133] {strides = array<i32>} : memref<128x128xf32, #tpu.memory_space<vmem>>, vector<1x16xf32>,
      %swap3A_135 = vector.shape_cast %swap3A_134 : vector<1x16xf32> to vector<16xf32>
      %swap3A_136 = vector.shape_cast %broadcast_in_dim3A_131 : vector<16xf32> to vector<1x16xf32>
      tpu.vector_store %arg9[%swap3A_132, %swap3A_133], %swap3A_136 {strides = array<i32>} : memref<128x128xf32, #tpu.memory_space<vmem>>, vector<1x16xf32>,
      %broadcast_in_dim3A_137 = arith.constant 0.000000e+00 : f32
      %broadcast_in_dim3A_138 = vector.broadcast %broadcast_in_dim3A_137 : f32 to vector<16xf32>
      %swap3A_139 = arith.index_cast %scan3A_89 : i32 to index
      %swap3A_140 = arith.constant 112 : index
      %swap3A_141 = tpu.vector_load %arg9[%swap3A_139, %swap3A_140] {strides = array<i32>} : memref<128x128xf32, #tpu.memory_space<vmem>>, vector<1x16xf32>,
      %swap3A_142 = vector.shape_cast %swap3A_141 : vector<1x16xf32> to vector<16xf32>
      %swap3A_143 = vector.shape_cast %broadcast_in_dim3A_138 : vector<16xf32> to vector<1x16xf32>
      tpu.vector_store %arg9[%swap3A_139, %swap3A_140], %swap3A_143 {strides = array<i32>} : memref<128x128xf32, #tpu.memory_space<vmem>>, vector<1x16xf32>,
    }
    %scan3A_20 = arith.constant 128 : i32
    %mul3A_21 = arith.constant 640 : i32
    %mul3A_22 = arith.muli %arg1, %mul3A_21 : i32
    %add3A_23 = arith.constant 0 : i32
    %add3A_24 = arith.addi %mul3A_22, %add3A_23 : i32
    "tpu.region"() ({
      %run_scoped3A = tpu.sem_alloc : memref<!tpu.dma_semaphore, #tpu.memory_space<semaphore_mem>>
      %dma_start3A_89 = arith.constant 0 : i32
      %dma_start3A_90 = tpu.memref_slice %arg11[%add3A_24, %dma_start3A_89] : memref<10240x128xf32, #tpu.memory_space<vmem_shared>> -> memref<128x128xf32, #tpu.memory_space<vmem_shared>>
      %dma_start3A_91 = arith.constant 0 : i32
      %dma_start3A_92 = tpu.memref_slice %arg11[%add3A_24, %dma_start3A_91] : memref<10240x128xf32, #tpu.memory_space<vmem_shared>> -> memref<128x128xf32, #tpu.memory_space<vmem_shared>>
      tpu.enqueue_dma source(%arg9 : memref<128x128xf32, #tpu.memory_space<vmem>>) target(%dma_start3A_92 : memref<128x128xf32, #tpu.memory_space<vmem_shared>>) target_semaphore(%run_scoped3A : memref<!tpu.dma_semaphore, #tpu.memory_space<semaphore_mem>>)
      %dma_wait3A = arith.constant 0 : i32
      %dma_wait3A_93 = tpu.memref_slice %arg11[%add3A_24, %dma_wait3A] : memref<10240x128xf32, #tpu.memory_space<vmem_shared>> -> memref<128x128xf32, #tpu.memory_space<vmem_shared>>
      %dma_wait3A_94 = arith.constant 0 : i32
      %dma_wait3A_95 = tpu.memref_slice %arg11[%add3A_24, %dma_wait3A_94] : memref<10240x128xf32, #tpu.memory_space<vmem_shared>> -> memref<128x128xf32, #tpu.memory_space<vmem_shared>>
      tpu.wait_dma2 semaphore(%run_scoped3A : memref<!tpu.dma_semaphore, #tpu.memory_space<semaphore_mem>>) src(%arg9 : memref<128x128xf32, #tpu.memory_space<vmem>>) dst(%dma_wait3A_95 : memref<128x128xf32, #tpu.memory_space<vmem_shared>>)
      tpu.yield
    }) : () -> ()
    %mul3A_25 = arith.constant 640 : i32
    %mul3A_26 = arith.muli %arg1, %mul3A_25 : i32
    %add3A_27 = arith.constant 128 : i32
    %add3A_28 = arith.addi %mul3A_26, %add3A_27 : i32
    "tpu.region"() ({
      %run_scoped3A = tpu.sem_alloc : memref<!tpu.dma_semaphore, #tpu.memory_space<semaphore_mem>>
      %dma_start3A_89 = arith.constant 0 : i32
      %dma_start3A_90 = tpu.memref_slice %arg11[%add3A_28, %dma_start3A_89] : memref<10240x128xf32, #tpu.memory_space<vmem_shared>> -> memref<128x128xf32, #tpu.memory_space<vmem_shared>>
      %dma_start3A_91 = arith.constant 0 : i32
      %dma_start3A_92 = tpu.memref_slice %arg11[%add3A_28, %dma_start3A_91] : memref<10240x128xf32, #tpu.memory_space<vmem_shared>> -> memref<128x128xf32, #tpu.memory_space<vmem_shared>>
      tpu.enqueue_dma source(%arg9 : memref<128x128xf32, #tpu.memory_space<vmem>>) target(%dma_start3A_92 : memref<128x128xf32, #tpu.memory_space<vmem_shared>>) target_semaphore(%run_scoped3A : memref<!tpu.dma_semaphore, #tpu.memory_space<semaphore_mem>>)
      %dma_wait3A = arith.constant 0 : i32
      %dma_wait3A_93 = tpu.memref_slice %arg11[%add3A_28, %dma_wait3A] : memref<10240x128xf32, #tpu.memory_space<vmem_shared>> -> memref<128x128xf32, #tpu.memory_space<vmem_shared>>
      %dma_wait3A_94 = arith.constant 0 : i32
      %dma_wait3A_95 = tpu.memref_slice %arg11[%add3A_28, %dma_wait3A_94] : memref<10240x128xf32, #tpu.memory_space<vmem_shared>> -> memref<128x128xf32, #tpu.memory_space<vmem_shared>>
      tpu.wait_dma2 semaphore(%run_scoped3A : memref<!tpu.dma_semaphore, #tpu.memory_space<semaphore_mem>>) src(%arg9 : memref<128x128xf32, #tpu.memory_space<vmem>>) dst(%dma_wait3A_95 : memref<128x128xf32, #tpu.memory_space<vmem_shared>>)
      tpu.yield
    }) : () -> ()
    %mul3A_29 = arith.constant 640 : i32
    %mul3A_30 = arith.muli %arg1, %mul3A_29 : i32
    %add3A_31 = arith.constant 256 : i32
    %add3A_32 = arith.addi %mul3A_30, %add3A_31 : i32
    "tpu.region"() ({
      %run_scoped3A = tpu.sem_alloc : memref<!tpu.dma_semaphore, #tpu.memory_space<semaphore_mem>>
      %dma_start3A_89 = arith.constant 0 : i32
      %dma_start3A_90 = tpu.memref_slice %arg11[%add3A_32, %dma_start3A_89] : memref<10240x128xf32, #tpu.memory_space<vmem_shared>> -> memref<128x128xf32, #tpu.memory_space<vmem_shared>>
      %dma_start3A_91 = arith.constant 0 : i32
      %dma_start3A_92 = tpu.memref_slice %arg11[%add3A_32, %dma_start3A_91] : memref<10240x128xf32, #tpu.memory_space<vmem_shared>> -> memref<128x128xf32, #tpu.memory_space<vmem_shared>>
      tpu.enqueue_dma source(%arg9 : memref<128x128xf32, #tpu.memory_space<vmem>>) target(%dma_start3A_92 : memref<128x128xf32, #tpu.memory_space<vmem_shared>>) target_semaphore(%run_scoped3A : memref<!tpu.dma_semaphore, #tpu.memory_space<semaphore_mem>>)
      %dma_wait3A = arith.constant 0 : i32
      %dma_wait3A_93 = tpu.memref_slice %arg11[%add3A_32, %dma_wait3A] : memref<10240x128xf32, #tpu.memory_space<vmem_shared>> -> memref<128x128xf32, #tpu.memory_space<vmem_shared>>
      %dma_wait3A_94 = arith.constant 0 : i32
      %dma_wait3A_95 = tpu.memref_slice %arg11[%add3A_32, %dma_wait3A_94] : memref<10240x128xf32, #tpu.memory_space<vmem_shared>> -> memref<128x128xf32, #tpu.memory_space<vmem_shared>>
      tpu.wait_dma2 semaphore(%run_scoped3A : memref<!tpu.dma_semaphore, #tpu.memory_space<semaphore_mem>>) src(%arg9 : memref<128x128xf32, #tpu.memory_space<vmem>>) dst(%dma_wait3A_95 : memref<128x128xf32, #tpu.memory_space<vmem_shared>>)
      tpu.yield
    }) : () -> ()
    %mul3A_33 = arith.constant 640 : i32
    %mul3A_34 = arith.muli %arg1, %mul3A_33 : i32
    %add3A_35 = arith.constant 384 : i32
    %add3A_36 = arith.addi %mul3A_34, %add3A_35 : i32
    "tpu.region"() ({
      %run_scoped3A = tpu.sem_alloc : memref<!tpu.dma_semaphore, #tpu.memory_space<semaphore_mem>>
      %dma_start3A_89 = arith.constant 0 : i32
      %dma_start3A_90 = tpu.memref_slice %arg11[%add3A_36, %dma_start3A_89] : memref<10240x128xf32, #tpu.memory_space<vmem_shared>> -> memref<128x128xf32, #tpu.memory_space<vmem_shared>>
      %dma_start3A_91 = arith.constant 0 : i32
      %dma_start3A_92 = tpu.memref_slice %arg11[%add3A_36, %dma_start3A_91] : memref<10240x128xf32, #tpu.memory_space<vmem_shared>> -> memref<128x128xf32, #tpu.memory_space<vmem_shared>>
      tpu.enqueue_dma source(%arg9 : memref<128x128xf32, #tpu.memory_space<vmem>>) target(%dma_start3A_92 : memref<128x128xf32, #tpu.memory_space<vmem_shared>>) target_semaphore(%run_scoped3A : memref<!tpu.dma_semaphore, #tpu.memory_space<semaphore_mem>>)
      %dma_wait3A = arith.constant 0 : i32
      %dma_wait3A_93 = tpu.memref_slice %arg11[%add3A_36, %dma_wait3A] : memref<10240x128xf32, #tpu.memory_space<vmem_shared>> -> memref<128x128xf32, #tpu.memory_space<vmem_shared>>
      %dma_wait3A_94 = arith.constant 0 : i32
      %dma_wait3A_95 = tpu.memref_slice %arg11[%add3A_36, %dma_wait3A_94] : memref<10240x128xf32, #tpu.memory_space<vmem_shared>> -> memref<128x128xf32, #tpu.memory_space<vmem_shared>>
      tpu.wait_dma2 semaphore(%run_scoped3A : memref<!tpu.dma_semaphore, #tpu.memory_space<semaphore_mem>>) src(%arg9 : memref<128x128xf32, #tpu.memory_space<vmem>>) dst(%dma_wait3A_95 : memref<128x128xf32, #tpu.memory_space<vmem_shared>>)
      tpu.yield
    }) : () -> ()
    %mul3A_37 = arith.constant 640 : i32
    %mul3A_38 = arith.muli %arg1, %mul3A_37 : i32
    %add3A_39 = arith.constant 512 : i32
    %add3A_40 = arith.addi %mul3A_38, %add3A_39 : i32
    "tpu.region"() ({
      %run_scoped3A = tpu.sem_alloc : memref<!tpu.dma_semaphore, #tpu.memory_space<semaphore_mem>>
      %dma_start3A_89 = arith.constant 0 : i32
      %dma_start3A_90 = tpu.memref_slice %arg11[%add3A_40, %dma_start3A_89] : memref<10240x128xf32, #tpu.memory_space<vmem_shared>> -> memref<128x128xf32, #tpu.memory_space<vmem_shared>>
      %dma_start3A_91 = arith.constant 0 : i32
      %dma_start3A_92 = tpu.memref_slice %arg11[%add3A_40, %dma_start3A_91] : memref<10240x128xf32, #tpu.memory_space<vmem_shared>> -> memref<128x128xf32, #tpu.memory_space<vmem_shared>>
      tpu.enqueue_dma source(%arg9 : memref<128x128xf32, #tpu.memory_space<vmem>>) target(%dma_start3A_92 : memref<128x128xf32, #tpu.memory_space<vmem_shared>>) target_semaphore(%run_scoped3A : memref<!tpu.dma_semaphore, #tpu.memory_space<semaphore_mem>>)
      %dma_wait3A = arith.constant 0 : i32
      %dma_wait3A_93 = tpu.memref_slice %arg11[%add3A_40, %dma_wait3A] : memref<10240x128xf32, #tpu.memory_space<vmem_shared>> -> memref<128x128xf32, #tpu.memory_space<vmem_shared>>
      %dma_wait3A_94 = arith.constant 0 : i32
      %dma_wait3A_95 = tpu.memref_slice %arg11[%add3A_40, %dma_wait3A_94] : memref<10240x128xf32, #tpu.memory_space<vmem_shared>> -> memref<128x128xf32, #tpu.memory_space<vmem_shared>>
      tpu.wait_dma2 semaphore(%run_scoped3A : memref<!tpu.dma_semaphore, #tpu.memory_space<semaphore_mem>>) src(%arg9 : memref<128x128xf32, #tpu.memory_space<vmem>>) dst(%dma_wait3A_95 : memref<128x128xf32, #tpu.memory_space<vmem_shared>>)
      tpu.yield
    }) : () -> ()
    %barrier3A = arith.constant 0 : index
    tpu.barrier barrier_id(%barrier3A)
    %dma_start3A = arith.constant 0 : i32
    %dma_start3A_41 = tpu.memref_slice %arg4[%select_n3A_8, %dma_start3A] : memref<2560x128xi32, #tpu.memory_space<hbm>> -> memref<1x128xi32, #tpu.memory_space<hbm>>
    %dma_start3A_42 = tpu.memref_squeeze %dma_start3A_41 : memref<1x128xi32, #tpu.memory_space<hbm>> -> memref<128xi32, #tpu.memory_space<hbm>>
    %dma_start3A_43 = arith.constant 0 : i32
    %dma_start3A_44 = tpu.memref_slice %arg4[%select_n3A_8, %dma_start3A_43] : memref<2560x128xi32, #tpu.memory_space<hbm>> -> memref<1x128xi32, #tpu.memory_space<hbm>>
    %dma_start3A_45 = tpu.memref_squeeze %dma_start3A_44 : memref<1x128xi32, #tpu.memory_space<hbm>> -> memref<128xi32, #tpu.memory_space<hbm>>
    tpu.enqueue_dma source(%dma_start3A_45 : memref<128xi32, #tpu.memory_space<hbm>>) target(%arg7 : memref<128xi32, #tpu.memory_space<vmem>>) target_semaphore(%arg14 : memref<!tpu.dma_semaphore, #tpu.memory_space<semaphore_mem>>)
    %dma_start3A_46 = arith.constant 0 : i32
    %dma_start3A_47 = arith.constant 0 : i32
    %dma_start3A_48 = tpu.memref_slice %arg6[%dma_start3A_46, %dma_start3A_47] : memref<120x128xi32, #tpu.memory_space<vmem>> -> memref<1x128xi32, #tpu.memory_space<vmem>>
    %dma_start3A_49 = tpu.memref_squeeze %dma_start3A_48 : memref<1x128xi32, #tpu.memory_space<vmem>> -> memref<128xi32, #tpu.memory_space<vmem>>
    %dma_start3A_50 = arith.constant 0 : i32
    %dma_start3A_51 = arith.constant 0 : i32
    %dma_start3A_52 = tpu.memref_slice %arg2[%dma_start3A_50, %dma_start3A_51] : memref<10240x128xf32, #tpu.memory_space<hbm>> -> memref<10240x128xf32, #tpu.memory_space<hbm>>
    tpu.enqueue_indirect_dma source(%dma_start3A_52 : memref<10240x128xf32, #tpu.memory_space<hbm>>) target(%arg9 : memref<128x128xf32, #tpu.memory_space<vmem>>) offsets(%dma_start3A_49 : memref<128xi32, #tpu.memory_space<vmem>>) semaphore(%arg12 : memref<!tpu.dma_semaphore, #tpu.memory_space<semaphore_mem>>)
    %jit3A_53 = arith.constant 2 : i32
    %div3A = arith.divsi %select_n3A, %jit3A_53 : i32
    %sign3A = arith.constant 0 : i32
    %sign3A_54 = arith.cmpi sgt, %select_n3A, %sign3A : i32
    %sign3A_55 = arith.extui %sign3A_54 : i1 to i32
    %sign3A_56 = arith.constant 0 : i32
    %sign3A_57 = arith.cmpi slt, %select_n3A, %sign3A_56 : i32
    %sign3A_58 = arith.extui %sign3A_57 : i1 to i32
    %sign3A_59 = arith.subi %sign3A_55, %sign3A_58 : i32
    %sign3A_60 = arith.constant 0 : i32
    %sign3A_61 = arith.cmpi sgt, %jit3A_53, %sign3A_60 : i32
    %sign3A_62 = arith.extui %sign3A_61 : i1 to i32
    %sign3A_63 = arith.constant 0 : i32
    %sign3A_64 = arith.cmpi slt, %jit3A_53, %sign3A_63 : i32
    %sign3A_65 = arith.extui %sign3A_64 : i1 to i32
    %sign3A_66 = arith.subi %sign3A_62, %sign3A_65 : i32
    %ne3A_67 = arith.cmpi ne, %sign3A_59, %sign3A_66 : i32
    %rem3A = arith.remsi %select_n3A, %jit3A_53 : i32
    %ne3A_68 = arith.constant 0 : i32
    %ne3A_69 = arith.cmpi ne, %rem3A, %ne3A_68 : i32
    %and3A = arith.andi %ne3A_67, %ne3A_69 : i1
    %sub3A = arith.constant 1 : i32
    %sub3A_70 = arith.subi %div3A, %sub3A : i32
    %select_n3A_71 = arith.select %and3A, %sub3A_70, %div3A : i32
    %while3A = arith.constant 0 : i32
    %while3A_72 = arith.constant 0 : i32
    %while3A_73 = arith.subi %select_n3A_71, %while3A_72 : i32
    %while3A_74 = arith.addi %while3A_72, %while3A_73 : i32
    %while3A_75 = arith.constant 1 : i32
    %while3A_76 = arith.divsi %while3A_73, %while3A_75 : i32
    %while3A_77 = arith.muli %while3A_76, %while3A_75 : i32
    %while3A_78 = arith.addi %while3A_72, %while3A_77 : i32
    %while3A_79 = arith.constant 1 : i32
    scf.for %while3A_89 = %while3A_72 to %while3A_78 step %while3A_79  : i32 {
      %mul3A_90 = arith.constant 2 : i32
      %mul3A_91 = arith.muli %mul3A_90, %while3A_89 : i32
      %add3A_92 = arith.addi %select_n3A_8, %mul3A_91 : i32
      %add3A_93 = arith.constant 1 : i32
      %add3A_94 = arith.addi %add3A_92, %add3A_93 : i32
      %dma_start3A_95 = arith.constant 0 : i32
      %dma_start3A_96 = tpu.memref_slice %arg4[%add3A_94, %dma_start3A_95] : memref<2560x128xi32, #tpu.memory_space<hbm>> -> memref<1x128xi32, #tpu.memory_space<hbm>>
      %dma_start3A_97 = tpu.memref_squeeze %dma_start3A_96 : memref<1x128xi32, #tpu.memory_space<hbm>> -> memref<128xi32, #tpu.memory_space<hbm>>
      %dma_start3A_98 = arith.constant 0 : i32
      %dma_start3A_99 = tpu.memref_slice %arg4[%add3A_94, %dma_start3A_98] : memref<2560x128xi32, #tpu.memory_space<hbm>> -> memref<1x128xi32, #tpu.memory_space<hbm>>
      %dma_start3A_100 = tpu.memref_squeeze %dma_start3A_99 : memref<1x128xi32, #tpu.memory_space<hbm>> -> memref<128xi32, #tpu.memory_space<hbm>>
      tpu.enqueue_dma source(%dma_start3A_100 : memref<128xi32, #tpu.memory_space<hbm>>) target(%arg8 : memref<128xi32, #tpu.memory_space<vmem>>) target_semaphore(%arg15 : memref<!tpu.dma_semaphore, #tpu.memory_space<semaphore_mem>>)
      %add3A_101 = arith.constant 1 : i32
      %add3A_102 = arith.addi %mul3A_91, %add3A_101 : i32
      %dma_start3A_103 = arith.constant 0 : i32
      %dma_start3A_104 = tpu.memref_slice %arg6[%add3A_102, %dma_start3A_103] : memref<120x128xi32, #tpu.memory_space<vmem>> -> memref<1x128xi32, #tpu.memory_space<vmem>>
      %dma_start3A_105 = tpu.memref_squeeze %dma_start3A_104 : memref<1x128xi32, #tpu.memory_space<vmem>> -> memref<128xi32, #tpu.memory_space<vmem>>
      %dma_start3A_106 = arith.constant 0 : i32
      %dma_start3A_107 = arith.constant 0 : i32
      %dma_start3A_108 = tpu.memref_slice %arg2[%dma_start3A_106, %dma_start3A_107] : memref<10240x128xf32, #tpu.memory_space<hbm>> -> memref<10240x128xf32, #tpu.memory_space<hbm>>
      tpu.enqueue_indirect_dma source(%dma_start3A_108 : memref<10240x128xf32, #tpu.memory_space<hbm>>) target(%arg10 : memref<128x128xf32, #tpu.memory_space<vmem>>) offsets(%dma_start3A_105 : memref<128xi32, #tpu.memory_space<vmem>>) semaphore(%arg13 : memref<!tpu.dma_semaphore, #tpu.memory_space<semaphore_mem>>)
      %add3A_109 = arith.addi %select_n3A_8, %mul3A_91 : i32
      %dma_wait3A = arith.constant 0 : i32
      %dma_wait3A_110 = tpu.memref_slice %arg4[%add3A_109, %dma_wait3A] : memref<2560x128xi32, #tpu.memory_space<hbm>> -> memref<1x128xi32, #tpu.memory_space<hbm>>
      %dma_wait3A_111 = tpu.memref_squeeze %dma_wait3A_110 : memref<1x128xi32, #tpu.memory_space<hbm>> -> memref<128xi32, #tpu.memory_space<hbm>>
      %dma_wait3A_112 = arith.constant 0 : i32
      %dma_wait3A_113 = tpu.memref_slice %arg4[%add3A_109, %dma_wait3A_112] : memref<2560x128xi32, #tpu.memory_space<hbm>> -> memref<1x128xi32, #tpu.memory_space<hbm>>
      %dma_wait3A_114 = tpu.memref_squeeze %dma_wait3A_113 : memref<1x128xi32, #tpu.memory_space<hbm>> -> memref<128xi32, #tpu.memory_space<hbm>>
      tpu.wait_dma2 semaphore(%arg14 : memref<!tpu.dma_semaphore, #tpu.memory_space<semaphore_mem>>) src(%dma_wait3A_114 : memref<128xi32, #tpu.memory_space<hbm>>) dst(%arg7 : memref<128xi32, #tpu.memory_space<vmem>>)
      %dma_wait3A_115 = arith.constant 0 : i32
      %dma_wait3A_116 = tpu.memref_slice %arg6[%mul3A_91, %dma_wait3A_115] : memref<120x128xi32, #tpu.memory_space<vmem>> -> memref<1x128xi32, #tpu.memory_space<vmem>>
      %dma_wait3A_117 = tpu.memref_squeeze %dma_wait3A_116 : memref<1x128xi32, #tpu.memory_space<vmem>> -> memref<128xi32, #tpu.memory_space<vmem>>
      %dma_wait3A_118 = arith.constant 0 : i32
      %dma_wait3A_119 = arith.constant 0 : i32
      %dma_wait3A_120 = tpu.memref_slice %arg2[%dma_wait3A_118, %dma_wait3A_119] : memref<10240x128xf32, #tpu.memory_space<hbm>> -> memref<10240x128xf32, #tpu.memory_space<hbm>>
      tpu.wait_indirect_dma semaphore(%arg12 : memref<!tpu.dma_semaphore, #tpu.memory_space<semaphore_mem>>) src(%dma_wait3A_120 : memref<10240x128xf32, #tpu.memory_space<hbm>>) dst(%arg9 : memref<128x128xf32, #tpu.memory_space<vmem>>)
      "tpu.region"() ({
        %run_scoped3A = tpu.sem_alloc : memref<!tpu.dma_semaphore, #tpu.memory_space<semaphore_mem>>
        %dma_start3A_143 = arith.constant 0 : i32
        %dma_start3A_144 = arith.constant 0 : i32
        %dma_start3A_145 = tpu.memref_slice %arg11[%dma_start3A_143, %dma_start3A_144] : memref<10240x128xf32, #tpu.memory_space<vmem_shared>> -> memref<10240x128xf32, #tpu.memory_space<vmem_shared>>
        tpu.enqueue_indirect_dma source(%arg9 : memref<128x128xf32, #tpu.memory_space<vmem>>) target(%dma_start3A_145 : memref<10240x128xf32, #tpu.memory_space<vmem_shared>>) offsets(%arg7 : memref<128xi32, #tpu.memory_space<vmem>>) semaphore(%run_scoped3A : memref<!tpu.dma_semaphore, #tpu.memory_space<semaphore_mem>>) {add = true}
        %dma_wait3A_146 = arith.constant 0 : i32
        %dma_wait3A_147 = arith.constant 0 : i32
        %dma_wait3A_148 = tpu.memref_slice %arg11[%dma_wait3A_146, %dma_wait3A_147] : memref<10240x128xf32, #tpu.memory_space<vmem_shared>> -> memref<10240x128xf32, #tpu.memory_space<vmem_shared>>
        tpu.wait_indirect_dma semaphore(%run_scoped3A : memref<!tpu.dma_semaphore, #tpu.memory_space<semaphore_mem>>) src(%arg9 : memref<128x128xf32, #tpu.memory_space<vmem>>) dst(%dma_wait3A_148 : memref<10240x128xf32, #tpu.memory_space<vmem_shared>>)
        tpu.yield
      }) : () -> ()
      %add3A_121 = arith.constant 2 : i32
      %add3A_122 = arith.addi %mul3A_91, %add3A_121 : i32
      %lt3A = arith.cmpi slt, %add3A_122, %select_n3A : i32
      %convert_element_type3A_123 = arith.extui %lt3A : i1 to i32
      %cond3A_124 = arith.constant 0 : i32
      %cond3A_125 = arith.cmpi ne, %convert_element_type3A_123, %cond3A_124 : i32
      scf.if %cond3A_125 {
        %add3A_143 = arith.addi %select_n3A_8, %mul3A_91 : i32
        %add3A_144 = arith.constant 2 : i32
        %add3A_145 = arith.addi %add3A_143, %add3A_144 : i32
        %dma_start3A_146 = arith.constant 0 : i32
        %dma_start3A_147 = tpu.memref_slice %arg4[%add3A_145, %dma_start3A_146] : memref<2560x128xi32, #tpu.memory_space<hbm>> -> memref<1x128xi32, #tpu.memory_space<hbm>>
        %dma_start3A_148 = tpu.memref_squeeze %dma_start3A_147 : memref<1x128xi32, #tpu.memory_space<hbm>> -> memref<128xi32, #tpu.memory_space<hbm>>
        %dma_start3A_149 = arith.constant 0 : i32
        %dma_start3A_150 = tpu.memref_slice %arg4[%add3A_145, %dma_start3A_149] : memref<2560x128xi32, #tpu.memory_space<hbm>> -> memref<1x128xi32, #tpu.memory_space<hbm>>
        %dma_start3A_151 = tpu.memref_squeeze %dma_start3A_150 : memref<1x128xi32, #tpu.memory_space<hbm>> -> memref<128xi32, #tpu.memory_space<hbm>>
        tpu.enqueue_dma source(%dma_start3A_151 : memref<128xi32, #tpu.memory_space<hbm>>) target(%arg7 : memref<128xi32, #tpu.memory_space<vmem>>) target_semaphore(%arg14 : memref<!tpu.dma_semaphore, #tpu.memory_space<semaphore_mem>>)
        %add3A_152 = arith.constant 2 : i32
        %add3A_153 = arith.addi %mul3A_91, %add3A_152 : i32
        %dma_start3A_154 = arith.constant 0 : i32
        %dma_start3A_155 = tpu.memref_slice %arg6[%add3A_153, %dma_start3A_154] : memref<120x128xi32, #tpu.memory_space<vmem>> -> memref<1x128xi32, #tpu.memory_space<vmem>>
        %dma_start3A_156 = tpu.memref_squeeze %dma_start3A_155 : memref<1x128xi32, #tpu.memory_space<vmem>> -> memref<128xi32, #tpu.memory_space<vmem>>
        %dma_start3A_157 = arith.constant 0 : i32
        %dma_start3A_158 = arith.constant 0 : i32
        %dma_start3A_159 = tpu.memref_slice %arg2[%dma_start3A_157, %dma_start3A_158] : memref<10240x128xf32, #tpu.memory_space<hbm>> -> memref<10240x128xf32, #tpu.memory_space<hbm>>
        tpu.enqueue_indirect_dma source(%dma_start3A_159 : memref<10240x128xf32, #tpu.memory_space<hbm>>) target(%arg9 : memref<128x128xf32, #tpu.memory_space<vmem>>) offsets(%dma_start3A_156 : memref<128xi32, #tpu.memory_space<vmem>>) semaphore(%arg12 : memref<!tpu.dma_semaphore, #tpu.memory_space<semaphore_mem>>)
      } else {
      }
      %add3A_126 = arith.addi %select_n3A_8, %mul3A_91 : i32
      %add3A_127 = arith.constant 1 : i32
      %add3A_128 = arith.addi %add3A_126, %add3A_127 : i32
      %dma_wait3A_129 = arith.constant 0 : i32
      %dma_wait3A_130 = tpu.memref_slice %arg4[%add3A_128, %dma_wait3A_129] : memref<2560x128xi32, #tpu.memory_space<hbm>> -> memref<1x128xi32, #tpu.memory_space<hbm>>
      %dma_wait3A_131 = tpu.memref_squeeze %dma_wait3A_130 : memref<1x128xi32, #tpu.memory_space<hbm>> -> memref<128xi32, #tpu.memory_space<hbm>>
      %dma_wait3A_132 = arith.constant 0 : i32
      %dma_wait3A_133 = tpu.memref_slice %arg4[%add3A_128, %dma_wait3A_132] : memref<2560x128xi32, #tpu.memory_space<hbm>> -> memref<1x128xi32, #tpu.memory_space<hbm>>
      %dma_wait3A_134 = tpu.memref_squeeze %dma_wait3A_133 : memref<1x128xi32, #tpu.memory_space<hbm>> -> memref<128xi32, #tpu.memory_space<hbm>>
      tpu.wait_dma2 semaphore(%arg15 : memref<!tpu.dma_semaphore, #tpu.memory_space<semaphore_mem>>) src(%dma_wait3A_134 : memref<128xi32, #tpu.memory_space<hbm>>) dst(%arg8 : memref<128xi32, #tpu.memory_space<vmem>>)
      %add3A_135 = arith.constant 1 : i32
      %add3A_136 = arith.addi %mul3A_91, %add3A_135 : i32
      %dma_wait3A_137 = arith.constant 0 : i32
      %dma_wait3A_138 = tpu.memref_slice %arg6[%add3A_136, %dma_wait3A_137] : memref<120x128xi32, #tpu.memory_space<vmem>> -> memref<1x128xi32, #tpu.memory_space<vmem>>
      %dma_wait3A_139 = tpu.memref_squeeze %dma_wait3A_138 : memref<1x128xi32, #tpu.memory_space<vmem>> -> memref<128xi32, #tpu.memory_space<vmem>>
      %dma_wait3A_140 = arith.constant 0 : i32
      %dma_wait3A_141 = arith.constant 0 : i32
      %dma_wait3A_142 = tpu.memref_slice %arg2[%dma_wait3A_140, %dma_wait3A_141] : memref<10240x128xf32, #tpu.memory_space<hbm>> -> memref<10240x128xf32, #tpu.memory_space<hbm>>
      tpu.wait_indirect_dma semaphore(%arg13 : memref<!tpu.dma_semaphore, #tpu.memory_space<semaphore_mem>>) src(%dma_wait3A_142 : memref<10240x128xf32, #tpu.memory_space<hbm>>) dst(%arg10 : memref<128x128xf32, #tpu.memory_space<vmem>>)
      "tpu.region"() ({
        %run_scoped3A = tpu.sem_alloc : memref<!tpu.dma_semaphore, #tpu.memory_space<semaphore_mem>>
        %dma_start3A_143 = arith.constant 0 : i32
        %dma_start3A_144 = arith.constant 0 : i32
        %dma_start3A_145 = tpu.memref_slice %arg11[%dma_start3A_143, %dma_start3A_144] : memref<10240x128xf32, #tpu.memory_space<vmem_shared>> -> memref<10240x128xf32, #tpu.memory_space<vmem_shared>>
        tpu.enqueue_indirect_dma source(%arg10 : memref<128x128xf32, #tpu.memory_space<vmem>>) target(%dma_start3A_145 : memref<10240x128xf32, #tpu.memory_space<vmem_shared>>) offsets(%arg8 : memref<128xi32, #tpu.memory_space<vmem>>) semaphore(%run_scoped3A : memref<!tpu.dma_semaphore, #tpu.memory_space<semaphore_mem>>) {add = true}
        %dma_wait3A_146 = arith.constant 0 : i32
        %dma_wait3A_147 = arith.constant 0 : i32
        %dma_wait3A_148 = tpu.memref_slice %arg11[%dma_wait3A_146, %dma_wait3A_147] : memref<10240x128xf32, #tpu.memory_space<vmem_shared>> -> memref<10240x128xf32, #tpu.memory_space<vmem_shared>>
        tpu.wait_indirect_dma semaphore(%run_scoped3A : memref<!tpu.dma_semaphore, #tpu.memory_space<semaphore_mem>>) src(%arg10 : memref<128x128xf32, #tpu.memory_space<vmem>>) dst(%dma_wait3A_148 : memref<10240x128xf32, #tpu.memory_space<vmem_shared>>)
        tpu.yield
      }) : () -> ()
    }
    %while3A_80 = arith.constant 1 : i32
    scf.for %while3A_89 = %while3A_78 to %while3A_74 step %while3A_80  : i32 {
      %mul3A_90 = arith.constant 2 : i32
      %mul3A_91 = arith.muli %mul3A_90, %while3A_89 : i32
      %add3A_92 = arith.addi %select_n3A_8, %mul3A_91 : i32
      %add3A_93 = arith.constant 1 : i32
      %add3A_94 = arith.addi %add3A_92, %add3A_93 : i32
      %dma_start3A_95 = arith.constant 0 : i32
      %dma_start3A_96 = tpu.memref_slice %arg4[%add3A_94, %dma_start3A_95] : memref<2560x128xi32, #tpu.memory_space<hbm>> -> memref<1x128xi32, #tpu.memory_space<hbm>>
      %dma_start3A_97 = tpu.memref_squeeze %dma_start3A_96 : memref<1x128xi32, #tpu.memory_space<hbm>> -> memref<128xi32, #tpu.memory_space<hbm>>
      %dma_start3A_98 = arith.constant 0 : i32
      %dma_start3A_99 = tpu.memref_slice %arg4[%add3A_94, %dma_start3A_98] : memref<2560x128xi32, #tpu.memory_space<hbm>> -> memref<1x128xi32, #tpu.memory_space<hbm>>
      %dma_start3A_100 = tpu.memref_squeeze %dma_start3A_99 : memref<1x128xi32, #tpu.memory_space<hbm>> -> memref<128xi32, #tpu.memory_space<hbm>>
      tpu.enqueue_dma source(%dma_start3A_100 : memref<128xi32, #tpu.memory_space<hbm>>) target(%arg8 : memref<128xi32, #tpu.memory_space<vmem>>) target_semaphore(%arg15 : memref<!tpu.dma_semaphore, #tpu.memory_space<semaphore_mem>>)
      %add3A_101 = arith.constant 1 : i32
      %add3A_102 = arith.addi %mul3A_91, %add3A_101 : i32
      %dma_start3A_103 = arith.constant 0 : i32
      %dma_start3A_104 = tpu.memref_slice %arg6[%add3A_102, %dma_start3A_103] : memref<120x128xi32, #tpu.memory_space<vmem>> -> memref<1x128xi32, #tpu.memory_space<vmem>>
      %dma_start3A_105 = tpu.memref_squeeze %dma_start3A_104 : memref<1x128xi32, #tpu.memory_space<vmem>> -> memref<128xi32, #tpu.memory_space<vmem>>
      %dma_start3A_106 = arith.constant 0 : i32
      %dma_start3A_107 = arith.constant 0 : i32
      %dma_start3A_108 = tpu.memref_slice %arg2[%dma_start3A_106, %dma_start3A_107] : memref<10240x128xf32, #tpu.memory_space<hbm>> -> memref<10240x128xf32, #tpu.memory_space<hbm>>
      tpu.enqueue_indirect_dma source(%dma_start3A_108 : memref<10240x128xf32, #tpu.memory_space<hbm>>) target(%arg10 : memref<128x128xf32, #tpu.memory_space<vmem>>) offsets(%dma_start3A_105 : memref<128xi32, #tpu.memory_space<vmem>>) semaphore(%arg13 : memref<!tpu.dma_semaphore, #tpu.memory_space<semaphore_mem>>)
      %add3A_109 = arith.addi %select_n3A_8, %mul3A_91 : i32
      %dma_wait3A = arith.constant 0 : i32
      %dma_wait3A_110 = tpu.memref_slice %arg4[%add3A_109, %dma_wait3A] : memref<2560x128xi32, #tpu.memory_space<hbm>> -> memref<1x128xi32, #tpu.memory_space<hbm>>
      %dma_wait3A_111 = tpu.memref_squeeze %dma_wait3A_110 : memref<1x128xi32, #tpu.memory_space<hbm>> -> memref<128xi32, #tpu.memory_space<hbm>>
      %dma_wait3A_112 = arith.constant 0 : i32
      %dma_wait3A_113 = tpu.memref_slice %arg4[%add3A_109, %dma_wait3A_112] : memref<2560x128xi32, #tpu.memory_space<hbm>> -> memref<1x128xi32, #tpu.memory_space<hbm>>
      %dma_wait3A_114 = tpu.memref_squeeze %dma_wait3A_113 : memref<1x128xi32, #tpu.memory_space<hbm>> -> memref<128xi32, #tpu.memory_space<hbm>>
      tpu.wait_dma2 semaphore(%arg14 : memref<!tpu.dma_semaphore, #tpu.memory_space<semaphore_mem>>) src(%dma_wait3A_114 : memref<128xi32, #tpu.memory_space<hbm>>) dst(%arg7 : memref<128xi32, #tpu.memory_space<vmem>>)
      %dma_wait3A_115 = arith.constant 0 : i32
      %dma_wait3A_116 = tpu.memref_slice %arg6[%mul3A_91, %dma_wait3A_115] : memref<120x128xi32, #tpu.memory_space<vmem>> -> memref<1x128xi32, #tpu.memory_space<vmem>>
      %dma_wait3A_117 = tpu.memref_squeeze %dma_wait3A_116 : memref<1x128xi32, #tpu.memory_space<vmem>> -> memref<128xi32, #tpu.memory_space<vmem>>
      %dma_wait3A_118 = arith.constant 0 : i32
      %dma_wait3A_119 = arith.constant 0 : i32
      %dma_wait3A_120 = tpu.memref_slice %arg2[%dma_wait3A_118, %dma_wait3A_119] : memref<10240x128xf32, #tpu.memory_space<hbm>> -> memref<10240x128xf32, #tpu.memory_space<hbm>>
      tpu.wait_indirect_dma semaphore(%arg12 : memref<!tpu.dma_semaphore, #tpu.memory_space<semaphore_mem>>) src(%dma_wait3A_120 : memref<10240x128xf32, #tpu.memory_space<hbm>>) dst(%arg9 : memref<128x128xf32, #tpu.memory_space<vmem>>)
      "tpu.region"() ({
        %run_scoped3A = tpu.sem_alloc : memref<!tpu.dma_semaphore, #tpu.memory_space<semaphore_mem>>
        %dma_start3A_143 = arith.constant 0 : i32
        %dma_start3A_144 = arith.constant 0 : i32
        %dma_start3A_145 = tpu.memref_slice %arg11[%dma_start3A_143, %dma_start3A_144] : memref<10240x128xf32, #tpu.memory_space<vmem_shared>> -> memref<10240x128xf32, #tpu.memory_space<vmem_shared>>
        tpu.enqueue_indirect_dma source(%arg9 : memref<128x128xf32, #tpu.memory_space<vmem>>) target(%dma_start3A_145 : memref<10240x128xf32, #tpu.memory_space<vmem_shared>>) offsets(%arg7 : memref<128xi32, #tpu.memory_space<vmem>>) semaphore(%run_scoped3A : memref<!tpu.dma_semaphore, #tpu.memory_space<semaphore_mem>>) {add = true}
        %dma_wait3A_146 = arith.constant 0 : i32
        %dma_wait3A_147 = arith.constant 0 : i32
        %dma_wait3A_148 = tpu.memref_slice %arg11[%dma_wait3A_146, %dma_wait3A_147] : memref<10240x128xf32, #tpu.memory_space<vmem_shared>> -> memref<10240x128xf32, #tpu.memory_space<vmem_shared>>
        tpu.wait_indirect_dma semaphore(%run_scoped3A : memref<!tpu.dma_semaphore, #tpu.memory_space<semaphore_mem>>) src(%arg9 : memref<128x128xf32, #tpu.memory_space<vmem>>) dst(%dma_wait3A_148 : memref<10240x128xf32, #tpu.memory_space<vmem_shared>>)
        tpu.yield
      }) : () -> ()
      %add3A_121 = arith.constant 2 : i32
      %add3A_122 = arith.addi %mul3A_91, %add3A_121 : i32
      %lt3A = arith.cmpi slt, %add3A_122, %select_n3A : i32
      %convert_element_type3A_123 = arith.extui %lt3A : i1 to i32
      %cond3A_124 = arith.constant 0 : i32
      %cond3A_125 = arith.cmpi ne, %convert_element_type3A_123, %cond3A_124 : i32
      scf.if %cond3A_125 {
        %add3A_143 = arith.addi %select_n3A_8, %mul3A_91 : i32
        %add3A_144 = arith.constant 2 : i32
        %add3A_145 = arith.addi %add3A_143, %add3A_144 : i32
        %dma_start3A_146 = arith.constant 0 : i32
        %dma_start3A_147 = tpu.memref_slice %arg4[%add3A_145, %dma_start3A_146] : memref<2560x128xi32, #tpu.memory_space<hbm>> -> memref<1x128xi32, #tpu.memory_space<hbm>>
        %dma_start3A_148 = tpu.memref_squeeze %dma_start3A_147 : memref<1x128xi32, #tpu.memory_space<hbm>> -> memref<128xi32, #tpu.memory_space<hbm>>
        %dma_start3A_149 = arith.constant 0 : i32
        %dma_start3A_150 = tpu.memref_slice %arg4[%add3A_145, %dma_start3A_149] : memref<2560x128xi32, #tpu.memory_space<hbm>> -> memref<1x128xi32, #tpu.memory_space<hbm>>
        %dma_start3A_151 = tpu.memref_squeeze %dma_start3A_150 : memref<1x128xi32, #tpu.memory_space<hbm>> -> memref<128xi32, #tpu.memory_space<hbm>>
        tpu.enqueue_dma source(%dma_start3A_151 : memref<128xi32, #tpu.memory_space<hbm>>) target(%arg7 : memref<128xi32, #tpu.memory_space<vmem>>) target_semaphore(%arg14 : memref<!tpu.dma_semaphore, #tpu.memory_space<semaphore_mem>>)
        %add3A_152 = arith.constant 2 : i32
        %add3A_153 = arith.addi %mul3A_91, %add3A_152 : i32
        %dma_start3A_154 = arith.constant 0 : i32
        %dma_start3A_155 = tpu.memref_slice %arg6[%add3A_153, %dma_start3A_154] : memref<120x128xi32, #tpu.memory_space<vmem>> -> memref<1x128xi32, #tpu.memory_space<vmem>>
        %dma_start3A_156 = tpu.memref_squeeze %dma_start3A_155 : memref<1x128xi32, #tpu.memory_space<vmem>> -> memref<128xi32, #tpu.memory_space<vmem>>
        %dma_start3A_157 = arith.constant 0 : i32
        %dma_start3A_158 = arith.constant 0 : i32
        %dma_start3A_159 = tpu.memref_slice %arg2[%dma_start3A_157, %dma_start3A_158] : memref<10240x128xf32, #tpu.memory_space<hbm>> -> memref<10240x128xf32, #tpu.memory_space<hbm>>
        tpu.enqueue_indirect_dma source(%dma_start3A_159 : memref<10240x128xf32, #tpu.memory_space<hbm>>) target(%arg9 : memref<128x128xf32, #tpu.memory_space<vmem>>) offsets(%dma_start3A_156 : memref<128xi32, #tpu.memory_space<vmem>>) semaphore(%arg12 : memref<!tpu.dma_semaphore, #tpu.memory_space<semaphore_mem>>)
      } else {
      }
      %add3A_126 = arith.addi %select_n3A_8, %mul3A_91 : i32
      %add3A_127 = arith.constant 1 : i32
      %add3A_128 = arith.addi %add3A_126, %add3A_127 : i32
      %dma_wait3A_129 = arith.constant 0 : i32
      %dma_wait3A_130 = tpu.memref_slice %arg4[%add3A_128, %dma_wait3A_129] : memref<2560x128xi32, #tpu.memory_space<hbm>> -> memref<1x128xi32, #tpu.memory_space<hbm>>
      %dma_wait3A_131 = tpu.memref_squeeze %dma_wait3A_130 : memref<1x128xi32, #tpu.memory_space<hbm>> -> memref<128xi32, #tpu.memory_space<hbm>>
      %dma_wait3A_132 = arith.constant 0 : i32
      %dma_wait3A_133 = tpu.memref_slice %arg4[%add3A_128, %dma_wait3A_132] : memref<2560x128xi32, #tpu.memory_space<hbm>> -> memref<1x128xi32, #tpu.memory_space<hbm>>
      %dma_wait3A_134 = tpu.memref_squeeze %dma_wait3A_133 : memref<1x128xi32, #tpu.memory_space<hbm>> -> memref<128xi32, #tpu.memory_space<hbm>>
      tpu.wait_dma2 semaphore(%arg15 : memref<!tpu.dma_semaphore, #tpu.memory_space<semaphore_mem>>) src(%dma_wait3A_134 : memref<128xi32, #tpu.memory_space<hbm>>) dst(%arg8 : memref<128xi32, #tpu.memory_space<vmem>>)
      %add3A_135 = arith.constant 1 : i32
      %add3A_136 = arith.addi %mul3A_91, %add3A_135 : i32
      %dma_wait3A_137 = arith.constant 0 : i32
      %dma_wait3A_138 = tpu.memref_slice %arg6[%add3A_136, %dma_wait3A_137] : memref<120x128xi32, #tpu.memory_space<vmem>> -> memref<1x128xi32, #tpu.memory_space<vmem>>
      %dma_wait3A_139 = tpu.memref_squeeze %dma_wait3A_138 : memref<1x128xi32, #tpu.memory_space<vmem>> -> memref<128xi32, #tpu.memory_space<vmem>>
      %dma_wait3A_140 = arith.constant 0 : i32
      %dma_wait3A_141 = arith.constant 0 : i32
      %dma_wait3A_142 = tpu.memref_slice %arg2[%dma_wait3A_140, %dma_wait3A_141] : memref<10240x128xf32, #tpu.memory_space<hbm>> -> memref<10240x128xf32, #tpu.memory_space<hbm>>
      tpu.wait_indirect_dma semaphore(%arg13 : memref<!tpu.dma_semaphore, #tpu.memory_space<semaphore_mem>>) src(%dma_wait3A_142 : memref<10240x128xf32, #tpu.memory_space<hbm>>) dst(%arg10 : memref<128x128xf32, #tpu.memory_space<vmem>>)
      "tpu.region"() ({
        %run_scoped3A = tpu.sem_alloc : memref<!tpu.dma_semaphore, #tpu.memory_space<semaphore_mem>>
        %dma_start3A_143 = arith.constant 0 : i32
        %dma_start3A_144 = arith.constant 0 : i32
        %dma_start3A_145 = tpu.memref_slice %arg11[%dma_start3A_143, %dma_start3A_144] : memref<10240x128xf32, #tpu.memory_space<vmem_shared>> -> memref<10240x128xf32, #tpu.memory_space<vmem_shared>>
        tpu.enqueue_indirect_dma source(%arg10 : memref<128x128xf32, #tpu.memory_space<vmem>>) target(%dma_start3A_145 : memref<10240x128xf32, #tpu.memory_space<vmem_shared>>) offsets(%arg8 : memref<128xi32, #tpu.memory_space<vmem>>) semaphore(%run_scoped3A : memref<!tpu.dma_semaphore, #tpu.memory_space<semaphore_mem>>) {add = true}
        %dma_wait3A_146 = arith.constant 0 : i32
        %dma_wait3A_147 = arith.constant 0 : i32
        %dma_wait3A_148 = tpu.memref_slice %arg11[%dma_wait3A_146, %dma_wait3A_147] : memref<10240x128xf32, #tpu.memory_space<vmem_shared>> -> memref<10240x128xf32, #tpu.memory_space<vmem_shared>>
        tpu.wait_indirect_dma semaphore(%run_scoped3A : memref<!tpu.dma_semaphore, #tpu.memory_space<semaphore_mem>>) src(%arg10 : memref<128x128xf32, #tpu.memory_space<vmem>>) dst(%dma_wait3A_148 : memref<10240x128xf32, #tpu.memory_space<vmem_shared>>)
        tpu.yield
      }) : () -> ()
    }
    %barrier3A_81 = arith.constant 0 : index
    tpu.barrier barrier_id(%barrier3A_81)
    %mul3A_82 = arith.constant 640 : i32
    %mul3A_83 = arith.muli %arg1, %mul3A_82 : i32
    %mul3A_84 = arith.constant 10240 : i32
    %mul3A_85 = arith.muli %arg0, %mul3A_84 : i32
    %mul3A_86 = arith.constant 640 : i32
    %mul3A_87 = arith.muli %arg1, %mul3A_86 : i32
    %add3A_88 = arith.addi %mul3A_85, %mul3A_87 : i32
    "tpu.region"() ({
      %run_scoped3A = tpu.sem_alloc : memref<!tpu.dma_semaphore, #tpu.memory_space<semaphore_mem>>
      %dma_start3A_89 = arith.constant 0 : i32
      %dma_start3A_90 = tpu.memref_slice %arg5[%add3A_88, %dma_start3A_89] : memref<20480x128xf32, #tpu.memory_space<hbm>> -> memref<640x128xf32, #tpu.memory_space<hbm>>
      %dma_start3A_91 = arith.constant 0 : i32
      %dma_start3A_92 = tpu.memref_slice %arg11[%mul3A_83, %dma_start3A_91] : memref<10240x128xf32, #tpu.memory_space<vmem_shared>> -> memref<640x128xf32, #tpu.memory_space<vmem_shared>>
      tpu.enqueue_dma source(%dma_start3A_92 : memref<640x128xf32, #tpu.memory_space<vmem_shared>>) target(%dma_start3A_90 : memref<640x128xf32, #tpu.memory_space<hbm>>) target_semaphore(%run_scoped3A : memref<!tpu.dma_semaphore, #tpu.memory_space<semaphore_mem>>)
      %dma_wait3A = arith.constant 0 : i32
      %dma_wait3A_93 = tpu.memref_slice %arg5[%add3A_88, %dma_wait3A] : memref<20480x128xf32, #tpu.memory_space<hbm>> -> memref<640x128xf32, #tpu.memory_space<hbm>>
      %dma_wait3A_94 = arith.constant 0 : i32
      %dma_wait3A_95 = tpu.memref_slice %arg11[%mul3A_83, %dma_wait3A_94] : memref<10240x128xf32, #tpu.memory_space<vmem_shared>> -> memref<640x128xf32, #tpu.memory_space<vmem_shared>>
      tpu.wait_dma2 semaphore(%run_scoped3A : memref<!tpu.dma_semaphore, #tpu.memory_space<semaphore_mem>>) src(%dma_wait3A_95 : memref<640x128xf32, #tpu.memory_space<vmem_shared>>) dst(%dma_wait3A_93 : memref<640x128xf32, #tpu.memory_space<hbm>>)
      tpu.yield
    }) : () -> ()
    return
  }
}

#map = affine_map<(d0, d1) -> (0, 0)>
module attributes {stable_mosaic.version = 14 : i64} {
  func.func @_edge_body(%arg0: i32, %arg1: i32, %arg2: memref<10240x128xf32, #tpu.memory_space<hbm>>, %arg3: memref<2560x128xi32, #tpu.memory_space<hbm>>, %arg4: memref<2560x128xi32, #tpu.memory_space<hbm>>, %arg5: memref<20480x128xf32, #tpu.memory_space<hbm>>, %arg6: memref<120x128xi32, #tpu.memory_space<vmem>>, %arg7: memref<128xi32, #tpu.memory_space<vmem>>, %arg8: memref<128xi32, #tpu.memory_space<vmem>>, %arg9: memref<128x128xf32, #tpu.memory_space<vmem>>, %arg10: memref<128x128xf32, #tpu.memory_space<vmem>>, %arg11: memref<10240x128xf32, #tpu.memory_space<vmem_shared>>, %arg12: memref<!tpu.dma_semaphore, #tpu.memory_space<semaphore_mem>>, %arg13: memref<!tpu.dma_semaphore, #tpu.memory_space<semaphore_mem>>, %arg14: memref<!tpu.dma_semaphore, #tpu.memory_space<semaphore_mem>>, %arg15: memref<!tpu.dma_semaphore, #tpu.memory_space<semaphore_mem>>) attributes {dimension_semantics = [#tpu.dimension_semantics<core_parallel>, #tpu.dimension_semantics<subcore_parallel>], iteration_bounds = array<i64: 2, 16>, scalar_prefetch = 0 : i64, scratch_operands = 10 : i64, tpu.core_type = #tpu.core_type<sc_vector_subcore>, window_params = [{transform_indices = #map}, {transform_indices = #map}, {transform_indices = #map}, {transform_indices = #map}]} {
    %eq3A = arith.constant 0 : i32
    %eq3A_0 = arith.cmpi eq, %arg0, %eq3A : i32
    %jit3A = arith.constant 120 : i32
    %jit3A_1 = arith.constant 40 : i32
    %select_n3A = arith.select %eq3A_0, %jit3A, %jit3A_1 : i32
    %eq3A_2 = arith.constant 0 : i32
    %eq3A_3 = arith.cmpi eq, %arg0, %eq3A_2 : i32
    %mul3A = arith.constant 120 : i32
    %mul3A_4 = arith.muli %arg1, %mul3A : i32
    %mul3A_5 = arith.constant 40 : i32
    %mul3A_6 = arith.muli %arg1, %mul3A_5 : i32
    %add3A = arith.constant 1920 : i32
    %add3A_7 = arith.addi %add3A, %mul3A_6 : i32
    %select_n3A_8 = arith.select %eq3A_3, %mul3A_4, %add3A_7 : i32
    %eq3A_9 = arith.constant 0 : i32
    %eq3A_10 = arith.cmpi eq, %arg0, %eq3A_9 : i32
    %convert_element_type3A = arith.extui %eq3A_10 : i1 to i32
    %cond3A = arith.constant 0 : i32
    %cond3A_11 = arith.cmpi ne, %convert_element_type3A, %cond3A : i32
    scf.if %cond3A_11 {
      "tpu.region"() ({
        %run_scoped3A = tpu.sem_alloc : memref<!tpu.dma_semaphore, #tpu.memory_space<semaphore_mem>>
        %dma_start3A_89 = arith.constant 0 : i32
        %dma_start3A_90 = tpu.memref_slice %arg3[%select_n3A_8, %dma_start3A_89] : memref<2560x128xi32, #tpu.memory_space<hbm>> -> memref<120x128xi32, #tpu.memory_space<hbm>>
        %dma_start3A_91 = arith.constant 0 : i32
        %dma_start3A_92 = tpu.memref_slice %arg3[%select_n3A_8, %dma_start3A_91] : memref<2560x128xi32, #tpu.memory_space<hbm>> -> memref<120x128xi32, #tpu.memory_space<hbm>>
        tpu.enqueue_dma source(%dma_start3A_92 : memref<120x128xi32, #tpu.memory_space<hbm>>) target(%arg6 : memref<120x128xi32, #tpu.memory_space<vmem>>) target_semaphore(%run_scoped3A : memref<!tpu.dma_semaphore, #tpu.memory_space<semaphore_mem>>)
        %dma_wait3A = arith.constant 0 : i32
        %dma_wait3A_93 = tpu.memref_slice %arg3[%select_n3A_8, %dma_wait3A] : memref<2560x128xi32, #tpu.memory_space<hbm>> -> memref<120x128xi32, #tpu.memory_space<hbm>>
        %dma_wait3A_94 = arith.constant 0 : i32
        %dma_wait3A_95 = tpu.memref_slice %arg3[%select_n3A_8, %dma_wait3A_94] : memref<2560x128xi32, #tpu.memory_space<hbm>> -> memref<120x128xi32, #tpu.memory_space<hbm>>
        tpu.wait_dma2 semaphore(%run_scoped3A : memref<!tpu.dma_semaphore, #tpu.memory_space<semaphore_mem>>) src(%dma_wait3A_95 : memref<120x128xi32, #tpu.memory_space<hbm>>) dst(%arg6 : memref<120x128xi32, #tpu.memory_space<vmem>>)
        tpu.yield
      }) : () -> ()
    } else {
    }
    %ne3A = arith.constant 0 : i32
    %ne3A_12 = arith.cmpi ne, %arg0, %ne3A : i32
    %convert_element_type3A_13 = arith.extui %ne3A_12 : i1 to i32
    %cond3A_14 = arith.constant 0 : i32
    %cond3A_15 = arith.cmpi ne, %convert_element_type3A_13, %cond3A_14 : i32
    scf.if %cond3A_15 {
      "tpu.region"() ({
        %run_scoped3A = tpu.sem_alloc : memref<!tpu.dma_semaphore, #tpu.memory_space<semaphore_mem>>
        %dma_start3A_89 = arith.constant 0 : i32
        %dma_start3A_90 = arith.constant 0 : i32
        %dma_start3A_91 = tpu.memref_slice %arg6[%dma_start3A_89, %dma_start3A_90] : memref<120x128xi32, #tpu.memory_space<vmem>> -> memref<40x128xi32, #tpu.memory_space<vmem>>
        %dma_start3A_92 = arith.constant 0 : i32
        %dma_start3A_93 = tpu.memref_slice %arg3[%select_n3A_8, %dma_start3A_92] : memref<2560x128xi32, #tpu.memory_space<hbm>> -> memref<40x128xi32, #tpu.memory_space<hbm>>
        %dma_start3A_94 = arith.constant 0 : i32
        %dma_start3A_95 = arith.constant 0 : i32
        %dma_start3A_96 = tpu.memref_slice %arg6[%dma_start3A_94, %dma_start3A_95] : memref<120x128xi32, #tpu.memory_space<vmem>> -> memref<40x128xi32, #tpu.memory_space<vmem>>
        %dma_start3A_97 = arith.constant 0 : i32
        %dma_start3A_98 = tpu.memref_slice %arg3[%select_n3A_8, %dma_start3A_97] : memref<2560x128xi32, #tpu.memory_space<hbm>> -> memref<40x128xi32, #tpu.memory_space<hbm>>
        tpu.enqueue_dma source(%dma_start3A_98 : memref<40x128xi32, #tpu.memory_space<hbm>>) target(%dma_start3A_96 : memref<40x128xi32, #tpu.memory_space<vmem>>) target_semaphore(%run_scoped3A : memref<!tpu.dma_semaphore, #tpu.memory_space<semaphore_mem>>)
        %dma_wait3A = arith.constant 0 : i32
        %dma_wait3A_99 = arith.constant 0 : i32
        %dma_wait3A_100 = tpu.memref_slice %arg6[%dma_wait3A, %dma_wait3A_99] : memref<120x128xi32, #tpu.memory_space<vmem>> -> memref<40x128xi32, #tpu.memory_space<vmem>>
        %dma_wait3A_101 = arith.constant 0 : i32
        %dma_wait3A_102 = tpu.memref_slice %arg3[%select_n3A_8, %dma_wait3A_101] : memref<2560x128xi32, #tpu.memory_space<hbm>> -> memref<40x128xi32, #tpu.memory_space<hbm>>
        %dma_wait3A_103 = arith.constant 0 : i32
        %dma_wait3A_104 = arith.constant 0 : i32
        %dma_wait3A_105 = tpu.memref_slice %arg6[%dma_wait3A_103, %dma_wait3A_104] : memref<120x128xi32, #tpu.memory_space<vmem>> -> memref<40x128xi32, #tpu.memory_space<vmem>>
        %dma_wait3A_106 = arith.constant 0 : i32
        %dma_wait3A_107 = tpu.memref_slice %arg3[%select_n3A_8, %dma_wait3A_106] : memref<2560x128xi32, #tpu.memory_space<hbm>> -> memref<40x128xi32, #tpu.memory_space<hbm>>
        tpu.wait_dma2 semaphore(%run_scoped3A : memref<!tpu.dma_semaphore, #tpu.memory_space<semaphore_mem>>) src(%dma_wait3A_107 : memref<40x128xi32, #tpu.memory_space<hbm>>) dst(%dma_wait3A_105 : memref<40x128xi32, #tpu.memory_space<vmem>>)
        tpu.yield
      }) : () -> ()
    } else {
    }
    %scan3A = arith.constant 0 : i32
    %scan3A_16 = arith.constant 0 : i32
    %scan3A_17 = arith.constant 128 : i32
    %scan3A_18 = arith.addi %scan3A_16, %scan3A_17 : i32
    %scan3A_19 = arith.constant 1 : i32
    scf.for %scan3A_89 = %scan3A_16 to %scan3A_18 step %scan3A_19  : i32 {
      %broadcast_in_dim3A = arith.constant 0.000000e+00 : f32
      %broadcast_in_dim3A_90 = vector.broadcast %broadcast_in_dim3A : f32 to vector<16xf32>
      %swap3A = arith.index_cast %scan3A_89 : i32 to index
      %swap3A_91 = arith.constant 0 : index
      %swap3A_92 = tpu.vector_load %arg9[%swap3A, %swap3A_91] {strides = array<i32>} : memref<128x128xf32, #tpu.memory_space<vmem>>, vector<1x16xf32>,
      %swap3A_93 = vector.shape_cast %swap3A_92 : vector<1x16xf32> to vector<16xf32>
      %swap3A_94 = vector.shape_cast %broadcast_in_dim3A_90 : vector<16xf32> to vector<1x16xf32>
      tpu.vector_store %arg9[%swap3A, %swap3A_91], %swap3A_94 {strides = array<i32>} : memref<128x128xf32, #tpu.memory_space<vmem>>, vector<1x16xf32>,
      %broadcast_in_dim3A_95 = arith.constant 0.000000e+00 : f32
      %broadcast_in_dim3A_96 = vector.broadcast %broadcast_in_dim3A_95 : f32 to vector<16xf32>
      %swap3A_97 = arith.index_cast %scan3A_89 : i32 to index
      %swap3A_98 = arith.constant 16 : index
      %swap3A_99 = tpu.vector_load %arg9[%swap3A_97, %swap3A_98] {strides = array<i32>} : memref<128x128xf32, #tpu.memory_space<vmem>>, vector<1x16xf32>,
      %swap3A_100 = vector.shape_cast %swap3A_99 : vector<1x16xf32> to vector<16xf32>
      %swap3A_101 = vector.shape_cast %broadcast_in_dim3A_96 : vector<16xf32> to vector<1x16xf32>
      tpu.vector_store %arg9[%swap3A_97, %swap3A_98], %swap3A_101 {strides = array<i32>} : memref<128x128xf32, #tpu.memory_space<vmem>>, vector<1x16xf32>,
      %broadcast_in_dim3A_102 = arith.constant 0.000000e+00 : f32
      %broadcast_in_dim3A_103 = vector.broadcast %broadcast_in_dim3A_102 : f32 to vector<16xf32>
      %swap3A_104 = arith.index_cast %scan3A_89 : i32 to index
      %swap3A_105 = arith.constant 32 : index
      %swap3A_106 = tpu.vector_load %arg9[%swap3A_104, %swap3A_105] {strides = array<i32>} : memref<128x128xf32, #tpu.memory_space<vmem>>, vector<1x16xf32>,
      %swap3A_107 = vector.shape_cast %swap3A_106 : vector<1x16xf32> to vector<16xf32>
      %swap3A_108 = vector.shape_cast %broadcast_in_dim3A_103 : vector<16xf32> to vector<1x16xf32>
      tpu.vector_store %arg9[%swap3A_104, %swap3A_105], %swap3A_108 {strides = array<i32>} : memref<128x128xf32, #tpu.memory_space<vmem>>, vector<1x16xf32>,
      %broadcast_in_dim3A_109 = arith.constant 0.000000e+00 : f32
      %broadcast_in_dim3A_110 = vector.broadcast %broadcast_in_dim3A_109 : f32 to vector<16xf32>
      %swap3A_111 = arith.index_cast %scan3A_89 : i32 to index
      %swap3A_112 = arith.constant 48 : index
      %swap3A_113 = tpu.vector_load %arg9[%swap3A_111, %swap3A_112] {strides = array<i32>} : memref<128x128xf32, #tpu.memory_space<vmem>>, vector<1x16xf32>,
      %swap3A_114 = vector.shape_cast %swap3A_113 : vector<1x16xf32> to vector<16xf32>
      %swap3A_115 = vector.shape_cast %broadcast_in_dim3A_110 : vector<16xf32> to vector<1x16xf32>
      tpu.vector_store %arg9[%swap3A_111, %swap3A_112], %swap3A_115 {strides = array<i32>} : memref<128x128xf32, #tpu.memory_space<vmem>>, vector<1x16xf32>,
      %broadcast_in_dim3A_116 = arith.constant 0.000000e+00 : f32
      %broadcast_in_dim3A_117 = vector.broadcast %broadcast_in_dim3A_116 : f32 to vector<16xf32>
      %swap3A_118 = arith.index_cast %scan3A_89 : i32 to index
      %swap3A_119 = arith.constant 64 : index
      %swap3A_120 = tpu.vector_load %arg9[%swap3A_118, %swap3A_119] {strides = array<i32>} : memref<128x128xf32, #tpu.memory_space<vmem>>, vector<1x16xf32>,
      %swap3A_121 = vector.shape_cast %swap3A_120 : vector<1x16xf32> to vector<16xf32>
      %swap3A_122 = vector.shape_cast %broadcast_in_dim3A_117 : vector<16xf32> to vector<1x16xf32>
      tpu.vector_store %arg9[%swap3A_118, %swap3A_119], %swap3A_122 {strides = array<i32>} : memref<128x128xf32, #tpu.memory_space<vmem>>, vector<1x16xf32>,
      %broadcast_in_dim3A_123 = arith.constant 0.000000e+00 : f32
      %broadcast_in_dim3A_124 = vector.broadcast %broadcast_in_dim3A_123 : f32 to vector<16xf32>
      %swap3A_125 = arith.index_cast %scan3A_89 : i32 to index
      %swap3A_126 = arith.constant 80 : index
      %swap3A_127 = tpu.vector_load %arg9[%swap3A_125, %swap3A_126] {strides = array<i32>} : memref<128x128xf32, #tpu.memory_space<vmem>>, vector<1x16xf32>,
      %swap3A_128 = vector.shape_cast %swap3A_127 : vector<1x16xf32> to vector<16xf32>
      %swap3A_129 = vector.shape_cast %broadcast_in_dim3A_124 : vector<16xf32> to vector<1x16xf32>
      tpu.vector_store %arg9[%swap3A_125, %swap3A_126], %swap3A_129 {strides = array<i32>} : memref<128x128xf32, #tpu.memory_space<vmem>>, vector<1x16xf32>,
      %broadcast_in_dim3A_130 = arith.constant 0.000000e+00 : f32
      %broadcast_in_dim3A_131 = vector.broadcast %broadcast_in_dim3A_130 : f32 to vector<16xf32>
      %swap3A_132 = arith.index_cast %scan3A_89 : i32 to index
      %swap3A_133 = arith.constant 96 : index
      %swap3A_134 = tpu.vector_load %arg9[%swap3A_132, %swap3A_133] {strides = array<i32>} : memref<128x128xf32, #tpu.memory_space<vmem>>, vector<1x16xf32>,
      %swap3A_135 = vector.shape_cast %swap3A_134 : vector<1x16xf32> to vector<16xf32>
      %swap3A_136 = vector.shape_cast %broadcast_in_dim3A_131 : vector<16xf32> to vector<1x16xf32>
      tpu.vector_store %arg9[%swap3A_132, %swap3A_133], %swap3A_136 {strides = array<i32>} : memref<128x128xf32, #tpu.memory_space<vmem>>, vector<1x16xf32>,
      %broadcast_in_dim3A_137 = arith.constant 0.000000e+00 : f32
      %broadcast_in_dim3A_138 = vector.broadcast %broadcast_in_dim3A_137 : f32 to vector<16xf32>
      %swap3A_139 = arith.index_cast %scan3A_89 : i32 to index
      %swap3A_140 = arith.constant 112 : index
      %swap3A_141 = tpu.vector_load %arg9[%swap3A_139, %swap3A_140] {strides = array<i32>} : memref<128x128xf32, #tpu.memory_space<vmem>>, vector<1x16xf32>,
      %swap3A_142 = vector.shape_cast %swap3A_141 : vector<1x16xf32> to vector<16xf32>
      %swap3A_143 = vector.shape_cast %broadcast_in_dim3A_138 : vector<16xf32> to vector<1x16xf32>
      tpu.vector_store %arg9[%swap3A_139, %swap3A_140], %swap3A_143 {strides = array<i32>} : memref<128x128xf32, #tpu.memory_space<vmem>>, vector<1x16xf32>,
    }
    %scan3A_20 = arith.constant 128 : i32
    %mul3A_21 = arith.constant 640 : i32
    %mul3A_22 = arith.muli %arg1, %mul3A_21 : i32
    %add3A_23 = arith.constant 0 : i32
    %add3A_24 = arith.addi %mul3A_22, %add3A_23 : i32
    "tpu.region"() ({
      %run_scoped3A = tpu.sem_alloc : memref<!tpu.dma_semaphore, #tpu.memory_space<semaphore_mem>>
      %dma_start3A_89 = arith.constant 0 : i32
      %dma_start3A_90 = tpu.memref_slice %arg11[%add3A_24, %dma_start3A_89] : memref<10240x128xf32, #tpu.memory_space<vmem_shared>> -> memref<128x128xf32, #tpu.memory_space<vmem_shared>>
      %dma_start3A_91 = arith.constant 0 : i32
      %dma_start3A_92 = tpu.memref_slice %arg11[%add3A_24, %dma_start3A_91] : memref<10240x128xf32, #tpu.memory_space<vmem_shared>> -> memref<128x128xf32, #tpu.memory_space<vmem_shared>>
      tpu.enqueue_dma source(%arg9 : memref<128x128xf32, #tpu.memory_space<vmem>>) target(%dma_start3A_92 : memref<128x128xf32, #tpu.memory_space<vmem_shared>>) target_semaphore(%run_scoped3A : memref<!tpu.dma_semaphore, #tpu.memory_space<semaphore_mem>>)
      %dma_wait3A = arith.constant 0 : i32
      %dma_wait3A_93 = tpu.memref_slice %arg11[%add3A_24, %dma_wait3A] : memref<10240x128xf32, #tpu.memory_space<vmem_shared>> -> memref<128x128xf32, #tpu.memory_space<vmem_shared>>
      %dma_wait3A_94 = arith.constant 0 : i32
      %dma_wait3A_95 = tpu.memref_slice %arg11[%add3A_24, %dma_wait3A_94] : memref<10240x128xf32, #tpu.memory_space<vmem_shared>> -> memref<128x128xf32, #tpu.memory_space<vmem_shared>>
      tpu.wait_dma2 semaphore(%run_scoped3A : memref<!tpu.dma_semaphore, #tpu.memory_space<semaphore_mem>>) src(%arg9 : memref<128x128xf32, #tpu.memory_space<vmem>>) dst(%dma_wait3A_95 : memref<128x128xf32, #tpu.memory_space<vmem_shared>>)
      tpu.yield
    }) : () -> ()
    %mul3A_25 = arith.constant 640 : i32
    %mul3A_26 = arith.muli %arg1, %mul3A_25 : i32
    %add3A_27 = arith.constant 128 : i32
    %add3A_28 = arith.addi %mul3A_26, %add3A_27 : i32
    "tpu.region"() ({
      %run_scoped3A = tpu.sem_alloc : memref<!tpu.dma_semaphore, #tpu.memory_space<semaphore_mem>>
      %dma_start3A_89 = arith.constant 0 : i32
      %dma_start3A_90 = tpu.memref_slice %arg11[%add3A_28, %dma_start3A_89] : memref<10240x128xf32, #tpu.memory_space<vmem_shared>> -> memref<128x128xf32, #tpu.memory_space<vmem_shared>>
      %dma_start3A_91 = arith.constant 0 : i32
      %dma_start3A_92 = tpu.memref_slice %arg11[%add3A_28, %dma_start3A_91] : memref<10240x128xf32, #tpu.memory_space<vmem_shared>> -> memref<128x128xf32, #tpu.memory_space<vmem_shared>>
      tpu.enqueue_dma source(%arg9 : memref<128x128xf32, #tpu.memory_space<vmem>>) target(%dma_start3A_92 : memref<128x128xf32, #tpu.memory_space<vmem_shared>>) target_semaphore(%run_scoped3A : memref<!tpu.dma_semaphore, #tpu.memory_space<semaphore_mem>>)
      %dma_wait3A = arith.constant 0 : i32
      %dma_wait3A_93 = tpu.memref_slice %arg11[%add3A_28, %dma_wait3A] : memref<10240x128xf32, #tpu.memory_space<vmem_shared>> -> memref<128x128xf32, #tpu.memory_space<vmem_shared>>
      %dma_wait3A_94 = arith.constant 0 : i32
      %dma_wait3A_95 = tpu.memref_slice %arg11[%add3A_28, %dma_wait3A_94] : memref<10240x128xf32, #tpu.memory_space<vmem_shared>> -> memref<128x128xf32, #tpu.memory_space<vmem_shared>>
      tpu.wait_dma2 semaphore(%run_scoped3A : memref<!tpu.dma_semaphore, #tpu.memory_space<semaphore_mem>>) src(%arg9 : memref<128x128xf32, #tpu.memory_space<vmem>>) dst(%dma_wait3A_95 : memref<128x128xf32, #tpu.memory_space<vmem_shared>>)
      tpu.yield
    }) : () -> ()
    %mul3A_29 = arith.constant 640 : i32
    %mul3A_30 = arith.muli %arg1, %mul3A_29 : i32
    %add3A_31 = arith.constant 256 : i32
    %add3A_32 = arith.addi %mul3A_30, %add3A_31 : i32
    "tpu.region"() ({
      %run_scoped3A = tpu.sem_alloc : memref<!tpu.dma_semaphore, #tpu.memory_space<semaphore_mem>>
      %dma_start3A_89 = arith.constant 0 : i32
      %dma_start3A_90 = tpu.memref_slice %arg11[%add3A_32, %dma_start3A_89] : memref<10240x128xf32, #tpu.memory_space<vmem_shared>> -> memref<128x128xf32, #tpu.memory_space<vmem_shared>>
      %dma_start3A_91 = arith.constant 0 : i32
      %dma_start3A_92 = tpu.memref_slice %arg11[%add3A_32, %dma_start3A_91] : memref<10240x128xf32, #tpu.memory_space<vmem_shared>> -> memref<128x128xf32, #tpu.memory_space<vmem_shared>>
      tpu.enqueue_dma source(%arg9 : memref<128x128xf32, #tpu.memory_space<vmem>>) target(%dma_start3A_92 : memref<128x128xf32, #tpu.memory_space<vmem_shared>>) target_semaphore(%run_scoped3A : memref<!tpu.dma_semaphore, #tpu.memory_space<semaphore_mem>>)
      %dma_wait3A = arith.constant 0 : i32
      %dma_wait3A_93 = tpu.memref_slice %arg11[%add3A_32, %dma_wait3A] : memref<10240x128xf32, #tpu.memory_space<vmem_shared>> -> memref<128x128xf32, #tpu.memory_space<vmem_shared>>
      %dma_wait3A_94 = arith.constant 0 : i32
      %dma_wait3A_95 = tpu.memref_slice %arg11[%add3A_32, %dma_wait3A_94] : memref<10240x128xf32, #tpu.memory_space<vmem_shared>> -> memref<128x128xf32, #tpu.memory_space<vmem_shared>>
      tpu.wait_dma2 semaphore(%run_scoped3A : memref<!tpu.dma_semaphore, #tpu.memory_space<semaphore_mem>>) src(%arg9 : memref<128x128xf32, #tpu.memory_space<vmem>>) dst(%dma_wait3A_95 : memref<128x128xf32, #tpu.memory_space<vmem_shared>>)
      tpu.yield
    }) : () -> ()
    %mul3A_33 = arith.constant 640 : i32
    %mul3A_34 = arith.muli %arg1, %mul3A_33 : i32
    %add3A_35 = arith.constant 384 : i32
    %add3A_36 = arith.addi %mul3A_34, %add3A_35 : i32
    "tpu.region"() ({
      %run_scoped3A = tpu.sem_alloc : memref<!tpu.dma_semaphore, #tpu.memory_space<semaphore_mem>>
      %dma_start3A_89 = arith.constant 0 : i32
      %dma_start3A_90 = tpu.memref_slice %arg11[%add3A_36, %dma_start3A_89] : memref<10240x128xf32, #tpu.memory_space<vmem_shared>> -> memref<128x128xf32, #tpu.memory_space<vmem_shared>>
      %dma_start3A_91 = arith.constant 0 : i32
      %dma_start3A_92 = tpu.memref_slice %arg11[%add3A_36, %dma_start3A_91] : memref<10240x128xf32, #tpu.memory_space<vmem_shared>> -> memref<128x128xf32, #tpu.memory_space<vmem_shared>>
      tpu.enqueue_dma source(%arg9 : memref<128x128xf32, #tpu.memory_space<vmem>>) target(%dma_start3A_92 : memref<128x128xf32, #tpu.memory_space<vmem_shared>>) target_semaphore(%run_scoped3A : memref<!tpu.dma_semaphore, #tpu.memory_space<semaphore_mem>>)
      %dma_wait3A = arith.constant 0 : i32
      %dma_wait3A_93 = tpu.memref_slice %arg11[%add3A_36, %dma_wait3A] : memref<10240x128xf32, #tpu.memory_space<vmem_shared>> -> memref<128x128xf32, #tpu.memory_space<vmem_shared>>
      %dma_wait3A_94 = arith.constant 0 : i32
      %dma_wait3A_95 = tpu.memref_slice %arg11[%add3A_36, %dma_wait3A_94] : memref<10240x128xf32, #tpu.memory_space<vmem_shared>> -> memref<128x128xf32, #tpu.memory_space<vmem_shared>>
      tpu.wait_dma2 semaphore(%run_scoped3A : memref<!tpu.dma_semaphore, #tpu.memory_space<semaphore_mem>>) src(%arg9 : memref<128x128xf32, #tpu.memory_space<vmem>>) dst(%dma_wait3A_95 : memref<128x128xf32, #tpu.memory_space<vmem_shared>>)
      tpu.yield
    }) : () -> ()
    %mul3A_37 = arith.constant 640 : i32
    %mul3A_38 = arith.muli %arg1, %mul3A_37 : i32
    %add3A_39 = arith.constant 512 : i32
    %add3A_40 = arith.addi %mul3A_38, %add3A_39 : i32
    "tpu.region"() ({
      %run_scoped3A = tpu.sem_alloc : memref<!tpu.dma_semaphore, #tpu.memory_space<semaphore_mem>>
      %dma_start3A_89 = arith.constant 0 : i32
      %dma_start3A_90 = tpu.memref_slice %arg11[%add3A_40, %dma_start3A_89] : memref<10240x128xf32, #tpu.memory_space<vmem_shared>> -> memref<128x128xf32, #tpu.memory_space<vmem_shared>>
      %dma_start3A_91 = arith.constant 0 : i32
      %dma_start3A_92 = tpu.memref_slice %arg11[%add3A_40, %dma_start3A_91] : memref<10240x128xf32, #tpu.memory_space<vmem_shared>> -> memref<128x128xf32, #tpu.memory_space<vmem_shared>>
      tpu.enqueue_dma source(%arg9 : memref<128x128xf32, #tpu.memory_space<vmem>>) target(%dma_start3A_92 : memref<128x128xf32, #tpu.memory_space<vmem_shared>>) target_semaphore(%run_scoped3A : memref<!tpu.dma_semaphore, #tpu.memory_space<semaphore_mem>>)
      %dma_wait3A = arith.constant 0 : i32
      %dma_wait3A_93 = tpu.memref_slice %arg11[%add3A_40, %dma_wait3A] : memref<10240x128xf32, #tpu.memory_space<vmem_shared>> -> memref<128x128xf32, #tpu.memory_space<vmem_shared>>
      %dma_wait3A_94 = arith.constant 0 : i32
      %dma_wait3A_95 = tpu.memref_slice %arg11[%add3A_40, %dma_wait3A_94] : memref<10240x128xf32, #tpu.memory_space<vmem_shared>> -> memref<128x128xf32, #tpu.memory_space<vmem_shared>>
      tpu.wait_dma2 semaphore(%run_scoped3A : memref<!tpu.dma_semaphore, #tpu.memory_space<semaphore_mem>>) src(%arg9 : memref<128x128xf32, #tpu.memory_space<vmem>>) dst(%dma_wait3A_95 : memref<128x128xf32, #tpu.memory_space<vmem_shared>>)
      tpu.yield
    }) : () -> ()
    %barrier3A = arith.constant 0 : index
    tpu.barrier barrier_id(%barrier3A)
    %dma_start3A = arith.constant 0 : i32
    %dma_start3A_41 = tpu.memref_slice %arg4[%select_n3A_8, %dma_start3A] : memref<2560x128xi32, #tpu.memory_space<hbm>> -> memref<1x128xi32, #tpu.memory_space<hbm>>
    %dma_start3A_42 = tpu.memref_squeeze %dma_start3A_41 : memref<1x128xi32, #tpu.memory_space<hbm>> -> memref<128xi32, #tpu.memory_space<hbm>>
    %dma_start3A_43 = arith.constant 0 : i32
    %dma_start3A_44 = tpu.memref_slice %arg4[%select_n3A_8, %dma_start3A_43] : memref<2560x128xi32, #tpu.memory_space<hbm>> -> memref<1x128xi32, #tpu.memory_space<hbm>>
    %dma_start3A_45 = tpu.memref_squeeze %dma_start3A_44 : memref<1x128xi32, #tpu.memory_space<hbm>> -> memref<128xi32, #tpu.memory_space<hbm>>
    tpu.enqueue_dma source(%dma_start3A_45 : memref<128xi32, #tpu.memory_space<hbm>>) target(%arg7 : memref<128xi32, #tpu.memory_space<vmem>>) target_semaphore(%arg14 : memref<!tpu.dma_semaphore, #tpu.memory_space<semaphore_mem>>)
    %dma_start3A_46 = arith.constant 0 : i32
    %dma_start3A_47 = arith.constant 0 : i32
    %dma_start3A_48 = tpu.memref_slice %arg6[%dma_start3A_46, %dma_start3A_47] : memref<120x128xi32, #tpu.memory_space<vmem>> -> memref<1x128xi32, #tpu.memory_space<vmem>>
    %dma_start3A_49 = tpu.memref_squeeze %dma_start3A_48 : memref<1x128xi32, #tpu.memory_space<vmem>> -> memref<128xi32, #tpu.memory_space<vmem>>
    %dma_start3A_50 = arith.constant 0 : i32
    %dma_start3A_51 = arith.constant 0 : i32
    %dma_start3A_52 = tpu.memref_slice %arg2[%dma_start3A_50, %dma_start3A_51] : memref<10240x128xf32, #tpu.memory_space<hbm>> -> memref<10240x128xf32, #tpu.memory_space<hbm>>
    tpu.enqueue_indirect_dma source(%dma_start3A_52 : memref<10240x128xf32, #tpu.memory_space<hbm>>) target(%arg9 : memref<128x128xf32, #tpu.memory_space<vmem>>) offsets(%dma_start3A_49 : memref<128xi32, #tpu.memory_space<vmem>>) semaphore(%arg12 : memref<!tpu.dma_semaphore, #tpu.memory_space<semaphore_mem>>)
    %jit3A_53 = arith.constant 2 : i32
    %div3A = arith.divsi %select_n3A, %jit3A_53 : i32
    %sign3A = arith.constant 0 : i32
    %sign3A_54 = arith.cmpi sgt, %select_n3A, %sign3A : i32
    %sign3A_55 = arith.extui %sign3A_54 : i1 to i32
    %sign3A_56 = arith.constant 0 : i32
    %sign3A_57 = arith.cmpi slt, %select_n3A, %sign3A_56 : i32
    %sign3A_58 = arith.extui %sign3A_57 : i1 to i32
    %sign3A_59 = arith.subi %sign3A_55, %sign3A_58 : i32
    %sign3A_60 = arith.constant 0 : i32
    %sign3A_61 = arith.cmpi sgt, %jit3A_53, %sign3A_60 : i32
    %sign3A_62 = arith.extui %sign3A_61 : i1 to i32
    %sign3A_63 = arith.constant 0 : i32
    %sign3A_64 = arith.cmpi slt, %jit3A_53, %sign3A_63 : i32
    %sign3A_65 = arith.extui %sign3A_64 : i1 to i32
    %sign3A_66 = arith.subi %sign3A_62, %sign3A_65 : i32
    %ne3A_67 = arith.cmpi ne, %sign3A_59, %sign3A_66 : i32
    %rem3A = arith.remsi %select_n3A, %jit3A_53 : i32
    %ne3A_68 = arith.constant 0 : i32
    %ne3A_69 = arith.cmpi ne, %rem3A, %ne3A_68 : i32
    %and3A = arith.andi %ne3A_67, %ne3A_69 : i1
    %sub3A = arith.constant 1 : i32
    %sub3A_70 = arith.subi %div3A, %sub3A : i32
    %select_n3A_71 = arith.select %and3A, %sub3A_70, %div3A : i32
    %while3A = arith.constant 0 : i32
    %while3A_72 = arith.constant 0 : i32
    %while3A_73 = arith.subi %select_n3A_71, %while3A_72 : i32
    %while3A_74 = arith.addi %while3A_72, %while3A_73 : i32
    %while3A_75 = arith.constant 1 : i32
    %while3A_76 = arith.divsi %while3A_73, %while3A_75 : i32
    %while3A_77 = arith.muli %while3A_76, %while3A_75 : i32
    %while3A_78 = arith.addi %while3A_72, %while3A_77 : i32
    %while3A_79 = arith.constant 1 : i32
    scf.for %while3A_89 = %while3A_72 to %while3A_78 step %while3A_79  : i32 {
      %mul3A_90 = arith.constant 2 : i32
      %mul3A_91 = arith.muli %mul3A_90, %while3A_89 : i32
      %add3A_92 = arith.addi %select_n3A_8, %mul3A_91 : i32
      %add3A_93 = arith.constant 1 : i32
      %add3A_94 = arith.addi %add3A_92, %add3A_93 : i32
      %dma_start3A_95 = arith.constant 0 : i32
      %dma_start3A_96 = tpu.memref_slice %arg4[%add3A_94, %dma_start3A_95] : memref<2560x128xi32, #tpu.memory_space<hbm>> -> memref<1x128xi32, #tpu.memory_space<hbm>>
      %dma_start3A_97 = tpu.memref_squeeze %dma_start3A_96 : memref<1x128xi32, #tpu.memory_space<hbm>> -> memref<128xi32, #tpu.memory_space<hbm>>
      %dma_start3A_98 = arith.constant 0 : i32
      %dma_start3A_99 = tpu.memref_slice %arg4[%add3A_94, %dma_start3A_98] : memref<2560x128xi32, #tpu.memory_space<hbm>> -> memref<1x128xi32, #tpu.memory_space<hbm>>
      %dma_start3A_100 = tpu.memref_squeeze %dma_start3A_99 : memref<1x128xi32, #tpu.memory_space<hbm>> -> memref<128xi32, #tpu.memory_space<hbm>>
      tpu.enqueue_dma source(%dma_start3A_100 : memref<128xi32, #tpu.memory_space<hbm>>) target(%arg8 : memref<128xi32, #tpu.memory_space<vmem>>) target_semaphore(%arg15 : memref<!tpu.dma_semaphore, #tpu.memory_space<semaphore_mem>>)
      %add3A_101 = arith.constant 1 : i32
      %add3A_102 = arith.addi %mul3A_91, %add3A_101 : i32
      %dma_start3A_103 = arith.constant 0 : i32
      %dma_start3A_104 = tpu.memref_slice %arg6[%add3A_102, %dma_start3A_103] : memref<120x128xi32, #tpu.memory_space<vmem>> -> memref<1x128xi32, #tpu.memory_space<vmem>>
      %dma_start3A_105 = tpu.memref_squeeze %dma_start3A_104 : memref<1x128xi32, #tpu.memory_space<vmem>> -> memref<128xi32, #tpu.memory_space<vmem>>
      %dma_start3A_106 = arith.constant 0 : i32
      %dma_start3A_107 = arith.constant 0 : i32
      %dma_start3A_108 = tpu.memref_slice %arg2[%dma_start3A_106, %dma_start3A_107] : memref<10240x128xf32, #tpu.memory_space<hbm>> -> memref<10240x128xf32, #tpu.memory_space<hbm>>
      tpu.enqueue_indirect_dma source(%dma_start3A_108 : memref<10240x128xf32, #tpu.memory_space<hbm>>) target(%arg10 : memref<128x128xf32, #tpu.memory_space<vmem>>) offsets(%dma_start3A_105 : memref<128xi32, #tpu.memory_space<vmem>>) semaphore(%arg13 : memref<!tpu.dma_semaphore, #tpu.memory_space<semaphore_mem>>)
      %add3A_109 = arith.addi %select_n3A_8, %mul3A_91 : i32
      %dma_wait3A = arith.constant 0 : i32
      %dma_wait3A_110 = tpu.memref_slice %arg4[%add3A_109, %dma_wait3A] : memref<2560x128xi32, #tpu.memory_space<hbm>> -> memref<1x128xi32, #tpu.memory_space<hbm>>
      %dma_wait3A_111 = tpu.memref_squeeze %dma_wait3A_110 : memref<1x128xi32, #tpu.memory_space<hbm>> -> memref<128xi32, #tpu.memory_space<hbm>>
      %dma_wait3A_112 = arith.constant 0 : i32
      %dma_wait3A_113 = tpu.memref_slice %arg4[%add3A_109, %dma_wait3A_112] : memref<2560x128xi32, #tpu.memory_space<hbm>> -> memref<1x128xi32, #tpu.memory_space<hbm>>
      %dma_wait3A_114 = tpu.memref_squeeze %dma_wait3A_113 : memref<1x128xi32, #tpu.memory_space<hbm>> -> memref<128xi32, #tpu.memory_space<hbm>>
      tpu.wait_dma2 semaphore(%arg14 : memref<!tpu.dma_semaphore, #tpu.memory_space<semaphore_mem>>) src(%dma_wait3A_114 : memref<128xi32, #tpu.memory_space<hbm>>) dst(%arg7 : memref<128xi32, #tpu.memory_space<vmem>>)
      %dma_wait3A_115 = arith.constant 0 : i32
      %dma_wait3A_116 = tpu.memref_slice %arg6[%mul3A_91, %dma_wait3A_115] : memref<120x128xi32, #tpu.memory_space<vmem>> -> memref<1x128xi32, #tpu.memory_space<vmem>>
      %dma_wait3A_117 = tpu.memref_squeeze %dma_wait3A_116 : memref<1x128xi32, #tpu.memory_space<vmem>> -> memref<128xi32, #tpu.memory_space<vmem>>
      %dma_wait3A_118 = arith.constant 0 : i32
      %dma_wait3A_119 = arith.constant 0 : i32
      %dma_wait3A_120 = tpu.memref_slice %arg2[%dma_wait3A_118, %dma_wait3A_119] : memref<10240x128xf32, #tpu.memory_space<hbm>> -> memref<10240x128xf32, #tpu.memory_space<hbm>>
      tpu.wait_indirect_dma semaphore(%arg12 : memref<!tpu.dma_semaphore, #tpu.memory_space<semaphore_mem>>) src(%dma_wait3A_120 : memref<10240x128xf32, #tpu.memory_space<hbm>>) dst(%arg9 : memref<128x128xf32, #tpu.memory_space<vmem>>)
      "tpu.region"() ({
        %run_scoped3A = tpu.sem_alloc : memref<!tpu.dma_semaphore, #tpu.memory_space<semaphore_mem>>
        %dma_start3A_143 = arith.constant 0 : i32
        %dma_start3A_144 = arith.constant 0 : i32
        %dma_start3A_145 = tpu.memref_slice %arg11[%dma_start3A_143, %dma_start3A_144] : memref<10240x128xf32, #tpu.memory_space<vmem_shared>> -> memref<10240x128xf32, #tpu.memory_space<vmem_shared>>
        tpu.enqueue_indirect_dma source(%arg9 : memref<128x128xf32, #tpu.memory_space<vmem>>) target(%dma_start3A_145 : memref<10240x128xf32, #tpu.memory_space<vmem_shared>>) offsets(%arg7 : memref<128xi32, #tpu.memory_space<vmem>>) semaphore(%run_scoped3A : memref<!tpu.dma_semaphore, #tpu.memory_space<semaphore_mem>>) {add = true}
        %dma_wait3A_146 = arith.constant 0 : i32
        %dma_wait3A_147 = arith.constant 0 : i32
        %dma_wait3A_148 = tpu.memref_slice %arg11[%dma_wait3A_146, %dma_wait3A_147] : memref<10240x128xf32, #tpu.memory_space<vmem_shared>> -> memref<10240x128xf32, #tpu.memory_space<vmem_shared>>
        tpu.wait_indirect_dma semaphore(%run_scoped3A : memref<!tpu.dma_semaphore, #tpu.memory_space<semaphore_mem>>) src(%arg9 : memref<128x128xf32, #tpu.memory_space<vmem>>) dst(%dma_wait3A_148 : memref<10240x128xf32, #tpu.memory_space<vmem_shared>>)
        tpu.yield
      }) : () -> ()
      %add3A_121 = arith.constant 2 : i32
      %add3A_122 = arith.addi %mul3A_91, %add3A_121 : i32
      %lt3A = arith.cmpi slt, %add3A_122, %select_n3A : i32
      %convert_element_type3A_123 = arith.extui %lt3A : i1 to i32
      %cond3A_124 = arith.constant 0 : i32
      %cond3A_125 = arith.cmpi ne, %convert_element_type3A_123, %cond3A_124 : i32
      scf.if %cond3A_125 {
        %add3A_143 = arith.addi %select_n3A_8, %mul3A_91 : i32
        %add3A_144 = arith.constant 2 : i32
        %add3A_145 = arith.addi %add3A_143, %add3A_144 : i32
        %dma_start3A_146 = arith.constant 0 : i32
        %dma_start3A_147 = tpu.memref_slice %arg4[%add3A_145, %dma_start3A_146] : memref<2560x128xi32, #tpu.memory_space<hbm>> -> memref<1x128xi32, #tpu.memory_space<hbm>>
        %dma_start3A_148 = tpu.memref_squeeze %dma_start3A_147 : memref<1x128xi32, #tpu.memory_space<hbm>> -> memref<128xi32, #tpu.memory_space<hbm>>
        %dma_start3A_149 = arith.constant 0 : i32
        %dma_start3A_150 = tpu.memref_slice %arg4[%add3A_145, %dma_start3A_149] : memref<2560x128xi32, #tpu.memory_space<hbm>> -> memref<1x128xi32, #tpu.memory_space<hbm>>
        %dma_start3A_151 = tpu.memref_squeeze %dma_start3A_150 : memref<1x128xi32, #tpu.memory_space<hbm>> -> memref<128xi32, #tpu.memory_space<hbm>>
        tpu.enqueue_dma source(%dma_start3A_151 : memref<128xi32, #tpu.memory_space<hbm>>) target(%arg7 : memref<128xi32, #tpu.memory_space<vmem>>) target_semaphore(%arg14 : memref<!tpu.dma_semaphore, #tpu.memory_space<semaphore_mem>>)
        %add3A_152 = arith.constant 2 : i32
        %add3A_153 = arith.addi %mul3A_91, %add3A_152 : i32
        %dma_start3A_154 = arith.constant 0 : i32
        %dma_start3A_155 = tpu.memref_slice %arg6[%add3A_153, %dma_start3A_154] : memref<120x128xi32, #tpu.memory_space<vmem>> -> memref<1x128xi32, #tpu.memory_space<vmem>>
        %dma_start3A_156 = tpu.memref_squeeze %dma_start3A_155 : memref<1x128xi32, #tpu.memory_space<vmem>> -> memref<128xi32, #tpu.memory_space<vmem>>
        %dma_start3A_157 = arith.constant 0 : i32
        %dma_start3A_158 = arith.constant 0 : i32
        %dma_start3A_159 = tpu.memref_slice %arg2[%dma_start3A_157, %dma_start3A_158] : memref<10240x128xf32, #tpu.memory_space<hbm>> -> memref<10240x128xf32, #tpu.memory_space<hbm>>
        tpu.enqueue_indirect_dma source(%dma_start3A_159 : memref<10240x128xf32, #tpu.memory_space<hbm>>) target(%arg9 : memref<128x128xf32, #tpu.memory_space<vmem>>) offsets(%dma_start3A_156 : memref<128xi32, #tpu.memory_space<vmem>>) semaphore(%arg12 : memref<!tpu.dma_semaphore, #tpu.memory_space<semaphore_mem>>)
      } else {
      }
      %add3A_126 = arith.addi %select_n3A_8, %mul3A_91 : i32
      %add3A_127 = arith.constant 1 : i32
      %add3A_128 = arith.addi %add3A_126, %add3A_127 : i32
      %dma_wait3A_129 = arith.constant 0 : i32
      %dma_wait3A_130 = tpu.memref_slice %arg4[%add3A_128, %dma_wait3A_129] : memref<2560x128xi32, #tpu.memory_space<hbm>> -> memref<1x128xi32, #tpu.memory_space<hbm>>
      %dma_wait3A_131 = tpu.memref_squeeze %dma_wait3A_130 : memref<1x128xi32, #tpu.memory_space<hbm>> -> memref<128xi32, #tpu.memory_space<hbm>>
      %dma_wait3A_132 = arith.constant 0 : i32
      %dma_wait3A_133 = tpu.memref_slice %arg4[%add3A_128, %dma_wait3A_132] : memref<2560x128xi32, #tpu.memory_space<hbm>> -> memref<1x128xi32, #tpu.memory_space<hbm>>
      %dma_wait3A_134 = tpu.memref_squeeze %dma_wait3A_133 : memref<1x128xi32, #tpu.memory_space<hbm>> -> memref<128xi32, #tpu.memory_space<hbm>>
      tpu.wait_dma2 semaphore(%arg15 : memref<!tpu.dma_semaphore, #tpu.memory_space<semaphore_mem>>) src(%dma_wait3A_134 : memref<128xi32, #tpu.memory_space<hbm>>) dst(%arg8 : memref<128xi32, #tpu.memory_space<vmem>>)
      %add3A_135 = arith.constant 1 : i32
      %add3A_136 = arith.addi %mul3A_91, %add3A_135 : i32
      %dma_wait3A_137 = arith.constant 0 : i32
      %dma_wait3A_138 = tpu.memref_slice %arg6[%add3A_136, %dma_wait3A_137] : memref<120x128xi32, #tpu.memory_space<vmem>> -> memref<1x128xi32, #tpu.memory_space<vmem>>
      %dma_wait3A_139 = tpu.memref_squeeze %dma_wait3A_138 : memref<1x128xi32, #tpu.memory_space<vmem>> -> memref<128xi32, #tpu.memory_space<vmem>>
      %dma_wait3A_140 = arith.constant 0 : i32
      %dma_wait3A_141 = arith.constant 0 : i32
      %dma_wait3A_142 = tpu.memref_slice %arg2[%dma_wait3A_140, %dma_wait3A_141] : memref<10240x128xf32, #tpu.memory_space<hbm>> -> memref<10240x128xf32, #tpu.memory_space<hbm>>
      tpu.wait_indirect_dma semaphore(%arg13 : memref<!tpu.dma_semaphore, #tpu.memory_space<semaphore_mem>>) src(%dma_wait3A_142 : memref<10240x128xf32, #tpu.memory_space<hbm>>) dst(%arg10 : memref<128x128xf32, #tpu.memory_space<vmem>>)
      "tpu.region"() ({
        %run_scoped3A = tpu.sem_alloc : memref<!tpu.dma_semaphore, #tpu.memory_space<semaphore_mem>>
        %dma_start3A_143 = arith.constant 0 : i32
        %dma_start3A_144 = arith.constant 0 : i32
        %dma_start3A_145 = tpu.memref_slice %arg11[%dma_start3A_143, %dma_start3A_144] : memref<10240x128xf32, #tpu.memory_space<vmem_shared>> -> memref<10240x128xf32, #tpu.memory_space<vmem_shared>>
        tpu.enqueue_indirect_dma source(%arg10 : memref<128x128xf32, #tpu.memory_space<vmem>>) target(%dma_start3A_145 : memref<10240x128xf32, #tpu.memory_space<vmem_shared>>) offsets(%arg8 : memref<128xi32, #tpu.memory_space<vmem>>) semaphore(%run_scoped3A : memref<!tpu.dma_semaphore, #tpu.memory_space<semaphore_mem>>) {add = true}
        %dma_wait3A_146 = arith.constant 0 : i32
        %dma_wait3A_147 = arith.constant 0 : i32
        %dma_wait3A_148 = tpu.memref_slice %arg11[%dma_wait3A_146, %dma_wait3A_147] : memref<10240x128xf32, #tpu.memory_space<vmem_shared>> -> memref<10240x128xf32, #tpu.memory_space<vmem_shared>>
        tpu.wait_indirect_dma semaphore(%run_scoped3A : memref<!tpu.dma_semaphore, #tpu.memory_space<semaphore_mem>>) src(%arg10 : memref<128x128xf32, #tpu.memory_space<vmem>>) dst(%dma_wait3A_148 : memref<10240x128xf32, #tpu.memory_space<vmem_shared>>)
        tpu.yield
      }) : () -> ()
    }
    %while3A_80 = arith.constant 1 : i32
    scf.for %while3A_89 = %while3A_78 to %while3A_74 step %while3A_80  : i32 {
      %mul3A_90 = arith.constant 2 : i32
      %mul3A_91 = arith.muli %mul3A_90, %while3A_89 : i32
      %add3A_92 = arith.addi %select_n3A_8, %mul3A_91 : i32
      %add3A_93 = arith.constant 1 : i32
      %add3A_94 = arith.addi %add3A_92, %add3A_93 : i32
      %dma_start3A_95 = arith.constant 0 : i32
      %dma_start3A_96 = tpu.memref_slice %arg4[%add3A_94, %dma_start3A_95] : memref<2560x128xi32, #tpu.memory_space<hbm>> -> memref<1x128xi32, #tpu.memory_space<hbm>>
      %dma_start3A_97 = tpu.memref_squeeze %dma_start3A_96 : memref<1x128xi32, #tpu.memory_space<hbm>> -> memref<128xi32, #tpu.memory_space<hbm>>
      %dma_start3A_98 = arith.constant 0 : i32
      %dma_start3A_99 = tpu.memref_slice %arg4[%add3A_94, %dma_start3A_98] : memref<2560x128xi32, #tpu.memory_space<hbm>> -> memref<1x128xi32, #tpu.memory_space<hbm>>
      %dma_start3A_100 = tpu.memref_squeeze %dma_start3A_99 : memref<1x128xi32, #tpu.memory_space<hbm>> -> memref<128xi32, #tpu.memory_space<hbm>>
      tpu.enqueue_dma source(%dma_start3A_100 : memref<128xi32, #tpu.memory_space<hbm>>) target(%arg8 : memref<128xi32, #tpu.memory_space<vmem>>) target_semaphore(%arg15 : memref<!tpu.dma_semaphore, #tpu.memory_space<semaphore_mem>>)
      %add3A_101 = arith.constant 1 : i32
      %add3A_102 = arith.addi %mul3A_91, %add3A_101 : i32
      %dma_start3A_103 = arith.constant 0 : i32
      %dma_start3A_104 = tpu.memref_slice %arg6[%add3A_102, %dma_start3A_103] : memref<120x128xi32, #tpu.memory_space<vmem>> -> memref<1x128xi32, #tpu.memory_space<vmem>>
      %dma_start3A_105 = tpu.memref_squeeze %dma_start3A_104 : memref<1x128xi32, #tpu.memory_space<vmem>> -> memref<128xi32, #tpu.memory_space<vmem>>
      %dma_start3A_106 = arith.constant 0 : i32
      %dma_start3A_107 = arith.constant 0 : i32
      %dma_start3A_108 = tpu.memref_slice %arg2[%dma_start3A_106, %dma_start3A_107] : memref<10240x128xf32, #tpu.memory_space<hbm>> -> memref<10240x128xf32, #tpu.memory_space<hbm>>
      tpu.enqueue_indirect_dma source(%dma_start3A_108 : memref<10240x128xf32, #tpu.memory_space<hbm>>) target(%arg10 : memref<128x128xf32, #tpu.memory_space<vmem>>) offsets(%dma_start3A_105 : memref<128xi32, #tpu.memory_space<vmem>>) semaphore(%arg13 : memref<!tpu.dma_semaphore, #tpu.memory_space<semaphore_mem>>)
      %add3A_109 = arith.addi %select_n3A_8, %mul3A_91 : i32
      %dma_wait3A = arith.constant 0 : i32
      %dma_wait3A_110 = tpu.memref_slice %arg4[%add3A_109, %dma_wait3A] : memref<2560x128xi32, #tpu.memory_space<hbm>> -> memref<1x128xi32, #tpu.memory_space<hbm>>
      %dma_wait3A_111 = tpu.memref_squeeze %dma_wait3A_110 : memref<1x128xi32, #tpu.memory_space<hbm>> -> memref<128xi32, #tpu.memory_space<hbm>>
      %dma_wait3A_112 = arith.constant 0 : i32
      %dma_wait3A_113 = tpu.memref_slice %arg4[%add3A_109, %dma_wait3A_112] : memref<2560x128xi32, #tpu.memory_space<hbm>> -> memref<1x128xi32, #tpu.memory_space<hbm>>
      %dma_wait3A_114 = tpu.memref_squeeze %dma_wait3A_113 : memref<1x128xi32, #tpu.memory_space<hbm>> -> memref<128xi32, #tpu.memory_space<hbm>>
      tpu.wait_dma2 semaphore(%arg14 : memref<!tpu.dma_semaphore, #tpu.memory_space<semaphore_mem>>) src(%dma_wait3A_114 : memref<128xi32, #tpu.memory_space<hbm>>) dst(%arg7 : memref<128xi32, #tpu.memory_space<vmem>>)
      %dma_wait3A_115 = arith.constant 0 : i32
      %dma_wait3A_116 = tpu.memref_slice %arg6[%mul3A_91, %dma_wait3A_115] : memref<120x128xi32, #tpu.memory_space<vmem>> -> memref<1x128xi32, #tpu.memory_space<vmem>>
      %dma_wait3A_117 = tpu.memref_squeeze %dma_wait3A_116 : memref<1x128xi32, #tpu.memory_space<vmem>> -> memref<128xi32, #tpu.memory_space<vmem>>
      %dma_wait3A_118 = arith.constant 0 : i32
      %dma_wait3A_119 = arith.constant 0 : i32
      %dma_wait3A_120 = tpu.memref_slice %arg2[%dma_wait3A_118, %dma_wait3A_119] : memref<10240x128xf32, #tpu.memory_space<hbm>> -> memref<10240x128xf32, #tpu.memory_space<hbm>>
      tpu.wait_indirect_dma semaphore(%arg12 : memref<!tpu.dma_semaphore, #tpu.memory_space<semaphore_mem>>) src(%dma_wait3A_120 : memref<10240x128xf32, #tpu.memory_space<hbm>>) dst(%arg9 : memref<128x128xf32, #tpu.memory_space<vmem>>)
      "tpu.region"() ({
        %run_scoped3A = tpu.sem_alloc : memref<!tpu.dma_semaphore, #tpu.memory_space<semaphore_mem>>
        %dma_start3A_143 = arith.constant 0 : i32
        %dma_start3A_144 = arith.constant 0 : i32
        %dma_start3A_145 = tpu.memref_slice %arg11[%dma_start3A_143, %dma_start3A_144] : memref<10240x128xf32, #tpu.memory_space<vmem_shared>> -> memref<10240x128xf32, #tpu.memory_space<vmem_shared>>
        tpu.enqueue_indirect_dma source(%arg9 : memref<128x128xf32, #tpu.memory_space<vmem>>) target(%dma_start3A_145 : memref<10240x128xf32, #tpu.memory_space<vmem_shared>>) offsets(%arg7 : memref<128xi32, #tpu.memory_space<vmem>>) semaphore(%run_scoped3A : memref<!tpu.dma_semaphore, #tpu.memory_space<semaphore_mem>>) {add = true}
        %dma_wait3A_146 = arith.constant 0 : i32
        %dma_wait3A_147 = arith.constant 0 : i32
        %dma_wait3A_148 = tpu.memref_slice %arg11[%dma_wait3A_146, %dma_wait3A_147] : memref<10240x128xf32, #tpu.memory_space<vmem_shared>> -> memref<10240x128xf32, #tpu.memory_space<vmem_shared>>
        tpu.wait_indirect_dma semaphore(%run_scoped3A : memref<!tpu.dma_semaphore, #tpu.memory_space<semaphore_mem>>) src(%arg9 : memref<128x128xf32, #tpu.memory_space<vmem>>) dst(%dma_wait3A_148 : memref<10240x128xf32, #tpu.memory_space<vmem_shared>>)
        tpu.yield
      }) : () -> ()
      %add3A_121 = arith.constant 2 : i32
      %add3A_122 = arith.addi %mul3A_91, %add3A_121 : i32
      %lt3A = arith.cmpi slt, %add3A_122, %select_n3A : i32
      %convert_element_type3A_123 = arith.extui %lt3A : i1 to i32
      %cond3A_124 = arith.constant 0 : i32
      %cond3A_125 = arith.cmpi ne, %convert_element_type3A_123, %cond3A_124 : i32
      scf.if %cond3A_125 {
        %add3A_143 = arith.addi %select_n3A_8, %mul3A_91 : i32
        %add3A_144 = arith.constant 2 : i32
        %add3A_145 = arith.addi %add3A_143, %add3A_144 : i32
        %dma_start3A_146 = arith.constant 0 : i32
        %dma_start3A_147 = tpu.memref_slice %arg4[%add3A_145, %dma_start3A_146] : memref<2560x128xi32, #tpu.memory_space<hbm>> -> memref<1x128xi32, #tpu.memory_space<hbm>>
        %dma_start3A_148 = tpu.memref_squeeze %dma_start3A_147 : memref<1x128xi32, #tpu.memory_space<hbm>> -> memref<128xi32, #tpu.memory_space<hbm>>
        %dma_start3A_149 = arith.constant 0 : i32
        %dma_start3A_150 = tpu.memref_slice %arg4[%add3A_145, %dma_start3A_149] : memref<2560x128xi32, #tpu.memory_space<hbm>> -> memref<1x128xi32, #tpu.memory_space<hbm>>
        %dma_start3A_151 = tpu.memref_squeeze %dma_start3A_150 : memref<1x128xi32, #tpu.memory_space<hbm>> -> memref<128xi32, #tpu.memory_space<hbm>>
        tpu.enqueue_dma source(%dma_start3A_151 : memref<128xi32, #tpu.memory_space<hbm>>) target(%arg7 : memref<128xi32, #tpu.memory_space<vmem>>) target_semaphore(%arg14 : memref<!tpu.dma_semaphore, #tpu.memory_space<semaphore_mem>>)
        %add3A_152 = arith.constant 2 : i32
        %add3A_153 = arith.addi %mul3A_91, %add3A_152 : i32
        %dma_start3A_154 = arith.constant 0 : i32
        %dma_start3A_155 = tpu.memref_slice %arg6[%add3A_153, %dma_start3A_154] : memref<120x128xi32, #tpu.memory_space<vmem>> -> memref<1x128xi32, #tpu.memory_space<vmem>>
        %dma_start3A_156 = tpu.memref_squeeze %dma_start3A_155 : memref<1x128xi32, #tpu.memory_space<vmem>> -> memref<128xi32, #tpu.memory_space<vmem>>
        %dma_start3A_157 = arith.constant 0 : i32
        %dma_start3A_158 = arith.constant 0 : i32
        %dma_start3A_159 = tpu.memref_slice %arg2[%dma_start3A_157, %dma_start3A_158] : memref<10240x128xf32, #tpu.memory_space<hbm>> -> memref<10240x128xf32, #tpu.memory_space<hbm>>
        tpu.enqueue_indirect_dma source(%dma_start3A_159 : memref<10240x128xf32, #tpu.memory_space<hbm>>) target(%arg9 : memref<128x128xf32, #tpu.memory_space<vmem>>) offsets(%dma_start3A_156 : memref<128xi32, #tpu.memory_space<vmem>>) semaphore(%arg12 : memref<!tpu.dma_semaphore, #tpu.memory_space<semaphore_mem>>)
      } else {
      }
      %add3A_126 = arith.addi %select_n3A_8, %mul3A_91 : i32
      %add3A_127 = arith.constant 1 : i32
      %add3A_128 = arith.addi %add3A_126, %add3A_127 : i32
      %dma_wait3A_129 = arith.constant 0 : i32
      %dma_wait3A_130 = tpu.memref_slice %arg4[%add3A_128, %dma_wait3A_129] : memref<2560x128xi32, #tpu.memory_space<hbm>> -> memref<1x128xi32, #tpu.memory_space<hbm>>
      %dma_wait3A_131 = tpu.memref_squeeze %dma_wait3A_130 : memref<1x128xi32, #tpu.memory_space<hbm>> -> memref<128xi32, #tpu.memory_space<hbm>>
      %dma_wait3A_132 = arith.constant 0 : i32
      %dma_wait3A_133 = tpu.memref_slice %arg4[%add3A_128, %dma_wait3A_132] : memref<2560x128xi32, #tpu.memory_space<hbm>> -> memref<1x128xi32, #tpu.memory_space<hbm>>
      %dma_wait3A_134 = tpu.memref_squeeze %dma_wait3A_133 : memref<1x128xi32, #tpu.memory_space<hbm>> -> memref<128xi32, #tpu.memory_space<hbm>>
      tpu.wait_dma2 semaphore(%arg15 : memref<!tpu.dma_semaphore, #tpu.memory_space<semaphore_mem>>) src(%dma_wait3A_134 : memref<128xi32, #tpu.memory_space<hbm>>) dst(%arg8 : memref<128xi32, #tpu.memory_space<vmem>>)
      %add3A_135 = arith.constant 1 : i32
      %add3A_136 = arith.addi %mul3A_91, %add3A_135 : i32
      %dma_wait3A_137 = arith.constant 0 : i32
      %dma_wait3A_138 = tpu.memref_slice %arg6[%add3A_136, %dma_wait3A_137] : memref<120x128xi32, #tpu.memory_space<vmem>> -> memref<1x128xi32, #tpu.memory_space<vmem>>
      %dma_wait3A_139 = tpu.memref_squeeze %dma_wait3A_138 : memref<1x128xi32, #tpu.memory_space<vmem>> -> memref<128xi32, #tpu.memory_space<vmem>>
      %dma_wait3A_140 = arith.constant 0 : i32
      %dma_wait3A_141 = arith.constant 0 : i32
      %dma_wait3A_142 = tpu.memref_slice %arg2[%dma_wait3A_140, %dma_wait3A_141] : memref<10240x128xf32, #tpu.memory_space<hbm>> -> memref<10240x128xf32, #tpu.memory_space<hbm>>
      tpu.wait_indirect_dma semaphore(%arg13 : memref<!tpu.dma_semaphore, #tpu.memory_space<semaphore_mem>>) src(%dma_wait3A_142 : memref<10240x128xf32, #tpu.memory_space<hbm>>) dst(%arg10 : memref<128x128xf32, #tpu.memory_space<vmem>>)
      "tpu.region"() ({
        %run_scoped3A = tpu.sem_alloc : memref<!tpu.dma_semaphore, #tpu.memory_space<semaphore_mem>>
        %dma_start3A_143 = arith.constant 0 : i32
        %dma_start3A_144 = arith.constant 0 : i32
        %dma_start3A_145 = tpu.memref_slice %arg11[%dma_start3A_143, %dma_start3A_144] : memref<10240x128xf32, #tpu.memory_space<vmem_shared>> -> memref<10240x128xf32, #tpu.memory_space<vmem_shared>>
        tpu.enqueue_indirect_dma source(%arg10 : memref<128x128xf32, #tpu.memory_space<vmem>>) target(%dma_start3A_145 : memref<10240x128xf32, #tpu.memory_space<vmem_shared>>) offsets(%arg8 : memref<128xi32, #tpu.memory_space<vmem>>) semaphore(%run_scoped3A : memref<!tpu.dma_semaphore, #tpu.memory_space<semaphore_mem>>) {add = true}
        %dma_wait3A_146 = arith.constant 0 : i32
        %dma_wait3A_147 = arith.constant 0 : i32
        %dma_wait3A_148 = tpu.memref_slice %arg11[%dma_wait3A_146, %dma_wait3A_147] : memref<10240x128xf32, #tpu.memory_space<vmem_shared>> -> memref<10240x128xf32, #tpu.memory_space<vmem_shared>>
        tpu.wait_indirect_dma semaphore(%run_scoped3A : memref<!tpu.dma_semaphore, #tpu.memory_space<semaphore_mem>>) src(%arg10 : memref<128x128xf32, #tpu.memory_space<vmem>>) dst(%dma_wait3A_148 : memref<10240x128xf32, #tpu.memory_space<vmem_shared>>)
        tpu.yield
      }) : () -> ()
    }
    %barrier3A_81 = arith.constant 0 : index
    tpu.barrier barrier_id(%barrier3A_81)
    %mul3A_82 = arith.constant 640 : i32
    %mul3A_83 = arith.muli %arg1, %mul3A_82 : i32
    %mul3A_84 = arith.constant 10240 : i32
    %mul3A_85 = arith.muli %arg0, %mul3A_84 : i32
    %mul3A_86 = arith.constant 640 : i32
    %mul3A_87 = arith.muli %arg1, %mul3A_86 : i32
    %add3A_88 = arith.addi %mul3A_85, %mul3A_87 : i32
    "tpu.region"() ({
      %run_scoped3A = tpu.sem_alloc : memref<!tpu.dma_semaphore, #tpu.memory_space<semaphore_mem>>
      %dma_start3A_89 = arith.constant 0 : i32
      %dma_start3A_90 = tpu.memref_slice %arg5[%add3A_88, %dma_start3A_89] : memref<20480x128xf32, #tpu.memory_space<hbm>> -> memref<640x128xf32, #tpu.memory_space<hbm>>
      %dma_start3A_91 = arith.constant 0 : i32
      %dma_start3A_92 = tpu.memref_slice %arg11[%mul3A_83, %dma_start3A_91] : memref<10240x128xf32, #tpu.memory_space<vmem_shared>> -> memref<640x128xf32, #tpu.memory_space<vmem_shared>>
      tpu.enqueue_dma source(%dma_start3A_92 : memref<640x128xf32, #tpu.memory_space<vmem_shared>>) target(%dma_start3A_90 : memref<640x128xf32, #tpu.memory_space<hbm>>) target_semaphore(%run_scoped3A : memref<!tpu.dma_semaphore, #tpu.memory_space<semaphore_mem>>)
      %dma_wait3A = arith.constant 0 : i32
      %dma_wait3A_93 = tpu.memref_slice %arg5[%add3A_88, %dma_wait3A] : memref<20480x128xf32, #tpu.memory_space<hbm>> -> memref<640x128xf32, #tpu.memory_space<hbm>>
      %dma_wait3A_94 = arith.constant 0 : i32
      %dma_wait3A_95 = tpu.memref_slice %arg11[%mul3A_83, %dma_wait3A_94] : memref<10240x128xf32, #tpu.memory_space<vmem_shared>> -> memref<640x128xf32, #tpu.memory_space<vmem_shared>>
      tpu.wait_dma2 semaphore(%run_scoped3A : memref<!tpu.dma_semaphore, #tpu.memory_space<semaphore_mem>>) src(%dma_wait3A_95 : memref<640x128xf32, #tpu.memory_space<vmem_shared>>) dst(%dma_wait3A_93 : memref<640x128xf32, #tpu.memory_space<hbm>>)
      tpu.yield
    }) : () -> ()
    return
  }
}

#map = affine_map<(d0, d1) -> (0, 0)>
module attributes {stable_mosaic.version = 14 : i64} {
  func.func @_edge_body(%arg0: i32, %arg1: i32, %arg2: memref<10240x128xf32, #tpu.memory_space<hbm>>, %arg3: memref<2560x128xi32, #tpu.memory_space<hbm>>, %arg4: memref<2560x128xi32, #tpu.memory_space<hbm>>, %arg5: memref<20480x128xf32, #tpu.memory_space<hbm>>, %arg6: memref<120x128xi32, #tpu.memory_space<vmem>>, %arg7: memref<128xi32, #tpu.memory_space<vmem>>, %arg8: memref<128xi32, #tpu.memory_space<vmem>>, %arg9: memref<128x128xf32, #tpu.memory_space<vmem>>, %arg10: memref<128x128xf32, #tpu.memory_space<vmem>>, %arg11: memref<10240x128xf32, #tpu.memory_space<vmem_shared>>, %arg12: memref<!tpu.dma_semaphore, #tpu.memory_space<semaphore_mem>>, %arg13: memref<!tpu.dma_semaphore, #tpu.memory_space<semaphore_mem>>, %arg14: memref<!tpu.dma_semaphore, #tpu.memory_space<semaphore_mem>>, %arg15: memref<!tpu.dma_semaphore, #tpu.memory_space<semaphore_mem>>) attributes {dimension_semantics = [#tpu.dimension_semantics<core_parallel>, #tpu.dimension_semantics<subcore_parallel>], iteration_bounds = array<i64: 2, 16>, scalar_prefetch = 0 : i64, scratch_operands = 10 : i64, tpu.core_type = #tpu.core_type<sc_vector_subcore>, window_params = [{transform_indices = #map}, {transform_indices = #map}, {transform_indices = #map}, {transform_indices = #map}]} {
    %eq3A = arith.constant 0 : i32
    %eq3A_0 = arith.cmpi eq, %arg0, %eq3A : i32
    %jit3A = arith.constant 120 : i32
    %jit3A_1 = arith.constant 40 : i32
    %select_n3A = arith.select %eq3A_0, %jit3A, %jit3A_1 : i32
    %eq3A_2 = arith.constant 0 : i32
    %eq3A_3 = arith.cmpi eq, %arg0, %eq3A_2 : i32
    %mul3A = arith.constant 120 : i32
    %mul3A_4 = arith.muli %arg1, %mul3A : i32
    %mul3A_5 = arith.constant 40 : i32
    %mul3A_6 = arith.muli %arg1, %mul3A_5 : i32
    %add3A = arith.constant 1920 : i32
    %add3A_7 = arith.addi %add3A, %mul3A_6 : i32
    %select_n3A_8 = arith.select %eq3A_3, %mul3A_4, %add3A_7 : i32
    %eq3A_9 = arith.constant 0 : i32
    %eq3A_10 = arith.cmpi eq, %arg0, %eq3A_9 : i32
    %convert_element_type3A = arith.extui %eq3A_10 : i1 to i32
    %cond3A = arith.constant 0 : i32
    %cond3A_11 = arith.cmpi ne, %convert_element_type3A, %cond3A : i32
    scf.if %cond3A_11 {
      "tpu.region"() ({
        %run_scoped3A = tpu.sem_alloc : memref<!tpu.dma_semaphore, #tpu.memory_space<semaphore_mem>>
        %dma_start3A_89 = arith.constant 0 : i32
        %dma_start3A_90 = tpu.memref_slice %arg3[%select_n3A_8, %dma_start3A_89] : memref<2560x128xi32, #tpu.memory_space<hbm>> -> memref<120x128xi32, #tpu.memory_space<hbm>>
        %dma_start3A_91 = arith.constant 0 : i32
        %dma_start3A_92 = tpu.memref_slice %arg3[%select_n3A_8, %dma_start3A_91] : memref<2560x128xi32, #tpu.memory_space<hbm>> -> memref<120x128xi32, #tpu.memory_space<hbm>>
        tpu.enqueue_dma source(%dma_start3A_92 : memref<120x128xi32, #tpu.memory_space<hbm>>) target(%arg6 : memref<120x128xi32, #tpu.memory_space<vmem>>) target_semaphore(%run_scoped3A : memref<!tpu.dma_semaphore, #tpu.memory_space<semaphore_mem>>)
        %dma_wait3A = arith.constant 0 : i32
        %dma_wait3A_93 = tpu.memref_slice %arg3[%select_n3A_8, %dma_wait3A] : memref<2560x128xi32, #tpu.memory_space<hbm>> -> memref<120x128xi32, #tpu.memory_space<hbm>>
        %dma_wait3A_94 = arith.constant 0 : i32
        %dma_wait3A_95 = tpu.memref_slice %arg3[%select_n3A_8, %dma_wait3A_94] : memref<2560x128xi32, #tpu.memory_space<hbm>> -> memref<120x128xi32, #tpu.memory_space<hbm>>
        tpu.wait_dma2 semaphore(%run_scoped3A : memref<!tpu.dma_semaphore, #tpu.memory_space<semaphore_mem>>) src(%dma_wait3A_95 : memref<120x128xi32, #tpu.memory_space<hbm>>) dst(%arg6 : memref<120x128xi32, #tpu.memory_space<vmem>>)
        tpu.yield
      }) : () -> ()
    } else {
    }
    %ne3A = arith.constant 0 : i32
    %ne3A_12 = arith.cmpi ne, %arg0, %ne3A : i32
    %convert_element_type3A_13 = arith.extui %ne3A_12 : i1 to i32
    %cond3A_14 = arith.constant 0 : i32
    %cond3A_15 = arith.cmpi ne, %convert_element_type3A_13, %cond3A_14 : i32
    scf.if %cond3A_15 {
      "tpu.region"() ({
        %run_scoped3A = tpu.sem_alloc : memref<!tpu.dma_semaphore, #tpu.memory_space<semaphore_mem>>
        %dma_start3A_89 = arith.constant 0 : i32
        %dma_start3A_90 = arith.constant 0 : i32
        %dma_start3A_91 = tpu.memref_slice %arg6[%dma_start3A_89, %dma_start3A_90] : memref<120x128xi32, #tpu.memory_space<vmem>> -> memref<40x128xi32, #tpu.memory_space<vmem>>
        %dma_start3A_92 = arith.constant 0 : i32
        %dma_start3A_93 = tpu.memref_slice %arg3[%select_n3A_8, %dma_start3A_92] : memref<2560x128xi32, #tpu.memory_space<hbm>> -> memref<40x128xi32, #tpu.memory_space<hbm>>
        %dma_start3A_94 = arith.constant 0 : i32
        %dma_start3A_95 = arith.constant 0 : i32
        %dma_start3A_96 = tpu.memref_slice %arg6[%dma_start3A_94, %dma_start3A_95] : memref<120x128xi32, #tpu.memory_space<vmem>> -> memref<40x128xi32, #tpu.memory_space<vmem>>
        %dma_start3A_97 = arith.constant 0 : i32
        %dma_start3A_98 = tpu.memref_slice %arg3[%select_n3A_8, %dma_start3A_97] : memref<2560x128xi32, #tpu.memory_space<hbm>> -> memref<40x128xi32, #tpu.memory_space<hbm>>
        tpu.enqueue_dma source(%dma_start3A_98 : memref<40x128xi32, #tpu.memory_space<hbm>>) target(%dma_start3A_96 : memref<40x128xi32, #tpu.memory_space<vmem>>) target_semaphore(%run_scoped3A : memref<!tpu.dma_semaphore, #tpu.memory_space<semaphore_mem>>)
        %dma_wait3A = arith.constant 0 : i32
        %dma_wait3A_99 = arith.constant 0 : i32
        %dma_wait3A_100 = tpu.memref_slice %arg6[%dma_wait3A, %dma_wait3A_99] : memref<120x128xi32, #tpu.memory_space<vmem>> -> memref<40x128xi32, #tpu.memory_space<vmem>>
        %dma_wait3A_101 = arith.constant 0 : i32
        %dma_wait3A_102 = tpu.memref_slice %arg3[%select_n3A_8, %dma_wait3A_101] : memref<2560x128xi32, #tpu.memory_space<hbm>> -> memref<40x128xi32, #tpu.memory_space<hbm>>
        %dma_wait3A_103 = arith.constant 0 : i32
        %dma_wait3A_104 = arith.constant 0 : i32
        %dma_wait3A_105 = tpu.memref_slice %arg6[%dma_wait3A_103, %dma_wait3A_104] : memref<120x128xi32, #tpu.memory_space<vmem>> -> memref<40x128xi32, #tpu.memory_space<vmem>>
        %dma_wait3A_106 = arith.constant 0 : i32
        %dma_wait3A_107 = tpu.memref_slice %arg3[%select_n3A_8, %dma_wait3A_106] : memref<2560x128xi32, #tpu.memory_space<hbm>> -> memref<40x128xi32, #tpu.memory_space<hbm>>
        tpu.wait_dma2 semaphore(%run_scoped3A : memref<!tpu.dma_semaphore, #tpu.memory_space<semaphore_mem>>) src(%dma_wait3A_107 : memref<40x128xi32, #tpu.memory_space<hbm>>) dst(%dma_wait3A_105 : memref<40x128xi32, #tpu.memory_space<vmem>>)
        tpu.yield
      }) : () -> ()
    } else {
    }
    %scan3A = arith.constant 0 : i32
    %scan3A_16 = arith.constant 0 : i32
    %scan3A_17 = arith.constant 128 : i32
    %scan3A_18 = arith.addi %scan3A_16, %scan3A_17 : i32
    %scan3A_19 = arith.constant 1 : i32
    scf.for %scan3A_89 = %scan3A_16 to %scan3A_18 step %scan3A_19  : i32 {
      %broadcast_in_dim3A = arith.constant 0.000000e+00 : f32
      %broadcast_in_dim3A_90 = vector.broadcast %broadcast_in_dim3A : f32 to vector<16xf32>
      %swap3A = arith.index_cast %scan3A_89 : i32 to index
      %swap3A_91 = arith.constant 0 : index
      %swap3A_92 = tpu.vector_load %arg9[%swap3A, %swap3A_91] {strides = array<i32>} : memref<128x128xf32, #tpu.memory_space<vmem>>, vector<1x16xf32>,
      %swap3A_93 = vector.shape_cast %swap3A_92 : vector<1x16xf32> to vector<16xf32>
      %swap3A_94 = vector.shape_cast %broadcast_in_dim3A_90 : vector<16xf32> to vector<1x16xf32>
      tpu.vector_store %arg9[%swap3A, %swap3A_91], %swap3A_94 {strides = array<i32>} : memref<128x128xf32, #tpu.memory_space<vmem>>, vector<1x16xf32>,
      %broadcast_in_dim3A_95 = arith.constant 0.000000e+00 : f32
      %broadcast_in_dim3A_96 = vector.broadcast %broadcast_in_dim3A_95 : f32 to vector<16xf32>
      %swap3A_97 = arith.index_cast %scan3A_89 : i32 to index
      %swap3A_98 = arith.constant 16 : index
      %swap3A_99 = tpu.vector_load %arg9[%swap3A_97, %swap3A_98] {strides = array<i32>} : memref<128x128xf32, #tpu.memory_space<vmem>>, vector<1x16xf32>,
      %swap3A_100 = vector.shape_cast %swap3A_99 : vector<1x16xf32> to vector<16xf32>
      %swap3A_101 = vector.shape_cast %broadcast_in_dim3A_96 : vector<16xf32> to vector<1x16xf32>
      tpu.vector_store %arg9[%swap3A_97, %swap3A_98], %swap3A_101 {strides = array<i32>} : memref<128x128xf32, #tpu.memory_space<vmem>>, vector<1x16xf32>,
      %broadcast_in_dim3A_102 = arith.constant 0.000000e+00 : f32
      %broadcast_in_dim3A_103 = vector.broadcast %broadcast_in_dim3A_102 : f32 to vector<16xf32>
      %swap3A_104 = arith.index_cast %scan3A_89 : i32 to index
      %swap3A_105 = arith.constant 32 : index
      %swap3A_106 = tpu.vector_load %arg9[%swap3A_104, %swap3A_105] {strides = array<i32>} : memref<128x128xf32, #tpu.memory_space<vmem>>, vector<1x16xf32>,
      %swap3A_107 = vector.shape_cast %swap3A_106 : vector<1x16xf32> to vector<16xf32>
      %swap3A_108 = vector.shape_cast %broadcast_in_dim3A_103 : vector<16xf32> to vector<1x16xf32>
      tpu.vector_store %arg9[%swap3A_104, %swap3A_105], %swap3A_108 {strides = array<i32>} : memref<128x128xf32, #tpu.memory_space<vmem>>, vector<1x16xf32>,
      %broadcast_in_dim3A_109 = arith.constant 0.000000e+00 : f32
      %broadcast_in_dim3A_110 = vector.broadcast %broadcast_in_dim3A_109 : f32 to vector<16xf32>
      %swap3A_111 = arith.index_cast %scan3A_89 : i32 to index
      %swap3A_112 = arith.constant 48 : index
      %swap3A_113 = tpu.vector_load %arg9[%swap3A_111, %swap3A_112] {strides = array<i32>} : memref<128x128xf32, #tpu.memory_space<vmem>>, vector<1x16xf32>,
      %swap3A_114 = vector.shape_cast %swap3A_113 : vector<1x16xf32> to vector<16xf32>
      %swap3A_115 = vector.shape_cast %broadcast_in_dim3A_110 : vector<16xf32> to vector<1x16xf32>
      tpu.vector_store %arg9[%swap3A_111, %swap3A_112], %swap3A_115 {strides = array<i32>} : memref<128x128xf32, #tpu.memory_space<vmem>>, vector<1x16xf32>,
      %broadcast_in_dim3A_116 = arith.constant 0.000000e+00 : f32
      %broadcast_in_dim3A_117 = vector.broadcast %broadcast_in_dim3A_116 : f32 to vector<16xf32>
      %swap3A_118 = arith.index_cast %scan3A_89 : i32 to index
      %swap3A_119 = arith.constant 64 : index
      %swap3A_120 = tpu.vector_load %arg9[%swap3A_118, %swap3A_119] {strides = array<i32>} : memref<128x128xf32, #tpu.memory_space<vmem>>, vector<1x16xf32>,
      %swap3A_121 = vector.shape_cast %swap3A_120 : vector<1x16xf32> to vector<16xf32>
      %swap3A_122 = vector.shape_cast %broadcast_in_dim3A_117 : vector<16xf32> to vector<1x16xf32>
      tpu.vector_store %arg9[%swap3A_118, %swap3A_119], %swap3A_122 {strides = array<i32>} : memref<128x128xf32, #tpu.memory_space<vmem>>, vector<1x16xf32>,
      %broadcast_in_dim3A_123 = arith.constant 0.000000e+00 : f32
      %broadcast_in_dim3A_124 = vector.broadcast %broadcast_in_dim3A_123 : f32 to vector<16xf32>
      %swap3A_125 = arith.index_cast %scan3A_89 : i32 to index
      %swap3A_126 = arith.constant 80 : index
      %swap3A_127 = tpu.vector_load %arg9[%swap3A_125, %swap3A_126] {strides = array<i32>} : memref<128x128xf32, #tpu.memory_space<vmem>>, vector<1x16xf32>,
      %swap3A_128 = vector.shape_cast %swap3A_127 : vector<1x16xf32> to vector<16xf32>
      %swap3A_129 = vector.shape_cast %broadcast_in_dim3A_124 : vector<16xf32> to vector<1x16xf32>
      tpu.vector_store %arg9[%swap3A_125, %swap3A_126], %swap3A_129 {strides = array<i32>} : memref<128x128xf32, #tpu.memory_space<vmem>>, vector<1x16xf32>,
      %broadcast_in_dim3A_130 = arith.constant 0.000000e+00 : f32
      %broadcast_in_dim3A_131 = vector.broadcast %broadcast_in_dim3A_130 : f32 to vector<16xf32>
      %swap3A_132 = arith.index_cast %scan3A_89 : i32 to index
      %swap3A_133 = arith.constant 96 : index
      %swap3A_134 = tpu.vector_load %arg9[%swap3A_132, %swap3A_133] {strides = array<i32>} : memref<128x128xf32, #tpu.memory_space<vmem>>, vector<1x16xf32>,
      %swap3A_135 = vector.shape_cast %swap3A_134 : vector<1x16xf32> to vector<16xf32>
      %swap3A_136 = vector.shape_cast %broadcast_in_dim3A_131 : vector<16xf32> to vector<1x16xf32>
      tpu.vector_store %arg9[%swap3A_132, %swap3A_133], %swap3A_136 {strides = array<i32>} : memref<128x128xf32, #tpu.memory_space<vmem>>, vector<1x16xf32>,
      %broadcast_in_dim3A_137 = arith.constant 0.000000e+00 : f32
      %broadcast_in_dim3A_138 = vector.broadcast %broadcast_in_dim3A_137 : f32 to vector<16xf32>
      %swap3A_139 = arith.index_cast %scan3A_89 : i32 to index
      %swap3A_140 = arith.constant 112 : index
      %swap3A_141 = tpu.vector_load %arg9[%swap3A_139, %swap3A_140] {strides = array<i32>} : memref<128x128xf32, #tpu.memory_space<vmem>>, vector<1x16xf32>,
      %swap3A_142 = vector.shape_cast %swap3A_141 : vector<1x16xf32> to vector<16xf32>
      %swap3A_143 = vector.shape_cast %broadcast_in_dim3A_138 : vector<16xf32> to vector<1x16xf32>
      tpu.vector_store %arg9[%swap3A_139, %swap3A_140], %swap3A_143 {strides = array<i32>} : memref<128x128xf32, #tpu.memory_space<vmem>>, vector<1x16xf32>,
    }
    %scan3A_20 = arith.constant 128 : i32
    %mul3A_21 = arith.constant 640 : i32
    %mul3A_22 = arith.muli %arg1, %mul3A_21 : i32
    %add3A_23 = arith.constant 0 : i32
    %add3A_24 = arith.addi %mul3A_22, %add3A_23 : i32
    "tpu.region"() ({
      %run_scoped3A = tpu.sem_alloc : memref<!tpu.dma_semaphore, #tpu.memory_space<semaphore_mem>>
      %dma_start3A_89 = arith.constant 0 : i32
      %dma_start3A_90 = tpu.memref_slice %arg11[%add3A_24, %dma_start3A_89] : memref<10240x128xf32, #tpu.memory_space<vmem_shared>> -> memref<128x128xf32, #tpu.memory_space<vmem_shared>>
      %dma_start3A_91 = arith.constant 0 : i32
      %dma_start3A_92 = tpu.memref_slice %arg11[%add3A_24, %dma_start3A_91] : memref<10240x128xf32, #tpu.memory_space<vmem_shared>> -> memref<128x128xf32, #tpu.memory_space<vmem_shared>>
      tpu.enqueue_dma source(%arg9 : memref<128x128xf32, #tpu.memory_space<vmem>>) target(%dma_start3A_92 : memref<128x128xf32, #tpu.memory_space<vmem_shared>>) target_semaphore(%run_scoped3A : memref<!tpu.dma_semaphore, #tpu.memory_space<semaphore_mem>>)
      %dma_wait3A = arith.constant 0 : i32
      %dma_wait3A_93 = tpu.memref_slice %arg11[%add3A_24, %dma_wait3A] : memref<10240x128xf32, #tpu.memory_space<vmem_shared>> -> memref<128x128xf32, #tpu.memory_space<vmem_shared>>
      %dma_wait3A_94 = arith.constant 0 : i32
      %dma_wait3A_95 = tpu.memref_slice %arg11[%add3A_24, %dma_wait3A_94] : memref<10240x128xf32, #tpu.memory_space<vmem_shared>> -> memref<128x128xf32, #tpu.memory_space<vmem_shared>>
      tpu.wait_dma2 semaphore(%run_scoped3A : memref<!tpu.dma_semaphore, #tpu.memory_space<semaphore_mem>>) src(%arg9 : memref<128x128xf32, #tpu.memory_space<vmem>>) dst(%dma_wait3A_95 : memref<128x128xf32, #tpu.memory_space<vmem_shared>>)
      tpu.yield
    }) : () -> ()
    %mul3A_25 = arith.constant 640 : i32
    %mul3A_26 = arith.muli %arg1, %mul3A_25 : i32
    %add3A_27 = arith.constant 128 : i32
    %add3A_28 = arith.addi %mul3A_26, %add3A_27 : i32
    "tpu.region"() ({
      %run_scoped3A = tpu.sem_alloc : memref<!tpu.dma_semaphore, #tpu.memory_space<semaphore_mem>>
      %dma_start3A_89 = arith.constant 0 : i32
      %dma_start3A_90 = tpu.memref_slice %arg11[%add3A_28, %dma_start3A_89] : memref<10240x128xf32, #tpu.memory_space<vmem_shared>> -> memref<128x128xf32, #tpu.memory_space<vmem_shared>>
      %dma_start3A_91 = arith.constant 0 : i32
      %dma_start3A_92 = tpu.memref_slice %arg11[%add3A_28, %dma_start3A_91] : memref<10240x128xf32, #tpu.memory_space<vmem_shared>> -> memref<128x128xf32, #tpu.memory_space<vmem_shared>>
      tpu.enqueue_dma source(%arg9 : memref<128x128xf32, #tpu.memory_space<vmem>>) target(%dma_start3A_92 : memref<128x128xf32, #tpu.memory_space<vmem_shared>>) target_semaphore(%run_scoped3A : memref<!tpu.dma_semaphore, #tpu.memory_space<semaphore_mem>>)
      %dma_wait3A = arith.constant 0 : i32
      %dma_wait3A_93 = tpu.memref_slice %arg11[%add3A_28, %dma_wait3A] : memref<10240x128xf32, #tpu.memory_space<vmem_shared>> -> memref<128x128xf32, #tpu.memory_space<vmem_shared>>
      %dma_wait3A_94 = arith.constant 0 : i32
      %dma_wait3A_95 = tpu.memref_slice %arg11[%add3A_28, %dma_wait3A_94] : memref<10240x128xf32, #tpu.memory_space<vmem_shared>> -> memref<128x128xf32, #tpu.memory_space<vmem_shared>>
      tpu.wait_dma2 semaphore(%run_scoped3A : memref<!tpu.dma_semaphore, #tpu.memory_space<semaphore_mem>>) src(%arg9 : memref<128x128xf32, #tpu.memory_space<vmem>>) dst(%dma_wait3A_95 : memref<128x128xf32, #tpu.memory_space<vmem_shared>>)
      tpu.yield
    }) : () -> ()
    %mul3A_29 = arith.constant 640 : i32
    %mul3A_30 = arith.muli %arg1, %mul3A_29 : i32
    %add3A_31 = arith.constant 256 : i32
    %add3A_32 = arith.addi %mul3A_30, %add3A_31 : i32
    "tpu.region"() ({
      %run_scoped3A = tpu.sem_alloc : memref<!tpu.dma_semaphore, #tpu.memory_space<semaphore_mem>>
      %dma_start3A_89 = arith.constant 0 : i32
      %dma_start3A_90 = tpu.memref_slice %arg11[%add3A_32, %dma_start3A_89] : memref<10240x128xf32, #tpu.memory_space<vmem_shared>> -> memref<128x128xf32, #tpu.memory_space<vmem_shared>>
      %dma_start3A_91 = arith.constant 0 : i32
      %dma_start3A_92 = tpu.memref_slice %arg11[%add3A_32, %dma_start3A_91] : memref<10240x128xf32, #tpu.memory_space<vmem_shared>> -> memref<128x128xf32, #tpu.memory_space<vmem_shared>>
      tpu.enqueue_dma source(%arg9 : memref<128x128xf32, #tpu.memory_space<vmem>>) target(%dma_start3A_92 : memref<128x128xf32, #tpu.memory_space<vmem_shared>>) target_semaphore(%run_scoped3A : memref<!tpu.dma_semaphore, #tpu.memory_space<semaphore_mem>>)
      %dma_wait3A = arith.constant 0 : i32
      %dma_wait3A_93 = tpu.memref_slice %arg11[%add3A_32, %dma_wait3A] : memref<10240x128xf32, #tpu.memory_space<vmem_shared>> -> memref<128x128xf32, #tpu.memory_space<vmem_shared>>
      %dma_wait3A_94 = arith.constant 0 : i32
      %dma_wait3A_95 = tpu.memref_slice %arg11[%add3A_32, %dma_wait3A_94] : memref<10240x128xf32, #tpu.memory_space<vmem_shared>> -> memref<128x128xf32, #tpu.memory_space<vmem_shared>>
      tpu.wait_dma2 semaphore(%run_scoped3A : memref<!tpu.dma_semaphore, #tpu.memory_space<semaphore_mem>>) src(%arg9 : memref<128x128xf32, #tpu.memory_space<vmem>>) dst(%dma_wait3A_95 : memref<128x128xf32, #tpu.memory_space<vmem_shared>>)
      tpu.yield
    }) : () -> ()
    %mul3A_33 = arith.constant 640 : i32
    %mul3A_34 = arith.muli %arg1, %mul3A_33 : i32
    %add3A_35 = arith.constant 384 : i32
    %add3A_36 = arith.addi %mul3A_34, %add3A_35 : i32
    "tpu.region"() ({
      %run_scoped3A = tpu.sem_alloc : memref<!tpu.dma_semaphore, #tpu.memory_space<semaphore_mem>>
      %dma_start3A_89 = arith.constant 0 : i32
      %dma_start3A_90 = tpu.memref_slice %arg11[%add3A_36, %dma_start3A_89] : memref<10240x128xf32, #tpu.memory_space<vmem_shared>> -> memref<128x128xf32, #tpu.memory_space<vmem_shared>>
      %dma_start3A_91 = arith.constant 0 : i32
      %dma_start3A_92 = tpu.memref_slice %arg11[%add3A_36, %dma_start3A_91] : memref<10240x128xf32, #tpu.memory_space<vmem_shared>> -> memref<128x128xf32, #tpu.memory_space<vmem_shared>>
      tpu.enqueue_dma source(%arg9 : memref<128x128xf32, #tpu.memory_space<vmem>>) target(%dma_start3A_92 : memref<128x128xf32, #tpu.memory_space<vmem_shared>>) target_semaphore(%run_scoped3A : memref<!tpu.dma_semaphore, #tpu.memory_space<semaphore_mem>>)
      %dma_wait3A = arith.constant 0 : i32
      %dma_wait3A_93 = tpu.memref_slice %arg11[%add3A_36, %dma_wait3A] : memref<10240x128xf32, #tpu.memory_space<vmem_shared>> -> memref<128x128xf32, #tpu.memory_space<vmem_shared>>
      %dma_wait3A_94 = arith.constant 0 : i32
      %dma_wait3A_95 = tpu.memref_slice %arg11[%add3A_36, %dma_wait3A_94] : memref<10240x128xf32, #tpu.memory_space<vmem_shared>> -> memref<128x128xf32, #tpu.memory_space<vmem_shared>>
      tpu.wait_dma2 semaphore(%run_scoped3A : memref<!tpu.dma_semaphore, #tpu.memory_space<semaphore_mem>>) src(%arg9 : memref<128x128xf32, #tpu.memory_space<vmem>>) dst(%dma_wait3A_95 : memref<128x128xf32, #tpu.memory_space<vmem_shared>>)
      tpu.yield
    }) : () -> ()
    %mul3A_37 = arith.constant 640 : i32
    %mul3A_38 = arith.muli %arg1, %mul3A_37 : i32
    %add3A_39 = arith.constant 512 : i32
    %add3A_40 = arith.addi %mul3A_38, %add3A_39 : i32
    "tpu.region"() ({
      %run_scoped3A = tpu.sem_alloc : memref<!tpu.dma_semaphore, #tpu.memory_space<semaphore_mem>>
      %dma_start3A_89 = arith.constant 0 : i32
      %dma_start3A_90 = tpu.memref_slice %arg11[%add3A_40, %dma_start3A_89] : memref<10240x128xf32, #tpu.memory_space<vmem_shared>> -> memref<128x128xf32, #tpu.memory_space<vmem_shared>>
      %dma_start3A_91 = arith.constant 0 : i32
      %dma_start3A_92 = tpu.memref_slice %arg11[%add3A_40, %dma_start3A_91] : memref<10240x128xf32, #tpu.memory_space<vmem_shared>> -> memref<128x128xf32, #tpu.memory_space<vmem_shared>>
      tpu.enqueue_dma source(%arg9 : memref<128x128xf32, #tpu.memory_space<vmem>>) target(%dma_start3A_92 : memref<128x128xf32, #tpu.memory_space<vmem_shared>>) target_semaphore(%run_scoped3A : memref<!tpu.dma_semaphore, #tpu.memory_space<semaphore_mem>>)
      %dma_wait3A = arith.constant 0 : i32
      %dma_wait3A_93 = tpu.memref_slice %arg11[%add3A_40, %dma_wait3A] : memref<10240x128xf32, #tpu.memory_space<vmem_shared>> -> memref<128x128xf32, #tpu.memory_space<vmem_shared>>
      %dma_wait3A_94 = arith.constant 0 : i32
      %dma_wait3A_95 = tpu.memref_slice %arg11[%add3A_40, %dma_wait3A_94] : memref<10240x128xf32, #tpu.memory_space<vmem_shared>> -> memref<128x128xf32, #tpu.memory_space<vmem_shared>>
      tpu.wait_dma2 semaphore(%run_scoped3A : memref<!tpu.dma_semaphore, #tpu.memory_space<semaphore_mem>>) src(%arg9 : memref<128x128xf32, #tpu.memory_space<vmem>>) dst(%dma_wait3A_95 : memref<128x128xf32, #tpu.memory_space<vmem_shared>>)
      tpu.yield
    }) : () -> ()
    %barrier3A = arith.constant 0 : index
    tpu.barrier barrier_id(%barrier3A)
    %dma_start3A = arith.constant 0 : i32
    %dma_start3A_41 = tpu.memref_slice %arg4[%select_n3A_8, %dma_start3A] : memref<2560x128xi32, #tpu.memory_space<hbm>> -> memref<1x128xi32, #tpu.memory_space<hbm>>
    %dma_start3A_42 = tpu.memref_squeeze %dma_start3A_41 : memref<1x128xi32, #tpu.memory_space<hbm>> -> memref<128xi32, #tpu.memory_space<hbm>>
    %dma_start3A_43 = arith.constant 0 : i32
    %dma_start3A_44 = tpu.memref_slice %arg4[%select_n3A_8, %dma_start3A_43] : memref<2560x128xi32, #tpu.memory_space<hbm>> -> memref<1x128xi32, #tpu.memory_space<hbm>>
    %dma_start3A_45 = tpu.memref_squeeze %dma_start3A_44 : memref<1x128xi32, #tpu.memory_space<hbm>> -> memref<128xi32, #tpu.memory_space<hbm>>
    tpu.enqueue_dma source(%dma_start3A_45 : memref<128xi32, #tpu.memory_space<hbm>>) target(%arg7 : memref<128xi32, #tpu.memory_space<vmem>>) target_semaphore(%arg14 : memref<!tpu.dma_semaphore, #tpu.memory_space<semaphore_mem>>)
    %dma_start3A_46 = arith.constant 0 : i32
    %dma_start3A_47 = arith.constant 0 : i32
    %dma_start3A_48 = tpu.memref_slice %arg6[%dma_start3A_46, %dma_start3A_47] : memref<120x128xi32, #tpu.memory_space<vmem>> -> memref<1x128xi32, #tpu.memory_space<vmem>>
    %dma_start3A_49 = tpu.memref_squeeze %dma_start3A_48 : memref<1x128xi32, #tpu.memory_space<vmem>> -> memref<128xi32, #tpu.memory_space<vmem>>
    %dma_start3A_50 = arith.constant 0 : i32
    %dma_start3A_51 = arith.constant 0 : i32
    %dma_start3A_52 = tpu.memref_slice %arg2[%dma_start3A_50, %dma_start3A_51] : memref<10240x128xf32, #tpu.memory_space<hbm>> -> memref<10240x128xf32, #tpu.memory_space<hbm>>
    tpu.enqueue_indirect_dma source(%dma_start3A_52 : memref<10240x128xf32, #tpu.memory_space<hbm>>) target(%arg9 : memref<128x128xf32, #tpu.memory_space<vmem>>) offsets(%dma_start3A_49 : memref<128xi32, #tpu.memory_space<vmem>>) semaphore(%arg12 : memref<!tpu.dma_semaphore, #tpu.memory_space<semaphore_mem>>)
    %jit3A_53 = arith.constant 2 : i32
    %div3A = arith.divsi %select_n3A, %jit3A_53 : i32
    %sign3A = arith.constant 0 : i32
    %sign3A_54 = arith.cmpi sgt, %select_n3A, %sign3A : i32
    %sign3A_55 = arith.extui %sign3A_54 : i1 to i32
    %sign3A_56 = arith.constant 0 : i32
    %sign3A_57 = arith.cmpi slt, %select_n3A, %sign3A_56 : i32
    %sign3A_58 = arith.extui %sign3A_57 : i1 to i32
    %sign3A_59 = arith.subi %sign3A_55, %sign3A_58 : i32
    %sign3A_60 = arith.constant 0 : i32
    %sign3A_61 = arith.cmpi sgt, %jit3A_53, %sign3A_60 : i32
    %sign3A_62 = arith.extui %sign3A_61 : i1 to i32
    %sign3A_63 = arith.constant 0 : i32
    %sign3A_64 = arith.cmpi slt, %jit3A_53, %sign3A_63 : i32
    %sign3A_65 = arith.extui %sign3A_64 : i1 to i32
    %sign3A_66 = arith.subi %sign3A_62, %sign3A_65 : i32
    %ne3A_67 = arith.cmpi ne, %sign3A_59, %sign3A_66 : i32
    %rem3A = arith.remsi %select_n3A, %jit3A_53 : i32
    %ne3A_68 = arith.constant 0 : i32
    %ne3A_69 = arith.cmpi ne, %rem3A, %ne3A_68 : i32
    %and3A = arith.andi %ne3A_67, %ne3A_69 : i1
    %sub3A = arith.constant 1 : i32
    %sub3A_70 = arith.subi %div3A, %sub3A : i32
    %select_n3A_71 = arith.select %and3A, %sub3A_70, %div3A : i32
    %while3A = arith.constant 0 : i32
    %while3A_72 = arith.constant 0 : i32
    %while3A_73 = arith.subi %select_n3A_71, %while3A_72 : i32
    %while3A_74 = arith.addi %while3A_72, %while3A_73 : i32
    %while3A_75 = arith.constant 1 : i32
    %while3A_76 = arith.divsi %while3A_73, %while3A_75 : i32
    %while3A_77 = arith.muli %while3A_76, %while3A_75 : i32
    %while3A_78 = arith.addi %while3A_72, %while3A_77 : i32
    %while3A_79 = arith.constant 1 : i32
    scf.for %while3A_89 = %while3A_72 to %while3A_78 step %while3A_79  : i32 {
      %mul3A_90 = arith.constant 2 : i32
      %mul3A_91 = arith.muli %mul3A_90, %while3A_89 : i32
      %add3A_92 = arith.addi %select_n3A_8, %mul3A_91 : i32
      %add3A_93 = arith.constant 1 : i32
      %add3A_94 = arith.addi %add3A_92, %add3A_93 : i32
      %dma_start3A_95 = arith.constant 0 : i32
      %dma_start3A_96 = tpu.memref_slice %arg4[%add3A_94, %dma_start3A_95] : memref<2560x128xi32, #tpu.memory_space<hbm>> -> memref<1x128xi32, #tpu.memory_space<hbm>>
      %dma_start3A_97 = tpu.memref_squeeze %dma_start3A_96 : memref<1x128xi32, #tpu.memory_space<hbm>> -> memref<128xi32, #tpu.memory_space<hbm>>
      %dma_start3A_98 = arith.constant 0 : i32
      %dma_start3A_99 = tpu.memref_slice %arg4[%add3A_94, %dma_start3A_98] : memref<2560x128xi32, #tpu.memory_space<hbm>> -> memref<1x128xi32, #tpu.memory_space<hbm>>
      %dma_start3A_100 = tpu.memref_squeeze %dma_start3A_99 : memref<1x128xi32, #tpu.memory_space<hbm>> -> memref<128xi32, #tpu.memory_space<hbm>>
      tpu.enqueue_dma source(%dma_start3A_100 : memref<128xi32, #tpu.memory_space<hbm>>) target(%arg8 : memref<128xi32, #tpu.memory_space<vmem>>) target_semaphore(%arg15 : memref<!tpu.dma_semaphore, #tpu.memory_space<semaphore_mem>>)
      %add3A_101 = arith.constant 1 : i32
      %add3A_102 = arith.addi %mul3A_91, %add3A_101 : i32
      %dma_start3A_103 = arith.constant 0 : i32
      %dma_start3A_104 = tpu.memref_slice %arg6[%add3A_102, %dma_start3A_103] : memref<120x128xi32, #tpu.memory_space<vmem>> -> memref<1x128xi32, #tpu.memory_space<vmem>>
      %dma_start3A_105 = tpu.memref_squeeze %dma_start3A_104 : memref<1x128xi32, #tpu.memory_space<vmem>> -> memref<128xi32, #tpu.memory_space<vmem>>
      %dma_start3A_106 = arith.constant 0 : i32
      %dma_start3A_107 = arith.constant 0 : i32
      %dma_start3A_108 = tpu.memref_slice %arg2[%dma_start3A_106, %dma_start3A_107] : memref<10240x128xf32, #tpu.memory_space<hbm>> -> memref<10240x128xf32, #tpu.memory_space<hbm>>
      tpu.enqueue_indirect_dma source(%dma_start3A_108 : memref<10240x128xf32, #tpu.memory_space<hbm>>) target(%arg10 : memref<128x128xf32, #tpu.memory_space<vmem>>) offsets(%dma_start3A_105 : memref<128xi32, #tpu.memory_space<vmem>>) semaphore(%arg13 : memref<!tpu.dma_semaphore, #tpu.memory_space<semaphore_mem>>)
      %add3A_109 = arith.addi %select_n3A_8, %mul3A_91 : i32
      %dma_wait3A = arith.constant 0 : i32
      %dma_wait3A_110 = tpu.memref_slice %arg4[%add3A_109, %dma_wait3A] : memref<2560x128xi32, #tpu.memory_space<hbm>> -> memref<1x128xi32, #tpu.memory_space<hbm>>
      %dma_wait3A_111 = tpu.memref_squeeze %dma_wait3A_110 : memref<1x128xi32, #tpu.memory_space<hbm>> -> memref<128xi32, #tpu.memory_space<hbm>>
      %dma_wait3A_112 = arith.constant 0 : i32
      %dma_wait3A_113 = tpu.memref_slice %arg4[%add3A_109, %dma_wait3A_112] : memref<2560x128xi32, #tpu.memory_space<hbm>> -> memref<1x128xi32, #tpu.memory_space<hbm>>
      %dma_wait3A_114 = tpu.memref_squeeze %dma_wait3A_113 : memref<1x128xi32, #tpu.memory_space<hbm>> -> memref<128xi32, #tpu.memory_space<hbm>>
      tpu.wait_dma2 semaphore(%arg14 : memref<!tpu.dma_semaphore, #tpu.memory_space<semaphore_mem>>) src(%dma_wait3A_114 : memref<128xi32, #tpu.memory_space<hbm>>) dst(%arg7 : memref<128xi32, #tpu.memory_space<vmem>>)
      %dma_wait3A_115 = arith.constant 0 : i32
      %dma_wait3A_116 = tpu.memref_slice %arg6[%mul3A_91, %dma_wait3A_115] : memref<120x128xi32, #tpu.memory_space<vmem>> -> memref<1x128xi32, #tpu.memory_space<vmem>>
      %dma_wait3A_117 = tpu.memref_squeeze %dma_wait3A_116 : memref<1x128xi32, #tpu.memory_space<vmem>> -> memref<128xi32, #tpu.memory_space<vmem>>
      %dma_wait3A_118 = arith.constant 0 : i32
      %dma_wait3A_119 = arith.constant 0 : i32
      %dma_wait3A_120 = tpu.memref_slice %arg2[%dma_wait3A_118, %dma_wait3A_119] : memref<10240x128xf32, #tpu.memory_space<hbm>> -> memref<10240x128xf32, #tpu.memory_space<hbm>>
      tpu.wait_indirect_dma semaphore(%arg12 : memref<!tpu.dma_semaphore, #tpu.memory_space<semaphore_mem>>) src(%dma_wait3A_120 : memref<10240x128xf32, #tpu.memory_space<hbm>>) dst(%arg9 : memref<128x128xf32, #tpu.memory_space<vmem>>)
      "tpu.region"() ({
        %run_scoped3A = tpu.sem_alloc : memref<!tpu.dma_semaphore, #tpu.memory_space<semaphore_mem>>
        %dma_start3A_143 = arith.constant 0 : i32
        %dma_start3A_144 = arith.constant 0 : i32
        %dma_start3A_145 = tpu.memref_slice %arg11[%dma_start3A_143, %dma_start3A_144] : memref<10240x128xf32, #tpu.memory_space<vmem_shared>> -> memref<10240x128xf32, #tpu.memory_space<vmem_shared>>
        tpu.enqueue_indirect_dma source(%arg9 : memref<128x128xf32, #tpu.memory_space<vmem>>) target(%dma_start3A_145 : memref<10240x128xf32, #tpu.memory_space<vmem_shared>>) offsets(%arg7 : memref<128xi32, #tpu.memory_space<vmem>>) semaphore(%run_scoped3A : memref<!tpu.dma_semaphore, #tpu.memory_space<semaphore_mem>>) {add = true}
        %dma_wait3A_146 = arith.constant 0 : i32
        %dma_wait3A_147 = arith.constant 0 : i32
        %dma_wait3A_148 = tpu.memref_slice %arg11[%dma_wait3A_146, %dma_wait3A_147] : memref<10240x128xf32, #tpu.memory_space<vmem_shared>> -> memref<10240x128xf32, #tpu.memory_space<vmem_shared>>
        tpu.wait_indirect_dma semaphore(%run_scoped3A : memref<!tpu.dma_semaphore, #tpu.memory_space<semaphore_mem>>) src(%arg9 : memref<128x128xf32, #tpu.memory_space<vmem>>) dst(%dma_wait3A_148 : memref<10240x128xf32, #tpu.memory_space<vmem_shared>>)
        tpu.yield
      }) : () -> ()
      %add3A_121 = arith.constant 2 : i32
      %add3A_122 = arith.addi %mul3A_91, %add3A_121 : i32
      %lt3A = arith.cmpi slt, %add3A_122, %select_n3A : i32
      %convert_element_type3A_123 = arith.extui %lt3A : i1 to i32
      %cond3A_124 = arith.constant 0 : i32
      %cond3A_125 = arith.cmpi ne, %convert_element_type3A_123, %cond3A_124 : i32
      scf.if %cond3A_125 {
        %add3A_143 = arith.addi %select_n3A_8, %mul3A_91 : i32
        %add3A_144 = arith.constant 2 : i32
        %add3A_145 = arith.addi %add3A_143, %add3A_144 : i32
        %dma_start3A_146 = arith.constant 0 : i32
        %dma_start3A_147 = tpu.memref_slice %arg4[%add3A_145, %dma_start3A_146] : memref<2560x128xi32, #tpu.memory_space<hbm>> -> memref<1x128xi32, #tpu.memory_space<hbm>>
        %dma_start3A_148 = tpu.memref_squeeze %dma_start3A_147 : memref<1x128xi32, #tpu.memory_space<hbm>> -> memref<128xi32, #tpu.memory_space<hbm>>
        %dma_start3A_149 = arith.constant 0 : i32
        %dma_start3A_150 = tpu.memref_slice %arg4[%add3A_145, %dma_start3A_149] : memref<2560x128xi32, #tpu.memory_space<hbm>> -> memref<1x128xi32, #tpu.memory_space<hbm>>
        %dma_start3A_151 = tpu.memref_squeeze %dma_start3A_150 : memref<1x128xi32, #tpu.memory_space<hbm>> -> memref<128xi32, #tpu.memory_space<hbm>>
        tpu.enqueue_dma source(%dma_start3A_151 : memref<128xi32, #tpu.memory_space<hbm>>) target(%arg7 : memref<128xi32, #tpu.memory_space<vmem>>) target_semaphore(%arg14 : memref<!tpu.dma_semaphore, #tpu.memory_space<semaphore_mem>>)
        %add3A_152 = arith.constant 2 : i32
        %add3A_153 = arith.addi %mul3A_91, %add3A_152 : i32
        %dma_start3A_154 = arith.constant 0 : i32
        %dma_start3A_155 = tpu.memref_slice %arg6[%add3A_153, %dma_start3A_154] : memref<120x128xi32, #tpu.memory_space<vmem>> -> memref<1x128xi32, #tpu.memory_space<vmem>>
        %dma_start3A_156 = tpu.memref_squeeze %dma_start3A_155 : memref<1x128xi32, #tpu.memory_space<vmem>> -> memref<128xi32, #tpu.memory_space<vmem>>
        %dma_start3A_157 = arith.constant 0 : i32
        %dma_start3A_158 = arith.constant 0 : i32
        %dma_start3A_159 = tpu.memref_slice %arg2[%dma_start3A_157, %dma_start3A_158] : memref<10240x128xf32, #tpu.memory_space<hbm>> -> memref<10240x128xf32, #tpu.memory_space<hbm>>
        tpu.enqueue_indirect_dma source(%dma_start3A_159 : memref<10240x128xf32, #tpu.memory_space<hbm>>) target(%arg9 : memref<128x128xf32, #tpu.memory_space<vmem>>) offsets(%dma_start3A_156 : memref<128xi32, #tpu.memory_space<vmem>>) semaphore(%arg12 : memref<!tpu.dma_semaphore, #tpu.memory_space<semaphore_mem>>)
      } else {
      }
      %add3A_126 = arith.addi %select_n3A_8, %mul3A_91 : i32
      %add3A_127 = arith.constant 1 : i32
      %add3A_128 = arith.addi %add3A_126, %add3A_127 : i32
      %dma_wait3A_129 = arith.constant 0 : i32
      %dma_wait3A_130 = tpu.memref_slice %arg4[%add3A_128, %dma_wait3A_129] : memref<2560x128xi32, #tpu.memory_space<hbm>> -> memref<1x128xi32, #tpu.memory_space<hbm>>
      %dma_wait3A_131 = tpu.memref_squeeze %dma_wait3A_130 : memref<1x128xi32, #tpu.memory_space<hbm>> -> memref<128xi32, #tpu.memory_space<hbm>>
      %dma_wait3A_132 = arith.constant 0 : i32
      %dma_wait3A_133 = tpu.memref_slice %arg4[%add3A_128, %dma_wait3A_132] : memref<2560x128xi32, #tpu.memory_space<hbm>> -> memref<1x128xi32, #tpu.memory_space<hbm>>
      %dma_wait3A_134 = tpu.memref_squeeze %dma_wait3A_133 : memref<1x128xi32, #tpu.memory_space<hbm>> -> memref<128xi32, #tpu.memory_space<hbm>>
      tpu.wait_dma2 semaphore(%arg15 : memref<!tpu.dma_semaphore, #tpu.memory_space<semaphore_mem>>) src(%dma_wait3A_134 : memref<128xi32, #tpu.memory_space<hbm>>) dst(%arg8 : memref<128xi32, #tpu.memory_space<vmem>>)
      %add3A_135 = arith.constant 1 : i32
      %add3A_136 = arith.addi %mul3A_91, %add3A_135 : i32
      %dma_wait3A_137 = arith.constant 0 : i32
      %dma_wait3A_138 = tpu.memref_slice %arg6[%add3A_136, %dma_wait3A_137] : memref<120x128xi32, #tpu.memory_space<vmem>> -> memref<1x128xi32, #tpu.memory_space<vmem>>
      %dma_wait3A_139 = tpu.memref_squeeze %dma_wait3A_138 : memref<1x128xi32, #tpu.memory_space<vmem>> -> memref<128xi32, #tpu.memory_space<vmem>>
      %dma_wait3A_140 = arith.constant 0 : i32
      %dma_wait3A_141 = arith.constant 0 : i32
      %dma_wait3A_142 = tpu.memref_slice %arg2[%dma_wait3A_140, %dma_wait3A_141] : memref<10240x128xf32, #tpu.memory_space<hbm>> -> memref<10240x128xf32, #tpu.memory_space<hbm>>
      tpu.wait_indirect_dma semaphore(%arg13 : memref<!tpu.dma_semaphore, #tpu.memory_space<semaphore_mem>>) src(%dma_wait3A_142 : memref<10240x128xf32, #tpu.memory_space<hbm>>) dst(%arg10 : memref<128x128xf32, #tpu.memory_space<vmem>>)
      "tpu.region"() ({
        %run_scoped3A = tpu.sem_alloc : memref<!tpu.dma_semaphore, #tpu.memory_space<semaphore_mem>>
        %dma_start3A_143 = arith.constant 0 : i32
        %dma_start3A_144 = arith.constant 0 : i32
        %dma_start3A_145 = tpu.memref_slice %arg11[%dma_start3A_143, %dma_start3A_144] : memref<10240x128xf32, #tpu.memory_space<vmem_shared>> -> memref<10240x128xf32, #tpu.memory_space<vmem_shared>>
        tpu.enqueue_indirect_dma source(%arg10 : memref<128x128xf32, #tpu.memory_space<vmem>>) target(%dma_start3A_145 : memref<10240x128xf32, #tpu.memory_space<vmem_shared>>) offsets(%arg8 : memref<128xi32, #tpu.memory_space<vmem>>) semaphore(%run_scoped3A : memref<!tpu.dma_semaphore, #tpu.memory_space<semaphore_mem>>) {add = true}
        %dma_wait3A_146 = arith.constant 0 : i32
        %dma_wait3A_147 = arith.constant 0 : i32
        %dma_wait3A_148 = tpu.memref_slice %arg11[%dma_wait3A_146, %dma_wait3A_147] : memref<10240x128xf32, #tpu.memory_space<vmem_shared>> -> memref<10240x128xf32, #tpu.memory_space<vmem_shared>>
        tpu.wait_indirect_dma semaphore(%run_scoped3A : memref<!tpu.dma_semaphore, #tpu.memory_space<semaphore_mem>>) src(%arg10 : memref<128x128xf32, #tpu.memory_space<vmem>>) dst(%dma_wait3A_148 : memref<10240x128xf32, #tpu.memory_space<vmem_shared>>)
        tpu.yield
      }) : () -> ()
    }
    %while3A_80 = arith.constant 1 : i32
    scf.for %while3A_89 = %while3A_78 to %while3A_74 step %while3A_80  : i32 {
      %mul3A_90 = arith.constant 2 : i32
      %mul3A_91 = arith.muli %mul3A_90, %while3A_89 : i32
      %add3A_92 = arith.addi %select_n3A_8, %mul3A_91 : i32
      %add3A_93 = arith.constant 1 : i32
      %add3A_94 = arith.addi %add3A_92, %add3A_93 : i32
      %dma_start3A_95 = arith.constant 0 : i32
      %dma_start3A_96 = tpu.memref_slice %arg4[%add3A_94, %dma_start3A_95] : memref<2560x128xi32, #tpu.memory_space<hbm>> -> memref<1x128xi32, #tpu.memory_space<hbm>>
      %dma_start3A_97 = tpu.memref_squeeze %dma_start3A_96 : memref<1x128xi32, #tpu.memory_space<hbm>> -> memref<128xi32, #tpu.memory_space<hbm>>
      %dma_start3A_98 = arith.constant 0 : i32
      %dma_start3A_99 = tpu.memref_slice %arg4[%add3A_94, %dma_start3A_98] : memref<2560x128xi32, #tpu.memory_space<hbm>> -> memref<1x128xi32, #tpu.memory_space<hbm>>
      %dma_start3A_100 = tpu.memref_squeeze %dma_start3A_99 : memref<1x128xi32, #tpu.memory_space<hbm>> -> memref<128xi32, #tpu.memory_space<hbm>>
      tpu.enqueue_dma source(%dma_start3A_100 : memref<128xi32, #tpu.memory_space<hbm>>) target(%arg8 : memref<128xi32, #tpu.memory_space<vmem>>) target_semaphore(%arg15 : memref<!tpu.dma_semaphore, #tpu.memory_space<semaphore_mem>>)
      %add3A_101 = arith.constant 1 : i32
      %add3A_102 = arith.addi %mul3A_91, %add3A_101 : i32
      %dma_start3A_103 = arith.constant 0 : i32
      %dma_start3A_104 = tpu.memref_slice %arg6[%add3A_102, %dma_start3A_103] : memref<120x128xi32, #tpu.memory_space<vmem>> -> memref<1x128xi32, #tpu.memory_space<vmem>>
      %dma_start3A_105 = tpu.memref_squeeze %dma_start3A_104 : memref<1x128xi32, #tpu.memory_space<vmem>> -> memref<128xi32, #tpu.memory_space<vmem>>
      %dma_start3A_106 = arith.constant 0 : i32
      %dma_start3A_107 = arith.constant 0 : i32
      %dma_start3A_108 = tpu.memref_slice %arg2[%dma_start3A_106, %dma_start3A_107] : memref<10240x128xf32, #tpu.memory_space<hbm>> -> memref<10240x128xf32, #tpu.memory_space<hbm>>
      tpu.enqueue_indirect_dma source(%dma_start3A_108 : memref<10240x128xf32, #tpu.memory_space<hbm>>) target(%arg10 : memref<128x128xf32, #tpu.memory_space<vmem>>) offsets(%dma_start3A_105 : memref<128xi32, #tpu.memory_space<vmem>>) semaphore(%arg13 : memref<!tpu.dma_semaphore, #tpu.memory_space<semaphore_mem>>)
      %add3A_109 = arith.addi %select_n3A_8, %mul3A_91 : i32
      %dma_wait3A = arith.constant 0 : i32
      %dma_wait3A_110 = tpu.memref_slice %arg4[%add3A_109, %dma_wait3A] : memref<2560x128xi32, #tpu.memory_space<hbm>> -> memref<1x128xi32, #tpu.memory_space<hbm>>
      %dma_wait3A_111 = tpu.memref_squeeze %dma_wait3A_110 : memref<1x128xi32, #tpu.memory_space<hbm>> -> memref<128xi32, #tpu.memory_space<hbm>>
      %dma_wait3A_112 = arith.constant 0 : i32
      %dma_wait3A_113 = tpu.memref_slice %arg4[%add3A_109, %dma_wait3A_112] : memref<2560x128xi32, #tpu.memory_space<hbm>> -> memref<1x128xi32, #tpu.memory_space<hbm>>
      %dma_wait3A_114 = tpu.memref_squeeze %dma_wait3A_113 : memref<1x128xi32, #tpu.memory_space<hbm>> -> memref<128xi32, #tpu.memory_space<hbm>>
      tpu.wait_dma2 semaphore(%arg14 : memref<!tpu.dma_semaphore, #tpu.memory_space<semaphore_mem>>) src(%dma_wait3A_114 : memref<128xi32, #tpu.memory_space<hbm>>) dst(%arg7 : memref<128xi32, #tpu.memory_space<vmem>>)
      %dma_wait3A_115 = arith.constant 0 : i32
      %dma_wait3A_116 = tpu.memref_slice %arg6[%mul3A_91, %dma_wait3A_115] : memref<120x128xi32, #tpu.memory_space<vmem>> -> memref<1x128xi32, #tpu.memory_space<vmem>>
      %dma_wait3A_117 = tpu.memref_squeeze %dma_wait3A_116 : memref<1x128xi32, #tpu.memory_space<vmem>> -> memref<128xi32, #tpu.memory_space<vmem>>
      %dma_wait3A_118 = arith.constant 0 : i32
      %dma_wait3A_119 = arith.constant 0 : i32
      %dma_wait3A_120 = tpu.memref_slice %arg2[%dma_wait3A_118, %dma_wait3A_119] : memref<10240x128xf32, #tpu.memory_space<hbm>> -> memref<10240x128xf32, #tpu.memory_space<hbm>>
      tpu.wait_indirect_dma semaphore(%arg12 : memref<!tpu.dma_semaphore, #tpu.memory_space<semaphore_mem>>) src(%dma_wait3A_120 : memref<10240x128xf32, #tpu.memory_space<hbm>>) dst(%arg9 : memref<128x128xf32, #tpu.memory_space<vmem>>)
      "tpu.region"() ({
        %run_scoped3A = tpu.sem_alloc : memref<!tpu.dma_semaphore, #tpu.memory_space<semaphore_mem>>
        %dma_start3A_143 = arith.constant 0 : i32
        %dma_start3A_144 = arith.constant 0 : i32
        %dma_start3A_145 = tpu.memref_slice %arg11[%dma_start3A_143, %dma_start3A_144] : memref<10240x128xf32, #tpu.memory_space<vmem_shared>> -> memref<10240x128xf32, #tpu.memory_space<vmem_shared>>
        tpu.enqueue_indirect_dma source(%arg9 : memref<128x128xf32, #tpu.memory_space<vmem>>) target(%dma_start3A_145 : memref<10240x128xf32, #tpu.memory_space<vmem_shared>>) offsets(%arg7 : memref<128xi32, #tpu.memory_space<vmem>>) semaphore(%run_scoped3A : memref<!tpu.dma_semaphore, #tpu.memory_space<semaphore_mem>>) {add = true}
        %dma_wait3A_146 = arith.constant 0 : i32
        %dma_wait3A_147 = arith.constant 0 : i32
        %dma_wait3A_148 = tpu.memref_slice %arg11[%dma_wait3A_146, %dma_wait3A_147] : memref<10240x128xf32, #tpu.memory_space<vmem_shared>> -> memref<10240x128xf32, #tpu.memory_space<vmem_shared>>
        tpu.wait_indirect_dma semaphore(%run_scoped3A : memref<!tpu.dma_semaphore, #tpu.memory_space<semaphore_mem>>) src(%arg9 : memref<128x128xf32, #tpu.memory_space<vmem>>) dst(%dma_wait3A_148 : memref<10240x128xf32, #tpu.memory_space<vmem_shared>>)
        tpu.yield
      }) : () -> ()
      %add3A_121 = arith.constant 2 : i32
      %add3A_122 = arith.addi %mul3A_91, %add3A_121 : i32
      %lt3A = arith.cmpi slt, %add3A_122, %select_n3A : i32
      %convert_element_type3A_123 = arith.extui %lt3A : i1 to i32
      %cond3A_124 = arith.constant 0 : i32
      %cond3A_125 = arith.cmpi ne, %convert_element_type3A_123, %cond3A_124 : i32
      scf.if %cond3A_125 {
        %add3A_143 = arith.addi %select_n3A_8, %mul3A_91 : i32
        %add3A_144 = arith.constant 2 : i32
        %add3A_145 = arith.addi %add3A_143, %add3A_144 : i32
        %dma_start3A_146 = arith.constant 0 : i32
        %dma_start3A_147 = tpu.memref_slice %arg4[%add3A_145, %dma_start3A_146] : memref<2560x128xi32, #tpu.memory_space<hbm>> -> memref<1x128xi32, #tpu.memory_space<hbm>>
        %dma_start3A_148 = tpu.memref_squeeze %dma_start3A_147 : memref<1x128xi32, #tpu.memory_space<hbm>> -> memref<128xi32, #tpu.memory_space<hbm>>
        %dma_start3A_149 = arith.constant 0 : i32
        %dma_start3A_150 = tpu.memref_slice %arg4[%add3A_145, %dma_start3A_149] : memref<2560x128xi32, #tpu.memory_space<hbm>> -> memref<1x128xi32, #tpu.memory_space<hbm>>
        %dma_start3A_151 = tpu.memref_squeeze %dma_start3A_150 : memref<1x128xi32, #tpu.memory_space<hbm>> -> memref<128xi32, #tpu.memory_space<hbm>>
        tpu.enqueue_dma source(%dma_start3A_151 : memref<128xi32, #tpu.memory_space<hbm>>) target(%arg7 : memref<128xi32, #tpu.memory_space<vmem>>) target_semaphore(%arg14 : memref<!tpu.dma_semaphore, #tpu.memory_space<semaphore_mem>>)
        %add3A_152 = arith.constant 2 : i32
        %add3A_153 = arith.addi %mul3A_91, %add3A_152 : i32
        %dma_start3A_154 = arith.constant 0 : i32
        %dma_start3A_155 = tpu.memref_slice %arg6[%add3A_153, %dma_start3A_154] : memref<120x128xi32, #tpu.memory_space<vmem>> -> memref<1x128xi32, #tpu.memory_space<vmem>>
        %dma_start3A_156 = tpu.memref_squeeze %dma_start3A_155 : memref<1x128xi32, #tpu.memory_space<vmem>> -> memref<128xi32, #tpu.memory_space<vmem>>
        %dma_start3A_157 = arith.constant 0 : i32
        %dma_start3A_158 = arith.constant 0 : i32
        %dma_start3A_159 = tpu.memref_slice %arg2[%dma_start3A_157, %dma_start3A_158] : memref<10240x128xf32, #tpu.memory_space<hbm>> -> memref<10240x128xf32, #tpu.memory_space<hbm>>
        tpu.enqueue_indirect_dma source(%dma_start3A_159 : memref<10240x128xf32, #tpu.memory_space<hbm>>) target(%arg9 : memref<128x128xf32, #tpu.memory_space<vmem>>) offsets(%dma_start3A_156 : memref<128xi32, #tpu.memory_space<vmem>>) semaphore(%arg12 : memref<!tpu.dma_semaphore, #tpu.memory_space<semaphore_mem>>)
      } else {
      }
      %add3A_126 = arith.addi %select_n3A_8, %mul3A_91 : i32
      %add3A_127 = arith.constant 1 : i32
      %add3A_128 = arith.addi %add3A_126, %add3A_127 : i32
      %dma_wait3A_129 = arith.constant 0 : i32
      %dma_wait3A_130 = tpu.memref_slice %arg4[%add3A_128, %dma_wait3A_129] : memref<2560x128xi32, #tpu.memory_space<hbm>> -> memref<1x128xi32, #tpu.memory_space<hbm>>
      %dma_wait3A_131 = tpu.memref_squeeze %dma_wait3A_130 : memref<1x128xi32, #tpu.memory_space<hbm>> -> memref<128xi32, #tpu.memory_space<hbm>>
      %dma_wait3A_132 = arith.constant 0 : i32
      %dma_wait3A_133 = tpu.memref_slice %arg4[%add3A_128, %dma_wait3A_132] : memref<2560x128xi32, #tpu.memory_space<hbm>> -> memref<1x128xi32, #tpu.memory_space<hbm>>
      %dma_wait3A_134 = tpu.memref_squeeze %dma_wait3A_133 : memref<1x128xi32, #tpu.memory_space<hbm>> -> memref<128xi32, #tpu.memory_space<hbm>>
      tpu.wait_dma2 semaphore(%arg15 : memref<!tpu.dma_semaphore, #tpu.memory_space<semaphore_mem>>) src(%dma_wait3A_134 : memref<128xi32, #tpu.memory_space<hbm>>) dst(%arg8 : memref<128xi32, #tpu.memory_space<vmem>>)
      %add3A_135 = arith.constant 1 : i32
      %add3A_136 = arith.addi %mul3A_91, %add3A_135 : i32
      %dma_wait3A_137 = arith.constant 0 : i32
      %dma_wait3A_138 = tpu.memref_slice %arg6[%add3A_136, %dma_wait3A_137] : memref<120x128xi32, #tpu.memory_space<vmem>> -> memref<1x128xi32, #tpu.memory_space<vmem>>
      %dma_wait3A_139 = tpu.memref_squeeze %dma_wait3A_138 : memref<1x128xi32, #tpu.memory_space<vmem>> -> memref<128xi32, #tpu.memory_space<vmem>>
      %dma_wait3A_140 = arith.constant 0 : i32
      %dma_wait3A_141 = arith.constant 0 : i32
      %dma_wait3A_142 = tpu.memref_slice %arg2[%dma_wait3A_140, %dma_wait3A_141] : memref<10240x128xf32, #tpu.memory_space<hbm>> -> memref<10240x128xf32, #tpu.memory_space<hbm>>
      tpu.wait_indirect_dma semaphore(%arg13 : memref<!tpu.dma_semaphore, #tpu.memory_space<semaphore_mem>>) src(%dma_wait3A_142 : memref<10240x128xf32, #tpu.memory_space<hbm>>) dst(%arg10 : memref<128x128xf32, #tpu.memory_space<vmem>>)
      "tpu.region"() ({
        %run_scoped3A = tpu.sem_alloc : memref<!tpu.dma_semaphore, #tpu.memory_space<semaphore_mem>>
        %dma_start3A_143 = arith.constant 0 : i32
        %dma_start3A_144 = arith.constant 0 : i32
        %dma_start3A_145 = tpu.memref_slice %arg11[%dma_start3A_143, %dma_start3A_144] : memref<10240x128xf32, #tpu.memory_space<vmem_shared>> -> memref<10240x128xf32, #tpu.memory_space<vmem_shared>>
        tpu.enqueue_indirect_dma source(%arg10 : memref<128x128xf32, #tpu.memory_space<vmem>>) target(%dma_start3A_145 : memref<10240x128xf32, #tpu.memory_space<vmem_shared>>) offsets(%arg8 : memref<128xi32, #tpu.memory_space<vmem>>) semaphore(%run_scoped3A : memref<!tpu.dma_semaphore, #tpu.memory_space<semaphore_mem>>) {add = true}
        %dma_wait3A_146 = arith.constant 0 : i32
        %dma_wait3A_147 = arith.constant 0 : i32
        %dma_wait3A_148 = tpu.memref_slice %arg11[%dma_wait3A_146, %dma_wait3A_147] : memref<10240x128xf32, #tpu.memory_space<vmem_shared>> -> memref<10240x128xf32, #tpu.memory_space<vmem_shared>>
        tpu.wait_indirect_dma semaphore(%run_scoped3A : memref<!tpu.dma_semaphore, #tpu.memory_space<semaphore_mem>>) src(%arg10 : memref<128x128xf32, #tpu.memory_space<vmem>>) dst(%dma_wait3A_148 : memref<10240x128xf32, #tpu.memory_space<vmem_shared>>)
        tpu.yield
      }) : () -> ()
    }
    %barrier3A_81 = arith.constant 0 : index
    tpu.barrier barrier_id(%barrier3A_81)
    %mul3A_82 = arith.constant 640 : i32
    %mul3A_83 = arith.muli %arg1, %mul3A_82 : i32
    %mul3A_84 = arith.constant 10240 : i32
    %mul3A_85 = arith.muli %arg0, %mul3A_84 : i32
    %mul3A_86 = arith.constant 640 : i32
    %mul3A_87 = arith.muli %arg1, %mul3A_86 : i32
    %add3A_88 = arith.addi %mul3A_85, %mul3A_87 : i32
    "tpu.region"() ({
      %run_scoped3A = tpu.sem_alloc : memref<!tpu.dma_semaphore, #tpu.memory_space<semaphore_mem>>
      %dma_start3A_89 = arith.constant 0 : i32
      %dma_start3A_90 = tpu.memref_slice %arg5[%add3A_88, %dma_start3A_89] : memref<20480x128xf32, #tpu.memory_space<hbm>> -> memref<640x128xf32, #tpu.memory_space<hbm>>
      %dma_start3A_91 = arith.constant 0 : i32
      %dma_start3A_92 = tpu.memref_slice %arg11[%mul3A_83, %dma_start3A_91] : memref<10240x128xf32, #tpu.memory_space<vmem_shared>> -> memref<640x128xf32, #tpu.memory_space<vmem_shared>>
      tpu.enqueue_dma source(%dma_start3A_92 : memref<640x128xf32, #tpu.memory_space<vmem_shared>>) target(%dma_start3A_90 : memref<640x128xf32, #tpu.memory_space<hbm>>) target_semaphore(%run_scoped3A : memref<!tpu.dma_semaphore, #tpu.memory_space<semaphore_mem>>)
      %dma_wait3A = arith.constant 0 : i32
      %dma_wait3A_93 = tpu.memref_slice %arg5[%add3A_88, %dma_wait3A] : memref<20480x128xf32, #tpu.memory_space<hbm>> -> memref<640x128xf32, #tpu.memory_space<hbm>>
      %dma_wait3A_94 = arith.constant 0 : i32
      %dma_wait3A_95 = tpu.memref_slice %arg11[%mul3A_83, %dma_wait3A_94] : memref<10240x128xf32, #tpu.memory_space<vmem_shared>> -> memref<640x128xf32, #tpu.memory_space<vmem_shared>>
      tpu.wait_dma2 semaphore(%run_scoped3A : memref<!tpu.dma_semaphore, #tpu.memory_space<semaphore_mem>>) src(%dma_wait3A_95 : memref<640x128xf32, #tpu.memory_space<vmem_shared>>) dst(%dma_wait3A_93 : memref<640x128xf32, #tpu.memory_space<hbm>>)
      tpu.yield
    }) : () -> ()
    return
  }
}

module attributes {stable_mosaic.version = 14 : i64} {
  func.func @_l0_body(%arg0: i32, %arg1: memref<2x512x1xf32, #tpu.memory_space<vmem>>, %arg2: memref<512x128xf32, #tpu.memory_space<vmem>>, %arg3: memref<128x128xf32, #tpu.memory_space<vmem>>, %arg4: memref<512x128xf32, #tpu.memory_space<vmem>>, %arg5: memref<512x1xf32, #tpu.memory_space<vmem>>) attributes {dimension_semantics = [#tpu.dimension_semantics<arbitrary>], iteration_bounds = array<i64: 20>, scalar_prefetch = 0 : i64, scratch_operands = 0 : i64, tpu.core_type = #tpu.core_type<tc>, window_params = [{transform_indices = @transform_0, window_bounds = array<i64: 2, 512, 1>}, {transform_indices = @transform_1, window_bounds = array<i64: 512, 128>}, {pipeline_mode = #tpu.pipeline_mode<synchronous>, transform_indices = @transform_2, window_bounds = array<i64: 128, 128>}, {transform_indices = @transform_3, window_bounds = array<i64: 512, 128>}, {transform_indices = @transform_4, window_bounds = array<i64: 512, 1>}]} {
    %get3A = arith.constant 0 : index
    %get3A_0 = arith.constant 0 : index
    %get3A_1 = arith.constant 0 : index
    %get3A_2 = vector.load %arg1[%get3A, %get3A_0, %get3A_1] : memref<2x512x1xf32, #tpu.memory_space<vmem>>, vector<1x512x1xf32>
    %get3A_3 = vector.shape_cast %get3A_2 : vector<1x512x1xf32> to vector<512x1xf32>
    %get3A_4 = arith.constant 1 : index
    %get3A_5 = arith.constant 0 : index
    %get3A_6 = arith.constant 0 : index
    %get3A_7 = vector.load %arg1[%get3A_4, %get3A_5, %get3A_6] : memref<2x512x1xf32, #tpu.memory_space<vmem>>, vector<1x512x1xf32>
    %get3A_8 = vector.shape_cast %get3A_7 : vector<1x512x1xf32> to vector<512x1xf32>
    %add3A = arith.addf %get3A_3, %get3A_8 : vector<512x1xf32>
    %add3A_9 = arith.constant 2.000000e+00 : f32
    %add3A_10 = vector.broadcast %add3A_9 : f32 to vector<512x1xf32>
    %add3A_11 = arith.addf %add3A, %add3A_10 : vector<512x1xf32>
    %rsqrt3A = math.rsqrt %add3A_11 : vector<512x1xf32>
    %swap3A = arith.constant 0 : index
    %swap3A_12 = arith.constant 0 : index
    %swap3A_13 = vector.load %arg5[%swap3A, %swap3A_12] : memref<512x1xf32, #tpu.memory_space<vmem>>, vector<512x1xf32>
    tpu.vector_store %arg5[%swap3A, %swap3A_12], %rsqrt3A {strides = array<i32>} : memref<512x1xf32, #tpu.memory_space<vmem>>, vector<512x1xf32>,
    %get3A_14 = arith.constant 0 : index
    %get3A_15 = arith.constant 0 : index
    %get3A_16 = vector.load %arg2[%get3A_14, %get3A_15] : memref<512x128xf32, #tpu.memory_space<vmem>>, vector<512x128xf32>
    %get3A_17 = arith.constant 0 : index
    %get3A_18 = arith.constant 0 : index
    %get3A_19 = vector.load %arg3[%get3A_17, %get3A_18] : memref<128x128xf32, #tpu.memory_space<vmem>>, vector<128x128xf32>
    %dot_general3A = arith.constant dense<0.000000e+00> : vector<512x128xf32>
    %dot_general3A_20 = tpu.matmul %get3A_16, %get3A_19, %dot_general3A {dimension_numbers = #tpu.dot_dimension_numbers<[1], [0], [0], [1], [0, 0, 1, 1], [], []>, transpose_lhs_hint = false} : vector<512x128xf32>, vector<128x128xf32>, vector<512x128xf32> -> vector<512x128xf32>
    %mul3A = vector.broadcast %rsqrt3A : vector<512x1xf32> to vector<512x128xf32>
    %mul3A_21 = arith.mulf %mul3A, %dot_general3A_20 : vector<512x128xf32>
    %swap3A_22 = arith.constant 0 : index
    %swap3A_23 = arith.constant 0 : index
    %swap3A_24 = vector.load %arg4[%swap3A_22, %swap3A_23] : memref<512x128xf32, #tpu.memory_space<vmem>>, vector<512x128xf32>
    tpu.vector_store %arg4[%swap3A_22, %swap3A_23], %mul3A_21 {strides = array<i32>} : memref<512x128xf32, #tpu.memory_space<vmem>>, vector<512x128xf32>,
    return
  }
  func.func @transform_0(%arg0: i32) -> (i32, i32, i32) {
    %c0_i32 = arith.constant 0 : i32
    %c0_i32_0 = arith.constant 0 : i32
    %c0_i32_1 = arith.constant 0 : i32
    return %c0_i32, %arg0, %c0_i32_0 : i32, i32, i32
  }
  func.func @transform_1(%arg0: i32) -> (i32, i32) {
    %c0_i32 = arith.constant 0 : i32
    %c0_i32_0 = arith.constant 0 : i32
    return %arg0, %c0_i32 : i32, i32
  }
  func.func @transform_2(%arg0: i32) -> (i32, i32) {
    %c0_i32 = arith.constant 0 : i32
    %c0_i32_0 = arith.constant 0 : i32
    %c0_i32_1 = arith.constant 0 : i32
    return %c0_i32, %c0_i32_0 : i32, i32
  }
  func.func @transform_3(%arg0: i32) -> (i32, i32) {
    %c0_i32 = arith.constant 0 : i32
    %c0_i32_0 = arith.constant 0 : i32
    return %arg0, %c0_i32 : i32, i32
  }
  func.func @transform_4(%arg0: i32) -> (i32, i32) {
    %c0_i32 = arith.constant 0 : i32
    %c0_i32_0 = arith.constant 0 : i32
    return %arg0, %c0_i32 : i32, i32
  }
}

module attributes {stable_mosaic.version = 14 : i64} {
  func.func @_mid_body(%arg0: i32, %arg1: memref<2x512x128xf32, #tpu.memory_space<vmem>>, %arg2: memref<512x128xf32, #tpu.memory_space<vmem>>, %arg3: memref<512x1xf32, #tpu.memory_space<vmem>>, %arg4: memref<1x128xf32, #tpu.memory_space<vmem>>, %arg5: memref<128x128xf32, #tpu.memory_space<vmem>>, %arg6: memref<512x128xf32, #tpu.memory_space<vmem>>) attributes {dimension_semantics = [#tpu.dimension_semantics<arbitrary>], iteration_bounds = array<i64: 20>, scalar_prefetch = 0 : i64, scratch_operands = 0 : i64, tpu.core_type = #tpu.core_type<tc>, window_params = [{transform_indices = @transform_0, window_bounds = array<i64: 2, 512, 128>}, {transform_indices = @transform_1, window_bounds = array<i64: 512, 128>}, {transform_indices = @transform_2, window_bounds = array<i64: 512, 1>}, {pipeline_mode = #tpu.pipeline_mode<synchronous>, transform_indices = @transform_3, window_bounds = array<i64: 1, 128>}, {pipeline_mode = #tpu.pipeline_mode<synchronous>, transform_indices = @transform_4, window_bounds = array<i64: 128, 128>}, {transform_indices = @transform_5, window_bounds = array<i64: 512, 128>}]} {
    %iota3A = tpu.iota {dimensions = array<i32: 0>} : vector<512x1xi32>
    %mul3A = arith.constant 512 : i32
    %mul3A_0 = arith.muli %arg0, %mul3A : i32
    %add3A = vector.broadcast %mul3A_0 : i32 to vector<512x1xi32>
    %add3A_1 = arith.addi %iota3A, %add3A : vector<512x1xi32>
    %get3A = arith.constant 0 : index
    %get3A_2 = arith.constant 0 : index
    %get3A_3 = arith.constant 0 : index
    %get3A_4 = vector.load %arg1[%get3A, %get3A_2, %get3A_3] : memref<2x512x128xf32, #tpu.memory_space<vmem>>, vector<1x512x128xf32>
    %get3A_5 = vector.shape_cast %get3A_4 : vector<1x512x128xf32> to vector<512x128xf32>
    %get3A_6 = arith.constant 1 : index
    %get3A_7 = arith.constant 0 : index
    %get3A_8 = arith.constant 0 : index
    %get3A_9 = vector.load %arg1[%get3A_6, %get3A_7, %get3A_8] : memref<2x512x128xf32, #tpu.memory_space<vmem>>, vector<1x512x128xf32>
    %get3A_10 = vector.shape_cast %get3A_9 : vector<1x512x128xf32> to vector<512x128xf32>
    %add3A_11 = arith.addf %get3A_5, %get3A_10 : vector<512x128xf32>
    %get3A_12 = arith.constant 0 : index
    %get3A_13 = arith.constant 0 : index
    %get3A_14 = vector.load %arg2[%get3A_12, %get3A_13] : memref<512x128xf32, #tpu.memory_space<vmem>>, vector<512x128xf32>
    %mul3A_15 = arith.constant 2.000000e+00 : f32
    %mul3A_16 = vector.broadcast %mul3A_15 : f32 to vector<512x128xf32>
    %mul3A_17 = arith.mulf %mul3A_16, %get3A_14 : vector<512x128xf32>
    %add3A_18 = arith.addf %add3A_11, %mul3A_17 : vector<512x128xf32>
    %get3A_19 = arith.constant 0 : index
    %get3A_20 = arith.constant 0 : index
    %get3A_21 = vector.load %arg3[%get3A_19, %get3A_20] : memref<512x1xf32, #tpu.memory_space<vmem>>, vector<512x1xf32>
    %mul3A_22 = vector.broadcast %get3A_21 : vector<512x1xf32> to vector<512x128xf32>
    %mul3A_23 = arith.mulf %mul3A_22, %add3A_18 : vector<512x128xf32>
    %get3A_24 = arith.constant 0 : index
    %get3A_25 = arith.constant 0 : index
    %get3A_26 = vector.load %arg4[%get3A_24, %get3A_25] : memref<1x128xf32, #tpu.memory_space<vmem>>, vector<1x128xf32>
    %add3A_27 = vector.broadcast %get3A_26 : vector<1x128xf32> to vector<512x128xf32>
    %add3A_28 = arith.addf %mul3A_23, %add3A_27 : vector<512x128xf32>
    %max3A = arith.constant 0.000000e+00 : f32
    %max3A_29 = vector.broadcast %max3A : f32 to vector<512x128xf32>
    %max3A_30 = arith.maximumf %add3A_28, %max3A_29 : vector<512x128xf32>
    %lt3A = arith.constant 10000 : i32
    %lt3A_31 = vector.broadcast %lt3A : i32 to vector<512x1xi32>
    %lt3A_32 = arith.cmpi slt, %add3A_1, %lt3A_31 : vector<512x1xi32>
    %jit3A = arith.constant 0.000000e+00 : f32
    %broadcast_in_dim3A = vector.shape_cast %lt3A_32 : vector<512x1xi1> to vector<512x1xi1>
    %broadcast_in_dim3A_33 = vector.broadcast %broadcast_in_dim3A : vector<512x1xi1> to vector<512x128xi1>
    %broadcast_in_dim3A_34 = vector.broadcast %jit3A : f32 to vector<512x128xf32>
    %select_n3A = arith.select %broadcast_in_dim3A_33, %max3A_30, %broadcast_in_dim3A_34 : vector<512x128xi1>, vector<512x128xf32>
    %get3A_35 = arith.constant 0 : index
    %get3A_36 = arith.constant 0 : index
    %get3A_37 = vector.load %arg3[%get3A_35, %get3A_36] : memref<512x1xf32, #tpu.memory_space<vmem>>, vector<512x1xf32>
    %get3A_38 = arith.constant 0 : index
    %get3A_39 = arith.constant 0 : index
    %get3A_40 = vector.load %arg5[%get3A_38, %get3A_39] : memref<128x128xf32, #tpu.memory_space<vmem>>, vector<128x128xf32>
    %dot_general3A = arith.constant dense<0.000000e+00> : vector<512x128xf32>
    %dot_general3A_41 = tpu.matmul %select_n3A, %get3A_40, %dot_general3A {dimension_numbers = #tpu.dot_dimension_numbers<[1], [0], [0], [1], [0, 0, 1, 1], [], []>, transpose_lhs_hint = false} : vector<512x128xf32>, vector<128x128xf32>, vector<512x128xf32> -> vector<512x128xf32>
    %mul3A_42 = vector.broadcast %get3A_37 : vector<512x1xf32> to vector<512x128xf32>
    %mul3A_43 = arith.mulf %mul3A_42, %dot_general3A_41 : vector<512x128xf32>
    %swap3A = arith.constant 0 : index
    %swap3A_44 = arith.constant 0 : index
    %swap3A_45 = vector.load %arg6[%swap3A, %swap3A_44] : memref<512x128xf32, #tpu.memory_space<vmem>>, vector<512x128xf32>
    tpu.vector_store %arg6[%swap3A, %swap3A_44], %mul3A_43 {strides = array<i32>} : memref<512x128xf32, #tpu.memory_space<vmem>>, vector<512x128xf32>,
    return
  }
  func.func @transform_0(%arg0: i32) -> (i32, i32, i32) {
    %c0_i32 = arith.constant 0 : i32
    %c0_i32_0 = arith.constant 0 : i32
    %c0_i32_1 = arith.constant 0 : i32
    return %c0_i32, %arg0, %c0_i32_0 : i32, i32, i32
  }
  func.func @transform_1(%arg0: i32) -> (i32, i32) {
    %c0_i32 = arith.constant 0 : i32
    %c0_i32_0 = arith.constant 0 : i32
    return %arg0, %c0_i32 : i32, i32
  }
  func.func @transform_2(%arg0: i32) -> (i32, i32) {
    %c0_i32 = arith.constant 0 : i32
    %c0_i32_0 = arith.constant 0 : i32
    return %arg0, %c0_i32 : i32, i32
  }
  func.func @transform_3(%arg0: i32) -> (i32, i32) {
    %c0_i32 = arith.constant 0 : i32
    %c0_i32_0 = arith.constant 0 : i32
    %c0_i32_1 = arith.constant 0 : i32
    return %c0_i32, %c0_i32_0 : i32, i32
  }
  func.func @transform_4(%arg0: i32) -> (i32, i32) {
    %c0_i32 = arith.constant 0 : i32
    %c0_i32_0 = arith.constant 0 : i32
    %c0_i32_1 = arith.constant 0 : i32
    return %c0_i32, %c0_i32_0 : i32, i32
  }
  func.func @transform_5(%arg0: i32) -> (i32, i32) {
    %c0_i32 = arith.constant 0 : i32
    %c0_i32_0 = arith.constant 0 : i32
    return %arg0, %c0_i32 : i32, i32
  }
}

module attributes {stable_mosaic.version = 14 : i64} {
  func.func @_head_body(%arg0: memref<64x256xf32, #tpu.memory_space<vmem>>, %arg1: memref<256x256xf32, #tpu.memory_space<vmem>>, %arg2: memref<1x256xf32, #tpu.memory_space<vmem>>, %arg3: memref<1x256xf32, #tpu.memory_space<vmem>>, %arg4: memref<1x256xf32, #tpu.memory_space<vmem>>, %arg5: memref<256x128xf32, #tpu.memory_space<vmem>>, %arg6: memref<1x128xf32, #tpu.memory_space<vmem>>, %arg7: memref<1x128xf32, #tpu.memory_space<vmem>>, %arg8: memref<1x128xf32, #tpu.memory_space<vmem>>, %arg9: memref<128x128xf32, #tpu.memory_space<vmem>>, %arg10: memref<1x128xf32, #tpu.memory_space<vmem>>, %arg11: memref<64x128xf32, #tpu.memory_space<vmem>>) attributes {dimension_semantics = [], scalar_prefetch = 0 : i64, scratch_operands = 0 : i64, tpu.core_type = #tpu.core_type<tc>} {
    %get3A = arith.constant 0 : index
    %get3A_0 = arith.constant 0 : index
    %get3A_1 = vector.load %arg0[%get3A, %get3A_0] : memref<64x256xf32, #tpu.memory_space<vmem>>, vector<64x256xf32>
    %get3A_2 = arith.constant 0 : index
    %get3A_3 = arith.constant 0 : index
    %get3A_4 = vector.load %arg1[%get3A_2, %get3A_3] : memref<256x256xf32, #tpu.memory_space<vmem>>, vector<256x256xf32>
    %dot_general3A = arith.constant dense<0.000000e+00> : vector<64x256xf32>
    %dot_general3A_5 = tpu.matmul %get3A_1, %get3A_4, %dot_general3A {dimension_numbers = #tpu.dot_dimension_numbers<[1], [0], [0], [1], [0, 0, 1, 1], [], []>, transpose_lhs_hint = false} : vector<64x256xf32>, vector<256x256xf32>, vector<64x256xf32> -> vector<64x256xf32>
    %get3A_6 = arith.constant 0 : index
    %get3A_7 = arith.constant 0 : index
    %get3A_8 = vector.load %arg2[%get3A_6, %get3A_7] : memref<1x256xf32, #tpu.memory_space<vmem>>, vector<1x256xf32>
    %add3A = vector.broadcast %get3A_8 : vector<1x256xf32> to vector<64x256xf32>
    %add3A_9 = arith.addf %dot_general3A_5, %add3A : vector<64x256xf32>
    %mul3A = arith.constant 0.999994993 : f32
    %mul3A_10 = vector.broadcast %mul3A : f32 to vector<64x256xf32>
    %mul3A_11 = arith.mulf %add3A_9, %mul3A_10 : vector<64x256xf32>
    %get3A_12 = arith.constant 0 : index
    %get3A_13 = arith.constant 0 : index
    %get3A_14 = vector.load %arg3[%get3A_12, %get3A_13] : memref<1x256xf32, #tpu.memory_space<vmem>>, vector<1x256xf32>
    %mul3A_15 = vector.broadcast %get3A_14 : vector<1x256xf32> to vector<64x256xf32>
    %mul3A_16 = arith.mulf %mul3A_11, %mul3A_15 : vector<64x256xf32>
    %get3A_17 = arith.constant 0 : index
    %get3A_18 = arith.constant 0 : index
    %get3A_19 = vector.load %arg4[%get3A_17, %get3A_18] : memref<1x256xf32, #tpu.memory_space<vmem>>, vector<1x256xf32>
    %add3A_20 = vector.broadcast %get3A_19 : vector<1x256xf32> to vector<64x256xf32>
    %add3A_21 = arith.addf %mul3A_16, %add3A_20 : vector<64x256xf32>
    %max3A = arith.constant 0.000000e+00 : f32
    %max3A_22 = vector.broadcast %max3A : f32 to vector<64x256xf32>
    %max3A_23 = arith.maximumf %add3A_21, %max3A_22 : vector<64x256xf32>
    %get3A_24 = arith.constant 0 : index
    %get3A_25 = arith.constant 0 : index
    %get3A_26 = vector.load %arg5[%get3A_24, %get3A_25] : memref<256x128xf32, #tpu.memory_space<vmem>>, vector<256x128xf32>
    %dot_general3A_27 = arith.constant dense<0.000000e+00> : vector<64x128xf32>
    %dot_general3A_28 = tpu.matmul %max3A_23, %get3A_26, %dot_general3A_27 {dimension_numbers = #tpu.dot_dimension_numbers<[1], [0], [0], [1], [0, 0, 1, 1], [], []>, transpose_lhs_hint = false} : vector<64x256xf32>, vector<256x128xf32>, vector<64x128xf32> -> vector<64x128xf32>
    %get3A_29 = arith.constant 0 : index
    %get3A_30 = arith.constant 0 : index
    %get3A_31 = vector.load %arg6[%get3A_29, %get3A_30] : memref<1x128xf32, #tpu.memory_space<vmem>>, vector<1x128xf32>
    %add3A_32 = vector.broadcast %get3A_31 : vector<1x128xf32> to vector<64x128xf32>
    %add3A_33 = arith.addf %dot_general3A_28, %add3A_32 : vector<64x128xf32>
    %mul3A_34 = arith.constant 0.999994993 : f32
    %mul3A_35 = vector.broadcast %mul3A_34 : f32 to vector<64x128xf32>
    %mul3A_36 = arith.mulf %add3A_33, %mul3A_35 : vector<64x128xf32>
    %get3A_37 = arith.constant 0 : index
    %get3A_38 = arith.constant 0 : index
    %get3A_39 = vector.load %arg7[%get3A_37, %get3A_38] : memref<1x128xf32, #tpu.memory_space<vmem>>, vector<1x128xf32>
    %mul3A_40 = vector.broadcast %get3A_39 : vector<1x128xf32> to vector<64x128xf32>
    %mul3A_41 = arith.mulf %mul3A_36, %mul3A_40 : vector<64x128xf32>
    %get3A_42 = arith.constant 0 : index
    %get3A_43 = arith.constant 0 : index
    %get3A_44 = vector.load %arg8[%get3A_42, %get3A_43] : memref<1x128xf32, #tpu.memory_space<vmem>>, vector<1x128xf32>
    %add3A_45 = vector.broadcast %get3A_44 : vector<1x128xf32> to vector<64x128xf32>
    %add3A_46 = arith.addf %mul3A_41, %add3A_45 : vector<64x128xf32>
    %max3A_47 = arith.constant 0.000000e+00 : f32
    %max3A_48 = vector.broadcast %max3A_47 : f32 to vector<64x128xf32>
    %max3A_49 = arith.maximumf %add3A_46, %max3A_48 : vector<64x128xf32>
    %get3A_50 = arith.constant 0 : index
    %get3A_51 = arith.constant 0 : index
    %get3A_52 = vector.load %arg9[%get3A_50, %get3A_51] : memref<128x128xf32, #tpu.memory_space<vmem>>, vector<128x128xf32>
    %dot_general3A_53 = arith.constant dense<0.000000e+00> : vector<64x128xf32>
    %dot_general3A_54 = tpu.matmul %max3A_49, %get3A_52, %dot_general3A_53 {dimension_numbers = #tpu.dot_dimension_numbers<[1], [0], [0], [1], [0, 0, 1, 1], [], []>, transpose_lhs_hint = false} : vector<64x128xf32>, vector<128x128xf32>, vector<64x128xf32> -> vector<64x128xf32>
    %get3A_55 = arith.constant 0 : index
    %get3A_56 = arith.constant 0 : index
    %get3A_57 = vector.load %arg10[%get3A_55, %get3A_56] : memref<1x128xf32, #tpu.memory_space<vmem>>, vector<1x128xf32>
    %add3A_58 = vector.broadcast %get3A_57 : vector<1x128xf32> to vector<64x128xf32>
    %add3A_59 = arith.addf %dot_general3A_54, %add3A_58 : vector<64x128xf32>
    %neg3A = arith.constant 0.000000e+00 : f32
    %neg3A_60 = vector.broadcast %neg3A : f32 to vector<64x128xf32>
    %neg3A_61 = arith.subf %neg3A_60, %add3A_59 : vector<64x128xf32>
    %exp3A = math.exp %neg3A_61 : vector<64x128xf32>
    %add3A_62 = arith.constant 1.000000e+00 : f32
    %add3A_63 = vector.broadcast %add3A_62 : f32 to vector<64x128xf32>
    %add3A_64 = arith.addf %add3A_63, %exp3A : vector<64x128xf32>
    %div3A = arith.constant 1.000000e+00 : f32
    %div3A_65 = vector.broadcast %div3A : f32 to vector<64x128xf32>
    %div3A_66 = arith.divf %div3A_65, %add3A_64 : vector<64x128xf32>
    %swap3A = arith.constant 0 : index
    %swap3A_67 = arith.constant 0 : index
    %swap3A_68 = vector.load %arg11[%swap3A, %swap3A_67] : memref<64x128xf32, #tpu.memory_space<vmem>>, vector<64x128xf32>
    tpu.vector_store %arg11[%swap3A, %swap3A_67], %div3A_66 {strides = array<i32>} : memref<64x128xf32, #tpu.memory_space<vmem>>, vector<64x128xf32>,
    return
  }
}

module attributes {stable_mosaic.version = 14 : i64} {
  func.func @_l4_body(%arg0: i32, %arg1: memref<2x512x128xf32, #tpu.memory_space<vmem>>, %arg2: memref<512x128xf32, #tpu.memory_space<vmem>>, %arg3: memref<512x1xf32, #tpu.memory_space<vmem>>, %arg4: memref<1x128xf32, #tpu.memory_space<vmem>>, %arg5: memref<512x1xi32, #tpu.memory_space<vmem>>, %arg6: memref<64x256xf32, #tpu.memory_space<vmem>>, %arg7: memref<64x128xf32, #tpu.memory_space<vmem>>, %arg8: memref<64x128xf32, #tpu.memory_space<vmem>>, %arg9: memref<64x128xf32, #tpu.memory_space<vmem>>) attributes {dimension_semantics = [#tpu.dimension_semantics<arbitrary>], iteration_bounds = array<i64: 20>, scalar_prefetch = 0 : i64, scratch_operands = 3 : i64, tpu.core_type = #tpu.core_type<tc>, window_params = [{transform_indices = @transform_0, window_bounds = array<i64: 2, 512, 128>}, {transform_indices = @transform_1, window_bounds = array<i64: 512, 128>}, {transform_indices = @transform_2, window_bounds = array<i64: 512, 1>}, {pipeline_mode = #tpu.pipeline_mode<synchronous>, transform_indices = @transform_3, window_bounds = array<i64: 1, 128>}, {transform_indices = @transform_4, window_bounds = array<i64: 512, 1>}, {pipeline_mode = #tpu.pipeline_mode<synchronous>, transform_indices = @transform_5, window_bounds = array<i64: 64, 256>}]} {
    %eq3A = arith.constant 0 : i32
    %eq3A_0 = arith.cmpi eq, %arg0, %eq3A : i32
    %convert_element_type3A = arith.extui %eq3A_0 : i1 to i32
    %cond3A = arith.constant 0 : i32
    %cond3A_1 = arith.cmpi ne, %convert_element_type3A, %cond3A : i32
    scf.if %cond3A_1 {
      %broadcast_in_dim3A_91 = arith.constant 0.000000e+00 : f32
      %broadcast_in_dim3A_92 = vector.broadcast %broadcast_in_dim3A_91 : f32 to vector<64x128xf32>
      %swap3A_93 = arith.constant 0 : index
      %swap3A_94 = arith.constant 0 : index
      %swap3A_95 = vector.load %arg7[%swap3A_93, %swap3A_94] : memref<64x128xf32, #tpu.memory_space<vmem>>, vector<64x128xf32>
      tpu.vector_store %arg7[%swap3A_93, %swap3A_94], %broadcast_in_dim3A_92 {strides = array<i32>} : memref<64x128xf32, #tpu.memory_space<vmem>>, vector<64x128xf32>,
      %broadcast_in_dim3A_96 = arith.constant 0.000000e+00 : f32
      %broadcast_in_dim3A_97 = vector.broadcast %broadcast_in_dim3A_96 : f32 to vector<64x128xf32>
      %swap3A_98 = arith.constant 0 : index
      %swap3A_99 = arith.constant 0 : index
      %swap3A_100 = vector.load %arg9[%swap3A_98, %swap3A_99] : memref<64x128xf32, #tpu.memory_space<vmem>>, vector<64x128xf32>
      tpu.vector_store %arg9[%swap3A_98, %swap3A_99], %broadcast_in_dim3A_97 {strides = array<i32>} : memref<64x128xf32, #tpu.memory_space<vmem>>, vector<64x128xf32>,
      %broadcast_in_dim3A_101 = arith.constant -3.400000e+38 : f32
      %broadcast_in_dim3A_102 = vector.broadcast %broadcast_in_dim3A_101 : f32 to vector<64x128xf32>
      %swap3A_103 = arith.constant 0 : index
      %swap3A_104 = arith.constant 0 : index
      %swap3A_105 = vector.load %arg8[%swap3A_103, %swap3A_104] : memref<64x128xf32, #tpu.memory_space<vmem>>, vector<64x128xf32>
      tpu.vector_store %arg8[%swap3A_103, %swap3A_104], %broadcast_in_dim3A_102 {strides = array<i32>} : memref<64x128xf32, #tpu.memory_space<vmem>>, vector<64x128xf32>,
    } else {
    }
    %iota3A = tpu.iota {dimensions = array<i32: 0>} : vector<512x1xi32>
    %mul3A = arith.constant 512 : i32
    %mul3A_2 = arith.muli %arg0, %mul3A : i32
    %add3A = vector.broadcast %mul3A_2 : i32 to vector<512x1xi32>
    %add3A_3 = arith.addi %iota3A, %add3A : vector<512x1xi32>
    %get3A = arith.constant 0 : index
    %get3A_4 = arith.constant 0 : index
    %get3A_5 = arith.constant 0 : index
    %get3A_6 = vector.load %arg1[%get3A, %get3A_4, %get3A_5] : memref<2x512x128xf32, #tpu.memory_space<vmem>>, vector<1x512x128xf32>
    %get3A_7 = vector.shape_cast %get3A_6 : vector<1x512x128xf32> to vector<512x128xf32>
    %get3A_8 = arith.constant 1 : index
    %get3A_9 = arith.constant 0 : index
    %get3A_10 = arith.constant 0 : index
    %get3A_11 = vector.load %arg1[%get3A_8, %get3A_9, %get3A_10] : memref<2x512x128xf32, #tpu.memory_space<vmem>>, vector<1x512x128xf32>
    %get3A_12 = vector.shape_cast %get3A_11 : vector<1x512x128xf32> to vector<512x128xf32>
    %add3A_13 = arith.addf %get3A_7, %get3A_12 : vector<512x128xf32>
    %get3A_14 = arith.constant 0 : index
    %get3A_15 = arith.constant 0 : index
    %get3A_16 = vector.load %arg2[%get3A_14, %get3A_15] : memref<512x128xf32, #tpu.memory_space<vmem>>, vector<512x128xf32>
    %mul3A_17 = arith.constant 2.000000e+00 : f32
    %mul3A_18 = vector.broadcast %mul3A_17 : f32 to vector<512x128xf32>
    %mul3A_19 = arith.mulf %mul3A_18, %get3A_16 : vector<512x128xf32>
    %add3A_20 = arith.addf %add3A_13, %mul3A_19 : vector<512x128xf32>
    %get3A_21 = arith.constant 0 : index
    %get3A_22 = arith.constant 0 : index
    %get3A_23 = vector.load %arg3[%get3A_21, %get3A_22] : memref<512x1xf32, #tpu.memory_space<vmem>>, vector<512x1xf32>
    %mul3A_24 = vector.broadcast %get3A_23 : vector<512x1xf32> to vector<512x128xf32>
    %mul3A_25 = arith.mulf %mul3A_24, %add3A_20 : vector<512x128xf32>
    %get3A_26 = arith.constant 0 : index
    %get3A_27 = arith.constant 0 : index
    %get3A_28 = vector.load %arg4[%get3A_26, %get3A_27] : memref<1x128xf32, #tpu.memory_space<vmem>>, vector<1x128xf32>
    %add3A_29 = vector.broadcast %get3A_28 : vector<1x128xf32> to vector<512x128xf32>
    %add3A_30 = arith.addf %mul3A_25, %add3A_29 : vector<512x128xf32>
    %max3A = arith.constant 0.000000e+00 : f32
    %max3A_31 = vector.broadcast %max3A : f32 to vector<512x128xf32>
    %max3A_32 = arith.maximumf %add3A_30, %max3A_31 : vector<512x128xf32>
    %lt3A = arith.constant 10000 : i32
    %lt3A_33 = vector.broadcast %lt3A : i32 to vector<512x1xi32>
    %lt3A_34 = arith.cmpi slt, %add3A_3, %lt3A_33 : vector<512x1xi32>
    %jit3A = arith.constant 0.000000e+00 : f32
    %broadcast_in_dim3A = vector.shape_cast %lt3A_34 : vector<512x1xi1> to vector<512x1xi1>
    %broadcast_in_dim3A_35 = vector.broadcast %broadcast_in_dim3A : vector<512x1xi1> to vector<512x128xi1>
    %broadcast_in_dim3A_36 = vector.broadcast %jit3A : f32 to vector<512x128xf32>
    %select_n3A = arith.select %broadcast_in_dim3A_35, %max3A_32, %broadcast_in_dim3A_36 : vector<512x128xi1>, vector<512x128xf32>
    %get3A_37 = arith.constant 0 : index
    %get3A_38 = arith.constant 0 : index
    %get3A_39 = vector.load %arg5[%get3A_37, %get3A_38] : memref<512x1xi32, #tpu.memory_space<vmem>>, vector<512x1xi32>
    %iota3A_40 = tpu.iota {dimensions = array<i32: 1>} : vector<512x64xi32>
    %eq3A_41 = vector.broadcast %get3A_39 : vector<512x1xi32> to vector<512x64xi32>
    %eq3A_42 = arith.cmpi eq, %eq3A_41, %iota3A_40 : vector<512x64xi32>
    %jit3A_43 = arith.constant 1.000000e+00 : f32
    %jit3A_44 = arith.constant 0.000000e+00 : f32
    %broadcast_in_dim3A_45 = vector.broadcast %jit3A_43 : f32 to vector<512x64xf32>
    %broadcast_in_dim3A_46 = vector.broadcast %jit3A_44 : f32 to vector<512x64xf32>
    %select_n3A_47 = arith.select %eq3A_42, %broadcast_in_dim3A_45, %broadcast_in_dim3A_46 : vector<512x64xi1>, vector<512x64xf32>
    %get3A_48 = arith.constant 0 : index
    %get3A_49 = arith.constant 0 : index
    %get3A_50 = vector.load %arg7[%get3A_48, %get3A_49] : memref<64x128xf32, #tpu.memory_space<vmem>>, vector<64x128xf32>
    %dot_general3A = arith.constant dense<0.000000e+00> : vector<64x128xf32>
    %dot_general3A_51 = tpu.matmul %select_n3A_47, %select_n3A, %dot_general3A {dimension_numbers = #tpu.dot_dimension_numbers<[0], [0], [1], [1], [0, 1, 1, 1], [], []>, transpose_lhs_hint = false} : vector<512x64xf32>, vector<512x128xf32>, vector<64x128xf32> -> vector<64x128xf32>
    %add3A_52 = arith.addf %get3A_50, %dot_general3A_51 : vector<64x128xf32>
    %swap3A = arith.constant 0 : index
    %swap3A_53 = arith.constant 0 : index
    %swap3A_54 = vector.load %arg7[%swap3A, %swap3A_53] : memref<64x128xf32, #tpu.memory_space<vmem>>, vector<64x128xf32>
    tpu.vector_store %arg7[%swap3A, %swap3A_53], %add3A_52 {strides = array<i32>} : memref<64x128xf32, #tpu.memory_space<vmem>>, vector<64x128xf32>,
    %get3A_55 = arith.constant 0 : index
    %get3A_56 = arith.constant 0 : index
    %get3A_57 = vector.load %arg9[%get3A_55, %get3A_56] : memref<64x128xf32, #tpu.memory_space<vmem>>, vector<64x128xf32>
    %broadcast_in_dim3A_58 = arith.constant 1.000000e+00 : f32
    %broadcast_in_dim3A_59 = vector.broadcast %broadcast_in_dim3A_58 : f32 to vector<512x128xf32>
    %dot_general3A_60 = arith.constant dense<0.000000e+00> : vector<64x128xf32>
    %dot_general3A_61 = tpu.matmul %select_n3A_47, %broadcast_in_dim3A_59, %dot_general3A_60 {dimension_numbers = #tpu.dot_dimension_numbers<[0], [0], [1], [1], [0, 1, 1, 1], [], []>, transpose_lhs_hint = false} : vector<512x64xf32>, vector<512x128xf32>, vector<64x128xf32> -> vector<64x128xf32>
    %add3A_62 = arith.addf %get3A_57, %dot_general3A_61 : vector<64x128xf32>
    %swap3A_63 = arith.constant 0 : index
    %swap3A_64 = arith.constant 0 : index
    %swap3A_65 = vector.load %arg9[%swap3A_63, %swap3A_64] : memref<64x128xf32, #tpu.memory_space<vmem>>, vector<64x128xf32>
    tpu.vector_store %arg9[%swap3A_63, %swap3A_64], %add3A_62 {strides = array<i32>} : memref<64x128xf32, #tpu.memory_space<vmem>>, vector<64x128xf32>,
    %iota3A_66 = tpu.iota {dimensions = array<i32: 0>} : vector<64x1xi32>
    %reduce_min3A = vector.shape_cast %get3A_39 : vector<512x1xi32> to vector<1x512x1xi32>
    %reduce_min3A_67 = arith.constant dense<2147483647> : vector<1xi32>
    %reduce_min3A_68 = vector.multi_reduction <minsi>, %reduce_min3A, %reduce_min3A_67 [1, 2] : vector<1x512x1xi32> to vector<1xi32>
    %reduce_min3A_69 = vector.shape_cast %reduce_min3A_68 : vector<1xi32> to vector<1x1x1xi32>
    %reduce_min3A_70 = vector.extract %reduce_min3A_69[0, 0, 0] : i32 from vector<1x1x1xi32>
    %reduce_max3A = vector.shape_cast %get3A_39 : vector<512x1xi32> to vector<1x512x1xi32>
    %reduce_max3A_71 = arith.constant dense<-2147483648> : vector<1xi32>
    %reduce_max3A_72 = vector.multi_reduction <maxsi>, %reduce_max3A, %reduce_max3A_71 [1, 2] : vector<1x512x1xi32> to vector<1xi32>
    %reduce_max3A_73 = vector.shape_cast %reduce_max3A_72 : vector<1xi32> to vector<1x1x1xi32>
    %reduce_max3A_74 = vector.extract %reduce_max3A_73[0, 0, 0] : i32 from vector<1x1x1xi32>
    %min3A = arith.constant 63 : i32
    %min3A_75 = arith.minsi %reduce_max3A_74, %min3A : i32
    %add3A_76 = arith.constant 1 : i32
    %add3A_77 = arith.addi %min3A_75, %add3A_76 : i32
    %while3A = arith.constant 0 : i32
    %while3A_78 = arith.subi %add3A_77, %reduce_min3A_70 : i32
    %while3A_79 = arith.addi %reduce_min3A_70, %while3A_78 : i32
    %while3A_80 = arith.constant 1 : i32
    %while3A_81 = arith.divsi %while3A_78, %while3A_80 : i32
    %while3A_82 = arith.muli %while3A_81, %while3A_80 : i32
    %while3A_83 = arith.addi %reduce_min3A_70, %while3A_82 : i32
    %while3A_84 = arith.constant 1 : i32
    scf.for %while3A_91 = %reduce_min3A_70 to %while3A_83 step %while3A_84  : i32 {
      %eq3A_92 = vector.broadcast %while3A_91 : i32 to vector<512x1xi32>
      %eq3A_93 = arith.cmpi eq, %get3A_39, %eq3A_92 : vector<512x1xi32>
      %jit3A_94 = arith.constant -3.400000e+38 : f32
      %broadcast_in_dim3A_95 = vector.shape_cast %eq3A_93 : vector<512x1xi1> to vector<512x1xi1>
      %broadcast_in_dim3A_96 = vector.broadcast %broadcast_in_dim3A_95 : vector<512x1xi1> to vector<512x128xi1>
      %broadcast_in_dim3A_97 = vector.broadcast %jit3A_94 : f32 to vector<512x128xf32>
      %select_n3A_98 = arith.select %broadcast_in_dim3A_96, %select_n3A, %broadcast_in_dim3A_97 : vector<512x128xi1>, vector<512x128xf32>
      %reduce_max3A_99 = arith.constant dense<0xFF800000> : vector<128xf32>
      %reduce_max3A_100 = vector.multi_reduction <maximumf>, %select_n3A_98, %reduce_max3A_99 [0] : vector<512x128xf32> to vector<128xf32>
      %get3A_101 = arith.constant 0 : index
      %get3A_102 = arith.constant 0 : index
      %get3A_103 = vector.load %arg8[%get3A_101, %get3A_102] : memref<64x128xf32, #tpu.memory_space<vmem>>, vector<64x128xf32>
      %broadcast_in_dim3A_104 = vector.shape_cast %reduce_max3A_100 : vector<128xf32> to vector<1x128xf32>
      %max3A_105 = vector.broadcast %broadcast_in_dim3A_104 : vector<1x128xf32> to vector<64x128xf32>
      %max3A_106 = arith.maximumf %get3A_103, %max3A_105 : vector<64x128xf32>
      %eq3A_107 = vector.broadcast %while3A_91 : i32 to vector<64x1xi32>
      %eq3A_108 = arith.cmpi eq, %iota3A_66, %eq3A_107 : vector<64x1xi32>
      %get3A_109 = arith.constant 0 : index
      %get3A_110 = arith.constant 0 : index
      %get3A_111 = vector.load %arg8[%get3A_109, %get3A_110] : memref<64x128xf32, #tpu.memory_space<vmem>>, vector<64x128xf32>
      %broadcast_in_dim3A_112 = vector.shape_cast %eq3A_108 : vector<64x1xi1> to vector<64x1xi1>
      %broadcast_in_dim3A_113 = vector.broadcast %broadcast_in_dim3A_112 : vector<64x1xi1> to vector<64x128xi1>
      %select_n3A_114 = arith.select %broadcast_in_dim3A_113, %max3A_106, %get3A_111 : vector<64x128xi1>, vector<64x128xf32>
      %swap3A_115 = arith.constant 0 : index
      %swap3A_116 = arith.constant 0 : index
      %swap3A_117 = vector.load %arg8[%swap3A_115, %swap3A_116] : memref<64x128xf32, #tpu.memory_space<vmem>>, vector<64x128xf32>
      tpu.vector_store %arg8[%swap3A_115, %swap3A_116], %select_n3A_114 {strides = array<i32>} : memref<64x128xf32, #tpu.memory_space<vmem>>, vector<64x128xf32>,
    }
    %while3A_85 = arith.constant 1 : i32
    scf.for %while3A_91 = %while3A_83 to %while3A_79 step %while3A_85  : i32 {
      %eq3A_92 = vector.broadcast %while3A_91 : i32 to vector<512x1xi32>
      %eq3A_93 = arith.cmpi eq, %get3A_39, %eq3A_92 : vector<512x1xi32>
      %jit3A_94 = arith.constant -3.400000e+38 : f32
      %broadcast_in_dim3A_95 = vector.shape_cast %eq3A_93 : vector<512x1xi1> to vector<512x1xi1>
      %broadcast_in_dim3A_96 = vector.broadcast %broadcast_in_dim3A_95 : vector<512x1xi1> to vector<512x128xi1>
      %broadcast_in_dim3A_97 = vector.broadcast %jit3A_94 : f32 to vector<512x128xf32>
      %select_n3A_98 = arith.select %broadcast_in_dim3A_96, %select_n3A, %broadcast_in_dim3A_97 : vector<512x128xi1>, vector<512x128xf32>
      %reduce_max3A_99 = arith.constant dense<0xFF800000> : vector<128xf32>
      %reduce_max3A_100 = vector.multi_reduction <maximumf>, %select_n3A_98, %reduce_max3A_99 [0] : vector<512x128xf32> to vector<128xf32>
      %get3A_101 = arith.constant 0 : index
      %get3A_102 = arith.constant 0 : index
      %get3A_103 = vector.load %arg8[%get3A_101, %get3A_102] : memref<64x128xf32, #tpu.memory_space<vmem>>, vector<64x128xf32>
      %broadcast_in_dim3A_104 = vector.shape_cast %reduce_max3A_100 : vector<128xf32> to vector<1x128xf32>
      %max3A_105 = vector.broadcast %broadcast_in_dim3A_104 : vector<1x128xf32> to vector<64x128xf32>
      %max3A_106 = arith.maximumf %get3A_103, %max3A_105 : vector<64x128xf32>
      %eq3A_107 = vector.broadcast %while3A_91 : i32 to vector<64x1xi32>
      %eq3A_108 = arith.cmpi eq, %iota3A_66, %eq3A_107 : vector<64x1xi32>
      %get3A_109 = arith.constant 0 : index
      %get3A_110 = arith.constant 0 : index
      %get3A_111 = vector.load %arg8[%get3A_109, %get3A_110] : memref<64x128xf32, #tpu.memory_space<vmem>>, vector<64x128xf32>
      %broadcast_in_dim3A_112 = vector.shape_cast %eq3A_108 : vector<64x1xi1> to vector<64x1xi1>
      %broadcast_in_dim3A_113 = vector.broadcast %broadcast_in_dim3A_112 : vector<64x1xi1> to vector<64x128xi1>
      %select_n3A_114 = arith.select %broadcast_in_dim3A_113, %max3A_106, %get3A_111 : vector<64x128xi1>, vector<64x128xf32>
      %swap3A_115 = arith.constant 0 : index
      %swap3A_116 = arith.constant 0 : index
      %swap3A_117 = vector.load %arg8[%swap3A_115, %swap3A_116] : memref<64x128xf32, #tpu.memory_space<vmem>>, vector<64x128xf32>
      tpu.vector_store %arg8[%swap3A_115, %swap3A_116], %select_n3A_114 {strides = array<i32>} : memref<64x128xf32, #tpu.memory_space<vmem>>, vector<64x128xf32>,
    }
    %eq3A_86 = arith.constant 19 : i32
    %eq3A_87 = arith.cmpi eq, %arg0, %eq3A_86 : i32
    %convert_element_type3A_88 = arith.extui %eq3A_87 : i1 to i32
    %cond3A_89 = arith.constant 0 : i32
    %cond3A_90 = arith.cmpi ne, %convert_element_type3A_88, %cond3A_89 : i32
    scf.if %cond3A_90 {
      %get3A_91 = arith.constant 0 : index
      %get3A_92 = arith.constant 0 : index
      %get3A_93 = vector.load %arg9[%get3A_91, %get3A_92] : memref<64x128xf32, #tpu.memory_space<vmem>>, vector<64x128xf32>
      %get3A_94 = arith.constant 0 : index
      %get3A_95 = arith.constant 0 : index
      %get3A_96 = vector.load %arg7[%get3A_94, %get3A_95] : memref<64x128xf32, #tpu.memory_space<vmem>>, vector<64x128xf32>
      %max3A_97 = arith.constant 1.000000e+00 : f32
      %max3A_98 = vector.broadcast %max3A_97 : f32 to vector<64x128xf32>
      %max3A_99 = arith.maximumf %get3A_93, %max3A_98 : vector<64x128xf32>
      %div3A = arith.divf %get3A_96, %max3A_99 : vector<64x128xf32>
      %gt3A = arith.constant 0.000000e+00 : f32
      %gt3A_100 = vector.broadcast %gt3A : f32 to vector<64x128xf32>
      %gt3A_101 = arith.cmpf ogt, %get3A_93, %gt3A_100 : vector<64x128xf32>
      %get3A_102 = arith.constant 0 : index
      %get3A_103 = arith.constant 0 : index
      %get3A_104 = vector.load %arg8[%get3A_102, %get3A_103] : memref<64x128xf32, #tpu.memory_space<vmem>>, vector<64x128xf32>
      %jit3A_105 = arith.constant 0.000000e+00 : f32
      %broadcast_in_dim3A_106 = vector.broadcast %jit3A_105 : f32 to vector<64x128xf32>
      %select_n3A_107 = arith.select %gt3A_101, %get3A_104, %broadcast_in_dim3A_106 : vector<64x128xi1>, vector<64x128xf32>
      %swap3A_108 = arith.constant 0 : index
      %swap3A_109 = arith.constant 0 : index
      %swap3A_110 = vector.load %arg6[%swap3A_108, %swap3A_109] : memref<64x256xf32, #tpu.memory_space<vmem>>, vector<64x128xf32>
      tpu.vector_store %arg6[%swap3A_108, %swap3A_109], %div3A {strides = array<i32>} : memref<64x256xf32, #tpu.memory_space<vmem>>, vector<64x128xf32>,
      %swap3A_111 = arith.constant 0 : index
      %swap3A_112 = arith.constant 128 : index
      %swap3A_113 = vector.load %arg6[%swap3A_111, %swap3A_112] : memref<64x256xf32, #tpu.memory_space<vmem>>, vector<64x128xf32>
      tpu.vector_store %arg6[%swap3A_111, %swap3A_112], %select_n3A_107 {strides = array<i32>} : memref<64x256xf32, #tpu.memory_space<vmem>>, vector<64x128xf32>,
    } else {
    }
    return
  }
  func.func @transform_0(%arg0: i32) -> (i32, i32, i32) {
    %c0_i32 = arith.constant 0 : i32
    %c0_i32_0 = arith.constant 0 : i32
    %c0_i32_1 = arith.constant 0 : i32
    return %c0_i32, %arg0, %c0_i32_0 : i32, i32, i32
  }
  func.func @transform_1(%arg0: i32) -> (i32, i32) {
    %c0_i32 = arith.constant 0 : i32
    %c0_i32_0 = arith.constant 0 : i32
    return %arg0, %c0_i32 : i32, i32
  }
  func.func @transform_2(%arg0: i32) -> (i32, i32) {
    %c0_i32 = arith.constant 0 : i32
    %c0_i32_0 = arith.constant 0 : i32
    return %arg0, %c0_i32 : i32, i32
  }
  func.func @transform_3(%arg0: i32) -> (i32, i32) {
    %c0_i32 = arith.constant 0 : i32
    %c0_i32_0 = arith.constant 0 : i32
    %c0_i32_1 = arith.constant 0 : i32
    return %c0_i32, %c0_i32_0 : i32, i32
  }
  func.func @transform_4(%arg0: i32) -> (i32, i32) {
    %c0_i32 = arith.constant 0 : i32
    %c0_i32_0 = arith.constant 0 : i32
    return %arg0, %c0_i32 : i32, i32
  }
  func.func @transform_5(%arg0: i32) -> (i32, i32) {
    %c0_i32 = arith.constant 0 : i32
    %c0_i32_0 = arith.constant 0 : i32
    %c0_i32_1 = arith.constant 0 : i32
    return %c0_i32, %c0_i32_0 : i32, i32
  }
}

</mosaic_0001>

<sc_bundles>
// kernel: kernel.13.cloned.1.call-start
scs
__scs_entry_jumppad:
0x0: {  	(pc) =	sbr.rel $0x88, $3  }
0x1: {  	(tag) =	ssettag $0x0;
	lr =	simm.s32 $0x1  }
0x2: {  	[smem:$0x3F8C] =	sst lr;
	_ =	strace $0xD0000000  }
0x3: {  	_ = 	snop  }
0x4: {  	_ = 	snop  }
0x5: {  	_ = 	snop  }
0x6: {  	_ = 	snop  }
0x7: {  	_ = 	snop  }
__scs_overlays_trampoline_lowered:
0x8: {  	[smem:$0x3F9B] =	sst s0  }
0x9: {  	[smem:$0x3F9C] =	sst s1  }
0xa: {  	[smem:$0x3F9D] =	sst s2  }
0xb: {  	[smem:$0x3F9E] =	sst s3  }
0xc: {  	[smem:$0x3F9F] =	sst s4  }
0xd: {  	[smem:$0x3FA0] =	sst s5  }
0xe: {  	[smem:$0x3FA1] =	sst s6  }
0xf: {  	[smem:$0x3FA2] =	sst s7  }
0x10: {  	[smem:$0x3FA3] =	sst s8  }
0x11: {  	[smem:$0x3FA4] =	sst s9;
	s0 =	simm.s32 @!p0 $0x0  }
0x12: {  	s1 =	sld [smem:$0x3F8A];
	s0 =	simm.s32 @p0 $0x1  }
0x13: {  	[smem:$0x3FA5] =	sst s0;
	s0 =	simm.s32 @!p1 $0x0  }
0x14: {  	s2 =	sld [smem:$0x3F89];
	s0 =	simm.s32 @p1 $0x1  }
0x15: {  	[smem:$0x3FA6] =	sst s0;
	s0 =	simm.s32 @!p2 $0x0  }
0x16: {  	s3 =	sld [smem:$0x3FDB];
	s0 =	simm.s32 @p2 $0x1  }
0x17: {  	s4 =	simm.s32 $0x1BF5;
	[smem:$0x3FA8] =	sst s0  }
0x18: {  	s0 =	sld [smem:$0x3F8B];
	_ =	swait.ge [sflag:s4], $0x0  }
0x19: {  	s7 =	sld [smem:$0x3F8C]  }
0x1a: {  	s8 =	sadd.s32 $0xFFFFE003, lr  }
0x1b: {  	s9 =	sadd.s32 $0xFFFFFEF7, lr;
	s5 =	simm.s32 $0xFFFFFFFF;
	p2 =	slt.u32 s8, $0xFFFFF086  }
0x1c: {  	p1 =	slt.u32 s9, $0xF7A;
	s5 =	simm.s32 @!p2 $0x0  }
0x1d: {  	s5 =	simm.s32 @p1 $0x1;
	p0 =	seq.s32 s7, s2  }
0x1e: {  	s7 =	smul.u32 @!p0 $0xF7A, s2;
	p2 =	seq.s32 @!p0 s5, $0x0  }
0x1f: {  	s9 =	smul.u32 $0xF7A, s1;
	s8 =	simm.s32 @!p0 $0x1BF5;
	p2 =	por !p2, p0  }
0x20: {  	[sflag:s8] =	ssyncset.s32 @!p0 $0xFFFFF086;
	s6 =	sadd.s32 @!p0 s3, s7;
	s7 =	simm.s32 @!p0 $0x108  }
0x21: {  	s3 =	sadd.s32 s3, s9;
	s6 =	sadd.s32 @!p0 $0x88, s6;
	s7 =	simm.s32 @p2 $0x1082  }
0x22: {  	[simem:s7], [sflag:s8] =	dma.local @!p0 [hbm:s6], $0xF7A  }
0x23: {  	s9 =	sor.u32 $0xD0000000, s2;
	s6 =	simm.s32 $0x108;
	_ =	swait.ge @!p0 [sflag:s8], $0x0  }
0x24: {  	s3 =	sadd.s32 $0x88, s3;
	s6 =	simm.s32 @!p1 $0x1082;
	[sflag:s4] =	ssyncset.s32 $0xFFFFF086  }
0x25: {  	[simem:s6], [sflag:s4] =	dma.local [hbm:s3], $0xF7A  }
0x26: {  	[smem:$0x3F8C] =	sst s1;
	(tag) =	ssettag s2;
	_ =	strace s9  }
0x27: {  	s1 =	sld [smem:$0x3F9C]  }
0x28: {  	s2 =	sld [smem:$0x3F9D]  }
0x29: {  	s4 =	sld [smem:$0x3F9F]  }
0x2a: {  	p0 =	seq.s32 s5, $0x0;
	s5 =	sld [smem:$0x3FA0]  }
0x2b: {  	s6 =	sld [smem:$0x3FA1]  }
0x2c: {  	s7 =	sld [smem:$0x3FA2]  }
0x2d: {  	s3 =	simm.s32 $0x108;
	s8 =	sld [smem:$0x3FA3]  }
0x2e: {  	s3 =	simm.s32 @!p0 $0x1082;
	s9 =	sld [smem:$0x3FA4]  }
0x2f: {  	lr =	sadd.s32 s0, s3;
	s0 =	sld [smem:$0x3F9B]  }
0x30: {  	s3 =	sld [smem:$0x3F9E]  }
0x31: {  	[smem:$0x3FA7] =	sst s10  }
0x32: {  	s10 =	sld [smem:$0x3FA5];
	_ =	sdelay $0x3  }
0x33: {  	p0 =	seq.s32 s10, $0x1;
	s10 =	sld [smem:$0x3FA7];
	_ =	sdelay $0x3  }
0x34: {  	[smem:$0x3FA7] =	sst s10  }
0x35: {  	s10 =	sld [smem:$0x3FA6];
	_ =	sdelay $0x3  }
0x36: {  	p1 =	seq.s32 s10, $0x1;
	s10 =	sld [smem:$0x3FA7];
	_ =	sdelay $0x3  }
0x37: {  	[smem:$0x3FA7] =	sst s10  }
0x38: {  	s10 =	sld [smem:$0x3FA8]  }
0x39: {  	_ = 	snop;
	(pc) =	sbr.ind lr, $3  }
0x3a: {  	_ = 	snop  }
0x3b: {  	_ = 	snop  }
0x3c: {  	p2 =	seq.s32 s10, $0x1;
	s10 =	sld [smem:$0x3FA7]  }
0x3d: {  	_ =	shalt  }
0x3e: {  	_ =	shalt  }
0x3f: {  	_ =	shalt  }
0x40: {  	_ =	shalt  }
0x41: {  	_ =	shalt  }
0x42: {  	_ =	shalt  }
0x43: {  	_ =	shalt  }
0x44: {  	_ =	shalt  }
0x45: {  	_ =	shalt  }
0x46: {  	_ =	shalt  }
0x47: {  	_ =	shalt  }
0x48: {  	_ =	shalt  }
0x49: {  	_ =	shalt  }
0x4a: {  	_ =	shalt  }
0x4b: {  	_ =	shalt  }
0x4c: {  	_ =	shalt  }
0x4d: {  	_ =	shalt  }
0x4e: {  	_ =	shalt  }
0x4f: {  	_ =	shalt  }
0x50: {  	_ =	shalt  }
0x51: {  	_ =	shalt  }
0x52: {  	_ =	shalt  }
0x53: {  	_ =	shalt  }
0x54: {  	_ =	shalt  }
0x55: {  	_ =	shalt  }
0x56: {  	_ =	shalt  }
0x57: {  	_ =	shalt  }
0x58: {  	_ =	shalt  }
0x59: {  	_ =	shalt  }
0x5a: {  	_ =	shalt  }
0x5b: {  	_ =	shalt  }
0x5c: {  	_ =	shalt  }
0x5d: {  	_ =	shalt  }
0x5e: {  	_ =	shalt  }
0x5f: {  	_ =	shalt  }
0x60: {  	_ =	shalt  }
0x61: {  	_ =	shalt  }
0x62: {  	_ =	shalt  }
0x63: {  	_ =	shalt  }
0x64: {  	_ =	shalt  }
0x65: {  	_ =	shalt  }
0x66: {  	_ =	shalt  }
0x67: {  	_ =	shalt  }
0x68: {  	_ =	shalt  }
0x69: {  	_ =	shalt  }
0x6a: {  	_ =	shalt  }
0x6b: {  	_ =	shalt  }
0x6c: {  	_ =	shalt  }
0x6d: {  	_ =	shalt  }
0x6e: {  	_ =	shalt  }
0x6f: {  	_ =	shalt  }
0x70: {  	_ =	shalt  }
0x71: {  	_ =	shalt  }
0x72: {  	_ =	shalt  }
0x73: {  	_ =	shalt  }
0x74: {  	_ =	shalt  }
0x75: {  	_ =	shalt  }
0x76: {  	_ =	shalt  }
0x77: {  	_ =	shalt  }
0x78: {  	_ =	shalt  }
0x79: {  	_ =	shalt  }
0x7a: {  	_ =	shalt  }
0x7b: {  	_ =	shalt  }
0x7c: {  	_ =	shalt  }
0x7d: {  	_ =	shalt  }
0x7e: {  	_ =	shalt  }
0x7f: {  	_ =	shalt  }
0x80: {  	_ =	shalt  }
0x81: {  	_ =	shalt  }
0x82: {  	_ =	shalt  }
0x83: {  	_ =	shalt  }
0x84: {  	_ =	shalt  }
0x85: {  	_ =	shalt  }
0x86: {  	_ =	shalt  }
0x87: {  	_ =	shalt  }
.Lfunc_end0:
.L_simem_size_0:
called_computation_lowered:
.L_overlay_start_0:
0x88: {  	s2 =	sld [smem:$0x3FD9]  }
0x89: {  	s3 =	sld [smem:$0x3FFE];
	_ =	sdelay $0x1  }
0x8a: {  	s1 =	srdreg.scid  }
0x8b: {  	s0 =	sand.u32 $0x1, s1  }
0x8c: {  	s16 =	sshll.u32 s0, $0xA;
	s2 =	sadd.s32 s3, s2  }
0x8d: {  	s2 =	sadd.s32 s2, s16  }
0x8e: {  	[smem:$0x3FB3] =	sst s2  }
0x8f: {  	_ = 	snop  }
0x90: {  	(tm) =	ssettm $0x1  }
0x91: {  	s17 =	sld [smem:$0x3FFB];
	_ =	sdelay $0x3  }
0x92: {  	_ =	strace s17  }
0x93: {  	s2 =	sld [smem:$0x3FFC];
	_ =	sdelay $0x3  }
0x94: {  	_ =	strace s2  }
0x95: {  	s2 =	sld [smem:$0x3FFD];
	_ =	sdelay $0x3  }
0x96: {  	_ =	strace s2  }
0x97: {  	_ =	strace $0x8FFFFFFF  }
0x98: {  	s18 =	sld [smem:$0x3FDB];
	_ =	sdelay $0x1  }
0x99: {  	s19 =	simm.s32 $_scs_section_size  }
0x9a: {  	s4 =	simm.s32 $_size__tile_overlayer_lowered;
	s5 =	simm.s32 $_tile_overlayer_lowered  }
0x9b: {  	s22 =	simm.s32 $0x1BFF;
	s21 =	sshll.u32 s5, $0x1;
	s2 =	sadd.s32 s19, s18  }
0x9c: {  	s6 =	simm.s32 $0x0;
	s20 =	sshll.u32 s4, $0x1;
	s4 =	sadd.s32 s21, s2  }
0x9d: {  	[timem:s6], [sflag:s22] =	dma.local [hbm:s4], s20  }
0x9e: {  	_ =	swait.ge [sflag:s22], s20  }
0x9f: {  	s3 =	ssub.s32 $0x0, s20;
	[sflag:s22] =	ssyncset.done $0x0  }
0xa0: {  	[sflag:s22] =	ssyncadd.s32 s3;
	_ =	sdelay $0x1  }
0xa1: {  	s23 =	simm.s32 $0x1B8B  }
0xa2: {  	_ =	swait.ge [sflag:s23], $0x1  }
0xa3: {  	[sflag:s23] =	ssyncset.done $0x0  }
0xa4: {  	s25 =	simm.s32 $0x1B8E;
	s24 =	sld [smem:$0x3FFE];
	[sflag:s23] =	ssyncadd.s32 $0xFFFFFFFF  }
0xa5: {  	s26 =	simm.s32 $execute0_lowered;
	[smem:$0x3FD2] =	sst s25  }
0xa6: {  	s4 =	sshll.u32 s26, $0x1;
	_ =	strace $0x80000046;
	[dreg:$0x1] =	wrdreg $0xFFFFFFFF  }
0xa7: {  	s28 =	simm.s32 $_size_execute0_lowered;
	s2 =	sadd.s32 s2, s4;
	[dreg:$0x0] =	wrdreg $0x0  }
0xa8: {  	s4 =	sshll.u32 s28, $0x1;
	[dreg:$0x2] =	wrdreg s2  }
0xa9: {  	[dreg:$0x3] =	wrdreg s4  }
0xaa: {  	[dreg:$0x4] =	wrdreg $0xC0  }
0xab: {  	_ =	task [dreg:s6], $0x5FFFF  }
0xac: {  	[dreg:$0x1] =	wrdreg $0xFFFFFFFF  }
0xad: {  	[dreg:$0x0] =	wrdreg $0x60  }
0xae: {  	[dreg:$0x2] =	wrdreg s24  }
0xaf: {  	[dreg:$0x3] =	wrdreg $0x2B000  }
0xb0: {  	[dreg:$0x4] =	wrdreg $0x9  }
0xb1: {  	_ =	task.clear_ibuf [dreg:s6], $0x5FFFF;
	_ =	strace $0x90000046  }
0xb2: {  	s29 =	simm.s32 $0x9;
	_ =	strace $0x80000048  }
0xb3: {  	_ =	swait.ge [sflag:s29], $0x1  }
0xb4: {  	[sflag:s29] =	ssyncadd.s32 $0xFFFFFFFF  }
0xb5: {  	_ =	strace $0x90000048  }
0xb6: {  	_ =	sfence  }
0xb7: {  	s30 =	sld [smem:$0x0];
	_ =	sdelay $0x2  }
0xb8: {  	s31 =	sshll.u32 s1, $0xD;
	s1 =	sshrl.u32 s1, $0x2  }
0xb9: {  	s3 =	sand.u32 $0x4000, s31;
	s1 =	sadd.s32 s1, s30  }
0xba: {  	s0 =	sor.u32 s3, s0;
	s1 =	sshll.u32 s1, $0x11  }
0xbb: {  	s0 =	sor.u32 s1, s0  }
0xbc: {  	s0 =	sadd.s32 $0x8F2B, s0  }
0xbd: {  	[sflag:s0] =	ssyncadd.remote.s32 $0x1  }
0xbe: {  	_ =	sfence.sel $0xFFFF  }
0xbf: {  	[dreg:$0x0] =	wrdreg $0xFFFFFFFF;
	(pc) =	sbr.abs _section_cstart, $3  }
0xc0: {  	[dreg:$0x1] =	wrdreg $0xFFFFFFFF  }
0xc1: {  	_ =	task.clear_ibuf [dreg:s6], $0x2FFFF;
	_ =	strace $0x9FFFFFFF  }
0xc2: {  	(tm) =	ssettm $0x7FFFFFFF  }
0xc3: {  	_ =	shalt  }
tec
execute0_lowered:
.L_overlay_start_1:
0x0: {  	(tag) =	ssettag $0x1  }
0x1: {  	s4 =	rddreg [dreg:$0x0]  }
0x2: {  	s2 =	rddreg [dreg:$0x1];
	s3 =	srdreg.scid  }
0x3: {  	s1 =	stileid.u32;
	s0 =	rddreg [dreg:$0x2];
	s10 =	simm.s32 $0x80  }
0x4: {  	s11 =	simm.s32 $0x2800;
	s14 =	simm.s32 $0x0;
	s5 =	sand.u32 $0x1, s3  }
0x5: {  	s6 =	smul.u32 $0x280, s1;
	s3 =	simm.s32 $0x0;
	s7 =	sshll.u32 s1, $0x1  }
0x6: {  	s12 =	sshll.u32 s1, $0x6;
	s8 =	smul.u32 $0x2800, s5;
	[smem:$0x7FF] =	sst s3  }
0x7: {  	s7 =	sor.u32 s5, s7;
	s5 =	ssub.s32 $0x2, s5;
	s12 =	sor.u32 $0x1C01, s12  }
0x8: {  	s7 =	smul.u32 $0x500, s7;
	_ =	strace $0x80000047;
	s9 =	sshrl.u32 s5, $0x1  }
0x9: {  	s8 =	sadd.s32 s6, s8;
	s9 =	ssub.s32 s5, s9;
	s5 =	sadd.s32 s6, s2  }
0xa: {  	s8 =	sshrl.u32 s8, $0x3;
	s7 =	sadd.s32 s7, s4;
	s13 =	sshrl.u32 s5, $0x3  }
0xb: {  	s8 =	sadd.s32 s8, s4;
	s4 =	sadd.s32 $0xE400, s7;
	s7 =	smax.u32 s9, $0x1  }
0xc: {  	v0 =	vimm.f32 $1.000000000e+00;
	v1 =	vimm.f32 $0.0e+00;
	s9 =	simm.s32 $0x2880;
	s6 =	sadd.s32 $0x18400, s8;
	s8 =	simm.s32 $0x1  }
.LBB2_1:
0xd: {  	[tilespmem:s3], [sflag:$0x1] =	stream.linear.gather [hbm4b:s4+s3], $0x2800, $0x38;
	[tilespmem:$0x2D80] =	vst v63  }
0xe: {  	_ =	swait.ge [sflag:s8], $0x2800  }
0xf: {  	[sflag:s8] =	ssyncset.done $0x0  }
0x10: {  	[sflag:s8] =	ssyncadd.s32 $0xFFFFD800  }
0x11: {  	[tilespmem:$0x2800] =	vst v0  }
0x12: {  	[tilespmem:$0x2810] =	vst v0  }
0x13: {  	[tilespmem:$0x2820] =	vst v0  }
0x14: {  	[tilespmem:$0x2830] =	vst v0  }
0x15: {  	[tilespmem:$0x2840] =	vst v0  }
0x16: {  	[tilespmem:$0x2850] =	vst v0  }
0x17: {  	[tilespmem:$0x2860] =	vst v0  }
0x18: {  	[tilespmem:$0x2870] =	vst v0  }
0x19: {  	[tilespmem:$0x2880] =	vst v1  }
0x1a: {  	[tilespmem:$0x2890] =	vst v1  }
0x1b: {  	[tilespmem:$0x28A0] =	vst v1  }
0x1c: {  	[tilespmem:$0x28B0] =	vst v1  }
0x1d: {  	[tilespmem:$0x28C0] =	vst v1  }
0x1e: {  	[tilespmem:$0x28D0] =	vst v1  }
0x1f: {  	[tilespmem:$0x28E0] =	vst v1  }
0x20: {  	[tilespmem:$0x28F0] =	vst v1  }
0x21: {  	[tilespmem:$0x2900] =	vst v1  }
0x22: {  	[tilespmem:$0x2910] =	vst v1  }
0x23: {  	[tilespmem:$0x2920] =	vst v1  }
0x24: {  	[tilespmem:$0x2930] =	vst v1  }
0x25: {  	[tilespmem:$0x2940] =	vst v1  }
0x26: {  	[tilespmem:$0x2950] =	vst v1  }
0x27: {  	[tilespmem:$0x2960] =	vst v1  }
0x28: {  	[tilespmem:$0x2970] =	vst v1  }
0x29: {  	[tilespmem:$0x2980] =	vst v1  }
0x2a: {  	[tilespmem:$0x2990] =	vst v1  }
0x2b: {  	[tilespmem:$0x29A0] =	vst v1  }
0x2c: {  	[tilespmem:$0x29B0] =	vst v1  }
0x2d: {  	[tilespmem:$0x29C0] =	vst v1  }
0x2e: {  	[tilespmem:$0x29D0] =	vst v1  }
0x2f: {  	[tilespmem:$0x29E0] =	vst v1  }
0x30: {  	[tilespmem:$0x29F0] =	vst v1  }
0x31: {  	[tilespmem:$0x2A00] =	vst v1  }
0x32: {  	[tilespmem:$0x2A10] =	vst v1  }
0x33: {  	[tilespmem:$0x2A20] =	vst v1  }
0x34: {  	[tilespmem:$0x2A30] =	vst v1  }
0x35: {  	[tilespmem:$0x2A40] =	vst v1  }
0x36: {  	[tilespmem:$0x2A50] =	vst v1  }
0x37: {  	[tilespmem:$0x2A60] =	vst v1  }
0x38: {  	[tilespmem:$0x2A70] =	vst v1  }
0x39: {  	[tilespmem:$0x2A80] =	vst v1  }
0x3a: {  	[tilespmem:$0x2A90] =	vst v1  }
0x3b: {  	[tilespmem:$0x2AA0] =	vst v1  }
0x3c: {  	[tilespmem:$0x2AB0] =	vst v1  }
0x3d: {  	[tilespmem:$0x2AC0] =	vst v1  }
0x3e: {  	[tilespmem:$0x2AD0] =	vst v1  }
0x3f: {  	[tilespmem:$0x2AE0] =	vst v1  }
0x40: {  	[tilespmem:$0x2AF0] =	vst v1  }
0x41: {  	[spmem:s5] =	stream.linear.scatter [tilespmem:s9], [sflag:$0x1], $0x280, $0x38;
	[tilespmem:$0x2D80] =	vst v63  }
0x42: {  	_ =	swait.ge [sflag:s8], $0x280  }
0x43: {  	[sflag:s8] =	ssyncset.done $0x0  }
0x44: {  	[sflag:s8] =	ssyncadd.s32 $0xFFFFFD80  }
0x45: {  	s15 =	simm.s32 $0x0;
	[bflag:$0x0] =	sbarrier.arrive $0xFFFF  }
0x46: {  	[spmem:s2] =	stream.indirect.scatter.add.f32 [tilespmem:s11], [sflag:$0x1], $0x1, s15, s10, $0xb8;
	[tilespmem:$0x2D80] =	vst v63  }
0x47: {  	_ =	swait.ge [sflag:s8], $0x80  }
0x48: {  	s15 =	simm.s32 $0x200;
	[sflag:s8] =	ssyncset.done $0x0  }
.LBB2_2:
0x49: {  	s16 =	sshra.s32 s15, $0x2;
	[sflag:s8] =	ssyncadd.s32 $0xFFFFFF80;
	p0 =	sne.s32 s15, $0x9E00  }
0x4a: {  	[spmem:s2] =	stream.indirect.scatter.add.f32 [tilespmem:s11], [sflag:$0x1], $0x1, s16, s10, $0xb8;
	[tilespmem:$0x2D80] =	vst v63  }
.Ltmp0:
0x4b: {  	_ = 	snop;
	(pc) =	sbr.rel @p0 .LBB2_2-.Ltmp0, $4  }
0x4c: {  	_ = 	snop  }
0x4d: {  	s15 =	sadd.s32 $0x200, s15  }
0x4e: {  	_ =	swait.ge [sflag:s8], $0x80  }
0x4f: {  	[sflag:s8] =	ssyncset.done $0x0  }
0x50: {  	s14 =	sadd.s32 $0x1, s14  }
0x51: {  	[sflag:s8] =	ssyncadd.s32 $0xFFFFFF80;
	p0 =	sne.s32 s14, s7  }
.Ltmp1:
0x52: {  	[bflag:$0x0] =	sbarrier.arrive $0xFFFF;
	(pc) =	sbr.rel @p0 .LBB2_1-.Ltmp1, $4  }
0x53: {  	[hbm:s6], [sflag:s12] =	dma.local [spmem:s13], $0x50  }
0x54: {  	_ =	swait.ge [sflag:s8], $0x50  }
0x55: {  	[sflag:s8] =	ssyncset.done $0x0  }
0x56: {  	[sflag:s8] =	ssyncadd.s32 $0xFFFFFFB0  }
0x57: {  	_ =	sfence.sel $0x180000  }
0x58: {  	[bflag:$0x0] =	sbarrier.arrive $0xFFFF  }
0x59: {  	p0 =	sne.s32 s1, $0x0;
	_ =	strace $0x90000047  }
0x5a: {  	s0 =	sadd.s32 @!p0 $0x100000, s0;
	[bflag:$0x2] =	sbarrier.arrive $0xFFFF  }
0x5b: {  	[sflag:s0] =	ssyncadd.tile.s32 @!p0 $0x1;
	_ =	shalt  }
.Lfunc_end2:
_tile_overlayer_lowered:
.L_overlay_start_2:
0x5c: {  	(tag) =	ssettag $0x2  }
0x5d: {  	s0 =	rddreg [dreg:$0x0];
	s2 =	stileid.u32  }
0x5e: {  	s1 =	rddreg [dreg:$0x1];
	p0 =	sne.s32 s2, $0x0  }
0x5f: {  	s3 =	rddreg [dreg:$0x2];
	[bflag:$0x3] =	sbarrier.arrive $0xFFFF;
	s2 =	simm.s32 @!p0 $0x1C01  }
0x60: {  	[timem:s3], [sflag:s2] =	dma.local @!p0 [hbm:s0], s1  }
0x61: {  	s0 =	simm.s32 @!p0 $0x1  }
0x62: {  	_ =	swait.ge @!p0 [sflag:s0], s1  }
0x63: {  	s1 =	ssub.s32 @!p0 $0x0, s1;
	[sflag:s0] =	ssyncset.done @!p0 $0x0  }
0x64: {  	[sflag:s0] =	ssyncadd.s32 @!p0 s1  }
0x65: {  	[bflag:$0x3] =	sbarrier.arrive $0xFFFF  }
0x66: {  	_ =	shalt  }

// kernel: kernel.16.cloned.1.call-start
scs
__scs_entry_jumppad:
0x0: {  	(pc) =	sbr.rel $0x88, $3  }
0x1: {  	(tag) =	ssettag $0x0;
	lr =	simm.s32 $0x1  }
0x2: {  	[smem:$0x3F8C] =	sst lr;
	_ =	strace $0xD0000000  }
0x3: {  	_ = 	snop  }
0x4: {  	_ = 	snop  }
0x5: {  	_ = 	snop  }
0x6: {  	_ = 	snop  }
0x7: {  	_ = 	snop  }
__scs_overlays_trampoline_lowered:
0x8: {  	[smem:$0x3F9B] =	sst s0  }
0x9: {  	[smem:$0x3F9C] =	sst s1  }
0xa: {  	[smem:$0x3F9D] =	sst s2  }
0xb: {  	[smem:$0x3F9E] =	sst s3  }
0xc: {  	[smem:$0x3F9F] =	sst s4  }
0xd: {  	[smem:$0x3FA0] =	sst s5  }
0xe: {  	[smem:$0x3FA1] =	sst s6  }
0xf: {  	[smem:$0x3FA2] =	sst s7  }
0x10: {  	[smem:$0x3FA3] =	sst s8  }
0x11: {  	[smem:$0x3FA4] =	sst s9;
	s0 =	simm.s32 @!p0 $0x0  }
0x12: {  	s1 =	sld [smem:$0x3F8A];
	s0 =	simm.s32 @p0 $0x1  }
0x13: {  	[smem:$0x3FA5] =	sst s0;
	s0 =	simm.s32 @!p1 $0x0  }
0x14: {  	s2 =	sld [smem:$0x3F89];
	s0 =	simm.s32 @p1 $0x1  }
0x15: {  	[smem:$0x3FA6] =	sst s0;
	s0 =	simm.s32 @!p2 $0x0  }
0x16: {  	s3 =	sld [smem:$0x3FDB];
	s0 =	simm.s32 @p2 $0x1  }
0x17: {  	s4 =	simm.s32 $0x1BF5;
	[smem:$0x3FA8] =	sst s0  }
0x18: {  	s0 =	sld [smem:$0x3F8B];
	_ =	swait.ge [sflag:s4], $0x0  }
0x19: {  	s7 =	sld [smem:$0x3F8C]  }
0x1a: {  	s8 =	sadd.s32 $0xFFFFE003, lr  }
0x1b: {  	s9 =	sadd.s32 $0xFFFFFEF7, lr;
	s5 =	simm.s32 $0xFFFFFFFF;
	p2 =	slt.u32 s8, $0xFFFFF086  }
0x1c: {  	p1 =	slt.u32 s9, $0xF7A;
	s5 =	simm.s32 @!p2 $0x0  }
0x1d: {  	s5 =	simm.s32 @p1 $0x1;
	p0 =	seq.s32 s7, s2  }
0x1e: {  	s7 =	smul.u32 @!p0 $0xF7A, s2;
	p2 =	seq.s32 @!p0 s5, $0x0  }
0x1f: {  	s9 =	smul.u32 $0xF7A, s1;
	s8 =	simm.s32 @!p0 $0x1BF5;
	p2 =	por !p2, p0  }
0x20: {  	[sflag:s8] =	ssyncset.s32 @!p0 $0xFFFFF086;
	s6 =	sadd.s32 @!p0 s3, s7;
	s7 =	simm.s32 @!p0 $0x108  }
0x21: {  	s3 =	sadd.s32 s3, s9;
	s6 =	sadd.s32 @!p0 $0x88, s6;
	s7 =	simm.s32 @p2 $0x1082  }
0x22: {  	[simem:s7], [sflag:s8] =	dma.local @!p0 [hbm:s6], $0xF7A  }
0x23: {  	s9 =	sor.u32 $0xD0000000, s2;
	s6 =	simm.s32 $0x108;
	_ =	swait.ge @!p0 [sflag:s8], $0x0  }
0x24: {  	s3 =	sadd.s32 $0x88, s3;
	s6 =	simm.s32 @!p1 $0x1082;
	[sflag:s4] =	ssyncset.s32 $0xFFFFF086  }
0x25: {  	[simem:s6], [sflag:s4] =	dma.local [hbm:s3], $0xF7A  }
0x26: {  	[smem:$0x3F8C] =	sst s1;
	(tag) =	ssettag s2;
	_ =	strace s9  }
0x27: {  	s1 =	sld [smem:$0x3F9C]  }
0x28: {  	s2 =	sld [smem:$0x3F9D]  }
0x29: {  	s4 =	sld [smem:$0x3F9F]  }
0x2a: {  	p0 =	seq.s32 s5, $0x0;
	s5 =	sld [smem:$0x3FA0]  }
0x2b: {  	s6 =	sld [smem:$0x3FA1]  }
0x2c: {  	s7 =	sld [smem:$0x3FA2]  }
0x2d: {  	s3 =	simm.s32 $0x108;
	s8 =	sld [smem:$0x3FA3]  }
0x2e: {  	s3 =	simm.s32 @!p0 $0x1082;
	s9 =	sld [smem:$0x3FA4]  }
0x2f: {  	lr =	sadd.s32 s0, s3;
	s0 =	sld [smem:$0x3F9B]  }
0x30: {  	s3 =	sld [smem:$0x3F9E]  }
0x31: {  	[smem:$0x3FA7] =	sst s10  }
0x32: {  	s10 =	sld [smem:$0x3FA5];
	_ =	sdelay $0x3  }
0x33: {  	p0 =	seq.s32 s10, $0x1;
	s10 =	sld [smem:$0x3FA7];
	_ =	sdelay $0x3  }
0x34: {  	[smem:$0x3FA7] =	sst s10  }
0x35: {  	s10 =	sld [smem:$0x3FA6];
	_ =	sdelay $0x3  }
0x36: {  	p1 =	seq.s32 s10, $0x1;
	s10 =	sld [smem:$0x3FA7];
	_ =	sdelay $0x3  }
0x37: {  	[smem:$0x3FA7] =	sst s10  }
0x38: {  	s10 =	sld [smem:$0x3FA8]  }
0x39: {  	_ = 	snop;
	(pc) =	sbr.ind lr, $3  }
0x3a: {  	_ = 	snop  }
0x3b: {  	_ = 	snop  }
0x3c: {  	p2 =	seq.s32 s10, $0x1;
	s10 =	sld [smem:$0x3FA7]  }
0x3d: {  	_ =	shalt  }
0x3e: {  	_ =	shalt  }
0x3f: {  	_ =	shalt  }
0x40: {  	_ =	shalt  }
0x41: {  	_ =	shalt  }
0x42: {  	_ =	shalt  }
0x43: {  	_ =	shalt  }
0x44: {  	_ =	shalt  }
0x45: {  	_ =	shalt  }
0x46: {  	_ =	shalt  }
0x47: {  	_ =	shalt  }
0x48: {  	_ =	shalt  }
0x49: {  	_ =	shalt  }
0x4a: {  	_ =	shalt  }
0x4b: {  	_ =	shalt  }
0x4c: {  	_ =	shalt  }
0x4d: {  	_ =	shalt  }
0x4e: {  	_ =	shalt  }
0x4f: {  	_ =	shalt  }
0x50: {  	_ =	shalt  }
0x51: {  	_ =	shalt  }
0x52: {  	_ =	shalt  }
0x53: {  	_ =	shalt  }
0x54: {  	_ =	shalt  }
0x55: {  	_ =	shalt  }
0x56: {  	_ =	shalt  }
0x57: {  	_ =	shalt  }
0x58: {  	_ =	shalt  }
0x59: {  	_ =	shalt  }
0x5a: {  	_ =	shalt  }
0x5b: {  	_ =	shalt  }
0x5c: {  	_ =	shalt  }
0x5d: {  	_ =	shalt  }
0x5e: {  	_ =	shalt  }
0x5f: {  	_ =	shalt  }
0x60: {  	_ =	shalt  }
0x61: {  	_ =	shalt  }
0x62: {  	_ =	shalt  }
0x63: {  	_ =	shalt  }
0x64: {  	_ =	shalt  }
0x65: {  	_ =	shalt  }
0x66: {  	_ =	shalt  }
0x67: {  	_ =	shalt  }
0x68: {  	_ =	shalt  }
0x69: {  	_ =	shalt  }
0x6a: {  	_ =	shalt  }
0x6b: {  	_ =	shalt  }
0x6c: {  	_ =	shalt  }
0x6d: {  	_ =	shalt  }
0x6e: {  	_ =	shalt  }
0x6f: {  	_ =	shalt  }
0x70: {  	_ =	shalt  }
0x71: {  	_ =	shalt  }
0x72: {  	_ =	shalt  }
0x73: {  	_ =	shalt  }
0x74: {  	_ =	shalt  }
0x75: {  	_ =	shalt  }
0x76: {  	_ =	shalt  }
0x77: {  	_ =	shalt  }
0x78: {  	_ =	shalt  }
0x79: {  	_ =	shalt  }
0x7a: {  	_ =	shalt  }
0x7b: {  	_ =	shalt  }
0x7c: {  	_ =	shalt  }
0x7d: {  	_ =	shalt  }
0x7e: {  	_ =	shalt  }
0x7f: {  	_ =	shalt  }
0x80: {  	_ =	shalt  }
0x81: {  	_ =	shalt  }
0x82: {  	_ =	shalt  }
0x83: {  	_ =	shalt  }
0x84: {  	_ =	shalt  }
0x85: {  	_ =	shalt  }
0x86: {  	_ =	shalt  }
0x87: {  	_ =	shalt  }
.Lfunc_end0:
.L_simem_size_0:
called_computation.1_lowered:
.L_overlay_start_0:
0x88: {  	s2 =	sld [smem:$0x3FD9]  }
0x89: {  	s3 =	sld [smem:$0x3FFE];
	_ =	sdelay $0x1  }
0x8a: {  	s1 =	srdreg.scid  }
0x8b: {  	s0 =	sand.u32 $0x1, s1  }
0x8c: {  	s16 =	sshll.u32 s0, $0xA;
	s2 =	sadd.s32 s3, s2  }
0x8d: {  	s2 =	sadd.s32 s2, s16  }
0x8e: {  	[smem:$0x3FB3] =	sst s2  }
0x8f: {  	_ = 	snop  }
0x90: {  	(tm) =	ssettm $0x1  }
0x91: {  	s17 =	sld [smem:$0x3FFB];
	_ =	sdelay $0x3  }
0x92: {  	_ =	strace s17  }
0x93: {  	s2 =	sld [smem:$0x3FFC];
	_ =	sdelay $0x3  }
0x94: {  	_ =	strace s2  }
0x95: {  	s2 =	sld [smem:$0x3FFD];
	_ =	sdelay $0x3  }
0x96: {  	_ =	strace s2  }
0x97: {  	_ =	strace $0x8FFFFFFF  }
0x98: {  	s18 =	sld [smem:$0x3FDB];
	_ =	sdelay $0x1  }
0x99: {  	s19 =	simm.s32 $_scs_section_size  }
0x9a: {  	s4 =	simm.s32 $_size__tile_overlayer_lowered;
	s5 =	simm.s32 $_tile_overlayer_lowered  }
0x9b: {  	s22 =	simm.s32 $0x1BFF;
	s21 =	sshll.u32 s5, $0x1;
	s2 =	sadd.s32 s19, s18  }
0x9c: {  	s6 =	simm.s32 $0x0;
	s20 =	sshll.u32 s4, $0x1;
	s4 =	sadd.s32 s21, s2  }
0x9d: {  	[timem:s6], [sflag:s22] =	dma.local [hbm:s4], s20  }
0x9e: {  	_ =	swait.ge [sflag:s22], s20  }
0x9f: {  	s3 =	ssub.s32 $0x0, s20;
	[sflag:s22] =	ssyncset.done $0x0  }
0xa0: {  	[sflag:s22] =	ssyncadd.s32 s3;
	_ =	sdelay $0x1  }
0xa1: {  	s23 =	simm.s32 $0x1B8B  }
0xa2: {  	_ =	swait.ge [sflag:s23], $0x1  }
0xa3: {  	[sflag:s23] =	ssyncset.done $0x0  }
0xa4: {  	s25 =	simm.s32 $0x1B8E;
	s24 =	sld [smem:$0x3FFE];
	[sflag:s23] =	ssyncadd.s32 $0xFFFFFFFF  }
0xa5: {  	s26 =	simm.s32 $execute0_lowered;
	[smem:$0x3FD2] =	sst s25  }
0xa6: {  	s4 =	sshll.u32 s26, $0x1;
	_ =	strace $0x80000049;
	[dreg:$0x1] =	wrdreg $0xFFFFFFFF  }
0xa7: {  	s28 =	simm.s32 $_size_execute0_lowered;
	s2 =	sadd.s32 s2, s4;
	[dreg:$0x0] =	wrdreg $0x0  }
0xa8: {  	s4 =	sshll.u32 s28, $0x1;
	[dreg:$0x2] =	wrdreg s2  }
0xa9: {  	[dreg:$0x3] =	wrdreg s4  }
0xaa: {  	[dreg:$0x4] =	wrdreg $0xC0  }
0xab: {  	_ =	task [dreg:s6], $0x5FFFF  }
0xac: {  	[dreg:$0x1] =	wrdreg $0xFFFFFFFF  }
0xad: {  	[dreg:$0x0] =	wrdreg $0x60  }
0xae: {  	[dreg:$0x2] =	wrdreg s24  }
0xaf: {  	[dreg:$0x3] =	wrdreg $0xBD000  }
0xb0: {  	[dreg:$0x4] =	wrdreg $0x9  }
0xb1: {  	_ =	task.clear_ibuf [dreg:s6], $0x5FFFF;
	_ =	strace $0x90000049  }
0xb2: {  	s29 =	simm.s32 $0x9;
	_ =	strace $0x8000004B  }
0xb3: {  	_ =	swait.ge [sflag:s29], $0x1  }
0xb4: {  	[sflag:s29] =	ssyncadd.s32 $0xFFFFFFFF  }
0xb5: {  	_ =	strace $0x9000004B  }
0xb6: {  	_ =	sfence  }
0xb7: {  	s30 =	sld [smem:$0x0];
	_ =	sdelay $0x2  }
0xb8: {  	s31 =	sshll.u32 s1, $0xD;
	s1 =	sshrl.u32 s1, $0x2  }
0xb9: {  	s3 =	sand.u32 $0x4000, s31;
	s1 =	sadd.s32 s1, s30  }
0xba: {  	s0 =	sor.u32 s3, s0;
	s1 =	sshll.u32 s1, $0x11  }
0xbb: {  	s0 =	sor.u32 s1, s0  }
0xbc: {  	s0 =	sadd.s32 $0x8F2B, s0  }
0xbd: {  	[sflag:s0] =	ssyncadd.remote.s32 $0x1  }
0xbe: {  	_ =	sfence.sel $0xFFFF  }
0xbf: {  	[dreg:$0x0] =	wrdreg $0xFFFFFFFF;
	(pc) =	sbr.abs _section_cstart, $3  }
0xc0: {  	[dreg:$0x1] =	wrdreg $0xFFFFFFFF  }
0xc1: {  	_ =	task.clear_ibuf [dreg:s6], $0x2FFFF;
	_ =	strace $0x9FFFFFFF  }
0xc2: {  	(tm) =	ssettm $0x7FFFFFFF  }
0xc3: {  	_ =	shalt  }
tec
execute0_lowered:
.L_overlay_start_1:
0x0: {  	(tag) =	ssettag $0x1  }
0x1: {  	s0 =	rddreg [dreg:$0x0]  }
0x2: {  	s2 =	rddreg [dreg:$0x1];
	s12 =	stileid.u32  }
0x3: {  	s1 =	srdreg.scid;
	s3 =	simm.s32 $0x0;
	s6 =	smul.u32 $0x2800, s12  }
0x4: {  	s19 =	simm.s32 $0x3D00;
	s28 =	simm.s32 $0x4;
	s9 =	smul.u32 $0x28, s12  }
0x5: {  	s29 =	simm.s32 $0x2;
	s30 =	simm.s32 $0x0;
	s22 =	smul.u32 $0x50000, s12  }
0x6: {  	s1 =	sand.u32 $0x1, s1;
	[smem:$0x7FF] =	sst s3;
	s10 =	smul.u32 $0x78, s12  }
0x7: {  	s4 =	sadd.s32 $0x18400, s0;
	s8 =	sadd.s32 $0x4400, s0;
	s12 =	smul.u32 $0x780, s12  }
0x8: {  	s5 =	sadd.s32 $0xE400, s0;
	s7 =	smul.u32 $0x28000, s1;
	s20 =	ssub.s32 $0x2, s1  }
0x9: {  	_ =	strace $0x8000004A;
	p0 =	seq.s32 s1, $0x0;
	s21 =	sshrl.u32 s20, $0x1  }
0xa: {  	s9 =	sadd.s32 $0x780, s9;
	s6 =	sadd.s32 s6, s7;
	s16 =	ssub.s32 s20, s21  }
0xb: {  	s11 =	sshll.u32 s9, $0x4;
	s7 =	sshrl.u32 s22, $0x2;
	s9 =	smov.u32 @p0 s10  }
0xc: {  	s20 =	simm.s32 $0x5;
	s21 =	simm.s32 $0x3C00;
	s22 =	simm.s32 $0x80  }
0xd: {  	s0 =	sadd.s32 s6, s0;
	s6 =	simm.s32 $0x78;
	s7 =	sadd.s32 s7, s2  }
0xe: {  	s23 =	sadd.s32 s8, s11;
	s8 =	sadd.s32 s8, s12;
	s25 =	sshll.u32 s9, $0x4  }
0xf: {  	s16 =	smax.u32 s16, $0x1;
	s18 =	sshll.u32 s9, $0x7;
	[dreg:$0x4] =	wrdreg s23  }
0x10: {  	s6 =	simm.s32 @!p0 $0x28;
	[dreg:$0x5] =	wrdreg s8;
	s24 =	sadd.s32 $0x4000, s7  }
0x11: {  	s11 =	sadd.s32 $0x8000, s7;
	s12 =	sadd.s32 $0xC000, s7;
	s13 =	sadd.s32 $0x10000, s7  }
0x12: {  	s14 =	sadd.s32 s5, s25;
	s15 =	sadd.s32 $0x40400, s0;
	p0 =	sne.s32 s1, $0x0  }
0x13: {  	s23 =	simm.s32 $0x3C80;
	s25 =	simm.s32 $0x3;
	s26 =	sshll.u32 s6, $0x7  }
0x14: {  	[dreg:$0x6] =	wrdreg s24;
	s17 =	sadd.s32 $0x20, s14;
	s31 =	sadd.s32 $0xFFFFFF00, s26  }
0x15: {  	v0 =	vimm.f32 $0.0e+00;
	s24 =	simm.s32 $0x7D00;
	s26 =	simm.s32 $0x1;
	[dreg:$0x3] =	wrdreg s31  }
.LBB2_1:
0x16: {  	s0 =	simm.s32 @p0 $0x0;
	s1 =	rddreg [dreg:$0x4]  }
0x17: {  	[tilespmem:s0], [sflag:$0x5] =	stream.linear.gather @p0 [hbm4b:s1+s0], $0x1400, $0x38;
	[tilespmem:$0x1FD00] =	vst v63  }
0x18: {  	s0 =	simm.s32 @p0 $0x5  }
0x19: {  	_ =	swait.ge @p0 [sflag:s0], $0x1400  }
0x1a: {  	[sflag:s0] =	ssyncset.done @p0 $0x0  }
0x1b: {  	s1 =	rddreg [dreg:$0x5];
	[sflag:s0] =	ssyncadd.s32 @p0 $0xFFFFEC00;
	s0 =	simm.s32 @!p0 $0x0  }
0x1c: {  	[tilespmem:s0], [sflag:$0x5] =	stream.linear.gather @!p0 [hbm4b:s1+s0], $0x3C00, $0x38;
	[tilespmem:$0x1FD00] =	vst v63  }
0x1d: {  	s0 =	simm.s32 @!p0 $0x5  }
0x1e: {  	_ =	swait.ge @!p0 [sflag:s0], $0x3C00  }
0x1f: {  	[sflag:s0] =	ssyncset.done @!p0 $0x0  }
0x20: {  	s1 =	simm.s32 $0x200;
	[sflag:s0] =	ssyncadd.s32 @!p0 $0xFFFFC400;
	s0 =	simm.s32 $0x0  }
.LBB2_2:
0x21: {  	p1 =	sne.s32 s1, $0xFE00;
	[tilespmem:s0+$0x3D70] =	vst v0  }
0x22: {  	[tilespmem:s0+$0x3D00] =	vst v0  }
0x23: {  	[tilespmem:s0+$0x3D10] =	vst v0  }
.Ltmp0:
0x24: {  	[tilespmem:s0+$0x3D20] =	vst v0;
	(pc) =	sbr.rel @p1 .LBB2_2-.Ltmp0, $4  }
0x25: {  	[tilespmem:s0+$0x3D30] =	vst v0  }
0x26: {  	[tilespmem:s0+$0x3D40] =	vst v0  }
0x27: {  	[tilespmem:s0+$0x3D50] =	vst v0  }
0x28: {  	[tilespmem:s0+$0x3D60] =	vst v0;
	s0 =	sshra.s32 s1, $0x2;
	s1 =	sadd.s32 $0x200, s1  }
0x29: {  	[tilespmem:s0+$0x3D70] =	vst v0  }
0x2a: {  	[tilespmem:s0+$0x3D00] =	vst v0  }
0x2b: {  	[tilespmem:s0+$0x3D10] =	vst v0  }
0x2c: {  	[tilespmem:s0+$0x3D20] =	vst v0  }
0x2d: {  	[tilespmem:s0+$0x3D30] =	vst v0  }
0x2e: {  	[tilespmem:s0+$0x3D40] =	vst v0  }
0x2f: {  	[tilespmem:s0+$0x3D50] =	vst v0  }
0x30: {  	[tilespmem:s0+$0x3D60] =	vst v0  }
0x31: {  	[spmem:s7] =	stream.linear.scatter [tilespmem:s19], [sflag:$0x5], $0x4000, $0x38;
	[tilespmem:$0x1FD00] =	vst v63  }
0x32: {  	_ =	swait.ge [sflag:s20], $0x4000  }
0x33: {  	[sflag:s20] =	ssyncset.done $0x0  }
0x34: {  	s10 =	rddreg [dreg:$0x6];
	[sflag:s20] =	ssyncadd.s32 $0xFFFFC000  }
0x35: {  	[spmem:s10] =	stream.linear.scatter [tilespmem:s19], [sflag:$0x5], $0x4000, $0x38;
	[tilespmem:$0x1FD00] =	vst v63  }
0x36: {  	_ =	swait.ge [sflag:s20], $0x4000  }
0x37: {  	[sflag:s20] =	ssyncset.done $0x0  }
0x38: {  	[sflag:s20] =	ssyncadd.s32 $0xFFFFC000  }
0x39: {  	[spmem:s11] =	stream.linear.scatter [tilespmem:s19], [sflag:$0x5], $0x4000, $0x38;
	[tilespmem:$0x1FD00] =	vst v63  }
0x3a: {  	_ =	swait.ge [sflag:s20], $0x4000  }
0x3b: {  	[sflag:s20] =	ssyncset.done $0x0  }
0x3c: {  	[sflag:s20] =	ssyncadd.s32 $0xFFFFC000  }
0x3d: {  	[spmem:s12] =	stream.linear.scatter [tilespmem:s19], [sflag:$0x5], $0x4000, $0x38;
	[tilespmem:$0x1FD00] =	vst v63  }
0x3e: {  	_ =	swait.ge [sflag:s20], $0x4000  }
0x3f: {  	[sflag:s20] =	ssyncset.done $0x0  }
0x40: {  	[sflag:s20] =	ssyncadd.s32 $0xFFFFC000  }
0x41: {  	[spmem:s13] =	stream.linear.scatter [tilespmem:s19], [sflag:$0x5], $0x4000, $0x38;
	[tilespmem:$0x1FD00] =	vst v63  }
0x42: {  	_ =	swait.ge [sflag:s20], $0x4000  }
0x43: {  	[sflag:s20] =	ssyncset.done $0x0  }
0x44: {  	[sflag:s20] =	ssyncadd.s32 $0xFFFFC000  }
0x45: {  	s1 =	simm.s32 $0x0;
	[bflag:$0x0] =	sbarrier.arrive $0xFFFF  }
0x46: {  	[tilespmem:s21], [sflag:$0x3] =	stream.linear.gather [hbm4b:s14+s1], $0x80, $0x38;
	[tilespmem:$0x1FD00] =	vst v63  }
0x47: {  	s9 =	simm.s32 $0x100;
	s0 =	simm.s32 $0x2;
	s31 =	smov.u32 s17  }
0x48: {  	[tilespmem:s19], [sflag:$0x1] =	stream.indirect.gather [hbm4b:s4+s22], $0x80, s1, s22, $0xb8;
	[tilespmem:$0x1FD00] =	vst v63  }
.LBB2_4:
0x49: {  	s8 =	sadd.s32 s1, s18  }
0x4a: {  	s10 =	sand.u32 $0x300, s1;
	s8 =	sand.u32 $0xFFFFFC00, s8  }
0x4b: {  	s8 =	sor.u32 s8, s10  }
0x4c: {  	s8 =	sshrl.u32 s8, $0x3  }
0x4d: {  	s8 =	sadd.s32 s8, s5  }
0x4e: {  	s10 =	sadd.s32 $0x10, s8  }
0x4f: {  	[tilespmem:s23], [sflag:$0x4] =	stream.linear.gather [hbm4b:s10+s3], $0x80, $0x38;
	[tilespmem:$0x1FD00] =	vst v63  }
0x50: {  	s10 =	sadd.s32 $0xFFFFFF80, s9  }
0x51: {  	[tilespmem:s24], [sflag:$0x2] =	stream.indirect.gather [hbm4b:s4+s22], $0x80, s10, s22, $0xb8;
	[tilespmem:$0x1FD00] =	vst v63  }
0x52: {  	_ =	swait.ge [sflag:s25], $0x80  }
0x53: {  	[sflag:s25] =	ssyncset.done $0x0  }
0x54: {  	[sflag:s25] =	ssyncadd.s32 $0xFFFFFF80  }
0x55: {  	_ =	swait.ge [sflag:s26], $0x4000  }
0x56: {  	[sflag:s26] =	ssyncset.done $0x0  }
0x57: {  	[sflag:s26] =	ssyncadd.s32 $0xFFFFC000  }
0x58: {  	[spmem:s2] =	stream.indirect.scatter.add.f32 [tilespmem:s19], [sflag:$0x5], $0x80, s21, s22, $0xb8;
	[tilespmem:$0x1FD00] =	vst v63  }
0x59: {  	_ =	swait.ge [sflag:s20], $0x4000  }
0x5a: {  	p1 =	sge.u32 s0, s6;
	s8 =	smov.u32 s9;
	[sflag:s20] =	ssyncset.done $0x0  }
0x5b: {  	s9 =	simm.s32 @!p1 $0x0;
	s10 =	simm.s32 @!p1 $0x3C00;
	[sflag:s20] =	ssyncadd.s32 $0xFFFFC000  }
0x5c: {  	[tilespmem:s10], [sflag:$0x3] =	stream.linear.gather @!p1 [hbm4b:s31+s9], $0x80, $0x38;
	[tilespmem:$0x1FD00] =	vst v63  }
0x5d: {  	s9 =	simm.s32 @!p1 $0x80;
	s10 =	simm.s32 @!p1 $0x3D00  }
0x5e: {  	[tilespmem:s10], [sflag:$0x1] =	stream.indirect.gather @!p1 [hbm4b:s4+s9], $0x80, s8, s9, $0xb8;
	[tilespmem:$0x1FD00] =	vst v63  }
0x5f: {  	_ =	swait.ge [sflag:s28], $0x80  }
0x60: {  	[sflag:s28] =	ssyncset.done $0x0  }
0x61: {  	[sflag:s28] =	ssyncadd.s32 $0xFFFFFF80  }
0x62: {  	_ =	swait.ge [sflag:s29], $0x4000  }
0x63: {  	[sflag:s29] =	ssyncset.done $0x0  }
0x64: {  	[sflag:s29] =	ssyncadd.s32 $0xFFFFC000  }
0x65: {  	[spmem:s2] =	stream.indirect.scatter.add.f32 [tilespmem:s24], [sflag:$0x5], $0x80, s23, s22, $0xb8;
	[tilespmem:$0x1FD00] =	vst v63  }
0x66: {  	_ =	swait.ge [sflag:s20], $0x4000  }
0x67: {  	s1 =	sadd.s32 $0x100, s1;
	s10 =	rddreg [dreg:$0x3]  }
0x68: {  	p1 =	sne.s32 s10, s1  }
.Ltmp1:
0x69: {  	_ = 	snop;
	(pc) =	sbr.rel @p1 .LBB2_4-.Ltmp1, $3  }
0x6a: {  	_ =	sdelay $0x1  }
0x6b: {  	s0 =	sadd.s32 $0x2, s0;
	[sflag:s20] =	ssyncset.done $0x0  }
0x6c: {  	s31 =	sadd.s32 $0x20, s31;
	s9 =	sadd.s32 $0x100, s8;
	[sflag:s20] =	ssyncadd.s32 $0xFFFFC000  }
0x6d: {  	s10 =	sadd.s32 s1, s18  }
0x6e: {  	s1 =	sand.u32 $0x300, s1;
	s10 =	sand.u32 $0x7FFFFC00, s10  }
0x6f: {  	s1 =	sor.u32 s10, s1  }
0x70: {  	s1 =	sshrl.u32 s1, $0x3  }
0x71: {  	s1 =	sadd.s32 s1, s5  }
0x72: {  	s1 =	sadd.s32 $0x10, s1  }
0x73: {  	[tilespmem:s23], [sflag:$0x4] =	stream.linear.gather [hbm4b:s1+s3], $0x80, $0x38;
	[tilespmem:$0x1FD00] =	vst v63  }
0x74: {  	s8 =	sadd.s32 $0x80, s8  }
0x75: {  	[tilespmem:s24], [sflag:$0x2] =	stream.indirect.gather [hbm4b:s4+s22], $0x80, s8, s22, $0xb8;
	[tilespmem:$0x1FD00] =	vst v63  }
0x76: {  	_ =	swait.ge [sflag:s25], $0x80  }
0x77: {  	[sflag:s25] =	ssyncset.done $0x0  }
0x78: {  	[sflag:s25] =	ssyncadd.s32 $0xFFFFFF80  }
0x79: {  	_ =	swait.ge [sflag:s26], $0x4000  }
0x7a: {  	[sflag:s26] =	ssyncset.done $0x0  }
0x7b: {  	[sflag:s26] =	ssyncadd.s32 $0xFFFFC000  }
0x7c: {  	[spmem:s2] =	stream.indirect.scatter.add.f32 [tilespmem:s19], [sflag:$0x5], $0x80, s21, s22, $0xb8;
	[tilespmem:$0x1FD00] =	vst v63  }
0x7d: {  	_ =	swait.ge [sflag:s20], $0x4000  }
0x7e: {  	p1 =	sge.u32 s0, s6;
	[sflag:s20] =	ssyncset.done $0x0  }
0x7f: {  	s0 =	simm.s32 @!p1 $0x0;
	s1 =	simm.s32 @!p1 $0x3C00;
	[sflag:s20] =	ssyncadd.s32 $0xFFFFC000  }
0x80: {  	[tilespmem:s1], [sflag:$0x3] =	stream.linear.gather @!p1 [hbm4b:s31+s0], $0x80, $0x38;
	[tilespmem:$0x1FD00] =	vst v63  }
0x81: {  	s0 =	simm.s32 @!p1 $0x80;
	s1 =	simm.s32 @!p1 $0x3D00  }
0x82: {  	[tilespmem:s1], [sflag:$0x1] =	stream.indirect.gather @!p1 [hbm4b:s4+s0], $0x80, s9, s0, $0xb8;
	[tilespmem:$0x1FD00] =	vst v63  }
0x83: {  	_ =	swait.ge [sflag:s28], $0x80  }
0x84: {  	[sflag:s28] =	ssyncset.done $0x0  }
0x85: {  	[sflag:s28] =	ssyncadd.s32 $0xFFFFFF80  }
0x86: {  	_ =	swait.ge [sflag:s29], $0x4000  }
0x87: {  	[sflag:s29] =	ssyncset.done $0x0  }
0x88: {  	[sflag:s29] =	ssyncadd.s32 $0xFFFFC000  }
0x89: {  	[spmem:s2] =	stream.indirect.scatter.add.f32 [tilespmem:s24], [sflag:$0x5], $0x80, s23, s22, $0xb8;
	[tilespmem:$0x1FD00] =	vst v63  }
0x8a: {  	s30 =	sadd.s32 $0x1, s30;
	_ =	swait.ge [sflag:s20], $0x4000  }
0x8b: {  	s10 =	stileid.u32;
	s31 =	sshrl.u32 s7, $0x3;
	[sflag:s20] =	ssyncset.done $0x0  }
0x8c: {  	s0 =	sshll.u32 s10, $0x6;
	p1 =	sne.s32 s30, s16;
	[sflag:s20] =	ssyncadd.s32 $0xFFFFC000  }
.Ltmp2:
0x8d: {  	s0 =	sor.u32 $0x1C05, s0;
	[bflag:$0x0] =	sbarrier.arrive $0xFFFF;
	(pc) =	sbr.rel @p1 .LBB2_1-.Ltmp2, $4  }
0x8e: {  	[hbm:s15], [sflag:s0] =	dma.local [spmem:s31], $0x2800  }
0x8f: {  	_ =	swait.ge [sflag:s20], $0x2800  }
0x90: {  	[sflag:s20] =	ssyncset.done $0x0  }
0x91: {  	[sflag:s20] =	ssyncadd.s32 $0xFFFFD800  }
0x92: {  	_ =	sfence.sel $0x180000  }
0x93: {  	[bflag:$0x0] =	sbarrier.arrive $0xFFFF  }
0x94: {  	_ =	strace $0x9000004A  }
0x95: {  	s0 =	stileid.u32;
	[bflag:$0x2] =	sbarrier.arrive $0xFFFF  }
0x96: {  	p0 =	sne.s32 s0, $0x0;
	s0 =	rddreg [dreg:$0x2]  }
0x97: {  	s0 =	sadd.s32 @!p0 $0x100000, s0  }
0x98: {  	[sflag:s0] =	ssyncadd.tile.s32 @!p0 $0x1;
	_ =	shalt  }
.Lfunc_end2:
_tile_overlayer_lowered:
.L_overlay_start_2:
0x99: {  	(tag) =	ssettag $0x2  }
0x9a: {  	s0 =	rddreg [dreg:$0x0];
	s2 =	stileid.u32  }
0x9b: {  	s1 =	rddreg [dreg:$0x1];
	p0 =	sne.s32 s2, $0x0  }
0x9c: {  	s3 =	rddreg [dreg:$0x2];
	[bflag:$0x3] =	sbarrier.arrive $0xFFFF;
	s2 =	simm.s32 @!p0 $0x1C05  }
0x9d: {  	[timem:s3], [sflag:s2] =	dma.local @!p0 [hbm:s0], s1  }
0x9e: {  	s0 =	simm.s32 @!p0 $0x5  }
0x9f: {  	_ =	swait.ge @!p0 [sflag:s0], s1  }
0xa0: {  	s1 =	ssub.s32 @!p0 $0x0, s1;
	[sflag:s0] =	ssyncset.done @!p0 $0x0  }
0xa1: {  	[sflag:s0] =	ssyncadd.s32 @!p0 s1  }
0xa2: {  	[bflag:$0x3] =	sbarrier.arrive $0xFFFF  }
0xa3: {  	_ =	shalt  }

// kernel: kernel.19.cloned.1.call-start
scs
__scs_entry_jumppad:
0x0: {  	(pc) =	sbr.rel $0x88, $3  }
0x1: {  	(tag) =	ssettag $0x0;
	lr =	simm.s32 $0x1  }
0x2: {  	[smem:$0x3F8C] =	sst lr;
	_ =	strace $0xD0000000  }
0x3: {  	_ = 	snop  }
0x4: {  	_ = 	snop  }
0x5: {  	_ = 	snop  }
0x6: {  	_ = 	snop  }
0x7: {  	_ = 	snop  }
__scs_overlays_trampoline_lowered:
0x8: {  	[smem:$0x3F9B] =	sst s0  }
0x9: {  	[smem:$0x3F9C] =	sst s1  }
0xa: {  	[smem:$0x3F9D] =	sst s2  }
0xb: {  	[smem:$0x3F9E] =	sst s3  }
0xc: {  	[smem:$0x3F9F] =	sst s4  }
0xd: {  	[smem:$0x3FA0] =	sst s5  }
0xe: {  	[smem:$0x3FA1] =	sst s6  }
0xf: {  	[smem:$0x3FA2] =	sst s7  }
0x10: {  	[smem:$0x3FA3] =	sst s8  }
0x11: {  	[smem:$0x3FA4] =	sst s9;
	s0 =	simm.s32 @!p0 $0x0  }
0x12: {  	s1 =	sld [smem:$0x3F8A];
	s0 =	simm.s32 @p0 $0x1  }
0x13: {  	[smem:$0x3FA5] =	sst s0;
	s0 =	simm.s32 @!p1 $0x0  }
0x14: {  	s2 =	sld [smem:$0x3F89];
	s0 =	simm.s32 @p1 $0x1  }
0x15: {  	[smem:$0x3FA6] =	sst s0;
	s0 =	simm.s32 @!p2 $0x0  }
0x16: {  	s3 =	sld [smem:$0x3FDB];
	s0 =	simm.s32 @p2 $0x1  }
0x17: {  	s4 =	simm.s32 $0x1BF5;
	[smem:$0x3FA8] =	sst s0  }
0x18: {  	s0 =	sld [smem:$0x3F8B];
	_ =	swait.ge [sflag:s4], $0x0  }
0x19: {  	s7 =	sld [smem:$0x3F8C]  }
0x1a: {  	s8 =	sadd.s32 $0xFFFFE003, lr  }
0x1b: {  	s9 =	sadd.s32 $0xFFFFFEF7, lr;
	s5 =	simm.s32 $0xFFFFFFFF;
	p2 =	slt.u32 s8, $0xFFFFF086  }
0x1c: {  	p1 =	slt.u32 s9, $0xF7A;
	s5 =	simm.s32 @!p2 $0x0  }
0x1d: {  	s5 =	simm.s32 @p1 $0x1;
	p0 =	seq.s32 s7, s2  }
0x1e: {  	s7 =	smul.u32 @!p0 $0xF7A, s2;
	p2 =	seq.s32 @!p0 s5, $0x0  }
0x1f: {  	s9 =	smul.u32 $0xF7A, s1;
	s8 =	simm.s32 @!p0 $0x1BF5;
	p2 =	por !p2, p0  }
0x20: {  	[sflag:s8] =	ssyncset.s32 @!p0 $0xFFFFF086;
	s6 =	sadd.s32 @!p0 s3, s7;
	s7 =	simm.s32 @!p0 $0x108  }
0x21: {  	s3 =	sadd.s32 s3, s9;
	s6 =	sadd.s32 @!p0 $0x88, s6;
	s7 =	simm.s32 @p2 $0x1082  }
0x22: {  	[simem:s7], [sflag:s8] =	dma.local @!p0 [hbm:s6], $0xF7A  }
0x23: {  	s9 =	sor.u32 $0xD0000000, s2;
	s6 =	simm.s32 $0x108;
	_ =	swait.ge @!p0 [sflag:s8], $0x0  }
0x24: {  	s3 =	sadd.s32 $0x88, s3;
	s6 =	simm.s32 @!p1 $0x1082;
	[sflag:s4] =	ssyncset.s32 $0xFFFFF086  }
0x25: {  	[simem:s6], [sflag:s4] =	dma.local [hbm:s3], $0xF7A  }
0x26: {  	[smem:$0x3F8C] =	sst s1;
	(tag) =	ssettag s2;
	_ =	strace s9  }
0x27: {  	s1 =	sld [smem:$0x3F9C]  }
0x28: {  	s2 =	sld [smem:$0x3F9D]  }
0x29: {  	s4 =	sld [smem:$0x3F9F]  }
0x2a: {  	p0 =	seq.s32 s5, $0x0;
	s5 =	sld [smem:$0x3FA0]  }
0x2b: {  	s6 =	sld [smem:$0x3FA1]  }
0x2c: {  	s7 =	sld [smem:$0x3FA2]  }
0x2d: {  	s3 =	simm.s32 $0x108;
	s8 =	sld [smem:$0x3FA3]  }
0x2e: {  	s3 =	simm.s32 @!p0 $0x1082;
	s9 =	sld [smem:$0x3FA4]  }
0x2f: {  	lr =	sadd.s32 s0, s3;
	s0 =	sld [smem:$0x3F9B]  }
0x30: {  	s3 =	sld [smem:$0x3F9E]  }
0x31: {  	[smem:$0x3FA7] =	sst s10  }
0x32: {  	s10 =	sld [smem:$0x3FA5];
	_ =	sdelay $0x3  }
0x33: {  	p0 =	seq.s32 s10, $0x1;
	s10 =	sld [smem:$0x3FA7];
	_ =	sdelay $0x3  }
0x34: {  	[smem:$0x3FA7] =	sst s10  }
0x35: {  	s10 =	sld [smem:$0x3FA6];
	_ =	sdelay $0x3  }
0x36: {  	p1 =	seq.s32 s10, $0x1;
	s10 =	sld [smem:$0x3FA7];
	_ =	sdelay $0x3  }
0x37: {  	[smem:$0x3FA7] =	sst s10  }
0x38: {  	s10 =	sld [smem:$0x3FA8]  }
0x39: {  	_ = 	snop;
	(pc) =	sbr.ind lr, $3  }
0x3a: {  	_ = 	snop  }
0x3b: {  	_ = 	snop  }
0x3c: {  	p2 =	seq.s32 s10, $0x1;
	s10 =	sld [smem:$0x3FA7]  }
0x3d: {  	_ =	shalt  }
0x3e: {  	_ =	shalt  }
0x3f: {  	_ =	shalt  }
0x40: {  	_ =	shalt  }
0x41: {  	_ =	shalt  }
0x42: {  	_ =	shalt  }
0x43: {  	_ =	shalt  }
0x44: {  	_ =	shalt  }
0x45: {  	_ =	shalt  }
0x46: {  	_ =	shalt  }
0x47: {  	_ =	shalt  }
0x48: {  	_ =	shalt  }
0x49: {  	_ =	shalt  }
0x4a: {  	_ =	shalt  }
0x4b: {  	_ =	shalt  }
0x4c: {  	_ =	shalt  }
0x4d: {  	_ =	shalt  }
0x4e: {  	_ =	shalt  }
0x4f: {  	_ =	shalt  }
0x50: {  	_ =	shalt  }
0x51: {  	_ =	shalt  }
0x52: {  	_ =	shalt  }
0x53: {  	_ =	shalt  }
0x54: {  	_ =	shalt  }
0x55: {  	_ =	shalt  }
0x56: {  	_ =	shalt  }
0x57: {  	_ =	shalt  }
0x58: {  	_ =	shalt  }
0x59: {  	_ =	shalt  }
0x5a: {  	_ =	shalt  }
0x5b: {  	_ =	shalt  }
0x5c: {  	_ =	shalt  }
0x5d: {  	_ =	shalt  }
0x5e: {  	_ =	shalt  }
0x5f: {  	_ =	shalt  }
0x60: {  	_ =	shalt  }
0x61: {  	_ =	shalt  }
0x62: {  	_ =	shalt  }
0x63: {  	_ =	shalt  }
0x64: {  	_ =	shalt  }
0x65: {  	_ =	shalt  }
0x66: {  	_ =	shalt  }
0x67: {  	_ =	shalt  }
0x68: {  	_ =	shalt  }
0x69: {  	_ =	shalt  }
0x6a: {  	_ =	shalt  }
0x6b: {  	_ =	shalt  }
0x6c: {  	_ =	shalt  }
0x6d: {  	_ =	shalt  }
0x6e: {  	_ =	shalt  }
0x6f: {  	_ =	shalt  }
0x70: {  	_ =	shalt  }
0x71: {  	_ =	shalt  }
0x72: {  	_ =	shalt  }
0x73: {  	_ =	shalt  }
0x74: {  	_ =	shalt  }
0x75: {  	_ =	shalt  }
0x76: {  	_ =	shalt  }
0x77: {  	_ =	shalt  }
0x78: {  	_ =	shalt  }
0x79: {  	_ =	shalt  }
0x7a: {  	_ =	shalt  }
0x7b: {  	_ =	shalt  }
0x7c: {  	_ =	shalt  }
0x7d: {  	_ =	shalt  }
0x7e: {  	_ =	shalt  }
0x7f: {  	_ =	shalt  }
0x80: {  	_ =	shalt  }
0x81: {  	_ =	shalt  }
0x82: {  	_ =	shalt  }
0x83: {  	_ =	shalt  }
0x84: {  	_ =	shalt  }
0x85: {  	_ =	shalt  }
0x86: {  	_ =	shalt  }
0x87: {  	_ =	shalt  }
.Lfunc_end0:
.L_simem_size_0:
called_computation.2_lowered:
.L_overlay_start_0:
0x88: {  	s2 =	sld [smem:$0x3FD9]  }
0x89: {  	s3 =	sld [smem:$0x3FFE];
	_ =	sdelay $0x1  }
0x8a: {  	s1 =	srdreg.scid  }
0x8b: {  	s0 =	sand.u32 $0x1, s1  }
0x8c: {  	s16 =	sshll.u32 s0, $0xA;
	s2 =	sadd.s32 s3, s2  }
0x8d: {  	s2 =	sadd.s32 s2, s16  }
0x8e: {  	[smem:$0x3FB3] =	sst s2  }
0x8f: {  	_ = 	snop  }
0x90: {  	(tm) =	ssettm $0x1  }
0x91: {  	s17 =	sld [smem:$0x3FFB];
	_ =	sdelay $0x3  }
0x92: {  	_ =	strace s17  }
0x93: {  	s2 =	sld [smem:$0x3FFC];
	_ =	sdelay $0x3  }
0x94: {  	_ =	strace s2  }
0x95: {  	s2 =	sld [smem:$0x3FFD];
	_ =	sdelay $0x3  }
0x96: {  	_ =	strace s2  }
0x97: {  	_ =	strace $0x8FFFFFFF  }
0x98: {  	s18 =	sld [smem:$0x3FDB];
	_ =	sdelay $0x1  }
0x99: {  	s19 =	simm.s32 $_scs_section_size  }
0x9a: {  	s4 =	simm.s32 $_size__tile_overlayer_lowered;
	s5 =	simm.s32 $_tile_overlayer_lowered  }
0x9b: {  	s22 =	simm.s32 $0x1BFF;
	s21 =	sshll.u32 s5, $0x1;
	s2 =	sadd.s32 s19, s18  }
0x9c: {  	s6 =	simm.s32 $0x0;
	s20 =	sshll.u32 s4, $0x1;
	s4 =	sadd.s32 s21, s2  }
0x9d: {  	[timem:s6], [sflag:s22] =	dma.local [hbm:s4], s20  }
0x9e: {  	_ =	swait.ge [sflag:s22], s20  }
0x9f: {  	s3 =	ssub.s32 $0x0, s20;
	[sflag:s22] =	ssyncset.done $0x0  }
0xa0: {  	[sflag:s22] =	ssyncadd.s32 s3;
	_ =	sdelay $0x1  }
0xa1: {  	s23 =	simm.s32 $0x1B8B  }
0xa2: {  	_ =	swait.ge [sflag:s23], $0x1  }
0xa3: {  	[sflag:s23] =	ssyncset.done $0x0  }
0xa4: {  	s25 =	simm.s32 $0x1B8E;
	s24 =	sld [smem:$0x3FFE];
	[sflag:s23] =	ssyncadd.s32 $0xFFFFFFFF  }
0xa5: {  	s26 =	simm.s32 $execute0_lowered;
	[smem:$0x3FD2] =	sst s25  }
0xa6: {  	s4 =	sshll.u32 s26, $0x1;
	_ =	strace $0x8000004C;
	[dreg:$0x1] =	wrdreg $0xFFFFFFFF  }
0xa7: {  	s28 =	simm.s32 $_size_execute0_lowered;
	s2 =	sadd.s32 s2, s4;
	[dreg:$0x0] =	wrdreg $0x0  }
0xa8: {  	s4 =	sshll.u32 s28, $0x1;
	[dreg:$0x2] =	wrdreg s2  }
0xa9: {  	[dreg:$0x3] =	wrdreg s4  }
0xaa: {  	[dreg:$0x4] =	wrdreg $0xC0  }
0xab: {  	_ =	task [dreg:s6], $0x5FFFF  }
0xac: {  	[dreg:$0x1] =	wrdreg $0xFFFFFFFF  }
0xad: {  	[dreg:$0x0] =	wrdreg $0x60  }
0xae: {  	[dreg:$0x2] =	wrdreg s24  }
0xaf: {  	[dreg:$0x3] =	wrdreg $0xBD000  }
0xb0: {  	[dreg:$0x4] =	wrdreg $0x9  }
0xb1: {  	_ =	task.clear_ibuf [dreg:s6], $0x5FFFF;
	_ =	strace $0x9000004C  }
0xb2: {  	s29 =	simm.s32 $0x9;
	_ =	strace $0x8000004E  }
0xb3: {  	_ =	swait.ge [sflag:s29], $0x1  }
0xb4: {  	[sflag:s29] =	ssyncadd.s32 $0xFFFFFFFF  }
0xb5: {  	_ =	strace $0x9000004E  }
0xb6: {  	_ =	sfence  }
0xb7: {  	s30 =	sld [smem:$0x0];
	_ =	sdelay $0x2  }
0xb8: {  	s31 =	sshll.u32 s1, $0xD;
	s1 =	sshrl.u32 s1, $0x2  }
0xb9: {  	s3 =	sand.u32 $0x4000, s31;
	s1 =	sadd.s32 s1, s30  }
0xba: {  	s0 =	sor.u32 s3, s0;
	s1 =	sshll.u32 s1, $0x11  }
0xbb: {  	s0 =	sor.u32 s1, s0  }
0xbc: {  	s0 =	sadd.s32 $0x8F2B, s0  }
0xbd: {  	[sflag:s0] =	ssyncadd.remote.s32 $0x1  }
0xbe: {  	_ =	sfence.sel $0xFFFF  }
0xbf: {  	[dreg:$0x0] =	wrdreg $0xFFFFFFFF;
	(pc) =	sbr.abs _section_cstart, $3  }
0xc0: {  	[dreg:$0x1] =	wrdreg $0xFFFFFFFF  }
0xc1: {  	_ =	task.clear_ibuf [dreg:s6], $0x2FFFF;
	_ =	strace $0x9FFFFFFF  }
0xc2: {  	(tm) =	ssettm $0x7FFFFFFF  }
0xc3: {  	_ =	shalt  }
tec
execute0_lowered:
.L_overlay_start_1:
0x0: {  	(tag) =	ssettag $0x1  }
0x1: {  	s0 =	rddreg [dreg:$0x0]  }
0x2: {  	s2 =	rddreg [dreg:$0x1];
	s12 =	stileid.u32  }
0x3: {  	s1 =	srdreg.scid;
	s3 =	simm.s32 $0x0;
	s6 =	smul.u32 $0x2800, s12  }
0x4: {  	s19 =	simm.s32 $0x3D00;
	s28 =	simm.s32 $0x4;
	s9 =	smul.u32 $0x28, s12  }
0x5: {  	s29 =	simm.s32 $0x2;
	s30 =	simm.s32 $0x0;
	s22 =	smul.u32 $0x50000, s12  }
0x6: {  	s1 =	sand.u32 $0x1, s1;
	[smem:$0x7FF] =	sst s3;
	s10 =	smul.u32 $0x78, s12  }
0x7: {  	s4 =	sadd.s32 $0x18400, s0;
	s8 =	sadd.s32 $0x4400, s0;
	s12 =	smul.u32 $0x780, s12  }
0x8: {  	s5 =	sadd.s32 $0xE400, s0;
	s7 =	smul.u32 $0x28000, s1;
	s20 =	ssub.s32 $0x2, s1  }
0x9: {  	_ =	strace $0x8000004D;
	p0 =	seq.s32 s1, $0x0;
	s21 =	sshrl.u32 s20, $0x1  }
0xa: {  	s9 =	sadd.s32 $0x780, s9;
	s6 =	sadd.s32 s6, s7;
	s16 =	ssub.s32 s20, s21  }
0xb: {  	s11 =	sshll.u32 s9, $0x4;
	s7 =	sshrl.u32 s22, $0x2;
	s9 =	smov.u32 @p0 s10  }
0xc: {  	s20 =	simm.s32 $0x5;
	s21 =	simm.s32 $0x3C00;
	s22 =	simm.s32 $0x80  }
0xd: {  	s0 =	sadd.s32 s6, s0;
	s6 =	simm.s32 $0x78;
	s7 =	sadd.s32 s7, s2  }
0xe: {  	s23 =	sadd.s32 s8, s11;
	s8 =	sadd.s32 s8, s12;
	s25 =	sshll.u32 s9, $0x4  }
0xf: {  	s16 =	smax.u32 s16, $0x1;
	s18 =	sshll.u32 s9, $0x7;
	[dreg:$0x4] =	wrdreg s23  }
0x10: {  	s6 =	simm.s32 @!p0 $0x28;
	[dreg:$0x5] =	wrdreg s8;
	s24 =	sadd.s32 $0x4000, s7  }
0x11: {  	s11 =	sadd.s32 $0x8000, s7;
	s12 =	sadd.s32 $0xC000, s7;
	s13 =	sadd.s32 $0x10000, s7  }
0x12: {  	s14 =	sadd.s32 s5, s25;
	s15 =	sadd.s32 $0x40400, s0;
	p0 =	sne.s32 s1, $0x0  }
0x13: {  	s23 =	simm.s32 $0x3C80;
	s25 =	simm.s32 $0x3;
	s26 =	sshll.u32 s6, $0x7  }
0x14: {  	[dreg:$0x6] =	wrdreg s24;
	s17 =	sadd.s32 $0x20, s14;
	s31 =	sadd.s32 $0xFFFFFF00, s26  }
0x15: {  	v0 =	vimm.f32 $0.0e+00;
	s24 =	simm.s32 $0x7D00;
	s26 =	simm.s32 $0x1;
	[dreg:$0x3] =	wrdreg s31  }
.LBB2_1:
0x16: {  	s0 =	simm.s32 @p0 $0x0;
	s1 =	rddreg [dreg:$0x4]  }
0x17: {  	[tilespmem:s0], [sflag:$0x5] =	stream.linear.gather @p0 [hbm4b:s1+s0], $0x1400, $0x38;
	[tilespmem:$0x1FD00] =	vst v63  }
0x18: {  	s0 =	simm.s32 @p0 $0x5  }
0x19: {  	_ =	swait.ge @p0 [sflag:s0], $0x1400  }
0x1a: {  	[sflag:s0] =	ssyncset.done @p0 $0x0  }
0x1b: {  	s1 =	rddreg [dreg:$0x5];
	[sflag:s0] =	ssyncadd.s32 @p0 $0xFFFFEC00;
	s0 =	simm.s32 @!p0 $0x0  }
0x1c: {  	[tilespmem:s0], [sflag:$0x5] =	stream.linear.gather @!p0 [hbm4b:s1+s0], $0x3C00, $0x38;
	[tilespmem:$0x1FD00] =	vst v63  }
0x1d: {  	s0 =	simm.s32 @!p0 $0x5  }
0x1e: {  	_ =	swait.ge @!p0 [sflag:s0], $0x3C00  }
0x1f: {  	[sflag:s0] =	ssyncset.done @!p0 $0x0  }
0x20: {  	s1 =	simm.s32 $0x200;
	[sflag:s0] =	ssyncadd.s32 @!p0 $0xFFFFC400;
	s0 =	simm.s32 $0x0  }
.LBB2_2:
0x21: {  	p1 =	sne.s32 s1, $0xFE00;
	[tilespmem:s0+$0x3D70] =	vst v0  }
0x22: {  	[tilespmem:s0+$0x3D00] =	vst v0  }
0x23: {  	[tilespmem:s0+$0x3D10] =	vst v0  }
.Ltmp0:
0x24: {  	[tilespmem:s0+$0x3D20] =	vst v0;
	(pc) =	sbr.rel @p1 .LBB2_2-.Ltmp0, $4  }
0x25: {  	[tilespmem:s0+$0x3D30] =	vst v0  }
0x26: {  	[tilespmem:s0+$0x3D40] =	vst v0  }
0x27: {  	[tilespmem:s0+$0x3D50] =	vst v0  }
0x28: {  	[tilespmem:s0+$0x3D60] =	vst v0;
	s0 =	sshra.s32 s1, $0x2;
	s1 =	sadd.s32 $0x200, s1  }
0x29: {  	[tilespmem:s0+$0x3D70] =	vst v0  }
0x2a: {  	[tilespmem:s0+$0x3D00] =	vst v0  }
0x2b: {  	[tilespmem:s0+$0x3D10] =	vst v0  }
0x2c: {  	[tilespmem:s0+$0x3D20] =	vst v0  }
0x2d: {  	[tilespmem:s0+$0x3D30] =	vst v0  }
0x2e: {  	[tilespmem:s0+$0x3D40] =	vst v0  }
0x2f: {  	[tilespmem:s0+$0x3D50] =	vst v0  }
0x30: {  	[tilespmem:s0+$0x3D60] =	vst v0  }
0x31: {  	[spmem:s7] =	stream.linear.scatter [tilespmem:s19], [sflag:$0x5], $0x4000, $0x38;
	[tilespmem:$0x1FD00] =	vst v63  }
0x32: {  	_ =	swait.ge [sflag:s20], $0x4000  }
0x33: {  	[sflag:s20] =	ssyncset.done $0x0  }
0x34: {  	s10 =	rddreg [dreg:$0x6];
	[sflag:s20] =	ssyncadd.s32 $0xFFFFC000  }
0x35: {  	[spmem:s10] =	stream.linear.scatter [tilespmem:s19], [sflag:$0x5], $0x4000, $0x38;
	[tilespmem:$0x1FD00] =	vst v63  }
0x36: {  	_ =	swait.ge [sflag:s20], $0x4000  }
0x37: {  	[sflag:s20] =	ssyncset.done $0x0  }
0x38: {  	[sflag:s20] =	ssyncadd.s32 $0xFFFFC000  }
0x39: {  	[spmem:s11] =	stream.linear.scatter [tilespmem:s19], [sflag:$0x5], $0x4000, $0x38;
	[tilespmem:$0x1FD00] =	vst v63  }
0x3a: {  	_ =	swait.ge [sflag:s20], $0x4000  }
0x3b: {  	[sflag:s20] =	ssyncset.done $0x0  }
0x3c: {  	[sflag:s20] =	ssyncadd.s32 $0xFFFFC000  }
0x3d: {  	[spmem:s12] =	stream.linear.scatter [tilespmem:s19], [sflag:$0x5], $0x4000, $0x38;
	[tilespmem:$0x1FD00] =	vst v63  }
0x3e: {  	_ =	swait.ge [sflag:s20], $0x4000  }
0x3f: {  	[sflag:s20] =	ssyncset.done $0x0  }
0x40: {  	[sflag:s20] =	ssyncadd.s32 $0xFFFFC000  }
0x41: {  	[spmem:s13] =	stream.linear.scatter [tilespmem:s19], [sflag:$0x5], $0x4000, $0x38;
	[tilespmem:$0x1FD00] =	vst v63  }
0x42: {  	_ =	swait.ge [sflag:s20], $0x4000  }
0x43: {  	[sflag:s20] =	ssyncset.done $0x0  }
0x44: {  	[sflag:s20] =	ssyncadd.s32 $0xFFFFC000  }
0x45: {  	s1 =	simm.s32 $0x0;
	[bflag:$0x0] =	sbarrier.arrive $0xFFFF  }
0x46: {  	[tilespmem:s21], [sflag:$0x3] =	stream.linear.gather [hbm4b:s14+s1], $0x80, $0x38;
	[tilespmem:$0x1FD00] =	vst v63  }
0x47: {  	s9 =	simm.s32 $0x100;
	s0 =	simm.s32 $0x2;
	s31 =	smov.u32 s17  }
0x48: {  	[tilespmem:s19], [sflag:$0x1] =	stream.indirect.gather [hbm4b:s4+s22], $0x80, s1, s22, $0xb8;
	[tilespmem:$0x1FD00] =	vst v63  }
.LBB2_4:
0x49: {  	s8 =	sadd.s32 s1, s18  }
0x4a: {  	s10 =	sand.u32 $0x300, s1;
	s8 =	sand.u32 $0xFFFFFC00, s8  }
0x4b: {  	s8 =	sor.u32 s8, s10  }
0x4c: {  	s8 =	sshrl.u32 s8, $0x3  }
0x4d: {  	s8 =	sadd.s32 s8, s5  }
0x4e: {  	s10 =	sadd.s32 $0x10, s8  }
0x4f: {  	[tilespmem:s23], [sflag:$0x4] =	stream.linear.gather [hbm4b:s10+s3], $0x80, $0x38;
	[tilespmem:$0x1FD00] =	vst v63  }
0x50: {  	s10 =	sadd.s32 $0xFFFFFF80, s9  }
0x51: {  	[tilespmem:s24], [sflag:$0x2] =	stream.indirect.gather [hbm4b:s4+s22], $0x80, s10, s22, $0xb8;
	[tilespmem:$0x1FD00] =	vst v63  }
0x52: {  	_ =	swait.ge [sflag:s25], $0x80  }
0x53: {  	[sflag:s25] =	ssyncset.done $0x0  }
0x54: {  	[sflag:s25] =	ssyncadd.s32 $0xFFFFFF80  }
0x55: {  	_ =	swait.ge [sflag:s26], $0x4000  }
0x56: {  	[sflag:s26] =	ssyncset.done $0x0  }
0x57: {  	[sflag:s26] =	ssyncadd.s32 $0xFFFFC000  }
0x58: {  	[spmem:s2] =	stream.indirect.scatter.add.f32 [tilespmem:s19], [sflag:$0x5], $0x80, s21, s22, $0xb8;
	[tilespmem:$0x1FD00] =	vst v63  }
0x59: {  	_ =	swait.ge [sflag:s20], $0x4000  }
0x5a: {  	p1 =	sge.u32 s0, s6;
	s8 =	smov.u32 s9;
	[sflag:s20] =	ssyncset.done $0x0  }
0x5b: {  	s9 =	simm.s32 @!p1 $0x0;
	s10 =	simm.s32 @!p1 $0x3C00;
	[sflag:s20] =	ssyncadd.s32 $0xFFFFC000  }
0x5c: {  	[tilespmem:s10], [sflag:$0x3] =	stream.linear.gather @!p1 [hbm4b:s31+s9], $0x80, $0x38;
	[tilespmem:$0x1FD00] =	vst v63  }
0x5d: {  	s9 =	simm.s32 @!p1 $0x80;
	s10 =	simm.s32 @!p1 $0x3D00  }
0x5e: {  	[tilespmem:s10], [sflag:$0x1] =	stream.indirect.gather @!p1 [hbm4b:s4+s9], $0x80, s8, s9, $0xb8;
	[tilespmem:$0x1FD00] =	vst v63  }
0x5f: {  	_ =	swait.ge [sflag:s28], $0x80  }
0x60: {  	[sflag:s28] =	ssyncset.done $0x0  }
0x61: {  	[sflag:s28] =	ssyncadd.s32 $0xFFFFFF80  }
0x62: {  	_ =	swait.ge [sflag:s29], $0x4000  }
0x63: {  	[sflag:s29] =	ssyncset.done $0x0  }
0x64: {  	[sflag:s29] =	ssyncadd.s32 $0xFFFFC000  }
0x65: {  	[spmem:s2] =	stream.indirect.scatter.add.f32 [tilespmem:s24], [sflag:$0x5], $0x80, s23, s22, $0xb8;
	[tilespmem:$0x1FD00] =	vst v63  }
0x66: {  	_ =	swait.ge [sflag:s20], $0x4000  }
0x67: {  	s1 =	sadd.s32 $0x100, s1;
	s10 =	rddreg [dreg:$0x3]  }
0x68: {  	p1 =	sne.s32 s10, s1  }
.Ltmp1:
0x69: {  	_ = 	snop;
	(pc) =	sbr.rel @p1 .LBB2_4-.Ltmp1, $3  }
0x6a: {  	_ =	sdelay $0x1  }
0x6b: {  	s0 =	sadd.s32 $0x2, s0;
	[sflag:s20] =	ssyncset.done $0x0  }
0x6c: {  	s31 =	sadd.s32 $0x20, s31;
	s9 =	sadd.s32 $0x100, s8;
	[sflag:s20] =	ssyncadd.s32 $0xFFFFC000  }
0x6d: {  	s10 =	sadd.s32 s1, s18  }
0x6e: {  	s1 =	sand.u32 $0x300, s1;
	s10 =	sand.u32 $0x7FFFFC00, s10  }
0x6f: {  	s1 =	sor.u32 s10, s1  }
0x70: {  	s1 =	sshrl.u32 s1, $0x3  }
0x71: {  	s1 =	sadd.s32 s1, s5  }
0x72: {  	s1 =	sadd.s32 $0x10, s1  }
0x73: {  	[tilespmem:s23], [sflag:$0x4] =	stream.linear.gather [hbm4b:s1+s3], $0x80, $0x38;
	[tilespmem:$0x1FD00] =	vst v63  }
0x74: {  	s8 =	sadd.s32 $0x80, s8  }
0x75: {  	[tilespmem:s24], [sflag:$0x2] =	stream.indirect.gather [hbm4b:s4+s22], $0x80, s8, s22, $0xb8;
	[tilespmem:$0x1FD00] =	vst v63  }
0x76: {  	_ =	swait.ge [sflag:s25], $0x80  }
0x77: {  	[sflag:s25] =	ssyncset.done $0x0  }
0x78: {  	[sflag:s25] =	ssyncadd.s32 $0xFFFFFF80  }
0x79: {  	_ =	swait.ge [sflag:s26], $0x4000  }
0x7a: {  	[sflag:s26] =	ssyncset.done $0x0  }
0x7b: {  	[sflag:s26] =	ssyncadd.s32 $0xFFFFC000  }
0x7c: {  	[spmem:s2] =	stream.indirect.scatter.add.f32 [tilespmem:s19], [sflag:$0x5], $0x80, s21, s22, $0xb8;
	[tilespmem:$0x1FD00] =	vst v63  }
0x7d: {  	_ =	swait.ge [sflag:s20], $0x4000  }
0x7e: {  	p1 =	sge.u32 s0, s6;
	[sflag:s20] =	ssyncset.done $0x0  }
0x7f: {  	s0 =	simm.s32 @!p1 $0x0;
	s1 =	simm.s32 @!p1 $0x3C00;
	[sflag:s20] =	ssyncadd.s32 $0xFFFFC000  }
0x80: {  	[tilespmem:s1], [sflag:$0x3] =	stream.linear.gather @!p1 [hbm4b:s31+s0], $0x80, $0x38;
	[tilespmem:$0x1FD00] =	vst v63  }
0x81: {  	s0 =	simm.s32 @!p1 $0x80;
	s1 =	simm.s32 @!p1 $0x3D00  }
0x82: {  	[tilespmem:s1], [sflag:$0x1] =	stream.indirect.gather @!p1 [hbm4b:s4+s0], $0x80, s9, s0, $0xb8;
	[tilespmem:$0x1FD00] =	vst v63  }
0x83: {  	_ =	swait.ge [sflag:s28], $0x80  }
0x84: {  	[sflag:s28] =	ssyncset.done $0x0  }
0x85: {  	[sflag:s28] =	ssyncadd.s32 $0xFFFFFF80  }
0x86: {  	_ =	swait.ge [sflag:s29], $0x4000  }
0x87: {  	[sflag:s29] =	ssyncset.done $0x0  }
0x88: {  	[sflag:s29] =	ssyncadd.s32 $0xFFFFC000  }
0x89: {  	[spmem:s2] =	stream.indirect.scatter.add.f32 [tilespmem:s24], [sflag:$0x5], $0x80, s23, s22, $0xb8;
	[tilespmem:$0x1FD00] =	vst v63  }
0x8a: {  	s30 =	sadd.s32 $0x1, s30;
	_ =	swait.ge [sflag:s20], $0x4000  }
0x8b: {  	s10 =	stileid.u32;
	s31 =	sshrl.u32 s7, $0x3;
	[sflag:s20] =	ssyncset.done $0x0  }
0x8c: {  	s0 =	sshll.u32 s10, $0x6;
	p1 =	sne.s32 s30, s16;
	[sflag:s20] =	ssyncadd.s32 $0xFFFFC000  }
.Ltmp2:
0x8d: {  	s0 =	sor.u32 $0x1C05, s0;
	[bflag:$0x0] =	sbarrier.arrive $0xFFFF;
	(pc) =	sbr.rel @p1 .LBB2_1-.Ltmp2, $4  }
0x8e: {  	[hbm:s15], [sflag:s0] =	dma.local [spmem:s31], $0x2800  }
0x8f: {  	_ =	swait.ge [sflag:s20], $0x2800  }
0x90: {  	[sflag:s20] =	ssyncset.done $0x0  }
0x91: {  	[sflag:s20] =	ssyncadd.s32 $0xFFFFD800  }
0x92: {  	_ =	sfence.sel $0x180000  }
0x93: {  	[bflag:$0x0] =	sbarrier.arrive $0xFFFF  }
0x94: {  	_ =	strace $0x9000004D  }
0x95: {  	s0 =	stileid.u32;
	[bflag:$0x2] =	sbarrier.arrive $0xFFFF  }
0x96: {  	p0 =	sne.s32 s0, $0x0;
	s0 =	rddreg [dreg:$0x2]  }
0x97: {  	s0 =	sadd.s32 @!p0 $0x100000, s0  }
0x98: {  	[sflag:s0] =	ssyncadd.tile.s32 @!p0 $0x1;
	_ =	shalt  }
.Lfunc_end2:
_tile_overlayer_lowered:
.L_overlay_start_2:
0x99: {  	(tag) =	ssettag $0x2  }
0x9a: {  	s0 =	rddreg [dreg:$0x0];
	s2 =	stileid.u32  }
0x9b: {  	s1 =	rddreg [dreg:$0x1];
	p0 =	sne.s32 s2, $0x0  }
0x9c: {  	s3 =	rddreg [dreg:$0x2];
	[bflag:$0x3] =	sbarrier.arrive $0xFFFF;
	s2 =	simm.s32 @!p0 $0x1C05  }
0x9d: {  	[timem:s3], [sflag:s2] =	dma.local @!p0 [hbm:s0], s1  }
0x9e: {  	s0 =	simm.s32 @!p0 $0x5  }
0x9f: {  	_ =	swait.ge @!p0 [sflag:s0], s1  }
0xa0: {  	s1 =	ssub.s32 @!p0 $0x0, s1;
	[sflag:s0] =	ssyncset.done @!p0 $0x0  }
0xa1: {  	[sflag:s0] =	ssyncadd.s32 @!p0 s1  }
0xa2: {  	[bflag:$0x3] =	sbarrier.arrive $0xFFFF  }
0xa3: {  	_ =	shalt  }

// kernel: kernel.22.cloned.1.call-start
scs
__scs_entry_jumppad:
0x0: {  	(pc) =	sbr.rel $0x88, $3  }
0x1: {  	(tag) =	ssettag $0x0;
	lr =	simm.s32 $0x1  }
0x2: {  	[smem:$0x3F8C] =	sst lr;
	_ =	strace $0xD0000000  }
0x3: {  	_ = 	snop  }
0x4: {  	_ = 	snop  }
0x5: {  	_ = 	snop  }
0x6: {  	_ = 	snop  }
0x7: {  	_ = 	snop  }
__scs_overlays_trampoline_lowered:
0x8: {  	[smem:$0x3F9B] =	sst s0  }
0x9: {  	[smem:$0x3F9C] =	sst s1  }
0xa: {  	[smem:$0x3F9D] =	sst s2  }
0xb: {  	[smem:$0x3F9E] =	sst s3  }
0xc: {  	[smem:$0x3F9F] =	sst s4  }
0xd: {  	[smem:$0x3FA0] =	sst s5  }
0xe: {  	[smem:$0x3FA1] =	sst s6  }
0xf: {  	[smem:$0x3FA2] =	sst s7  }
0x10: {  	[smem:$0x3FA3] =	sst s8  }
0x11: {  	[smem:$0x3FA4] =	sst s9;
	s0 =	simm.s32 @!p0 $0x0  }
0x12: {  	s1 =	sld [smem:$0x3F8A];
	s0 =	simm.s32 @p0 $0x1  }
0x13: {  	[smem:$0x3FA5] =	sst s0;
	s0 =	simm.s32 @!p1 $0x0  }
0x14: {  	s2 =	sld [smem:$0x3F89];
	s0 =	simm.s32 @p1 $0x1  }
0x15: {  	[smem:$0x3FA6] =	sst s0;
	s0 =	simm.s32 @!p2 $0x0  }
0x16: {  	s3 =	sld [smem:$0x3FDB];
	s0 =	simm.s32 @p2 $0x1  }
0x17: {  	s4 =	simm.s32 $0x1BF5;
	[smem:$0x3FA8] =	sst s0  }
0x18: {  	s0 =	sld [smem:$0x3F8B];
	_ =	swait.ge [sflag:s4], $0x0  }
0x19: {  	s7 =	sld [smem:$0x3F8C]  }
0x1a: {  	s8 =	sadd.s32 $0xFFFFE003, lr  }
0x1b: {  	s9 =	sadd.s32 $0xFFFFFEF7, lr;
	s5 =	simm.s32 $0xFFFFFFFF;
	p2 =	slt.u32 s8, $0xFFFFF086  }
0x1c: {  	p1 =	slt.u32 s9, $0xF7A;
	s5 =	simm.s32 @!p2 $0x0  }
0x1d: {  	s5 =	simm.s32 @p1 $0x1;
	p0 =	seq.s32 s7, s2  }
0x1e: {  	s7 =	smul.u32 @!p0 $0xF7A, s2;
	p2 =	seq.s32 @!p0 s5, $0x0  }
0x1f: {  	s9 =	smul.u32 $0xF7A, s1;
	s8 =	simm.s32 @!p0 $0x1BF5;
	p2 =	por !p2, p0  }
0x20: {  	[sflag:s8] =	ssyncset.s32 @!p0 $0xFFFFF086;
	s6 =	sadd.s32 @!p0 s3, s7;
	s7 =	simm.s32 @!p0 $0x108  }
0x21: {  	s3 =	sadd.s32 s3, s9;
	s6 =	sadd.s32 @!p0 $0x88, s6;
	s7 =	simm.s32 @p2 $0x1082  }
0x22: {  	[simem:s7], [sflag:s8] =	dma.local @!p0 [hbm:s6], $0xF7A  }
0x23: {  	s9 =	sor.u32 $0xD0000000, s2;
	s6 =	simm.s32 $0x108;
	_ =	swait.ge @!p0 [sflag:s8], $0x0  }
0x24: {  	s3 =	sadd.s32 $0x88, s3;
	s6 =	simm.s32 @!p1 $0x1082;
	[sflag:s4] =	ssyncset.s32 $0xFFFFF086  }
0x25: {  	[simem:s6], [sflag:s4] =	dma.local [hbm:s3], $0xF7A  }
0x26: {  	[smem:$0x3F8C] =	sst s1;
	(tag) =	ssettag s2;
	_ =	strace s9  }
0x27: {  	s1 =	sld [smem:$0x3F9C]  }
0x28: {  	s2 =	sld [smem:$0x3F9D]  }
0x29: {  	s4 =	sld [smem:$0x3F9F]  }
0x2a: {  	p0 =	seq.s32 s5, $0x0;
	s5 =	sld [smem:$0x3FA0]  }
0x2b: {  	s6 =	sld [smem:$0x3FA1]  }
0x2c: {  	s7 =	sld [smem:$0x3FA2]  }
0x2d: {  	s3 =	simm.s32 $0x108;
	s8 =	sld [smem:$0x3FA3]  }
0x2e: {  	s3 =	simm.s32 @!p0 $0x1082;
	s9 =	sld [smem:$0x3FA4]  }
0x2f: {  	lr =	sadd.s32 s0, s3;
	s0 =	sld [smem:$0x3F9B]  }
0x30: {  	s3 =	sld [smem:$0x3F9E]  }
0x31: {  	[smem:$0x3FA7] =	sst s10  }
0x32: {  	s10 =	sld [smem:$0x3FA5];
	_ =	sdelay $0x3  }
0x33: {  	p0 =	seq.s32 s10, $0x1;
	s10 =	sld [smem:$0x3FA7];
	_ =	sdelay $0x3  }
0x34: {  	[smem:$0x3FA7] =	sst s10  }
0x35: {  	s10 =	sld [smem:$0x3FA6];
	_ =	sdelay $0x3  }
0x36: {  	p1 =	seq.s32 s10, $0x1;
	s10 =	sld [smem:$0x3FA7];
	_ =	sdelay $0x3  }
0x37: {  	[smem:$0x3FA7] =	sst s10  }
0x38: {  	s10 =	sld [smem:$0x3FA8]  }
0x39: {  	_ = 	snop;
	(pc) =	sbr.ind lr, $3  }
0x3a: {  	_ = 	snop  }
0x3b: {  	_ = 	snop  }
0x3c: {  	p2 =	seq.s32 s10, $0x1;
	s10 =	sld [smem:$0x3FA7]  }
0x3d: {  	_ =	shalt  }
0x3e: {  	_ =	shalt  }
0x3f: {  	_ =	shalt  }
0x40: {  	_ =	shalt  }
0x41: {  	_ =	shalt  }
0x42: {  	_ =	shalt  }
0x43: {  	_ =	shalt  }
0x44: {  	_ =	shalt  }
0x45: {  	_ =	shalt  }
0x46: {  	_ =	shalt  }
0x47: {  	_ =	shalt  }
0x48: {  	_ =	shalt  }
0x49: {  	_ =	shalt  }
0x4a: {  	_ =	shalt  }
0x4b: {  	_ =	shalt  }
0x4c: {  	_ =	shalt  }
0x4d: {  	_ =	shalt  }
0x4e: {  	_ =	shalt  }
0x4f: {  	_ =	shalt  }
0x50: {  	_ =	shalt  }
0x51: {  	_ =	shalt  }
0x52: {  	_ =	shalt  }
0x53: {  	_ =	shalt  }
0x54: {  	_ =	shalt  }
0x55: {  	_ =	shalt  }
0x56: {  	_ =	shalt  }
0x57: {  	_ =	shalt  }
0x58: {  	_ =	shalt  }
0x59: {  	_ =	shalt  }
0x5a: {  	_ =	shalt  }
0x5b: {  	_ =	shalt  }
0x5c: {  	_ =	shalt  }
0x5d: {  	_ =	shalt  }
0x5e: {  	_ =	shalt  }
0x5f: {  	_ =	shalt  }
0x60: {  	_ =	shalt  }
0x61: {  	_ =	shalt  }
0x62: {  	_ =	shalt  }
0x63: {  	_ =	shalt  }
0x64: {  	_ =	shalt  }
0x65: {  	_ =	shalt  }
0x66: {  	_ =	shalt  }
0x67: {  	_ =	shalt  }
0x68: {  	_ =	shalt  }
0x69: {  	_ =	shalt  }
0x6a: {  	_ =	shalt  }
0x6b: {  	_ =	shalt  }
0x6c: {  	_ =	shalt  }
0x6d: {  	_ =	shalt  }
0x6e: {  	_ =	shalt  }
0x6f: {  	_ =	shalt  }
0x70: {  	_ =	shalt  }
0x71: {  	_ =	shalt  }
0x72: {  	_ =	shalt  }
0x73: {  	_ =	shalt  }
0x74: {  	_ =	shalt  }
0x75: {  	_ =	shalt  }
0x76: {  	_ =	shalt  }
0x77: {  	_ =	shalt  }
0x78: {  	_ =	shalt  }
0x79: {  	_ =	shalt  }
0x7a: {  	_ =	shalt  }
0x7b: {  	_ =	shalt  }
0x7c: {  	_ =	shalt  }
0x7d: {  	_ =	shalt  }
0x7e: {  	_ =	shalt  }
0x7f: {  	_ =	shalt  }
0x80: {  	_ =	shalt  }
0x81: {  	_ =	shalt  }
0x82: {  	_ =	shalt  }
0x83: {  	_ =	shalt  }
0x84: {  	_ =	shalt  }
0x85: {  	_ =	shalt  }
0x86: {  	_ =	shalt  }
0x87: {  	_ =	shalt  }
.Lfunc_end0:
.L_simem_size_0:
called_computation.3_lowered:
.L_overlay_start_0:
0x88: {  	s2 =	sld [smem:$0x3FD9]  }
0x89: {  	s3 =	sld [smem:$0x3FFE];
	_ =	sdelay $0x1  }
0x8a: {  	s1 =	srdreg.scid  }
0x8b: {  	s0 =	sand.u32 $0x1, s1  }
0x8c: {  	s16 =	sshll.u32 s0, $0xA;
	s2 =	sadd.s32 s3, s2  }
0x8d: {  	s2 =	sadd.s32 s2, s16  }
0x8e: {  	[smem:$0x3FB3] =	sst s2  }
0x8f: {  	_ = 	snop  }
0x90: {  	(tm) =	ssettm $0x1  }
0x91: {  	s17 =	sld [smem:$0x3FFB];
	_ =	sdelay $0x3  }
0x92: {  	_ =	strace s17  }
0x93: {  	s2 =	sld [smem:$0x3FFC];
	_ =	sdelay $0x3  }
0x94: {  	_ =	strace s2  }
0x95: {  	s2 =	sld [smem:$0x3FFD];
	_ =	sdelay $0x3  }
0x96: {  	_ =	strace s2  }
0x97: {  	_ =	strace $0x8FFFFFFF  }
0x98: {  	s18 =	sld [smem:$0x3FDB];
	_ =	sdelay $0x1  }
0x99: {  	s19 =	simm.s32 $_scs_section_size  }
0x9a: {  	s4 =	simm.s32 $_size__tile_overlayer_lowered;
	s5 =	simm.s32 $_tile_overlayer_lowered  }
0x9b: {  	s22 =	simm.s32 $0x1BFF;
	s21 =	sshll.u32 s5, $0x1;
	s2 =	sadd.s32 s19, s18  }
0x9c: {  	s6 =	simm.s32 $0x0;
	s20 =	sshll.u32 s4, $0x1;
	s4 =	sadd.s32 s21, s2  }
0x9d: {  	[timem:s6], [sflag:s22] =	dma.local [hbm:s4], s20  }
0x9e: {  	_ =	swait.ge [sflag:s22], s20  }
0x9f: {  	s3 =	ssub.s32 $0x0, s20;
	[sflag:s22] =	ssyncset.done $0x0  }
0xa0: {  	[sflag:s22] =	ssyncadd.s32 s3;
	_ =	sdelay $0x1  }
0xa1: {  	s23 =	simm.s32 $0x1B8B  }
0xa2: {  	_ =	swait.ge [sflag:s23], $0x1  }
0xa3: {  	[sflag:s23] =	ssyncset.done $0x0  }
0xa4: {  	s25 =	simm.s32 $0x1B8E;
	s24 =	sld [smem:$0x3FFE];
	[sflag:s23] =	ssyncadd.s32 $0xFFFFFFFF  }
0xa5: {  	s26 =	simm.s32 $execute0_lowered;
	[smem:$0x3FD2] =	sst s25  }
0xa6: {  	s4 =	sshll.u32 s26, $0x1;
	_ =	strace $0x8000004F;
	[dreg:$0x1] =	wrdreg $0xFFFFFFFF  }
0xa7: {  	s28 =	simm.s32 $_size_execute0_lowered;
	s2 =	sadd.s32 s2, s4;
	[dreg:$0x0] =	wrdreg $0x0  }
0xa8: {  	s4 =	sshll.u32 s28, $0x1;
	[dreg:$0x2] =	wrdreg s2  }
0xa9: {  	[dreg:$0x3] =	wrdreg s4  }
0xaa: {  	[dreg:$0x4] =	wrdreg $0xC0  }
0xab: {  	_ =	task [dreg:s6], $0x5FFFF  }
0xac: {  	[dreg:$0x1] =	wrdreg $0xFFFFFFFF  }
0xad: {  	[dreg:$0x0] =	wrdreg $0x60  }
0xae: {  	[dreg:$0x2] =	wrdreg s24  }
0xaf: {  	[dreg:$0x3] =	wrdreg $0xBD000  }
0xb0: {  	[dreg:$0x4] =	wrdreg $0x9  }
0xb1: {  	_ =	task.clear_ibuf [dreg:s6], $0x5FFFF;
	_ =	strace $0x9000004F  }
0xb2: {  	s29 =	simm.s32 $0x9;
	_ =	strace $0x80000051  }
0xb3: {  	_ =	swait.ge [sflag:s29], $0x1  }
0xb4: {  	[sflag:s29] =	ssyncadd.s32 $0xFFFFFFFF  }
0xb5: {  	_ =	strace $0x90000051  }
0xb6: {  	_ =	sfence  }
0xb7: {  	s30 =	sld [smem:$0x0];
	_ =	sdelay $0x2  }
0xb8: {  	s31 =	sshll.u32 s1, $0xD;
	s1 =	sshrl.u32 s1, $0x2  }
0xb9: {  	s3 =	sand.u32 $0x4000, s31;
	s1 =	sadd.s32 s1, s30  }
0xba: {  	s0 =	sor.u32 s3, s0;
	s1 =	sshll.u32 s1, $0x11  }
0xbb: {  	s0 =	sor.u32 s1, s0  }
0xbc: {  	s0 =	sadd.s32 $0x8F2B, s0  }
0xbd: {  	[sflag:s0] =	ssyncadd.remote.s32 $0x1  }
0xbe: {  	_ =	sfence.sel $0xFFFF  }
0xbf: {  	[dreg:$0x0] =	wrdreg $0xFFFFFFFF;
	(pc) =	sbr.abs _section_cstart, $3  }
0xc0: {  	[dreg:$0x1] =	wrdreg $0xFFFFFFFF  }
0xc1: {  	_ =	task.clear_ibuf [dreg:s6], $0x2FFFF;
	_ =	strace $0x9FFFFFFF  }
0xc2: {  	(tm) =	ssettm $0x7FFFFFFF  }
0xc3: {  	_ =	shalt  }
tec
execute0_lowered:
.L_overlay_start_1:
0x0: {  	(tag) =	ssettag $0x1  }
0x1: {  	s0 =	rddreg [dreg:$0x0]  }
0x2: {  	s2 =	rddreg [dreg:$0x1];
	s12 =	stileid.u32  }
0x3: {  	s1 =	srdreg.scid;
	s3 =	simm.s32 $0x0;
	s6 =	smul.u32 $0x2800, s12  }
0x4: {  	s19 =	simm.s32 $0x3D00;
	s28 =	simm.s32 $0x4;
	s9 =	smul.u32 $0x28, s12  }
0x5: {  	s29 =	simm.s32 $0x2;
	s30 =	simm.s32 $0x0;
	s22 =	smul.u32 $0x50000, s12  }
0x6: {  	s1 =	sand.u32 $0x1, s1;
	[smem:$0x7FF] =	sst s3;
	s10 =	smul.u32 $0x78, s12  }
0x7: {  	s4 =	sadd.s32 $0x18400, s0;
	s8 =	sadd.s32 $0x4400, s0;
	s12 =	smul.u32 $0x780, s12  }
0x8: {  	s5 =	sadd.s32 $0xE400, s0;
	s7 =	smul.u32 $0x28000, s1;
	s20 =	ssub.s32 $0x2, s1  }
0x9: {  	_ =	strace $0x80000050;
	p0 =	seq.s32 s1, $0x0;
	s21 =	sshrl.u32 s20, $0x1  }
0xa: {  	s9 =	sadd.s32 $0x780, s9;
	s6 =	sadd.s32 s6, s7;
	s16 =	ssub.s32 s20, s21  }
0xb: {  	s11 =	sshll.u32 s9, $0x4;
	s7 =	sshrl.u32 s22, $0x2;
	s9 =	smov.u32 @p0 s10  }
0xc: {  	s20 =	simm.s32 $0x5;
	s21 =	simm.s32 $0x3C00;
	s22 =	simm.s32 $0x80  }
0xd: {  	s0 =	sadd.s32 s6, s0;
	s6 =	simm.s32 $0x78;
	s7 =	sadd.s32 s7, s2  }
0xe: {  	s23 =	sadd.s32 s8, s11;
	s8 =	sadd.s32 s8, s12;
	s25 =	sshll.u32 s9, $0x4  }
0xf: {  	s16 =	smax.u32 s16, $0x1;
	s18 =	sshll.u32 s9, $0x7;
	[dreg:$0x4] =	wrdreg s23  }
0x10: {  	s6 =	simm.s32 @!p0 $0x28;
	[dreg:$0x5] =	wrdreg s8;
	s24 =	sadd.s32 $0x4000, s7  }
0x11: {  	s11 =	sadd.s32 $0x8000, s7;
	s12 =	sadd.s32 $0xC000, s7;
	s13 =	sadd.s32 $0x10000, s7  }
0x12: {  	s14 =	sadd.s32 s5, s25;
	s15 =	sadd.s32 $0x40400, s0;
	p0 =	sne.s32 s1, $0x0  }
0x13: {  	s23 =	simm.s32 $0x3C80;
	s25 =	simm.s32 $0x3;
	s26 =	sshll.u32 s6, $0x7  }
0x14: {  	[dreg:$0x6] =	wrdreg s24;
	s17 =	sadd.s32 $0x20, s14;
	s31 =	sadd.s32 $0xFFFFFF00, s26  }
0x15: {  	v0 =	vimm.f32 $0.0e+00;
	s24 =	simm.s32 $0x7D00;
	s26 =	simm.s32 $0x1;
	[dreg:$0x3] =	wrdreg s31  }
.LBB2_1:
0x16: {  	s0 =	simm.s32 @p0 $0x0;
	s1 =	rddreg [dreg:$0x4]  }
0x17: {  	[tilespmem:s0], [sflag:$0x5] =	stream.linear.gather @p0 [hbm4b:s1+s0], $0x1400, $0x38;
	[tilespmem:$0x1FD00] =	vst v63  }
0x18: {  	s0 =	simm.s32 @p0 $0x5  }
0x19: {  	_ =	swait.ge @p0 [sflag:s0], $0x1400  }
0x1a: {  	[sflag:s0] =	ssyncset.done @p0 $0x0  }
0x1b: {  	s1 =	rddreg [dreg:$0x5];
	[sflag:s0] =	ssyncadd.s32 @p0 $0xFFFFEC00;
	s0 =	simm.s32 @!p0 $0x0  }
0x1c: {  	[tilespmem:s0], [sflag:$0x5] =	stream.linear.gather @!p0 [hbm4b:s1+s0], $0x3C00, $0x38;
	[tilespmem:$0x1FD00] =	vst v63  }
0x1d: {  	s0 =	simm.s32 @!p0 $0x5  }
0x1e: {  	_ =	swait.ge @!p0 [sflag:s0], $0x3C00  }
0x1f: {  	[sflag:s0] =	ssyncset.done @!p0 $0x0  }
0x20: {  	s1 =	simm.s32 $0x200;
	[sflag:s0] =	ssyncadd.s32 @!p0 $0xFFFFC400;
	s0 =	simm.s32 $0x0  }
.LBB2_2:
0x21: {  	p1 =	sne.s32 s1, $0xFE00;
	[tilespmem:s0+$0x3D70] =	vst v0  }
0x22: {  	[tilespmem:s0+$0x3D00] =	vst v0  }
0x23: {  	[tilespmem:s0+$0x3D10] =	vst v0  }
.Ltmp0:
0x24: {  	[tilespmem:s0+$0x3D20] =	vst v0;
	(pc) =	sbr.rel @p1 .LBB2_2-.Ltmp0, $4  }
0x25: {  	[tilespmem:s0+$0x3D30] =	vst v0  }
0x26: {  	[tilespmem:s0+$0x3D40] =	vst v0  }
0x27: {  	[tilespmem:s0+$0x3D50] =	vst v0  }
0x28: {  	[tilespmem:s0+$0x3D60] =	vst v0;
	s0 =	sshra.s32 s1, $0x2;
	s1 =	sadd.s32 $0x200, s1  }
0x29: {  	[tilespmem:s0+$0x3D70] =	vst v0  }
0x2a: {  	[tilespmem:s0+$0x3D00] =	vst v0  }
0x2b: {  	[tilespmem:s0+$0x3D10] =	vst v0  }
0x2c: {  	[tilespmem:s0+$0x3D20] =	vst v0  }
0x2d: {  	[tilespmem:s0+$0x3D30] =	vst v0  }
0x2e: {  	[tilespmem:s0+$0x3D40] =	vst v0  }
0x2f: {  	[tilespmem:s0+$0x3D50] =	vst v0  }
0x30: {  	[tilespmem:s0+$0x3D60] =	vst v0  }
0x31: {  	[spmem:s7] =	stream.linear.scatter [tilespmem:s19], [sflag:$0x5], $0x4000, $0x38;
	[tilespmem:$0x1FD00] =	vst v63  }
0x32: {  	_ =	swait.ge [sflag:s20], $0x4000  }
0x33: {  	[sflag:s20] =	ssyncset.done $0x0  }
0x34: {  	s10 =	rddreg [dreg:$0x6];
	[sflag:s20] =	ssyncadd.s32 $0xFFFFC000  }
0x35: {  	[spmem:s10] =	stream.linear.scatter [tilespmem:s19], [sflag:$0x5], $0x4000, $0x38;
	[tilespmem:$0x1FD00] =	vst v63  }
0x36: {  	_ =	swait.ge [sflag:s20], $0x4000  }
0x37: {  	[sflag:s20] =	ssyncset.done $0x0  }
0x38: {  	[sflag:s20] =	ssyncadd.s32 $0xFFFFC000  }
0x39: {  	[spmem:s11] =	stream.linear.scatter [tilespmem:s19], [sflag:$0x5], $0x4000, $0x38;
	[tilespmem:$0x1FD00] =	vst v63  }
0x3a: {  	_ =	swait.ge [sflag:s20], $0x4000  }
0x3b: {  	[sflag:s20] =	ssyncset.done $0x0  }
0x3c: {  	[sflag:s20] =	ssyncadd.s32 $0xFFFFC000  }
0x3d: {  	[spmem:s12] =	stream.linear.scatter [tilespmem:s19], [sflag:$0x5], $0x4000, $0x38;
	[tilespmem:$0x1FD00] =	vst v63  }
0x3e: {  	_ =	swait.ge [sflag:s20], $0x4000  }
0x3f: {  	[sflag:s20] =	ssyncset.done $0x0  }
0x40: {  	[sflag:s20] =	ssyncadd.s32 $0xFFFFC000  }
0x41: {  	[spmem:s13] =	stream.linear.scatter [tilespmem:s19], [sflag:$0x5], $0x4000, $0x38;
	[tilespmem:$0x1FD00] =	vst v63  }
0x42: {  	_ =	swait.ge [sflag:s20], $0x4000  }
0x43: {  	[sflag:s20] =	ssyncset.done $0x0  }
0x44: {  	[sflag:s20] =	ssyncadd.s32 $0xFFFFC000  }
0x45: {  	s1 =	simm.s32 $0x0;
	[bflag:$0x0] =	sbarrier.arrive $0xFFFF  }
0x46: {  	[tilespmem:s21], [sflag:$0x3] =	stream.linear.gather [hbm4b:s14+s1], $0x80, $0x38;
	[tilespmem:$0x1FD00] =	vst v63  }
0x47: {  	s9 =	simm.s32 $0x100;
	s0 =	simm.s32 $0x2;
	s31 =	smov.u32 s17  }
0x48: {  	[tilespmem:s19], [sflag:$0x1] =	stream.indirect.gather [hbm4b:s4+s22], $0x80, s1, s22, $0xb8;
	[tilespmem:$0x1FD00] =	vst v63  }
.LBB2_4:
0x49: {  	s8 =	sadd.s32 s1, s18  }
0x4a: {  	s10 =	sand.u32 $0x300, s1;
	s8 =	sand.u32 $0xFFFFFC00, s8  }
0x4b: {  	s8 =	sor.u32 s8, s10  }
0x4c: {  	s8 =	sshrl.u32 s8, $0x3  }
0x4d: {  	s8 =	sadd.s32 s8, s5  }
0x4e: {  	s10 =	sadd.s32 $0x10, s8  }
0x4f: {  	[tilespmem:s23], [sflag:$0x4] =	stream.linear.gather [hbm4b:s10+s3], $0x80, $0x38;
	[tilespmem:$0x1FD00] =	vst v63  }
0x50: {  	s10 =	sadd.s32 $0xFFFFFF80, s9  }
0x51: {  	[tilespmem:s24], [sflag:$0x2] =	stream.indirect.gather [hbm4b:s4+s22], $0x80, s10, s22, $0xb8;
	[tilespmem:$0x1FD00] =	vst v63  }
0x52: {  	_ =	swait.ge [sflag:s25], $0x80  }
0x53: {  	[sflag:s25] =	ssyncset.done $0x0  }
0x54: {  	[sflag:s25] =	ssyncadd.s32 $0xFFFFFF80  }
0x55: {  	_ =	swait.ge [sflag:s26], $0x4000  }
0x56: {  	[sflag:s26] =	ssyncset.done $0x0  }
0x57: {  	[sflag:s26] =	ssyncadd.s32 $0xFFFFC000  }
0x58: {  	[spmem:s2] =	stream.indirect.scatter.add.f32 [tilespmem:s19], [sflag:$0x5], $0x80, s21, s22, $0xb8;
	[tilespmem:$0x1FD00] =	vst v63  }
0x59: {  	_ =	swait.ge [sflag:s20], $0x4000  }
0x5a: {  	p1 =	sge.u32 s0, s6;
	s8 =	smov.u32 s9;
	[sflag:s20] =	ssyncset.done $0x0  }
0x5b: {  	s9 =	simm.s32 @!p1 $0x0;
	s10 =	simm.s32 @!p1 $0x3C00;
	[sflag:s20] =	ssyncadd.s32 $0xFFFFC000  }
0x5c: {  	[tilespmem:s10], [sflag:$0x3] =	stream.linear.gather @!p1 [hbm4b:s31+s9], $0x80, $0x38;
	[tilespmem:$0x1FD00] =	vst v63  }
0x5d: {  	s9 =	simm.s32 @!p1 $0x80;
	s10 =	simm.s32 @!p1 $0x3D00  }
0x5e: {  	[tilespmem:s10], [sflag:$0x1] =	stream.indirect.gather @!p1 [hbm4b:s4+s9], $0x80, s8, s9, $0xb8;
	[tilespmem:$0x1FD00] =	vst v63  }
0x5f: {  	_ =	swait.ge [sflag:s28], $0x80  }
0x60: {  	[sflag:s28] =	ssyncset.done $0x0  }
0x61: {  	[sflag:s28] =	ssyncadd.s32 $0xFFFFFF80  }
0x62: {  	_ =	swait.ge [sflag:s29], $0x4000  }
0x63: {  	[sflag:s29] =	ssyncset.done $0x0  }
0x64: {  	[sflag:s29] =	ssyncadd.s32 $0xFFFFC000  }
0x65: {  	[spmem:s2] =	stream.indirect.scatter.add.f32 [tilespmem:s24], [sflag:$0x5], $0x80, s23, s22, $0xb8;
	[tilespmem:$0x1FD00] =	vst v63  }
0x66: {  	_ =	swait.ge [sflag:s20], $0x4000  }
0x67: {  	s1 =	sadd.s32 $0x100, s1;
	s10 =	rddreg [dreg:$0x3]  }
0x68: {  	p1 =	sne.s32 s10, s1  }
.Ltmp1:
0x69: {  	_ = 	snop;
	(pc) =	sbr.rel @p1 .LBB2_4-.Ltmp1, $3  }
0x6a: {  	_ =	sdelay $0x1  }
0x6b: {  	s0 =	sadd.s32 $0x2, s0;
	[sflag:s20] =	ssyncset.done $0x0  }
0x6c: {  	s31 =	sadd.s32 $0x20, s31;
	s9 =	sadd.s32 $0x100, s8;
	[sflag:s20] =	ssyncadd.s32 $0xFFFFC000  }
0x6d: {  	s10 =	sadd.s32 s1, s18  }
0x6e: {  	s1 =	sand.u32 $0x300, s1;
	s10 =	sand.u32 $0x7FFFFC00, s10  }
0x6f: {  	s1 =	sor.u32 s10, s1  }
0x70: {  	s1 =	sshrl.u32 s1, $0x3  }
0x71: {  	s1 =	sadd.s32 s1, s5  }
0x72: {  	s1 =	sadd.s32 $0x10, s1  }
0x73: {  	[tilespmem:s23], [sflag:$0x4] =	stream.linear.gather [hbm4b:s1+s3], $0x80, $0x38;
	[tilespmem:$0x1FD00] =	vst v63  }
0x74: {  	s8 =	sadd.s32 $0x80, s8  }
0x75: {  	[tilespmem:s24], [sflag:$0x2] =	stream.indirect.gather [hbm4b:s4+s22], $0x80, s8, s22, $0xb8;
	[tilespmem:$0x1FD00] =	vst v63  }
0x76: {  	_ =	swait.ge [sflag:s25], $0x80  }
0x77: {  	[sflag:s25] =	ssyncset.done $0x0  }
0x78: {  	[sflag:s25] =	ssyncadd.s32 $0xFFFFFF80  }
0x79: {  	_ =	swait.ge [sflag:s26], $0x4000  }
0x7a: {  	[sflag:s26] =	ssyncset.done $0x0  }
0x7b: {  	[sflag:s26] =	ssyncadd.s32 $0xFFFFC000  }
0x7c: {  	[spmem:s2] =	stream.indirect.scatter.add.f32 [tilespmem:s19], [sflag:$0x5], $0x80, s21, s22, $0xb8;
	[tilespmem:$0x1FD00] =	vst v63  }
0x7d: {  	_ =	swait.ge [sflag:s20], $0x4000  }
0x7e: {  	p1 =	sge.u32 s0, s6;
	[sflag:s20] =	ssyncset.done $0x0  }
0x7f: {  	s0 =	simm.s32 @!p1 $0x0;
	s1 =	simm.s32 @!p1 $0x3C00;
	[sflag:s20] =	ssyncadd.s32 $0xFFFFC000  }
0x80: {  	[tilespmem:s1], [sflag:$0x3] =	stream.linear.gather @!p1 [hbm4b:s31+s0], $0x80, $0x38;
	[tilespmem:$0x1FD00] =	vst v63  }
0x81: {  	s0 =	simm.s32 @!p1 $0x80;
	s1 =	simm.s32 @!p1 $0x3D00  }
0x82: {  	[tilespmem:s1], [sflag:$0x1] =	stream.indirect.gather @!p1 [hbm4b:s4+s0], $0x80, s9, s0, $0xb8;
	[tilespmem:$0x1FD00] =	vst v63  }
0x83: {  	_ =	swait.ge [sflag:s28], $0x80  }
0x84: {  	[sflag:s28] =	ssyncset.done $0x0  }
0x85: {  	[sflag:s28] =	ssyncadd.s32 $0xFFFFFF80  }
0x86: {  	_ =	swait.ge [sflag:s29], $0x4000  }
0x87: {  	[sflag:s29] =	ssyncset.done $0x0  }
0x88: {  	[sflag:s29] =	ssyncadd.s32 $0xFFFFC000  }
0x89: {  	[spmem:s2] =	stream.indirect.scatter.add.f32 [tilespmem:s24], [sflag:$0x5], $0x80, s23, s22, $0xb8;
	[tilespmem:$0x1FD00] =	vst v63  }
0x8a: {  	s30 =	sadd.s32 $0x1, s30;
	_ =	swait.ge [sflag:s20], $0x4000  }
0x8b: {  	s10 =	stileid.u32;
	s31 =	sshrl.u32 s7, $0x3;
	[sflag:s20] =	ssyncset.done $0x0  }
0x8c: {  	s0 =	sshll.u32 s10, $0x6;
	p1 =	sne.s32 s30, s16;
	[sflag:s20] =	ssyncadd.s32 $0xFFFFC000  }
.Ltmp2:
0x8d: {  	s0 =	sor.u32 $0x1C05, s0;
	[bflag:$0x0] =	sbarrier.arrive $0xFFFF;
	(pc) =	sbr.rel @p1 .LBB2_1-.Ltmp2, $4  }
0x8e: {  	[hbm:s15], [sflag:s0] =	dma.local [spmem:s31], $0x2800  }
0x8f: {  	_ =	swait.ge [sflag:s20], $0x2800  }
0x90: {  	[sflag:s20] =	ssyncset.done $0x0  }
0x91: {  	[sflag:s20] =	ssyncadd.s32 $0xFFFFD800  }
0x92: {  	_ =	sfence.sel $0x180000  }
0x93: {  	[bflag:$0x0] =	sbarrier.arrive $0xFFFF  }
0x94: {  	_ =	strace $0x90000050  }
0x95: {  	s0 =	stileid.u32;
	[bflag:$0x2] =	sbarrier.arrive $0xFFFF  }
0x96: {  	p0 =	sne.s32 s0, $0x0;
	s0 =	rddreg [dreg:$0x2]  }
0x97: {  	s0 =	sadd.s32 @!p0 $0x100000, s0  }
0x98: {  	[sflag:s0] =	ssyncadd.tile.s32 @!p0 $0x1;
	_ =	shalt  }
.Lfunc_end2:
_tile_overlayer_lowered:
.L_overlay_start_2:
0x99: {  	(tag) =	ssettag $0x2  }
0x9a: {  	s0 =	rddreg [dreg:$0x0];
	s2 =	stileid.u32  }
0x9b: {  	s1 =	rddreg [dreg:$0x1];
	p0 =	sne.s32 s2, $0x0  }
0x9c: {  	s3 =	rddreg [dreg:$0x2];
	[bflag:$0x3] =	sbarrier.arrive $0xFFFF;
	s2 =	simm.s32 @!p0 $0x1C05  }
0x9d: {  	[timem:s3], [sflag:s2] =	dma.local @!p0 [hbm:s0], s1  }
0x9e: {  	s0 =	simm.s32 @!p0 $0x5  }
0x9f: {  	_ =	swait.ge @!p0 [sflag:s0], s1  }
0xa0: {  	s1 =	ssub.s32 @!p0 $0x0, s1;
	[sflag:s0] =	ssyncset.done @!p0 $0x0  }
0xa1: {  	[sflag:s0] =	ssyncadd.s32 @!p0 s1  }
0xa2: {  	[bflag:$0x3] =	sbarrier.arrive $0xFFFF  }
0xa3: {  	_ =	shalt  }

// kernel: kernel.25.cloned.1.call-start
scs
__scs_entry_jumppad:
0x0: {  	(pc) =	sbr.rel $0x88, $3  }
0x1: {  	(tag) =	ssettag $0x0;
	lr =	simm.s32 $0x1  }
0x2: {  	[smem:$0x3F8C] =	sst lr;
	_ =	strace $0xD0000000  }
0x3: {  	_ = 	snop  }
0x4: {  	_ = 	snop  }
0x5: {  	_ = 	snop  }
0x6: {  	_ = 	snop  }
0x7: {  	_ = 	snop  }
__scs_overlays_trampoline_lowered:
0x8: {  	[smem:$0x3F9B] =	sst s0  }
0x9: {  	[smem:$0x3F9C] =	sst s1  }
0xa: {  	[smem:$0x3F9D] =	sst s2  }
0xb: {  	[smem:$0x3F9E] =	sst s3  }
0xc: {  	[smem:$0x3F9F] =	sst s4  }
0xd: {  	[smem:$0x3FA0] =	sst s5  }
0xe: {  	[smem:$0x3FA1] =	sst s6  }
0xf: {  	[smem:$0x3FA2] =	sst s7  }
0x10: {  	[smem:$0x3FA3] =	sst s8  }
0x11: {  	[smem:$0x3FA4] =	sst s9;
	s0 =	simm.s32 @!p0 $0x0  }
0x12: {  	s1 =	sld [smem:$0x3F8A];
	s0 =	simm.s32 @p0 $0x1  }
0x13: {  	[smem:$0x3FA5] =	sst s0;
	s0 =	simm.s32 @!p1 $0x0  }
0x14: {  	s2 =	sld [smem:$0x3F89];
	s0 =	simm.s32 @p1 $0x1  }
0x15: {  	[smem:$0x3FA6] =	sst s0;
	s0 =	simm.s32 @!p2 $0x0  }
0x16: {  	s3 =	sld [smem:$0x3FDB];
	s0 =	simm.s32 @p2 $0x1  }
0x17: {  	s4 =	simm.s32 $0x1BF5;
	[smem:$0x3FA8] =	sst s0  }
0x18: {  	s0 =	sld [smem:$0x3F8B];
	_ =	swait.ge [sflag:s4], $0x0  }
0x19: {  	s7 =	sld [smem:$0x3F8C]  }
0x1a: {  	s8 =	sadd.s32 $0xFFFFE003, lr  }
0x1b: {  	s9 =	sadd.s32 $0xFFFFFEF7, lr;
	s5 =	simm.s32 $0xFFFFFFFF;
	p2 =	slt.u32 s8, $0xFFFFF086  }
0x1c: {  	p1 =	slt.u32 s9, $0xF7A;
	s5 =	simm.s32 @!p2 $0x0  }
0x1d: {  	s5 =	simm.s32 @p1 $0x1;
	p0 =	seq.s32 s7, s2  }
0x1e: {  	s7 =	smul.u32 @!p0 $0xF7A, s2;
	p2 =	seq.s32 @!p0 s5, $0x0  }
0x1f: {  	s9 =	smul.u32 $0xF7A, s1;
	s8 =	simm.s32 @!p0 $0x1BF5;
	p2 =	por !p2, p0  }
0x20: {  	[sflag:s8] =	ssyncset.s32 @!p0 $0xFFFFF086;
	s6 =	sadd.s32 @!p0 s3, s7;
	s7 =	simm.s32 @!p0 $0x108  }
0x21: {  	s3 =	sadd.s32 s3, s9;
	s6 =	sadd.s32 @!p0 $0x88, s6;
	s7 =	simm.s32 @p2 $0x1082  }
0x22: {  	[simem:s7], [sflag:s8] =	dma.local @!p0 [hbm:s6], $0xF7A  }
0x23: {  	s9 =	sor.u32 $0xD0000000, s2;
	s6 =	simm.s32 $0x108;
	_ =	swait.ge @!p0 [sflag:s8], $0x0  }
0x24: {  	s3 =	sadd.s32 $0x88, s3;
	s6 =	simm.s32 @!p1 $0x1082;
	[sflag:s4] =	ssyncset.s32 $0xFFFFF086  }
0x25: {  	[simem:s6], [sflag:s4] =	dma.local [hbm:s3], $0xF7A  }
0x26: {  	[smem:$0x3F8C] =	sst s1;
	(tag) =	ssettag s2;
	_ =	strace s9  }
0x27: {  	s1 =	sld [smem:$0x3F9C]  }
0x28: {  	s2 =	sld [smem:$0x3F9D]  }
0x29: {  	s4 =	sld [smem:$0x3F9F]  }
0x2a: {  	p0 =	seq.s32 s5, $0x0;
	s5 =	sld [smem:$0x3FA0]  }
0x2b: {  	s6 =	sld [smem:$0x3FA1]  }
0x2c: {  	s7 =	sld [smem:$0x3FA2]  }
0x2d: {  	s3 =	simm.s32 $0x108;
	s8 =	sld [smem:$0x3FA3]  }
0x2e: {  	s3 =	simm.s32 @!p0 $0x1082;
	s9 =	sld [smem:$0x3FA4]  }
0x2f: {  	lr =	sadd.s32 s0, s3;
	s0 =	sld [smem:$0x3F9B]  }
0x30: {  	s3 =	sld [smem:$0x3F9E]  }
0x31: {  	[smem:$0x3FA7] =	sst s10  }
0x32: {  	s10 =	sld [smem:$0x3FA5];
	_ =	sdelay $0x3  }
0x33: {  	p0 =	seq.s32 s10, $0x1;
	s10 =	sld [smem:$0x3FA7];
	_ =	sdelay $0x3  }
0x34: {  	[smem:$0x3FA7] =	sst s10  }
0x35: {  	s10 =	sld [smem:$0x3FA6];
	_ =	sdelay $0x3  }
0x36: {  	p1 =	seq.s32 s10, $0x1;
	s10 =	sld [smem:$0x3FA7];
	_ =	sdelay $0x3  }
0x37: {  	[smem:$0x3FA7] =	sst s10  }
0x38: {  	s10 =	sld [smem:$0x3FA8]  }
0x39: {  	_ = 	snop;
	(pc) =	sbr.ind lr, $3  }
0x3a: {  	_ = 	snop  }
0x3b: {  	_ = 	snop  }
0x3c: {  	p2 =	seq.s32 s10, $0x1;
	s10 =	sld [smem:$0x3FA7]  }
0x3d: {  	_ =	shalt  }
0x3e: {  	_ =	shalt  }
0x3f: {  	_ =	shalt  }
0x40: {  	_ =	shalt  }
0x41: {  	_ =	shalt  }
0x42: {  	_ =	shalt  }
0x43: {  	_ =	shalt  }
0x44: {  	_ =	shalt  }
0x45: {  	_ =	shalt  }
0x46: {  	_ =	shalt  }
0x47: {  	_ =	shalt  }
0x48: {  	_ =	shalt  }
0x49: {  	_ =	shalt  }
0x4a: {  	_ =	shalt  }
0x4b: {  	_ =	shalt  }
0x4c: {  	_ =	shalt  }
0x4d: {  	_ =	shalt  }
0x4e: {  	_ =	shalt  }
0x4f: {  	_ =	shalt  }
0x50: {  	_ =	shalt  }
0x51: {  	_ =	shalt  }
0x52: {  	_ =	shalt  }
0x53: {  	_ =	shalt  }
0x54: {  	_ =	shalt  }
0x55: {  	_ =	shalt  }
0x56: {  	_ =	shalt  }
0x57: {  	_ =	shalt  }
0x58: {  	_ =	shalt  }
0x59: {  	_ =	shalt  }
0x5a: {  	_ =	shalt  }
0x5b: {  	_ =	shalt  }
0x5c: {  	_ =	shalt  }
0x5d: {  	_ =	shalt  }
0x5e: {  	_ =	shalt  }
0x5f: {  	_ =	shalt  }
0x60: {  	_ =	shalt  }
0x61: {  	_ =	shalt  }
0x62: {  	_ =	shalt  }
0x63: {  	_ =	shalt  }
0x64: {  	_ =	shalt  }
0x65: {  	_ =	shalt  }
0x66: {  	_ =	shalt  }
0x67: {  	_ =	shalt  }
0x68: {  	_ =	shalt  }
0x69: {  	_ =	shalt  }
0x6a: {  	_ =	shalt  }
0x6b: {  	_ =	shalt  }
0x6c: {  	_ =	shalt  }
0x6d: {  	_ =	shalt  }
0x6e: {  	_ =	shalt  }
0x6f: {  	_ =	shalt  }
0x70: {  	_ =	shalt  }
0x71: {  	_ =	shalt  }
0x72: {  	_ =	shalt  }
0x73: {  	_ =	shalt  }
0x74: {  	_ =	shalt  }
0x75: {  	_ =	shalt  }
0x76: {  	_ =	shalt  }
0x77: {  	_ =	shalt  }
0x78: {  	_ =	shalt  }
0x79: {  	_ =	shalt  }
0x7a: {  	_ =	shalt  }
0x7b: {  	_ =	shalt  }
0x7c: {  	_ =	shalt  }
0x7d: {  	_ =	shalt  }
0x7e: {  	_ =	shalt  }
0x7f: {  	_ =	shalt  }
0x80: {  	_ =	shalt  }
0x81: {  	_ =	shalt  }
0x82: {  	_ =	shalt  }
0x83: {  	_ =	shalt  }
0x84: {  	_ =	shalt  }
0x85: {  	_ =	shalt  }
0x86: {  	_ =	shalt  }
0x87: {  	_ =	shalt  }
.Lfunc_end0:
.L_simem_size_0:
called_computation.4_lowered:
.L_overlay_start_0:
0x88: {  	s2 =	sld [smem:$0x3FD9]  }
0x89: {  	s3 =	sld [smem:$0x3FFE];
	_ =	sdelay $0x1  }
0x8a: {  	s1 =	srdreg.scid  }
0x8b: {  	s0 =	sand.u32 $0x1, s1  }
0x8c: {  	s16 =	sshll.u32 s0, $0xA;
	s2 =	sadd.s32 s3, s2  }
0x8d: {  	s2 =	sadd.s32 s2, s16  }
0x8e: {  	[smem:$0x3FB3] =	sst s2  }
0x8f: {  	_ = 	snop  }
0x90: {  	(tm) =	ssettm $0x1  }
0x91: {  	s17 =	sld [smem:$0x3FFB];
	_ =	sdelay $0x3  }
0x92: {  	_ =	strace s17  }
0x93: {  	s2 =	sld [smem:$0x3FFC];
	_ =	sdelay $0x3  }
0x94: {  	_ =	strace s2  }
0x95: {  	s2 =	sld [smem:$0x3FFD];
	_ =	sdelay $0x3  }
0x96: {  	_ =	strace s2  }
0x97: {  	_ =	strace $0x8FFFFFFF  }
0x98: {  	s18 =	sld [smem:$0x3FDB];
	_ =	sdelay $0x1  }
0x99: {  	s19 =	simm.s32 $_scs_section_size  }
0x9a: {  	s4 =	simm.s32 $_size__tile_overlayer_lowered;
	s5 =	simm.s32 $_tile_overlayer_lowered  }
0x9b: {  	s22 =	simm.s32 $0x1BFF;
	s21 =	sshll.u32 s5, $0x1;
	s2 =	sadd.s32 s19, s18  }
0x9c: {  	s6 =	simm.s32 $0x0;
	s20 =	sshll.u32 s4, $0x1;
	s4 =	sadd.s32 s21, s2  }
0x9d: {  	[timem:s6], [sflag:s22] =	dma.local [hbm:s4], s20  }
0x9e: {  	_ =	swait.ge [sflag:s22], s20  }
0x9f: {  	s3 =	ssub.s32 $0x0, s20;
	[sflag:s22] =	ssyncset.done $0x0  }
0xa0: {  	[sflag:s22] =	ssyncadd.s32 s3;
	_ =	sdelay $0x1  }
0xa1: {  	s23 =	simm.s32 $0x1B8B  }
0xa2: {  	_ =	swait.ge [sflag:s23], $0x1  }
0xa3: {  	[sflag:s23] =	ssyncset.done $0x0  }
0xa4: {  	s25 =	simm.s32 $0x1B8E;
	s24 =	sld [smem:$0x3FFE];
	[sflag:s23] =	ssyncadd.s32 $0xFFFFFFFF  }
0xa5: {  	s26 =	simm.s32 $execute0_lowered;
	[smem:$0x3FD2] =	sst s25  }
0xa6: {  	s4 =	sshll.u32 s26, $0x1;
	_ =	strace $0x80000052;
	[dreg:$0x1] =	wrdreg $0xFFFFFFFF  }
0xa7: {  	s28 =	simm.s32 $_size_execute0_lowered;
	s2 =	sadd.s32 s2, s4;
	[dreg:$0x0] =	wrdreg $0x0  }
0xa8: {  	s4 =	sshll.u32 s28, $0x1;
	[dreg:$0x2] =	wrdreg s2  }
0xa9: {  	[dreg:$0x3] =	wrdreg s4  }
0xaa: {  	[dreg:$0x4] =	wrdreg $0xC0  }
0xab: {  	_ =	task [dreg:s6], $0x5FFFF  }
0xac: {  	[dreg:$0x1] =	wrdreg $0xFFFFFFFF  }
0xad: {  	[dreg:$0x0] =	wrdreg $0x60  }
0xae: {  	[dreg:$0x2] =	wrdreg s24  }
0xaf: {  	[dreg:$0x3] =	wrdreg $0xBD000  }
0xb0: {  	[dreg:$0x4] =	wrdreg $0x9  }
0xb1: {  	_ =	task.clear_ibuf [dreg:s6], $0x5FFFF;
	_ =	strace $0x90000052  }
0xb2: {  	s29 =	simm.s32 $0x9;
	_ =	strace $0x80000054  }
0xb3: {  	_ =	swait.ge [sflag:s29], $0x1  }
0xb4: {  	[sflag:s29] =	ssyncadd.s32 $0xFFFFFFFF  }
0xb5: {  	_ =	strace $0x90000054  }
0xb6: {  	_ =	sfence  }
0xb7: {  	s30 =	sld [smem:$0x0];
	_ =	sdelay $0x2  }
0xb8: {  	s31 =	sshll.u32 s1, $0xD;
	s1 =	sshrl.u32 s1, $0x2  }
0xb9: {  	s3 =	sand.u32 $0x4000, s31;
	s1 =	sadd.s32 s1, s30  }
0xba: {  	s0 =	sor.u32 s3, s0;
	s1 =	sshll.u32 s1, $0x11  }
0xbb: {  	s0 =	sor.u32 s1, s0  }
0xbc: {  	s0 =	sadd.s32 $0x8F2B, s0  }
0xbd: {  	[sflag:s0] =	ssyncadd.remote.s32 $0x1  }
0xbe: {  	_ =	sfence.sel $0xFFFF  }
0xbf: {  	[dreg:$0x0] =	wrdreg $0xFFFFFFFF;
	(pc) =	sbr.abs _section_cstart, $3  }
0xc0: {  	[dreg:$0x1] =	wrdreg $0xFFFFFFFF  }
0xc1: {  	_ =	task.clear_ibuf [dreg:s6], $0x2FFFF;
	_ =	strace $0x9FFFFFFF  }
0xc2: {  	(tm) =	ssettm $0x7FFFFFFF  }
0xc3: {  	_ =	shalt  }
tec
execute0_lowered:
.L_overlay_start_1:
0x0: {  	(tag) =	ssettag $0x1  }
0x1: {  	s0 =	rddreg [dreg:$0x0]  }
0x2: {  	s2 =	rddreg [dreg:$0x1];
	s12 =	stileid.u32  }
0x3: {  	s1 =	srdreg.scid;
	s3 =	simm.s32 $0x0;
	s6 =	smul.u32 $0x2800, s12  }
0x4: {  	s19 =	simm.s32 $0x3D00;
	s28 =	simm.s32 $0x4;
	s9 =	smul.u32 $0x28, s12  }
0x5: {  	s29 =	simm.s32 $0x2;
	s30 =	simm.s32 $0x0;
	s22 =	smul.u32 $0x50000, s12  }
0x6: {  	s1 =	sand.u32 $0x1, s1;
	[smem:$0x7FF] =	sst s3;
	s10 =	smul.u32 $0x78, s12  }
0x7: {  	s4 =	sadd.s32 $0x18400, s0;
	s8 =	sadd.s32 $0x4400, s0;
	s12 =	smul.u32 $0x780, s12  }
0x8: {  	s5 =	sadd.s32 $0xE400, s0;
	s7 =	smul.u32 $0x28000, s1;
	s20 =	ssub.s32 $0x2, s1  }
0x9: {  	_ =	strace $0x80000053;
	p0 =	seq.s32 s1, $0x0;
	s21 =	sshrl.u32 s20, $0x1  }
0xa: {  	s9 =	sadd.s32 $0x780, s9;
	s6 =	sadd.s32 s6, s7;
	s16 =	ssub.s32 s20, s21  }
0xb: {  	s11 =	sshll.u32 s9, $0x4;
	s7 =	sshrl.u32 s22, $0x2;
	s9 =	smov.u32 @p0 s10  }
0xc: {  	s20 =	simm.s32 $0x5;
	s21 =	simm.s32 $0x3C00;
	s22 =	simm.s32 $0x80  }
0xd: {  	s0 =	sadd.s32 s6, s0;
	s6 =	simm.s32 $0x78;
	s7 =	sadd.s32 s7, s2  }
0xe: {  	s23 =	sadd.s32 s8, s11;
	s8 =	sadd.s32 s8, s12;
	s25 =	sshll.u32 s9, $0x4  }
0xf: {  	s16 =	smax.u32 s16, $0x1;
	s18 =	sshll.u32 s9, $0x7;
	[dreg:$0x4] =	wrdreg s23  }
0x10: {  	s6 =	simm.s32 @!p0 $0x28;
	[dreg:$0x5] =	wrdreg s8;
	s24 =	sadd.s32 $0x4000, s7  }
0x11: {  	s11 =	sadd.s32 $0x8000, s7;
	s12 =	sadd.s32 $0xC000, s7;
	s13 =	sadd.s32 $0x10000, s7  }
0x12: {  	s14 =	sadd.s32 s5, s25;
	s15 =	sadd.s32 $0x40400, s0;
	p0 =	sne.s32 s1, $0x0  }
0x13: {  	s23 =	simm.s32 $0x3C80;
	s25 =	simm.s32 $0x3;
	s26 =	sshll.u32 s6, $0x7  }
0x14: {  	[dreg:$0x6] =	wrdreg s24;
	s17 =	sadd.s32 $0x20, s14;
	s31 =	sadd.s32 $0xFFFFFF00, s26  }
0x15: {  	v0 =	vimm.f32 $0.0e+00;
	s24 =	simm.s32 $0x7D00;
	s26 =	simm.s32 $0x1;
	[dreg:$0x3] =	wrdreg s31  }
.LBB2_1:
0x16: {  	s0 =	simm.s32 @p0 $0x0;
	s1 =	rddreg [dreg:$0x4]  }
0x17: {  	[tilespmem:s0], [sflag:$0x5] =	stream.linear.gather @p0 [hbm4b:s1+s0], $0x1400, $0x38;
	[tilespmem:$0x1FD00] =	vst v63  }
0x18: {  	s0 =	simm.s32 @p0 $0x5  }
0x19: {  	_ =	swait.ge @p0 [sflag:s0], $0x1400  }
0x1a: {  	[sflag:s0] =	ssyncset.done @p0 $0x0  }
0x1b: {  	s1 =	rddreg [dreg:$0x5];
	[sflag:s0] =	ssyncadd.s32 @p0 $0xFFFFEC00;
	s0 =	simm.s32 @!p0 $0x0  }
0x1c: {  	[tilespmem:s0], [sflag:$0x5] =	stream.linear.gather @!p0 [hbm4b:s1+s0], $0x3C00, $0x38;
	[tilespmem:$0x1FD00] =	vst v63  }
0x1d: {  	s0 =	simm.s32 @!p0 $0x5  }
0x1e: {  	_ =	swait.ge @!p0 [sflag:s0], $0x3C00  }
0x1f: {  	[sflag:s0] =	ssyncset.done @!p0 $0x0  }
0x20: {  	s1 =	simm.s32 $0x200;
	[sflag:s0] =	ssyncadd.s32 @!p0 $0xFFFFC400;
	s0 =	simm.s32 $0x0  }
.LBB2_2:
0x21: {  	p1 =	sne.s32 s1, $0xFE00;
	[tilespmem:s0+$0x3D70] =	vst v0  }
0x22: {  	[tilespmem:s0+$0x3D00] =	vst v0  }
0x23: {  	[tilespmem:s0+$0x3D10] =	vst v0  }
.Ltmp0:
0x24: {  	[tilespmem:s0+$0x3D20] =	vst v0;
	(pc) =	sbr.rel @p1 .LBB2_2-.Ltmp0, $4  }
0x25: {  	[tilespmem:s0+$0x3D30] =	vst v0  }
0x26: {  	[tilespmem:s0+$0x3D40] =	vst v0  }
0x27: {  	[tilespmem:s0+$0x3D50] =	vst v0  }
0x28: {  	[tilespmem:s0+$0x3D60] =	vst v0;
	s0 =	sshra.s32 s1, $0x2;
	s1 =	sadd.s32 $0x200, s1  }
0x29: {  	[tilespmem:s0+$0x3D70] =	vst v0  }
0x2a: {  	[tilespmem:s0+$0x3D00] =	vst v0  }
0x2b: {  	[tilespmem:s0+$0x3D10] =	vst v0  }
0x2c: {  	[tilespmem:s0+$0x3D20] =	vst v0  }
0x2d: {  	[tilespmem:s0+$0x3D30] =	vst v0  }
0x2e: {  	[tilespmem:s0+$0x3D40] =	vst v0  }
0x2f: {  	[tilespmem:s0+$0x3D50] =	vst v0  }
0x30: {  	[tilespmem:s0+$0x3D60] =	vst v0  }
0x31: {  	[spmem:s7] =	stream.linear.scatter [tilespmem:s19], [sflag:$0x5], $0x4000, $0x38;
	[tilespmem:$0x1FD00] =	vst v63  }
0x32: {  	_ =	swait.ge [sflag:s20], $0x4000  }
0x33: {  	[sflag:s20] =	ssyncset.done $0x0  }
0x34: {  	s10 =	rddreg [dreg:$0x6];
	[sflag:s20] =	ssyncadd.s32 $0xFFFFC000  }
0x35: {  	[spmem:s10] =	stream.linear.scatter [tilespmem:s19], [sflag:$0x5], $0x4000, $0x38;
	[tilespmem:$0x1FD00] =	vst v63  }
0x36: {  	_ =	swait.ge [sflag:s20], $0x4000  }
0x37: {  	[sflag:s20] =	ssyncset.done $0x0  }
0x38: {  	[sflag:s20] =	ssyncadd.s32 $0xFFFFC000  }
0x39: {  	[spmem:s11] =	stream.linear.scatter [tilespmem:s19], [sflag:$0x5], $0x4000, $0x38;
	[tilespmem:$0x1FD00] =	vst v63  }
0x3a: {  	_ =	swait.ge [sflag:s20], $0x4000  }
0x3b: {  	[sflag:s20] =	ssyncset.done $0x0  }
0x3c: {  	[sflag:s20] =	ssyncadd.s32 $0xFFFFC000  }
0x3d: {  	[spmem:s12] =	stream.linear.scatter [tilespmem:s19], [sflag:$0x5], $0x4000, $0x38;
	[tilespmem:$0x1FD00] =	vst v63  }
0x3e: {  	_ =	swait.ge [sflag:s20], $0x4000  }
0x3f: {  	[sflag:s20] =	ssyncset.done $0x0  }
0x40: {  	[sflag:s20] =	ssyncadd.s32 $0xFFFFC000  }
0x41: {  	[spmem:s13] =	stream.linear.scatter [tilespmem:s19], [sflag:$0x5], $0x4000, $0x38;
	[tilespmem:$0x1FD00] =	vst v63  }
0x42: {  	_ =	swait.ge [sflag:s20], $0x4000  }
0x43: {  	[sflag:s20] =	ssyncset.done $0x0  }
0x44: {  	[sflag:s20] =	ssyncadd.s32 $0xFFFFC000  }
0x45: {  	s1 =	simm.s32 $0x0;
	[bflag:$0x0] =	sbarrier.arrive $0xFFFF  }
0x46: {  	[tilespmem:s21], [sflag:$0x3] =	stream.linear.gather [hbm4b:s14+s1], $0x80, $0x38;
	[tilespmem:$0x1FD00] =	vst v63  }
0x47: {  	s9 =	simm.s32 $0x100;
	s0 =	simm.s32 $0x2;
	s31 =	smov.u32 s17  }
0x48: {  	[tilespmem:s19], [sflag:$0x1] =	stream.indirect.gather [hbm4b:s4+s22], $0x80, s1, s22, $0xb8;
	[tilespmem:$0x1FD00] =	vst v63  }
.LBB2_4:
0x49: {  	s8 =	sadd.s32 s1, s18  }
0x4a: {  	s10 =	sand.u32 $0x300, s1;
	s8 =	sand.u32 $0xFFFFFC00, s8  }
0x4b: {  	s8 =	sor.u32 s8, s10  }
0x4c: {  	s8 =	sshrl.u32 s8, $0x3  }
0x4d: {  	s8 =	sadd.s32 s8, s5  }
0x4e: {  	s10 =	sadd.s32 $0x10, s8  }
0x4f: {  	[tilespmem:s23], [sflag:$0x4] =	stream.linear.gather [hbm4b:s10+s3], $0x80, $0x38;
	[tilespmem:$0x1FD00] =	vst v63  }
0x50: {  	s10 =	sadd.s32 $0xFFFFFF80, s9  }
0x51: {  	[tilespmem:s24], [sflag:$0x2] =	stream.indirect.gather [hbm4b:s4+s22], $0x80, s10, s22, $0xb8;
	[tilespmem:$0x1FD00] =	vst v63  }
0x52: {  	_ =	swait.ge [sflag:s25], $0x80  }
0x53: {  	[sflag:s25] =	ssyncset.done $0x0  }
0x54: {  	[sflag:s25] =	ssyncadd.s32 $0xFFFFFF80  }
0x55: {  	_ =	swait.ge [sflag:s26], $0x4000  }
0x56: {  	[sflag:s26] =	ssyncset.done $0x0  }
0x57: {  	[sflag:s26] =	ssyncadd.s32 $0xFFFFC000  }
0x58: {  	[spmem:s2] =	stream.indirect.scatter.add.f32 [tilespmem:s19], [sflag:$0x5], $0x80, s21, s22, $0xb8;
	[tilespmem:$0x1FD00] =	vst v63  }
0x59: {  	_ =	swait.ge [sflag:s20], $0x4000  }
0x5a: {  	p1 =	sge.u32 s0, s6;
	s8 =	smov.u32 s9;
	[sflag:s20] =	ssyncset.done $0x0  }
0x5b: {  	s9 =	simm.s32 @!p1 $0x0;
	s10 =	simm.s32 @!p1 $0x3C00;
	[sflag:s20] =	ssyncadd.s32 $0xFFFFC000  }
0x5c: {  	[tilespmem:s10], [sflag:$0x3] =	stream.linear.gather @!p1 [hbm4b:s31+s9], $0x80, $0x38;
	[tilespmem:$0x1FD00] =	vst v63  }
0x5d: {  	s9 =	simm.s32 @!p1 $0x80;
	s10 =	simm.s32 @!p1 $0x3D00  }
0x5e: {  	[tilespmem:s10], [sflag:$0x1] =	stream.indirect.gather @!p1 [hbm4b:s4+s9], $0x80, s8, s9, $0xb8;
	[tilespmem:$0x1FD00] =	vst v63  }
0x5f: {  	_ =	swait.ge [sflag:s28], $0x80  }
0x60: {  	[sflag:s28] =	ssyncset.done $0x0  }
0x61: {  	[sflag:s28] =	ssyncadd.s32 $0xFFFFFF80  }
0x62: {  	_ =	swait.ge [sflag:s29], $0x4000  }
0x63: {  	[sflag:s29] =	ssyncset.done $0x0  }
0x64: {  	[sflag:s29] =	ssyncadd.s32 $0xFFFFC000  }
0x65: {  	[spmem:s2] =	stream.indirect.scatter.add.f32 [tilespmem:s24], [sflag:$0x5], $0x80, s23, s22, $0xb8;
	[tilespmem:$0x1FD00] =	vst v63  }
0x66: {  	_ =	swait.ge [sflag:s20], $0x4000  }
0x67: {  	s1 =	sadd.s32 $0x100, s1;
	s10 =	rddreg [dreg:$0x3]  }
0x68: {  	p1 =	sne.s32 s10, s1  }
.Ltmp1:
0x69: {  	_ = 	snop;
	(pc) =	sbr.rel @p1 .LBB2_4-.Ltmp1, $3  }
0x6a: {  	_ =	sdelay $0x1  }
0x6b: {  	s0 =	sadd.s32 $0x2, s0;
	[sflag:s20] =	ssyncset.done $0x0  }
0x6c: {  	s31 =	sadd.s32 $0x20, s31;
	s9 =	sadd.s32 $0x100, s8;
	[sflag:s20] =	ssyncadd.s32 $0xFFFFC000  }
0x6d: {  	s10 =	sadd.s32 s1, s18  }
0x6e: {  	s1 =	sand.u32 $0x300, s1;
	s10 =	sand.u32 $0x7FFFFC00, s10  }
0x6f: {  	s1 =	sor.u32 s10, s1  }
0x70: {  	s1 =	sshrl.u32 s1, $0x3  }
0x71: {  	s1 =	sadd.s32 s1, s5  }
0x72: {  	s1 =	sadd.s32 $0x10, s1  }
0x73: {  	[tilespmem:s23], [sflag:$0x4] =	stream.linear.gather [hbm4b:s1+s3], $0x80, $0x38;
	[tilespmem:$0x1FD00] =	vst v63  }
0x74: {  	s8 =	sadd.s32 $0x80, s8  }
0x75: {  	[tilespmem:s24], [sflag:$0x2] =	stream.indirect.gather [hbm4b:s4+s22], $0x80, s8, s22, $0xb8;
	[tilespmem:$0x1FD00] =	vst v63  }
0x76: {  	_ =	swait.ge [sflag:s25], $0x80  }
0x77: {  	[sflag:s25] =	ssyncset.done $0x0  }
0x78: {  	[sflag:s25] =	ssyncadd.s32 $0xFFFFFF80  }
0x79: {  	_ =	swait.ge [sflag:s26], $0x4000  }
0x7a: {  	[sflag:s26] =	ssyncset.done $0x0  }
0x7b: {  	[sflag:s26] =	ssyncadd.s32 $0xFFFFC000  }
0x7c: {  	[spmem:s2] =	stream.indirect.scatter.add.f32 [tilespmem:s19], [sflag:$0x5], $0x80, s21, s22, $0xb8;
	[tilespmem:$0x1FD00] =	vst v63  }
0x7d: {  	_ =	swait.ge [sflag:s20], $0x4000  }
0x7e: {  	p1 =	sge.u32 s0, s6;
	[sflag:s20] =	ssyncset.done $0x0  }
0x7f: {  	s0 =	simm.s32 @!p1 $0x0;
	s1 =	simm.s32 @!p1 $0x3C00;
	[sflag:s20] =	ssyncadd.s32 $0xFFFFC000  }
0x80: {  	[tilespmem:s1], [sflag:$0x3] =	stream.linear.gather @!p1 [hbm4b:s31+s0], $0x80, $0x38;
	[tilespmem:$0x1FD00] =	vst v63  }
0x81: {  	s0 =	simm.s32 @!p1 $0x80;
	s1 =	simm.s32 @!p1 $0x3D00  }
0x82: {  	[tilespmem:s1], [sflag:$0x1] =	stream.indirect.gather @!p1 [hbm4b:s4+s0], $0x80, s9, s0, $0xb8;
	[tilespmem:$0x1FD00] =	vst v63  }
0x83: {  	_ =	swait.ge [sflag:s28], $0x80  }
0x84: {  	[sflag:s28] =	ssyncset.done $0x0  }
0x85: {  	[sflag:s28] =	ssyncadd.s32 $0xFFFFFF80  }
0x86: {  	_ =	swait.ge [sflag:s29], $0x4000  }
0x87: {  	[sflag:s29] =	ssyncset.done $0x0  }
0x88: {  	[sflag:s29] =	ssyncadd.s32 $0xFFFFC000  }
0x89: {  	[spmem:s2] =	stream.indirect.scatter.add.f32 [tilespmem:s24], [sflag:$0x5], $0x80, s23, s22, $0xb8;
	[tilespmem:$0x1FD00] =	vst v63  }
0x8a: {  	s30 =	sadd.s32 $0x1, s30;
	_ =	swait.ge [sflag:s20], $0x4000  }
0x8b: {  	s10 =	stileid.u32;
	s31 =	sshrl.u32 s7, $0x3;
	[sflag:s20] =	ssyncset.done $0x0  }
0x8c: {  	s0 =	sshll.u32 s10, $0x6;
	p1 =	sne.s32 s30, s16;
	[sflag:s20] =	ssyncadd.s32 $0xFFFFC000  }
.Ltmp2:
0x8d: {  	s0 =	sor.u32 $0x1C05, s0;
	[bflag:$0x0] =	sbarrier.arrive $0xFFFF;
	(pc) =	sbr.rel @p1 .LBB2_1-.Ltmp2, $4  }
0x8e: {  	[hbm:s15], [sflag:s0] =	dma.local [spmem:s31], $0x2800  }
0x8f: {  	_ =	swait.ge [sflag:s20], $0x2800  }
0x90: {  	[sflag:s20] =	ssyncset.done $0x0  }
0x91: {  	[sflag:s20] =	ssyncadd.s32 $0xFFFFD800  }
0x92: {  	_ =	sfence.sel $0x180000  }
0x93: {  	[bflag:$0x0] =	sbarrier.arrive $0xFFFF  }
0x94: {  	_ =	strace $0x90000053  }
0x95: {  	s0 =	stileid.u32;
	[bflag:$0x2] =	sbarrier.arrive $0xFFFF  }
0x96: {  	p0 =	sne.s32 s0, $0x0;
	s0 =	rddreg [dreg:$0x2]  }
0x97: {  	s0 =	sadd.s32 @!p0 $0x100000, s0  }
0x98: {  	[sflag:s0] =	ssyncadd.tile.s32 @!p0 $0x1;
	_ =	shalt  }
.Lfunc_end2:
_tile_overlayer_lowered:
.L_overlay_start_2:
0x99: {  	(tag) =	ssettag $0x2  }
0x9a: {  	s0 =	rddreg [dreg:$0x0];
	s2 =	stileid.u32  }
0x9b: {  	s1 =	rddreg [dreg:$0x1];
	p0 =	sne.s32 s2, $0x0  }
0x9c: {  	s3 =	rddreg [dreg:$0x2];
	[bflag:$0x3] =	sbarrier.arrive $0xFFFF;
	s2 =	simm.s32 @!p0 $0x1C05  }
0x9d: {  	[timem:s3], [sflag:s2] =	dma.local @!p0 [hbm:s0], s1  }
0x9e: {  	s0 =	simm.s32 @!p0 $0x5  }
0x9f: {  	_ =	swait.ge @!p0 [sflag:s0], s1  }
0xa0: {  	s1 =	ssub.s32 @!p0 $0x0, s1;
	[sflag:s0] =	ssyncset.done @!p0 $0x0  }
0xa1: {  	[sflag:s0] =	ssyncadd.s32 @!p0 s1  }
0xa2: {  	[bflag:$0x3] =	sbarrier.arrive $0xFFFF  }
0xa3: {  	_ =	shalt  }

</sc_bundles>
